<compile_context>
chip_gen: v7x
topology: tpu7x:2x2x1
jax: 0.10.2.dev20260603
libtpu: 0.0.44.dev20260713+nightly
codegen_flags: <defaults>
</compile_context>

<pallas_src>
import functools

import jax
import jax.numpy as jnp
from jax import lax
from jax.experimental import pallas as pl
from jax.experimental.pallas import tpu as pltpu
from jax.experimental.pallas import tpu_sc as plsc

N_NODES = 10000
D = 128
N_EDGES = 320000
CHUNK = 128
NC = 2
NS = 16
NW = NC * NS
EPW = 80
N_CHUNKS_PAD = NW * EPW
N_EDGES_PAD = N_CHUNKS_PAD * CHUNK
N_PAD = 10240
RPT = N_PAD // NS
N_PAD2 = 10112
RPT2 = N_PAD2 // NS
BLK = 1000

_MESH = plsc.VectorSubcoreMesh(core_axis_name="c", subcore_axis_name="s")



@functools.partial(
    pl.kernel,
    out_type=jax.ShapeDtypeStruct((NC * N_PAD,), jnp.float32),
    mesh=_MESH,
    scratch_types=[
        pltpu.VMEM((EPW, CHUNK), jnp.int32),
        pltpu.VMEM((CHUNK,), jnp.float32),
        pltpu.VMEM((CHUNK,), jnp.float32),
        pltpu.SemaphoreType.DMA,
        pltpu.VMEM_SHARED((N_PAD,), jnp.float32),
    ],
)
def _deg_kernel(dst_hbm, ones_hbm, zeros_hbm, deg_hbm, dst_v, ones_v, zeros_v, dsem, deg_sp):
    cid = lax.axis_index("c")
    sid = lax.axis_index("s")
    wid = sid * NC + cid
    pltpu.sync_copy(ones_hbm, ones_v)
    pltpu.sync_copy(zeros_hbm, zeros_v)
    for k in range(RPT // CHUNK):
        base = pl.multiple_of(sid * RPT + k * CHUNK, CHUNK)
        pltpu.sync_copy(zeros_v, deg_sp.at[pl.ds(base, CHUNK)])
    pltpu.sync_copy(dst_hbm.at[pl.ds(wid * EPW, EPW)], dst_v)
    plsc.subcore_barrier()

    @pl.loop(0, EPW // 8)
    def _(g):
        c0 = g * 8
        for q in range(8):
            pltpu.async_copy(ones_v, deg_sp.at[dst_v.at[c0 + q]], dsem, add=True)
        for q in range(8):
            pltpu.make_async_copy(ones_v, deg_sp.at[dst_v.at[0]], dsem).wait()

    plsc.subcore_barrier()
    src_base = pl.multiple_of(sid * RPT, 8)
    dst_base = pl.multiple_of(cid * N_PAD + sid * RPT, 8)
    pltpu.sync_copy(deg_sp.at[pl.ds(src_base, RPT)], deg_hbm.at[pl.ds(dst_base, RPT)])


@functools.partial(
    pl.kernel,
    out_type=jax.ShapeDtypeStruct((NC * N_PAD2, D), jnp.float32),
    mesh=_MESH,
    scratch_types=[
        pltpu.VMEM((3, CHUNK), jnp.int32),
        pltpu.VMEM((3, CHUNK), jnp.int32),
        pltpu.VMEM((3, CHUNK, D), jnp.float32),
        pltpu.SemaphoreType.DMA,
        pltpu.SemaphoreType.DMA,
        pltpu.SemaphoreType.DMA,
        pltpu.SemaphoreType.DMA,
        pltpu.SemaphoreType.DMA,
        pltpu.VMEM_SHARED((N_PAD2, D), jnp.float32),
    ],
)
def _scatter_kernel(y_hbm, src_hbm, dst_hbm, zeros_hbm, out_hbm,
                    src_i, dst_i, rows_v, isem, gsem, ss0, ss1, ss2, acc_sp):
    ssem = (ss0, ss1, ss2)
    cid = lax.axis_index("c")
    sid = lax.axis_index("s")
    wid = sid * NC + cid
    cbase = wid * EPW

    def load_idx(c, t):
        a = pltpu.async_copy(src_hbm.at[cbase + c], src_i.at[t], isem)
        b = pltpu.async_copy(dst_hbm.at[cbase + c], dst_i.at[t], isem)
        return (a, b)

    def gather(t):
        return pltpu.async_copy(y_hbm.at[src_i.at[t]], rows_v.at[t], gsem)

    def scatter(t):
        return pltpu.async_copy(rows_v.at[t], acc_sp.at[dst_i.at[t]], ssem[t],
                                add=True)

    def wait_scatter(t):
        pltpu.make_async_copy(rows_v.at[t], acc_sp.at[dst_i.at[0]],
                              ssem[t]).wait()

    pltpu.sync_copy(zeros_hbm, rows_v.at[0])
    for k in range(4):
        base = pl.multiple_of((sid + NS * k) * CHUNK, CHUNK)
        pltpu.sync_copy(rows_v.at[0], acc_sp.at[pl.ds(base, CHUNK)])

    @pl.when(sid < NS - 1)
    def _():
        base = pl.multiple_of((sid + NS * 4) * CHUNK, CHUNK)
        pltpu.sync_copy(rows_v.at[0], acc_sp.at[pl.ds(base, CHUNK)])

    plsc.subcore_barrier()

    i0 = load_idx(0, 0)
    i1 = load_idx(1, 1)
    for d_ in i0:
        d_.wait()
    gather(0).wait()
    for d_ in i1:
        d_.wait()

    def body(c, ai, q, first=False):
        gg = gather((q + 1) % 3)
        if not first:
            wait_scatter((q + 2) % 3)
        i2 = load_idx(ai, (q + 2) % 3)
        scatter(q)
        for d_ in i2:
            d_.wait()
        gg.wait()

    body(0, 2, 0, first=True)
    body(1, 3, 1)

    @pl.loop(0, (EPW - 2) // 3)
    def _(p):
        c0 = p * 3 + 2
        for q_ in range(3):
            c = c0 + q_
            a = c + 2
            ai = jnp.where(a >= EPW, a - EPW, a)
            body(c, ai, (2 + q_) % 3)

    wait_scatter(1)
    plsc.subcore_barrier()
    pltpu.sync_copy(acc_sp.at[pl.ds(sid * RPT2, RPT2)],
                    out_hbm.at[pl.ds(cid * N_PAD2 + sid * RPT2, RPT2)])



def _mm1_body(x_ref, w_ref, deg_ref, y_ref, dinv_ref):
    deg = deg_ref[0] + deg_ref[1] + 1.0
    dinv = lax.rsqrt(deg)
    dinv_ref[...] = dinv
    y_ref[...] = jnp.dot(x_ref[...], w_ref[...],
                         preferred_element_type=jnp.float32) * dinv


_mm1_call = pl.pallas_call(
    _mm1_body,
    grid=(N_NODES // BLK,),
    in_specs=[
        pl.BlockSpec((BLK, D), lambda i: (i, 0)),
        pl.BlockSpec((D, D), lambda i: (0, 0)),
        pl.BlockSpec((2, BLK, 1), lambda i: (0, i, 0)),
    ],
    out_specs=[
        pl.BlockSpec((BLK, D), lambda i: (i, 0)),
        pl.BlockSpec((BLK, 1), lambda i: (i, 0)),
    ],
    out_shape=[
        jax.ShapeDtypeStruct((N_NODES, D), jnp.float32),
        jax.ShapeDtypeStruct((N_NODES, 1), jnp.float32),
    ],
)


def _layer_body(agg_ref, y1_ref, dinv_ref, b_ref, p_ref, pm_ref, w_ref, y2_ref):
    dinv = dinv_ref[...]
    a = (agg_ref[0] + agg_ref[1] + y1_ref[...]) * dinv
    h = jnp.maximum(a + b_ref[...] + p_ref[...] * pm_ref[0, 0], 0.0)
    y2_ref[...] = jnp.dot(h, w_ref[...],
                          preferred_element_type=jnp.float32) * dinv


_layer_call = pl.pallas_call(
    _layer_body,
    grid=(N_NODES // BLK,),
    in_specs=[
        pl.BlockSpec((2, BLK, D), lambda i: (0, i, 0)),
        pl.BlockSpec((BLK, D), lambda i: (i, 0)),
        pl.BlockSpec((BLK, 1), lambda i: (i, 0)),
        pl.BlockSpec((1, D), lambda i: (0, 0)),
        pl.BlockSpec((BLK, D), lambda i: (i, 0)),
        pl.BlockSpec(memory_space=pltpu.SMEM),
        pl.BlockSpec((D, D), lambda i: (0, 0)),
    ],
    out_specs=pl.BlockSpec((BLK, D), lambda i: (i, 0)),
    out_shape=jax.ShapeDtypeStruct((N_NODES, D), jnp.float32),
)


def _final_body(agg_ref, y2_ref, dinv_ref, b_ref, p_ref, pm_ref, o_ref):
    a = (agg_ref[0] + agg_ref[1] + y2_ref[...]) * dinv_ref[...]
    o_ref[...] = a + b_ref[...] + p_ref[...] * pm_ref[0, 0]


_final_call = pl.pallas_call(
    _final_body,
    grid=(N_NODES // BLK,),
    in_specs=[
        pl.BlockSpec((2, BLK, D), lambda i: (0, i, 0)),
        pl.BlockSpec((BLK, D), lambda i: (i, 0)),
        pl.BlockSpec((BLK, 1), lambda i: (i, 0)),
        pl.BlockSpec((1, D), lambda i: (0, 0)),
        pl.BlockSpec((BLK, D), lambda i: (i, 0)),
        pl.BlockSpec(memory_space=pltpu.SMEM),
    ],
    out_specs=pl.BlockSpec((BLK, D), lambda i: (i, 0)),
    out_shape=jax.ShapeDtypeStruct((N_NODES, D), jnp.float32),
)



def kernel(x, edge_index, W1, b1, W2, b2, P1, P2, cache_name, perturb):
    ei = edge_index.astype(jnp.int32)
    npad = N_EDGES_PAD - N_EDGES
    seq = jnp.arange(npad, dtype=jnp.int32)
    src2 = jnp.concatenate([ei[0], seq % N_NODES])
    dst2 = jnp.concatenate([ei[1], N_NODES + seq % (N_PAD2 - N_NODES)])
    src2 = src2.reshape(N_CHUNKS_PAD, CHUNK)
    dst2 = dst2.reshape(N_CHUNKS_PAD, CHUNK)
    ones_vec = jnp.ones((CHUNK,), jnp.float32)
    zeros_vec = jnp.zeros((CHUNK,), jnp.float32)
    zeros_mat = jnp.zeros((CHUNK, D), jnp.float32)
    pmask = jnp.where(jnp.asarray(perturb) != 0, 1.0, 0.0).astype(jnp.float32)
    pmask = pmask.reshape(1, 1)

    deg3 = _deg_kernel(dst2, ones_vec, zeros_vec).reshape(NC, N_PAD, 1)
    y1, dinv = _mm1_call(x, W1, deg3)
    agg1 = _scatter_kernel(y1, src2, dst2, zeros_mat).reshape(NC, N_PAD2, D)
    y2 = _layer_call(agg1, y1, dinv, b1.reshape(1, D), P1, pmask, W2)
    agg2 = _scatter_kernel(y2, src2, dst2, zeros_mat).reshape(NC, N_PAD2, D)
    return _final_call(agg2, y2, dinv, b2.reshape(1, D), P2, pmask)

# --- scband reference (transcript-rebuilt; emitter-appended) ---
"""Pipeline reference for scband-gnn-28948079575208 (READ-ONLY COPY).

The authoritative reference and input builder live on the scoring server;
editing this copy changes nothing except your own understanding.
"""

import jax, jax.numpy as jnp
import numpy as np

N_NODES = 10000
D_FEAT = 128
ENC_DIM = 128
N_EDGES = 320000
PERTURB_VALUE = 0.01


def _gcn_norm(edge_index, num_nodes):
    # PPMIConv inherits CachedGCNConv-style propagation; the cached norm is a
    # degree-based symmetric normalization with self-loops.
    src = edge_index[0]
    dst = edge_index[1]
    loop = jnp.arange(num_nodes, dtype=src.dtype)
    src = jnp.concatenate([src, loop])
    dst = jnp.concatenate([dst, loop])
    deg = jnp.zeros((num_nodes,), dtype=jnp.float32).at[dst].add(1.0)
    dinv = jnp.where(deg > 0, deg ** -0.5, 0.0)
    norm = dinv[src] * dinv[dst]
    return src, dst, norm


def _conv(x, W, b, src, dst, norm, num_nodes):
    h = x @ W
    msg = h[src] * norm[:, None]
    out = jnp.zeros((num_nodes, W.shape[1]), dtype=h.dtype).at[dst].add(msg)
    return out + b


def setup_inputs(seed: int = 0) -> dict:
    key = jax.random.key(seed)
    ks = jax.random.split(key, 8)
    x = jax.random.normal(ks[0], (N_NODES, D_FEAT), dtype=jnp.float32)
    edge_index = jax.random.randint(ks[1], (2, N_EDGES), 0, N_NODES, dtype=jnp.int64)
    W1 = jax.random.normal(ks[2], (D_FEAT, ENC_DIM), dtype=jnp.float32) * (1.0 / np.sqrt(D_FEAT))
    b1 = jnp.zeros((ENC_DIM,), dtype=jnp.float32)
    W2 = jax.random.normal(ks[3], (ENC_DIM, ENC_DIM), dtype=jnp.float32) * (1.0 / np.sqrt(ENC_DIM))
    b2 = jnp.zeros((ENC_DIM,), dtype=jnp.float32)
    P1 = jax.random.uniform(ks[4], (N_NODES, ENC_DIM), dtype=jnp.float32, minval=-PERTURB_VALUE, maxval=PERTURB_VALUE)
    P2 = jax.random.uniform(ks[5], (N_NODES, ENC_DIM), dtype=jnp.float32, minval=-PERTURB_VALUE, maxval=PERTURB_VALUE)
    return {"x": x, "edge_index": edge_index, "W1": W1, "b1": b1, "W2": W2, "b2": b2, "P1": P1, "P2": P2, "cache_name": 0, "perturb": 1}


def reference(x, edge_index, W1, b1, W2, b2, P1, P2, cache_name, perturb):
    num_nodes = x.shape[0]
    src, dst, norm = _gcn_norm(edge_index, num_nodes)
    pmask = jnp.where(perturb != 0, jnp.float32(1.0), jnp.float32(0.0))
    h = _conv(x, W1, b1, src, dst, norm, num_nodes)
    h = h + P1 * pmask
    h = jax.nn.relu(h)
    # dropout is identity in eval/reference mode
    h = _conv(h, W2, b2, src, dst, norm, num_nodes)
    h = h + P2 * pmask
    return h

if __name__ == "__main__":
    import jax
    _d = setup_inputs()
    print(jax.jit(kernel)(*tuple(_d.values())))

</pallas_src>

<mosaic_0001>
#map = affine_map<(d0, d1) -> (0, 0)>
#map1 = affine_map<(d0, d1) -> (0)>
module attributes {stable_mosaic.version = 14 : i64} {
  func.func @_deg_kernel(%arg0: i32, %arg1: i32, %arg2: memref<2560x128xi32, #tpu.memory_space<hbm>>, %arg3: memref<128xf32, #tpu.memory_space<hbm>>, %arg4: memref<128xf32, #tpu.memory_space<hbm>>, %arg5: memref<20480xf32, #tpu.memory_space<hbm>>, %arg6: memref<80x128xi32, #tpu.memory_space<vmem>>, %arg7: memref<128xf32, #tpu.memory_space<vmem>>, %arg8: memref<128xf32, #tpu.memory_space<vmem>>, %arg9: memref<!tpu.dma_semaphore, #tpu.memory_space<semaphore_mem>>, %arg10: memref<10240xf32, #tpu.memory_space<vmem_shared>>) attributes {dimension_semantics = [#tpu.dimension_semantics<core_parallel>, #tpu.dimension_semantics<subcore_parallel>], iteration_bounds = array<i64: 2, 16>, scalar_prefetch = 0 : i64, scratch_operands = 5 : i64, tpu.core_type = #tpu.core_type<sc_vector_subcore>, window_params = [{transform_indices = #map}, {transform_indices = #map1}, {transform_indices = #map1}, {transform_indices = #map1}]} {
    %mul3A = arith.constant 2 : i32
    %mul3A_0 = arith.muli %arg1, %mul3A : i32
    %add3A = arith.addi %mul3A_0, %arg0 : i32
    "tpu.region"() ({
      %run_scoped3A = tpu.sem_alloc : memref<!tpu.dma_semaphore, #tpu.memory_space<semaphore_mem>>
      tpu.enqueue_dma source(%arg3 : memref<128xf32, #tpu.memory_space<hbm>>) target(%arg7 : memref<128xf32, #tpu.memory_space<vmem>>) target_semaphore(%run_scoped3A : memref<!tpu.dma_semaphore, #tpu.memory_space<semaphore_mem>>)
      tpu.wait_dma2 semaphore(%run_scoped3A : memref<!tpu.dma_semaphore, #tpu.memory_space<semaphore_mem>>) src(%arg3 : memref<128xf32, #tpu.memory_space<hbm>>) dst(%arg7 : memref<128xf32, #tpu.memory_space<vmem>>)
      tpu.yield
    }) : () -> ()
    "tpu.region"() ({
      %run_scoped3A = tpu.sem_alloc : memref<!tpu.dma_semaphore, #tpu.memory_space<semaphore_mem>>
      tpu.enqueue_dma source(%arg4 : memref<128xf32, #tpu.memory_space<hbm>>) target(%arg8 : memref<128xf32, #tpu.memory_space<vmem>>) target_semaphore(%run_scoped3A : memref<!tpu.dma_semaphore, #tpu.memory_space<semaphore_mem>>)
      tpu.wait_dma2 semaphore(%run_scoped3A : memref<!tpu.dma_semaphore, #tpu.memory_space<semaphore_mem>>) src(%arg4 : memref<128xf32, #tpu.memory_space<hbm>>) dst(%arg8 : memref<128xf32, #tpu.memory_space<vmem>>)
      tpu.yield
    }) : () -> ()
    %mul3A_1 = arith.constant 640 : i32
    %mul3A_2 = arith.muli %arg1, %mul3A_1 : i32
    %add3A_3 = arith.constant 0 : i32
    %add3A_4 = arith.addi %mul3A_2, %add3A_3 : i32
    %multiple_of3A = tpu.assume_multiple %add3A_4, 128 : i32
    "tpu.region"() ({
      %run_scoped3A = tpu.sem_alloc : memref<!tpu.dma_semaphore, #tpu.memory_space<semaphore_mem>>
      %dma_start3A = tpu.memref_slice %arg10[%multiple_of3A] : memref<10240xf32, #tpu.memory_space<vmem_shared>> -> memref<128xf32, #tpu.memory_space<vmem_shared>>
      %dma_start3A_41 = tpu.memref_slice %arg10[%multiple_of3A] : memref<10240xf32, #tpu.memory_space<vmem_shared>> -> memref<128xf32, #tpu.memory_space<vmem_shared>>
      tpu.enqueue_dma source(%arg8 : memref<128xf32, #tpu.memory_space<vmem>>) target(%dma_start3A_41 : memref<128xf32, #tpu.memory_space<vmem_shared>>) target_semaphore(%run_scoped3A : memref<!tpu.dma_semaphore, #tpu.memory_space<semaphore_mem>>)
      %dma_wait3A = tpu.memref_slice %arg10[%multiple_of3A] : memref<10240xf32, #tpu.memory_space<vmem_shared>> -> memref<128xf32, #tpu.memory_space<vmem_shared>>
      %dma_wait3A_42 = tpu.memref_slice %arg10[%multiple_of3A] : memref<10240xf32, #tpu.memory_space<vmem_shared>> -> memref<128xf32, #tpu.memory_space<vmem_shared>>
      tpu.wait_dma2 semaphore(%run_scoped3A : memref<!tpu.dma_semaphore, #tpu.memory_space<semaphore_mem>>) src(%arg8 : memref<128xf32, #tpu.memory_space<vmem>>) dst(%dma_wait3A_42 : memref<128xf32, #tpu.memory_space<vmem_shared>>)
      tpu.yield
    }) : () -> ()
    %mul3A_5 = arith.constant 640 : i32
    %mul3A_6 = arith.muli %arg1, %mul3A_5 : i32
    %add3A_7 = arith.constant 128 : i32
    %add3A_8 = arith.addi %mul3A_6, %add3A_7 : i32
    %multiple_of3A_9 = tpu.assume_multiple %add3A_8, 128 : i32
    "tpu.region"() ({
      %run_scoped3A = tpu.sem_alloc : memref<!tpu.dma_semaphore, #tpu.memory_space<semaphore_mem>>
      %dma_start3A = tpu.memref_slice %arg10[%multiple_of3A_9] : memref<10240xf32, #tpu.memory_space<vmem_shared>> -> memref<128xf32, #tpu.memory_space<vmem_shared>>
      %dma_start3A_41 = tpu.memref_slice %arg10[%multiple_of3A_9] : memref<10240xf32, #tpu.memory_space<vmem_shared>> -> memref<128xf32, #tpu.memory_space<vmem_shared>>
      tpu.enqueue_dma source(%arg8 : memref<128xf32, #tpu.memory_space<vmem>>) target(%dma_start3A_41 : memref<128xf32, #tpu.memory_space<vmem_shared>>) target_semaphore(%run_scoped3A : memref<!tpu.dma_semaphore, #tpu.memory_space<semaphore_mem>>)
      %dma_wait3A = tpu.memref_slice %arg10[%multiple_of3A_9] : memref<10240xf32, #tpu.memory_space<vmem_shared>> -> memref<128xf32, #tpu.memory_space<vmem_shared>>
      %dma_wait3A_42 = tpu.memref_slice %arg10[%multiple_of3A_9] : memref<10240xf32, #tpu.memory_space<vmem_shared>> -> memref<128xf32, #tpu.memory_space<vmem_shared>>
      tpu.wait_dma2 semaphore(%run_scoped3A : memref<!tpu.dma_semaphore, #tpu.memory_space<semaphore_mem>>) src(%arg8 : memref<128xf32, #tpu.memory_space<vmem>>) dst(%dma_wait3A_42 : memref<128xf32, #tpu.memory_space<vmem_shared>>)
      tpu.yield
    }) : () -> ()
    %mul3A_10 = arith.constant 640 : i32
    %mul3A_11 = arith.muli %arg1, %mul3A_10 : i32
    %add3A_12 = arith.constant 256 : i32
    %add3A_13 = arith.addi %mul3A_11, %add3A_12 : i32
    %multiple_of3A_14 = tpu.assume_multiple %add3A_13, 128 : i32
    "tpu.region"() ({
      %run_scoped3A = tpu.sem_alloc : memref<!tpu.dma_semaphore, #tpu.memory_space<semaphore_mem>>
      %dma_start3A = tpu.memref_slice %arg10[%multiple_of3A_14] : memref<10240xf32, #tpu.memory_space<vmem_shared>> -> memref<128xf32, #tpu.memory_space<vmem_shared>>
      %dma_start3A_41 = tpu.memref_slice %arg10[%multiple_of3A_14] : memref<10240xf32, #tpu.memory_space<vmem_shared>> -> memref<128xf32, #tpu.memory_space<vmem_shared>>
      tpu.enqueue_dma source(%arg8 : memref<128xf32, #tpu.memory_space<vmem>>) target(%dma_start3A_41 : memref<128xf32, #tpu.memory_space<vmem_shared>>) target_semaphore(%run_scoped3A : memref<!tpu.dma_semaphore, #tpu.memory_space<semaphore_mem>>)
      %dma_wait3A = tpu.memref_slice %arg10[%multiple_of3A_14] : memref<10240xf32, #tpu.memory_space<vmem_shared>> -> memref<128xf32, #tpu.memory_space<vmem_shared>>
      %dma_wait3A_42 = tpu.memref_slice %arg10[%multiple_of3A_14] : memref<10240xf32, #tpu.memory_space<vmem_shared>> -> memref<128xf32, #tpu.memory_space<vmem_shared>>
      tpu.wait_dma2 semaphore(%run_scoped3A : memref<!tpu.dma_semaphore, #tpu.memory_space<semaphore_mem>>) src(%arg8 : memref<128xf32, #tpu.memory_space<vmem>>) dst(%dma_wait3A_42 : memref<128xf32, #tpu.memory_space<vmem_shared>>)
      tpu.yield
    }) : () -> ()
    %mul3A_15 = arith.constant 640 : i32
    %mul3A_16 = arith.muli %arg1, %mul3A_15 : i32
    %add3A_17 = arith.constant 384 : i32
    %add3A_18 = arith.addi %mul3A_16, %add3A_17 : i32
    %multiple_of3A_19 = tpu.assume_multiple %add3A_18, 128 : i32
    "tpu.region"() ({
      %run_scoped3A = tpu.sem_alloc : memref<!tpu.dma_semaphore, #tpu.memory_space<semaphore_mem>>
      %dma_start3A = tpu.memref_slice %arg10[%multiple_of3A_19] : memref<10240xf32, #tpu.memory_space<vmem_shared>> -> memref<128xf32, #tpu.memory_space<vmem_shared>>
      %dma_start3A_41 = tpu.memref_slice %arg10[%multiple_of3A_19] : memref<10240xf32, #tpu.memory_space<vmem_shared>> -> memref<128xf32, #tpu.memory_space<vmem_shared>>
      tpu.enqueue_dma source(%arg8 : memref<128xf32, #tpu.memory_space<vmem>>) target(%dma_start3A_41 : memref<128xf32, #tpu.memory_space<vmem_shared>>) target_semaphore(%run_scoped3A : memref<!tpu.dma_semaphore, #tpu.memory_space<semaphore_mem>>)
      %dma_wait3A = tpu.memref_slice %arg10[%multiple_of3A_19] : memref<10240xf32, #tpu.memory_space<vmem_shared>> -> memref<128xf32, #tpu.memory_space<vmem_shared>>
      %dma_wait3A_42 = tpu.memref_slice %arg10[%multiple_of3A_19] : memref<10240xf32, #tpu.memory_space<vmem_shared>> -> memref<128xf32, #tpu.memory_space<vmem_shared>>
      tpu.wait_dma2 semaphore(%run_scoped3A : memref<!tpu.dma_semaphore, #tpu.memory_space<semaphore_mem>>) src(%arg8 : memref<128xf32, #tpu.memory_space<vmem>>) dst(%dma_wait3A_42 : memref<128xf32, #tpu.memory_space<vmem_shared>>)
      tpu.yield
    }) : () -> ()
    %mul3A_20 = arith.constant 640 : i32
    %mul3A_21 = arith.muli %arg1, %mul3A_20 : i32
    %add3A_22 = arith.constant 512 : i32
    %add3A_23 = arith.addi %mul3A_21, %add3A_22 : i32
    %multiple_of3A_24 = tpu.assume_multiple %add3A_23, 128 : i32
    "tpu.region"() ({
      %run_scoped3A = tpu.sem_alloc : memref<!tpu.dma_semaphore, #tpu.memory_space<semaphore_mem>>
      %dma_start3A = tpu.memref_slice %arg10[%multiple_of3A_24] : memref<10240xf32, #tpu.memory_space<vmem_shared>> -> memref<128xf32, #tpu.memory_space<vmem_shared>>
      %dma_start3A_41 = tpu.memref_slice %arg10[%multiple_of3A_24] : memref<10240xf32, #tpu.memory_space<vmem_shared>> -> memref<128xf32, #tpu.memory_space<vmem_shared>>
      tpu.enqueue_dma source(%arg8 : memref<128xf32, #tpu.memory_space<vmem>>) target(%dma_start3A_41 : memref<128xf32, #tpu.memory_space<vmem_shared>>) target_semaphore(%run_scoped3A : memref<!tpu.dma_semaphore, #tpu.memory_space<semaphore_mem>>)
      %dma_wait3A = tpu.memref_slice %arg10[%multiple_of3A_24] : memref<10240xf32, #tpu.memory_space<vmem_shared>> -> memref<128xf32, #tpu.memory_space<vmem_shared>>
      %dma_wait3A_42 = tpu.memref_slice %arg10[%multiple_of3A_24] : memref<10240xf32, #tpu.memory_space<vmem_shared>> -> memref<128xf32, #tpu.memory_space<vmem_shared>>
      tpu.wait_dma2 semaphore(%run_scoped3A : memref<!tpu.dma_semaphore, #tpu.memory_space<semaphore_mem>>) src(%arg8 : memref<128xf32, #tpu.memory_space<vmem>>) dst(%dma_wait3A_42 : memref<128xf32, #tpu.memory_space<vmem_shared>>)
      tpu.yield
    }) : () -> ()
    %mul3A_25 = arith.constant 80 : i32
    %mul3A_26 = arith.muli %add3A, %mul3A_25 : i32
    "tpu.region"() ({
      %run_scoped3A = tpu.sem_alloc : memref<!tpu.dma_semaphore, #tpu.memory_space<semaphore_mem>>
      %dma_start3A = arith.constant 0 : i32
      %dma_start3A_41 = tpu.memref_slice %arg2[%mul3A_26, %dma_start3A] : memref<2560x128xi32, #tpu.memory_space<hbm>> -> memref<80x128xi32, #tpu.memory_space<hbm>>
      %dma_start3A_42 = arith.constant 0 : i32
      %dma_start3A_43 = tpu.memref_slice %arg2[%mul3A_26, %dma_start3A_42] : memref<2560x128xi32, #tpu.memory_space<hbm>> -> memref<80x128xi32, #tpu.memory_space<hbm>>
      tpu.enqueue_dma source(%dma_start3A_43 : memref<80x128xi32, #tpu.memory_space<hbm>>) target(%arg6 : memref<80x128xi32, #tpu.memory_space<vmem>>) target_semaphore(%run_scoped3A : memref<!tpu.dma_semaphore, #tpu.memory_space<semaphore_mem>>)
      %dma_wait3A = arith.constant 0 : i32
      %dma_wait3A_44 = tpu.memref_slice %arg2[%mul3A_26, %dma_wait3A] : memref<2560x128xi32, #tpu.memory_space<hbm>> -> memref<80x128xi32, #tpu.memory_space<hbm>>
      %dma_wait3A_45 = arith.constant 0 : i32
      %dma_wait3A_46 = tpu.memref_slice %arg2[%mul3A_26, %dma_wait3A_45] : memref<2560x128xi32, #tpu.memory_space<hbm>> -> memref<80x128xi32, #tpu.memory_space<hbm>>
      tpu.wait_dma2 semaphore(%run_scoped3A : memref<!tpu.dma_semaphore, #tpu.memory_space<semaphore_mem>>) src(%dma_wait3A_46 : memref<80x128xi32, #tpu.memory_space<hbm>>) dst(%arg6 : memref<80x128xi32, #tpu.memory_space<vmem>>)
      tpu.yield
    }) : () -> ()
    %barrier3A = arith.constant 0 : index
    tpu.barrier barrier_id(%barrier3A)
    %scan3A = arith.constant 0 : i32
    %scan3A_27 = arith.constant 10 : i32
    %scan3A_28 = arith.addi %scan3A, %scan3A_27 : i32
    %scan3A_29 = arith.constant 1 : i32
    scf.for %scan3A_41 = %scan3A to %scan3A_28 step %scan3A_29  : i32 {
      %mul3A_42 = arith.constant 1 : i32
      %mul3A_43 = arith.muli %scan3A_41, %mul3A_42 : i32
      %add3A_44 = arith.constant 0 : i32
      %add3A_45 = arith.addi %add3A_44, %mul3A_43 : i32
      %mul3A_46 = arith.constant 8 : i32
      %mul3A_47 = arith.muli %add3A_45, %mul3A_46 : i32
      %add3A_48 = arith.constant 0 : i32
      %add3A_49 = arith.addi %mul3A_47, %add3A_48 : i32
      %dma_start3A = arith.constant 0 : i32
      %dma_start3A_50 = tpu.memref_slice %arg6[%add3A_49, %dma_start3A] : memref<80x128xi32, #tpu.memory_space<vmem>> -> memref<1x128xi32, #tpu.memory_space<vmem>>
      %dma_start3A_51 = tpu.memref_squeeze %dma_start3A_50 : memref<1x128xi32, #tpu.memory_space<vmem>> -> memref<128xi32, #tpu.memory_space<vmem>>
      %dma_start3A_52 = arith.constant 0 : i32
      %dma_start3A_53 = tpu.memref_slice %arg10[%dma_start3A_52] : memref<10240xf32, #tpu.memory_space<vmem_shared>> -> memref<10240xf32, #tpu.memory_space<vmem_shared>>
      tpu.enqueue_indirect_dma source(%arg7 : memref<128xf32, #tpu.memory_space<vmem>>) target(%dma_start3A_53 : memref<10240xf32, #tpu.memory_space<vmem_shared>>) offsets(%dma_start3A_51 : memref<128xi32, #tpu.memory_space<vmem>>) semaphore(%arg9 : memref<!tpu.dma_semaphore, #tpu.memory_space<semaphore_mem>>) {add = true}
      %add3A_54 = arith.constant 1 : i32
      %add3A_55 = arith.addi %mul3A_47, %add3A_54 : i32
      %dma_start3A_56 = arith.constant 0 : i32
      %dma_start3A_57 = tpu.memref_slice %arg6[%add3A_55, %dma_start3A_56] : memref<80x128xi32, #tpu.memory_space<vmem>> -> memref<1x128xi32, #tpu.memory_space<vmem>>
      %dma_start3A_58 = tpu.memref_squeeze %dma_start3A_57 : memref<1x128xi32, #tpu.memory_space<vmem>> -> memref<128xi32, #tpu.memory_space<vmem>>
      %dma_start3A_59 = arith.constant 0 : i32
      %dma_start3A_60 = tpu.memref_slice %arg10[%dma_start3A_59] : memref<10240xf32, #tpu.memory_space<vmem_shared>> -> memref<10240xf32, #tpu.memory_space<vmem_shared>>
      tpu.enqueue_indirect_dma source(%arg7 : memref<128xf32, #tpu.memory_space<vmem>>) target(%dma_start3A_60 : memref<10240xf32, #tpu.memory_space<vmem_shared>>) offsets(%dma_start3A_58 : memref<128xi32, #tpu.memory_space<vmem>>) semaphore(%arg9 : memref<!tpu.dma_semaphore, #tpu.memory_space<semaphore_mem>>) {add = true}
      %add3A_61 = arith.constant 2 : i32
      %add3A_62 = arith.addi %mul3A_47, %add3A_61 : i32
      %dma_start3A_63 = arith.constant 0 : i32
      %dma_start3A_64 = tpu.memref_slice %arg6[%add3A_62, %dma_start3A_63] : memref<80x128xi32, #tpu.memory_space<vmem>> -> memref<1x128xi32, #tpu.memory_space<vmem>>
      %dma_start3A_65 = tpu.memref_squeeze %dma_start3A_64 : memref<1x128xi32, #tpu.memory_space<vmem>> -> memref<128xi32, #tpu.memory_space<vmem>>
      %dma_start3A_66 = arith.constant 0 : i32
      %dma_start3A_67 = tpu.memref_slice %arg10[%dma_start3A_66] : memref<10240xf32, #tpu.memory_space<vmem_shared>> -> memref<10240xf32, #tpu.memory_space<vmem_shared>>
      tpu.enqueue_indirect_dma source(%arg7 : memref<128xf32, #tpu.memory_space<vmem>>) target(%dma_start3A_67 : memref<10240xf32, #tpu.memory_space<vmem_shared>>) offsets(%dma_start3A_65 : memref<128xi32, #tpu.memory_space<vmem>>) semaphore(%arg9 : memref<!tpu.dma_semaphore, #tpu.memory_space<semaphore_mem>>) {add = true}
      %add3A_68 = arith.constant 3 : i32
      %add3A_69 = arith.addi %mul3A_47, %add3A_68 : i32
      %dma_start3A_70 = arith.constant 0 : i32
      %dma_start3A_71 = tpu.memref_slice %arg6[%add3A_69, %dma_start3A_70] : memref<80x128xi32, #tpu.memory_space<vmem>> -> memref<1x128xi32, #tpu.memory_space<vmem>>
      %dma_start3A_72 = tpu.memref_squeeze %dma_start3A_71 : memref<1x128xi32, #tpu.memory_space<vmem>> -> memref<128xi32, #tpu.memory_space<vmem>>
      %dma_start3A_73 = arith.constant 0 : i32
      %dma_start3A_74 = tpu.memref_slice %arg10[%dma_start3A_73] : memref<10240xf32, #tpu.memory_space<vmem_shared>> -> memref<10240xf32, #tpu.memory_space<vmem_shared>>
      tpu.enqueue_indirect_dma source(%arg7 : memref<128xf32, #tpu.memory_space<vmem>>) target(%dma_start3A_74 : memref<10240xf32, #tpu.memory_space<vmem_shared>>) offsets(%dma_start3A_72 : memref<128xi32, #tpu.memory_space<vmem>>) semaphore(%arg9 : memref<!tpu.dma_semaphore, #tpu.memory_space<semaphore_mem>>) {add = true}
      %add3A_75 = arith.constant 4 : i32
      %add3A_76 = arith.addi %mul3A_47, %add3A_75 : i32
      %dma_start3A_77 = arith.constant 0 : i32
      %dma_start3A_78 = tpu.memref_slice %arg6[%add3A_76, %dma_start3A_77] : memref<80x128xi32, #tpu.memory_space<vmem>> -> memref<1x128xi32, #tpu.memory_space<vmem>>
      %dma_start3A_79 = tpu.memref_squeeze %dma_start3A_78 : memref<1x128xi32, #tpu.memory_space<vmem>> -> memref<128xi32, #tpu.memory_space<vmem>>
      %dma_start3A_80 = arith.constant 0 : i32
      %dma_start3A_81 = tpu.memref_slice %arg10[%dma_start3A_80] : memref<10240xf32, #tpu.memory_space<vmem_shared>> -> memref<10240xf32, #tpu.memory_space<vmem_shared>>
      tpu.enqueue_indirect_dma source(%arg7 : memref<128xf32, #tpu.memory_space<vmem>>) target(%dma_start3A_81 : memref<10240xf32, #tpu.memory_space<vmem_shared>>) offsets(%dma_start3A_79 : memref<128xi32, #tpu.memory_space<vmem>>) semaphore(%arg9 : memref<!tpu.dma_semaphore, #tpu.memory_space<semaphore_mem>>) {add = true}
      %add3A_82 = arith.constant 5 : i32
      %add3A_83 = arith.addi %mul3A_47, %add3A_82 : i32
      %dma_start3A_84 = arith.constant 0 : i32
      %dma_start3A_85 = tpu.memref_slice %arg6[%add3A_83, %dma_start3A_84] : memref<80x128xi32, #tpu.memory_space<vmem>> -> memref<1x128xi32, #tpu.memory_space<vmem>>
      %dma_start3A_86 = tpu.memref_squeeze %dma_start3A_85 : memref<1x128xi32, #tpu.memory_space<vmem>> -> memref<128xi32, #tpu.memory_space<vmem>>
      %dma_start3A_87 = arith.constant 0 : i32
      %dma_start3A_88 = tpu.memref_slice %arg10[%dma_start3A_87] : memref<10240xf32, #tpu.memory_space<vmem_shared>> -> memref<10240xf32, #tpu.memory_space<vmem_shared>>
      tpu.enqueue_indirect_dma source(%arg7 : memref<128xf32, #tpu.memory_space<vmem>>) target(%dma_start3A_88 : memref<10240xf32, #tpu.memory_space<vmem_shared>>) offsets(%dma_start3A_86 : memref<128xi32, #tpu.memory_space<vmem>>) semaphore(%arg9 : memref<!tpu.dma_semaphore, #tpu.memory_space<semaphore_mem>>) {add = true}
      %add3A_89 = arith.constant 6 : i32
      %add3A_90 = arith.addi %mul3A_47, %add3A_89 : i32
      %dma_start3A_91 = arith.constant 0 : i32
      %dma_start3A_92 = tpu.memref_slice %arg6[%add3A_90, %dma_start3A_91] : memref<80x128xi32, #tpu.memory_space<vmem>> -> memref<1x128xi32, #tpu.memory_space<vmem>>
      %dma_start3A_93 = tpu.memref_squeeze %dma_start3A_92 : memref<1x128xi32, #tpu.memory_space<vmem>> -> memref<128xi32, #tpu.memory_space<vmem>>
      %dma_start3A_94 = arith.constant 0 : i32
      %dma_start3A_95 = tpu.memref_slice %arg10[%dma_start3A_94] : memref<10240xf32, #tpu.memory_space<vmem_shared>> -> memref<10240xf32, #tpu.memory_space<vmem_shared>>
      tpu.enqueue_indirect_dma source(%arg7 : memref<128xf32, #tpu.memory_space<vmem>>) target(%dma_start3A_95 : memref<10240xf32, #tpu.memory_space<vmem_shared>>) offsets(%dma_start3A_93 : memref<128xi32, #tpu.memory_space<vmem>>) semaphore(%arg9 : memref<!tpu.dma_semaphore, #tpu.memory_space<semaphore_mem>>) {add = true}
      %add3A_96 = arith.constant 7 : i32
      %add3A_97 = arith.addi %mul3A_47, %add3A_96 : i32
      %dma_start3A_98 = arith.constant 0 : i32
      %dma_start3A_99 = tpu.memref_slice %arg6[%add3A_97, %dma_start3A_98] : memref<80x128xi32, #tpu.memory_space<vmem>> -> memref<1x128xi32, #tpu.memory_space<vmem>>
      %dma_start3A_100 = tpu.memref_squeeze %dma_start3A_99 : memref<1x128xi32, #tpu.memory_space<vmem>> -> memref<128xi32, #tpu.memory_space<vmem>>
      %dma_start3A_101 = arith.constant 0 : i32
      %dma_start3A_102 = tpu.memref_slice %arg10[%dma_start3A_101] : memref<10240xf32, #tpu.memory_space<vmem_shared>> -> memref<10240xf32, #tpu.memory_space<vmem_shared>>
      tpu.enqueue_indirect_dma source(%arg7 : memref<128xf32, #tpu.memory_space<vmem>>) target(%dma_start3A_102 : memref<10240xf32, #tpu.memory_space<vmem_shared>>) offsets(%dma_start3A_100 : memref<128xi32, #tpu.memory_space<vmem>>) semaphore(%arg9 : memref<!tpu.dma_semaphore, #tpu.memory_space<semaphore_mem>>) {add = true}
      %dma_wait3A = arith.constant 0 : i32
      %dma_wait3A_103 = arith.constant 0 : i32
      %dma_wait3A_104 = tpu.memref_slice %arg6[%dma_wait3A, %dma_wait3A_103] : memref<80x128xi32, #tpu.memory_space<vmem>> -> memref<1x128xi32, #tpu.memory_space<vmem>>
      %dma_wait3A_105 = tpu.memref_squeeze %dma_wait3A_104 : memref<1x128xi32, #tpu.memory_space<vmem>> -> memref<128xi32, #tpu.memory_space<vmem>>
      %dma_wait3A_106 = arith.constant 0 : i32
      %dma_wait3A_107 = tpu.memref_slice %arg10[%dma_wait3A_106] : memref<10240xf32, #tpu.memory_space<vmem_shared>> -> memref<10240xf32, #tpu.memory_space<vmem_shared>>
      tpu.wait_indirect_dma semaphore(%arg9 : memref<!tpu.dma_semaphore, #tpu.memory_space<semaphore_mem>>) src(%arg7 : memref<128xf32, #tpu.memory_space<vmem>>) dst(%dma_wait3A_107 : memref<10240xf32, #tpu.memory_space<vmem_shared>>)
      %dma_wait3A_108 = arith.constant 0 : i32
      %dma_wait3A_109 = arith.constant 0 : i32
      %dma_wait3A_110 = tpu.memref_slice %arg6[%dma_wait3A_108, %dma_wait3A_109] : memref<80x128xi32, #tpu.memory_space<vmem>> -> memref<1x128xi32, #tpu.memory_space<vmem>>
      %dma_wait3A_111 = tpu.memref_squeeze %dma_wait3A_110 : memref<1x128xi32, #tpu.memory_space<vmem>> -> memref<128xi32, #tpu.memory_space<vmem>>
      %dma_wait3A_112 = arith.constant 0 : i32
      %dma_wait3A_113 = tpu.memref_slice %arg10[%dma_wait3A_112] : memref<10240xf32, #tpu.memory_space<vmem_shared>> -> memref<10240xf32, #tpu.memory_space<vmem_shared>>
      tpu.wait_indirect_dma semaphore(%arg9 : memref<!tpu.dma_semaphore, #tpu.memory_space<semaphore_mem>>) src(%arg7 : memref<128xf32, #tpu.memory_space<vmem>>) dst(%dma_wait3A_113 : memref<10240xf32, #tpu.memory_space<vmem_shared>>)
      %dma_wait3A_114 = arith.constant 0 : i32
      %dma_wait3A_115 = arith.constant 0 : i32
      %dma_wait3A_116 = tpu.memref_slice %arg6[%dma_wait3A_114, %dma_wait3A_115] : memref<80x128xi32, #tpu.memory_space<vmem>> -> memref<1x128xi32, #tpu.memory_space<vmem>>
      %dma_wait3A_117 = tpu.memref_squeeze %dma_wait3A_116 : memref<1x128xi32, #tpu.memory_space<vmem>> -> memref<128xi32, #tpu.memory_space<vmem>>
      %dma_wait3A_118 = arith.constant 0 : i32
      %dma_wait3A_119 = tpu.memref_slice %arg10[%dma_wait3A_118] : memref<10240xf32, #tpu.memory_space<vmem_shared>> -> memref<10240xf32, #tpu.memory_space<vmem_shared>>
      tpu.wait_indirect_dma semaphore(%arg9 : memref<!tpu.dma_semaphore, #tpu.memory_space<semaphore_mem>>) src(%arg7 : memref<128xf32, #tpu.memory_space<vmem>>) dst(%dma_wait3A_119 : memref<10240xf32, #tpu.memory_space<vmem_shared>>)
      %dma_wait3A_120 = arith.constant 0 : i32
      %dma_wait3A_121 = arith.constant 0 : i32
      %dma_wait3A_122 = tpu.memref_slice %arg6[%dma_wait3A_120, %dma_wait3A_121] : memref<80x128xi32, #tpu.memory_space<vmem>> -> memref<1x128xi32, #tpu.memory_space<vmem>>
      %dma_wait3A_123 = tpu.memref_squeeze %dma_wait3A_122 : memref<1x128xi32, #tpu.memory_space<vmem>> -> memref<128xi32, #tpu.memory_space<vmem>>
      %dma_wait3A_124 = arith.constant 0 : i32
      %dma_wait3A_125 = tpu.memref_slice %arg10[%dma_wait3A_124] : memref<10240xf32, #tpu.memory_space<vmem_shared>> -> memref<10240xf32, #tpu.memory_space<vmem_shared>>
      tpu.wait_indirect_dma semaphore(%arg9 : memref<!tpu.dma_semaphore, #tpu.memory_space<semaphore_mem>>) src(%arg7 : memref<128xf32, #tpu.memory_space<vmem>>) dst(%dma_wait3A_125 : memref<10240xf32, #tpu.memory_space<vmem_shared>>)
      %dma_wait3A_126 = arith.constant 0 : i32
      %dma_wait3A_127 = arith.constant 0 : i32
      %dma_wait3A_128 = tpu.memref_slice %arg6[%dma_wait3A_126, %dma_wait3A_127] : memref<80x128xi32, #tpu.memory_space<vmem>> -> memref<1x128xi32, #tpu.memory_space<vmem>>
      %dma_wait3A_129 = tpu.memref_squeeze %dma_wait3A_128 : memref<1x128xi32, #tpu.memory_space<vmem>> -> memref<128xi32, #tpu.memory_space<vmem>>
      %dma_wait3A_130 = arith.constant 0 : i32
      %dma_wait3A_131 = tpu.memref_slice %arg10[%dma_wait3A_130] : memref<10240xf32, #tpu.memory_space<vmem_shared>> -> memref<10240xf32, #tpu.memory_space<vmem_shared>>
      tpu.wait_indirect_dma semaphore(%arg9 : memref<!tpu.dma_semaphore, #tpu.memory_space<semaphore_mem>>) src(%arg7 : memref<128xf32, #tpu.memory_space<vmem>>) dst(%dma_wait3A_131 : memref<10240xf32, #tpu.memory_space<vmem_shared>>)
      %dma_wait3A_132 = arith.constant 0 : i32
      %dma_wait3A_133 = arith.constant 0 : i32
      %dma_wait3A_134 = tpu.memref_slice %arg6[%dma_wait3A_132, %dma_wait3A_133] : memref<80x128xi32, #tpu.memory_space<vmem>> -> memref<1x128xi32, #tpu.memory_space<vmem>>
      %dma_wait3A_135 = tpu.memref_squeeze %dma_wait3A_134 : memref<1x128xi32, #tpu.memory_space<vmem>> -> memref<128xi32, #tpu.memory_space<vmem>>
      %dma_wait3A_136 = arith.constant 0 : i32
      %dma_wait3A_137 = tpu.memref_slice %arg10[%dma_wait3A_136] : memref<10240xf32, #tpu.memory_space<vmem_shared>> -> memref<10240xf32, #tpu.memory_space<vmem_shared>>
      tpu.wait_indirect_dma semaphore(%arg9 : memref<!tpu.dma_semaphore, #tpu.memory_space<semaphore_mem>>) src(%arg7 : memref<128xf32, #tpu.memory_space<vmem>>) dst(%dma_wait3A_137 : memref<10240xf32, #tpu.memory_space<vmem_shared>>)
      %dma_wait3A_138 = arith.constant 0 : i32
      %dma_wait3A_139 = arith.constant 0 : i32
      %dma_wait3A_140 = tpu.memref_slice %arg6[%dma_wait3A_138, %dma_wait3A_139] : memref<80x128xi32, #tpu.memory_space<vmem>> -> memref<1x128xi32, #tpu.memory_space<vmem>>
      %dma_wait3A_141 = tpu.memref_squeeze %dma_wait3A_140 : memref<1x128xi32, #tpu.memory_space<vmem>> -> memref<128xi32, #tpu.memory_space<vmem>>
      %dma_wait3A_142 = arith.constant 0 : i32
      %dma_wait3A_143 = tpu.memref_slice %arg10[%dma_wait3A_142] : memref<10240xf32, #tpu.memory_space<vmem_shared>> -> memref<10240xf32, #tpu.memory_space<vmem_shared>>
      tpu.wait_indirect_dma semaphore(%arg9 : memref<!tpu.dma_semaphore, #tpu.memory_space<semaphore_mem>>) src(%arg7 : memref<128xf32, #tpu.memory_space<vmem>>) dst(%dma_wait3A_143 : memref<10240xf32, #tpu.memory_space<vmem_shared>>)
      %dma_wait3A_144 = arith.constant 0 : i32
      %dma_wait3A_145 = arith.constant 0 : i32
      %dma_wait3A_146 = tpu.memref_slice %arg6[%dma_wait3A_144, %dma_wait3A_145] : memref<80x128xi32, #tpu.memory_space<vmem>> -> memref<1x128xi32, #tpu.memory_space<vmem>>
      %dma_wait3A_147 = tpu.memref_squeeze %dma_wait3A_146 : memref<1x128xi32, #tpu.memory_space<vmem>> -> memref<128xi32, #tpu.memory_space<vmem>>
      %dma_wait3A_148 = arith.constant 0 : i32
      %dma_wait3A_149 = tpu.memref_slice %arg10[%dma_wait3A_148] : memref<10240xf32, #tpu.memory_space<vmem_shared>> -> memref<10240xf32, #tpu.memory_space<vmem_shared>>
      tpu.wait_indirect_dma semaphore(%arg9 : memref<!tpu.dma_semaphore, #tpu.memory_space<semaphore_mem>>) src(%arg7 : memref<128xf32, #tpu.memory_space<vmem>>) dst(%dma_wait3A_149 : memref<10240xf32, #tpu.memory_space<vmem_shared>>)
    }
    %scan3A_30 = arith.constant 10 : i32
    %barrier3A_31 = arith.constant 0 : index
    tpu.barrier barrier_id(%barrier3A_31)
    %mul3A_32 = arith.constant 640 : i32
    %mul3A_33 = arith.muli %arg1, %mul3A_32 : i32
    %multiple_of3A_34 = tpu.assume_multiple %mul3A_33, 8 : i32
    %mul3A_35 = arith.constant 10240 : i32
    %mul3A_36 = arith.muli %arg0, %mul3A_35 : i32
    %mul3A_37 = arith.constant 640 : i32
    %mul3A_38 = arith.muli %arg1, %mul3A_37 : i32
    %add3A_39 = arith.addi %mul3A_36, %mul3A_38 : i32
    %multiple_of3A_40 = tpu.assume_multiple %add3A_39, 8 : i32
    "tpu.region"() ({
      %run_scoped3A = tpu.sem_alloc : memref<!tpu.dma_semaphore, #tpu.memory_space<semaphore_mem>>
      %dma_start3A = tpu.memref_slice %arg5[%multiple_of3A_40] : memref<20480xf32, #tpu.memory_space<hbm>> -> memref<640xf32, #tpu.memory_space<hbm>>
      %dma_start3A_41 = tpu.memref_slice %arg10[%multiple_of3A_34] : memref<10240xf32, #tpu.memory_space<vmem_shared>> -> memref<640xf32, #tpu.memory_space<vmem_shared>>
      tpu.enqueue_dma source(%dma_start3A_41 : memref<640xf32, #tpu.memory_space<vmem_shared>>) target(%dma_start3A : memref<640xf32, #tpu.memory_space<hbm>>) target_semaphore(%run_scoped3A : memref<!tpu.dma_semaphore, #tpu.memory_space<semaphore_mem>>)
      %dma_wait3A = tpu.memref_slice %arg5[%multiple_of3A_40] : memref<20480xf32, #tpu.memory_space<hbm>> -> memref<640xf32, #tpu.memory_space<hbm>>
      %dma_wait3A_42 = tpu.memref_slice %arg10[%multiple_of3A_34] : memref<10240xf32, #tpu.memory_space<vmem_shared>> -> memref<640xf32, #tpu.memory_space<vmem_shared>>
      tpu.wait_dma2 semaphore(%run_scoped3A : memref<!tpu.dma_semaphore, #tpu.memory_space<semaphore_mem>>) src(%dma_wait3A_42 : memref<640xf32, #tpu.memory_space<vmem_shared>>) dst(%dma_wait3A : memref<640xf32, #tpu.memory_space<hbm>>)
      tpu.yield
    }) : () -> ()
    return
  }
}

#map = affine_map<(d0, d1) -> (0, 0)>
module attributes {stable_mosaic.version = 14 : i64} {
  func.func @_scatter_kernel(%arg0: i32, %arg1: i32, %arg2: memref<10000x128xf32, #tpu.memory_space<hbm>>, %arg3: memref<2560x128xi32, #tpu.memory_space<hbm>>, %arg4: memref<2560x128xi32, #tpu.memory_space<hbm>>, %arg5: memref<128x128xf32, #tpu.memory_space<hbm>>, %arg6: memref<20224x128xf32, #tpu.memory_space<hbm>>, %arg7: memref<3x128xi32, #tpu.memory_space<vmem>>, %arg8: memref<3x128xi32, #tpu.memory_space<vmem>>, %arg9: memref<3x128x128xf32, #tpu.memory_space<vmem>>, %arg10: memref<!tpu.dma_semaphore, #tpu.memory_space<semaphore_mem>>, %arg11: memref<!tpu.dma_semaphore, #tpu.memory_space<semaphore_mem>>, %arg12: memref<!tpu.dma_semaphore, #tpu.memory_space<semaphore_mem>>, %arg13: memref<!tpu.dma_semaphore, #tpu.memory_space<semaphore_mem>>, %arg14: memref<!tpu.dma_semaphore, #tpu.memory_space<semaphore_mem>>, %arg15: memref<10112x128xf32, #tpu.memory_space<vmem_shared>>) attributes {dimension_semantics = [#tpu.dimension_semantics<core_parallel>, #tpu.dimension_semantics<subcore_parallel>], iteration_bounds = array<i64: 2, 16>, scalar_prefetch = 0 : i64, scratch_operands = 9 : i64, tpu.core_type = #tpu.core_type<sc_vector_subcore>, window_params = [{transform_indices = #map}, {transform_indices = #map}, {transform_indices = #map}, {transform_indices = #map}, {transform_indices = #map}]} {
    %mul3A = arith.constant 2 : i32
    %mul3A_0 = arith.muli %arg1, %mul3A : i32
    %add3A = arith.addi %mul3A_0, %arg0 : i32
    %mul3A_1 = arith.constant 80 : i32
    %mul3A_2 = arith.muli %add3A, %mul3A_1 : i32
    %run_scoped3A = arith.constant 0 : i32
    "tpu.region"() ({
      %run_scoped3A_382 = tpu.sem_alloc : memref<!tpu.dma_semaphore, #tpu.memory_space<semaphore_mem>>
      %dma_start3A_383 = arith.constant 0 : i32
      %dma_start3A_384 = arith.constant 0 : i32
      %dma_start3A_385 = tpu.memref_slice %arg9[%run_scoped3A, %dma_start3A_383, %dma_start3A_384] : memref<3x128x128xf32, #tpu.memory_space<vmem>> -> memref<1x128x128xf32, #tpu.memory_space<vmem>>
      %dma_start3A_386 = tpu.memref_squeeze %dma_start3A_385 : memref<1x128x128xf32, #tpu.memory_space<vmem>> -> memref<128x128xf32, #tpu.memory_space<vmem>>
      %dma_start3A_387 = arith.constant 0 : i32
      %dma_start3A_388 = arith.constant 0 : i32
      %dma_start3A_389 = tpu.memref_slice %arg9[%run_scoped3A, %dma_start3A_387, %dma_start3A_388] : memref<3x128x128xf32, #tpu.memory_space<vmem>> -> memref<1x128x128xf32, #tpu.memory_space<vmem>>
      %dma_start3A_390 = tpu.memref_squeeze %dma_start3A_389 : memref<1x128x128xf32, #tpu.memory_space<vmem>> -> memref<128x128xf32, #tpu.memory_space<vmem>>
      tpu.enqueue_dma source(%arg5 : memref<128x128xf32, #tpu.memory_space<hbm>>) target(%dma_start3A_390 : memref<128x128xf32, #tpu.memory_space<vmem>>) target_semaphore(%run_scoped3A_382 : memref<!tpu.dma_semaphore, #tpu.memory_space<semaphore_mem>>)
      %dma_wait3A_391 = arith.constant 0 : i32
      %dma_wait3A_392 = arith.constant 0 : i32
      %dma_wait3A_393 = tpu.memref_slice %arg9[%run_scoped3A, %dma_wait3A_391, %dma_wait3A_392] : memref<3x128x128xf32, #tpu.memory_space<vmem>> -> memref<1x128x128xf32, #tpu.memory_space<vmem>>
      %dma_wait3A_394 = tpu.memref_squeeze %dma_wait3A_393 : memref<1x128x128xf32, #tpu.memory_space<vmem>> -> memref<128x128xf32, #tpu.memory_space<vmem>>
      %dma_wait3A_395 = arith.constant 0 : i32
      %dma_wait3A_396 = arith.constant 0 : i32
      %dma_wait3A_397 = tpu.memref_slice %arg9[%run_scoped3A, %dma_wait3A_395, %dma_wait3A_396] : memref<3x128x128xf32, #tpu.memory_space<vmem>> -> memref<1x128x128xf32, #tpu.memory_space<vmem>>
      %dma_wait3A_398 = tpu.memref_squeeze %dma_wait3A_397 : memref<1x128x128xf32, #tpu.memory_space<vmem>> -> memref<128x128xf32, #tpu.memory_space<vmem>>
      tpu.wait_dma2 semaphore(%run_scoped3A_382 : memref<!tpu.dma_semaphore, #tpu.memory_space<semaphore_mem>>) src(%arg5 : memref<128x128xf32, #tpu.memory_space<hbm>>) dst(%dma_wait3A_398 : memref<128x128xf32, #tpu.memory_space<vmem>>)
      tpu.yield
    }) : () -> ()
    %add3A_3 = arith.constant 0 : i32
    %add3A_4 = arith.addi %arg1, %add3A_3 : i32
    %mul3A_5 = arith.constant 128 : i32
    %mul3A_6 = arith.muli %add3A_4, %mul3A_5 : i32
    %multiple_of3A = tpu.assume_multiple %mul3A_6, 128 : i32
    %run_scoped3A_7 = arith.constant 0 : i32
    "tpu.region"() ({
      %run_scoped3A_382 = tpu.sem_alloc : memref<!tpu.dma_semaphore, #tpu.memory_space<semaphore_mem>>
      %dma_start3A_383 = arith.constant 0 : i32
      %dma_start3A_384 = arith.constant 0 : i32
      %dma_start3A_385 = tpu.memref_slice %arg9[%run_scoped3A_7, %dma_start3A_383, %dma_start3A_384] : memref<3x128x128xf32, #tpu.memory_space<vmem>> -> memref<1x128x128xf32, #tpu.memory_space<vmem>>
      %dma_start3A_386 = tpu.memref_squeeze %dma_start3A_385 : memref<1x128x128xf32, #tpu.memory_space<vmem>> -> memref<128x128xf32, #tpu.memory_space<vmem>>
      %dma_start3A_387 = arith.constant 0 : i32
      %dma_start3A_388 = tpu.memref_slice %arg15[%multiple_of3A, %dma_start3A_387] : memref<10112x128xf32, #tpu.memory_space<vmem_shared>> -> memref<128x128xf32, #tpu.memory_space<vmem_shared>>
      %dma_start3A_389 = arith.constant 0 : i32
      %dma_start3A_390 = tpu.memref_slice %arg15[%multiple_of3A, %dma_start3A_389] : memref<10112x128xf32, #tpu.memory_space<vmem_shared>> -> memref<128x128xf32, #tpu.memory_space<vmem_shared>>
      %dma_start3A_391 = arith.constant 0 : i32
      %dma_start3A_392 = arith.constant 0 : i32
      %dma_start3A_393 = tpu.memref_slice %arg9[%run_scoped3A_7, %dma_start3A_391, %dma_start3A_392] : memref<3x128x128xf32, #tpu.memory_space<vmem>> -> memref<1x128x128xf32, #tpu.memory_space<vmem>>
      %dma_start3A_394 = tpu.memref_squeeze %dma_start3A_393 : memref<1x128x128xf32, #tpu.memory_space<vmem>> -> memref<128x128xf32, #tpu.memory_space<vmem>>
      tpu.enqueue_dma source(%dma_start3A_394 : memref<128x128xf32, #tpu.memory_space<vmem>>) target(%dma_start3A_390 : memref<128x128xf32, #tpu.memory_space<vmem_shared>>) target_semaphore(%run_scoped3A_382 : memref<!tpu.dma_semaphore, #tpu.memory_space<semaphore_mem>>)
      %dma_wait3A_395 = arith.constant 0 : i32
      %dma_wait3A_396 = arith.constant 0 : i32
      %dma_wait3A_397 = tpu.memref_slice %arg9[%run_scoped3A_7, %dma_wait3A_395, %dma_wait3A_396] : memref<3x128x128xf32, #tpu.memory_space<vmem>> -> memref<1x128x128xf32, #tpu.memory_space<vmem>>
      %dma_wait3A_398 = tpu.memref_squeeze %dma_wait3A_397 : memref<1x128x128xf32, #tpu.memory_space<vmem>> -> memref<128x128xf32, #tpu.memory_space<vmem>>
      %dma_wait3A_399 = arith.constant 0 : i32
      %dma_wait3A_400 = tpu.memref_slice %arg15[%multiple_of3A, %dma_wait3A_399] : memref<10112x128xf32, #tpu.memory_space<vmem_shared>> -> memref<128x128xf32, #tpu.memory_space<vmem_shared>>
      %dma_wait3A_401 = arith.constant 0 : i32
      %dma_wait3A_402 = tpu.memref_slice %arg15[%multiple_of3A, %dma_wait3A_401] : memref<10112x128xf32, #tpu.memory_space<vmem_shared>> -> memref<128x128xf32, #tpu.memory_space<vmem_shared>>
      %dma_wait3A_403 = arith.constant 0 : i32
      %dma_wait3A_404 = arith.constant 0 : i32
      %dma_wait3A_405 = tpu.memref_slice %arg9[%run_scoped3A_7, %dma_wait3A_403, %dma_wait3A_404] : memref<3x128x128xf32, #tpu.memory_space<vmem>> -> memref<1x128x128xf32, #tpu.memory_space<vmem>>
      %dma_wait3A_406 = tpu.memref_squeeze %dma_wait3A_405 : memref<1x128x128xf32, #tpu.memory_space<vmem>> -> memref<128x128xf32, #tpu.memory_space<vmem>>
      tpu.wait_dma2 semaphore(%run_scoped3A_382 : memref<!tpu.dma_semaphore, #tpu.memory_space<semaphore_mem>>) src(%dma_wait3A_406 : memref<128x128xf32, #tpu.memory_space<vmem>>) dst(%dma_wait3A_402 : memref<128x128xf32, #tpu.memory_space<vmem_shared>>)
      tpu.yield
    }) : () -> ()
    %add3A_8 = arith.constant 16 : i32
    %add3A_9 = arith.addi %arg1, %add3A_8 : i32
    %mul3A_10 = arith.constant 128 : i32
    %mul3A_11 = arith.muli %add3A_9, %mul3A_10 : i32
    %multiple_of3A_12 = tpu.assume_multiple %mul3A_11, 128 : i32
    %run_scoped3A_13 = arith.constant 0 : i32
    "tpu.region"() ({
      %run_scoped3A_382 = tpu.sem_alloc : memref<!tpu.dma_semaphore, #tpu.memory_space<semaphore_mem>>
      %dma_start3A_383 = arith.constant 0 : i32
      %dma_start3A_384 = arith.constant 0 : i32
      %dma_start3A_385 = tpu.memref_slice %arg9[%run_scoped3A_13, %dma_start3A_383, %dma_start3A_384] : memref<3x128x128xf32, #tpu.memory_space<vmem>> -> memref<1x128x128xf32, #tpu.memory_space<vmem>>
      %dma_start3A_386 = tpu.memref_squeeze %dma_start3A_385 : memref<1x128x128xf32, #tpu.memory_space<vmem>> -> memref<128x128xf32, #tpu.memory_space<vmem>>
      %dma_start3A_387 = arith.constant 0 : i32
      %dma_start3A_388 = tpu.memref_slice %arg15[%multiple_of3A_12, %dma_start3A_387] : memref<10112x128xf32, #tpu.memory_space<vmem_shared>> -> memref<128x128xf32, #tpu.memory_space<vmem_shared>>
      %dma_start3A_389 = arith.constant 0 : i32
      %dma_start3A_390 = tpu.memref_slice %arg15[%multiple_of3A_12, %dma_start3A_389] : memref<10112x128xf32, #tpu.memory_space<vmem_shared>> -> memref<128x128xf32, #tpu.memory_space<vmem_shared>>
      %dma_start3A_391 = arith.constant 0 : i32
      %dma_start3A_392 = arith.constant 0 : i32
      %dma_start3A_393 = tpu.memref_slice %arg9[%run_scoped3A_13, %dma_start3A_391, %dma_start3A_392] : memref<3x128x128xf32, #tpu.memory_space<vmem>> -> memref<1x128x128xf32, #tpu.memory_space<vmem>>
      %dma_start3A_394 = tpu.memref_squeeze %dma_start3A_393 : memref<1x128x128xf32, #tpu.memory_space<vmem>> -> memref<128x128xf32, #tpu.memory_space<vmem>>
      tpu.enqueue_dma source(%dma_start3A_394 : memref<128x128xf32, #tpu.memory_space<vmem>>) target(%dma_start3A_390 : memref<128x128xf32, #tpu.memory_space<vmem_shared>>) target_semaphore(%run_scoped3A_382 : memref<!tpu.dma_semaphore, #tpu.memory_space<semaphore_mem>>)
      %dma_wait3A_395 = arith.constant 0 : i32
      %dma_wait3A_396 = arith.constant 0 : i32
      %dma_wait3A_397 = tpu.memref_slice %arg9[%run_scoped3A_13, %dma_wait3A_395, %dma_wait3A_396] : memref<3x128x128xf32, #tpu.memory_space<vmem>> -> memref<1x128x128xf32, #tpu.memory_space<vmem>>
      %dma_wait3A_398 = tpu.memref_squeeze %dma_wait3A_397 : memref<1x128x128xf32, #tpu.memory_space<vmem>> -> memref<128x128xf32, #tpu.memory_space<vmem>>
      %dma_wait3A_399 = arith.constant 0 : i32
      %dma_wait3A_400 = tpu.memref_slice %arg15[%multiple_of3A_12, %dma_wait3A_399] : memref<10112x128xf32, #tpu.memory_space<vmem_shared>> -> memref<128x128xf32, #tpu.memory_space<vmem_shared>>
      %dma_wait3A_401 = arith.constant 0 : i32
      %dma_wait3A_402 = tpu.memref_slice %arg15[%multiple_of3A_12, %dma_wait3A_401] : memref<10112x128xf32, #tpu.memory_space<vmem_shared>> -> memref<128x128xf32, #tpu.memory_space<vmem_shared>>
      %dma_wait3A_403 = arith.constant 0 : i32
      %dma_wait3A_404 = arith.constant 0 : i32
      %dma_wait3A_405 = tpu.memref_slice %arg9[%run_scoped3A_13, %dma_wait3A_403, %dma_wait3A_404] : memref<3x128x128xf32, #tpu.memory_space<vmem>> -> memref<1x128x128xf32, #tpu.memory_space<vmem>>
      %dma_wait3A_406 = tpu.memref_squeeze %dma_wait3A_405 : memref<1x128x128xf32, #tpu.memory_space<vmem>> -> memref<128x128xf32, #tpu.memory_space<vmem>>
      tpu.wait_dma2 semaphore(%run_scoped3A_382 : memref<!tpu.dma_semaphore, #tpu.memory_space<semaphore_mem>>) src(%dma_wait3A_406 : memref<128x128xf32, #tpu.memory_space<vmem>>) dst(%dma_wait3A_402 : memref<128x128xf32, #tpu.memory_space<vmem_shared>>)
      tpu.yield
    }) : () -> ()
    %add3A_14 = arith.constant 32 : i32
    %add3A_15 = arith.addi %arg1, %add3A_14 : i32
    %mul3A_16 = arith.constant 128 : i32
    %mul3A_17 = arith.muli %add3A_15, %mul3A_16 : i32
    %multiple_of3A_18 = tpu.assume_multiple %mul3A_17, 128 : i32
    %run_scoped3A_19 = arith.constant 0 : i32
    "tpu.region"() ({
      %run_scoped3A_382 = tpu.sem_alloc : memref<!tpu.dma_semaphore, #tpu.memory_space<semaphore_mem>>
      %dma_start3A_383 = arith.constant 0 : i32
      %dma_start3A_384 = arith.constant 0 : i32
      %dma_start3A_385 = tpu.memref_slice %arg9[%run_scoped3A_19, %dma_start3A_383, %dma_start3A_384] : memref<3x128x128xf32, #tpu.memory_space<vmem>> -> memref<1x128x128xf32, #tpu.memory_space<vmem>>
      %dma_start3A_386 = tpu.memref_squeeze %dma_start3A_385 : memref<1x128x128xf32, #tpu.memory_space<vmem>> -> memref<128x128xf32, #tpu.memory_space<vmem>>
      %dma_start3A_387 = arith.constant 0 : i32
      %dma_start3A_388 = tpu.memref_slice %arg15[%multiple_of3A_18, %dma_start3A_387] : memref<10112x128xf32, #tpu.memory_space<vmem_shared>> -> memref<128x128xf32, #tpu.memory_space<vmem_shared>>
      %dma_start3A_389 = arith.constant 0 : i32
      %dma_start3A_390 = tpu.memref_slice %arg15[%multiple_of3A_18, %dma_start3A_389] : memref<10112x128xf32, #tpu.memory_space<vmem_shared>> -> memref<128x128xf32, #tpu.memory_space<vmem_shared>>
      %dma_start3A_391 = arith.constant 0 : i32
      %dma_start3A_392 = arith.constant 0 : i32
      %dma_start3A_393 = tpu.memref_slice %arg9[%run_scoped3A_19, %dma_start3A_391, %dma_start3A_392] : memref<3x128x128xf32, #tpu.memory_space<vmem>> -> memref<1x128x128xf32, #tpu.memory_space<vmem>>
      %dma_start3A_394 = tpu.memref_squeeze %dma_start3A_393 : memref<1x128x128xf32, #tpu.memory_space<vmem>> -> memref<128x128xf32, #tpu.memory_space<vmem>>
      tpu.enqueue_dma source(%dma_start3A_394 : memref<128x128xf32, #tpu.memory_space<vmem>>) target(%dma_start3A_390 : memref<128x128xf32, #tpu.memory_space<vmem_shared>>) target_semaphore(%run_scoped3A_382 : memref<!tpu.dma_semaphore, #tpu.memory_space<semaphore_mem>>)
      %dma_wait3A_395 = arith.constant 0 : i32
      %dma_wait3A_396 = arith.constant 0 : i32
      %dma_wait3A_397 = tpu.memref_slice %arg9[%run_scoped3A_19, %dma_wait3A_395, %dma_wait3A_396] : memref<3x128x128xf32, #tpu.memory_space<vmem>> -> memref<1x128x128xf32, #tpu.memory_space<vmem>>
      %dma_wait3A_398 = tpu.memref_squeeze %dma_wait3A_397 : memref<1x128x128xf32, #tpu.memory_space<vmem>> -> memref<128x128xf32, #tpu.memory_space<vmem>>
      %dma_wait3A_399 = arith.constant 0 : i32
      %dma_wait3A_400 = tpu.memref_slice %arg15[%multiple_of3A_18, %dma_wait3A_399] : memref<10112x128xf32, #tpu.memory_space<vmem_shared>> -> memref<128x128xf32, #tpu.memory_space<vmem_shared>>
      %dma_wait3A_401 = arith.constant 0 : i32
      %dma_wait3A_402 = tpu.memref_slice %arg15[%multiple_of3A_18, %dma_wait3A_401] : memref<10112x128xf32, #tpu.memory_space<vmem_shared>> -> memref<128x128xf32, #tpu.memory_space<vmem_shared>>
      %dma_wait3A_403 = arith.constant 0 : i32
      %dma_wait3A_404 = arith.constant 0 : i32
      %dma_wait3A_405 = tpu.memref_slice %arg9[%run_scoped3A_19, %dma_wait3A_403, %dma_wait3A_404] : memref<3x128x128xf32, #tpu.memory_space<vmem>> -> memref<1x128x128xf32, #tpu.memory_space<vmem>>
      %dma_wait3A_406 = tpu.memref_squeeze %dma_wait3A_405 : memref<1x128x128xf32, #tpu.memory_space<vmem>> -> memref<128x128xf32, #tpu.memory_space<vmem>>
      tpu.wait_dma2 semaphore(%run_scoped3A_382 : memref<!tpu.dma_semaphore, #tpu.memory_space<semaphore_mem>>) src(%dma_wait3A_406 : memref<128x128xf32, #tpu.memory_space<vmem>>) dst(%dma_wait3A_402 : memref<128x128xf32, #tpu.memory_space<vmem_shared>>)
      tpu.yield
    }) : () -> ()
    %add3A_20 = arith.constant 48 : i32
    %add3A_21 = arith.addi %arg1, %add3A_20 : i32
    %mul3A_22 = arith.constant 128 : i32
    %mul3A_23 = arith.muli %add3A_21, %mul3A_22 : i32
    %multiple_of3A_24 = tpu.assume_multiple %mul3A_23, 128 : i32
    %run_scoped3A_25 = arith.constant 0 : i32
    "tpu.region"() ({
      %run_scoped3A_382 = tpu.sem_alloc : memref<!tpu.dma_semaphore, #tpu.memory_space<semaphore_mem>>
      %dma_start3A_383 = arith.constant 0 : i32
      %dma_start3A_384 = arith.constant 0 : i32
      %dma_start3A_385 = tpu.memref_slice %arg9[%run_scoped3A_25, %dma_start3A_383, %dma_start3A_384] : memref<3x128x128xf32, #tpu.memory_space<vmem>> -> memref<1x128x128xf32, #tpu.memory_space<vmem>>
      %dma_start3A_386 = tpu.memref_squeeze %dma_start3A_385 : memref<1x128x128xf32, #tpu.memory_space<vmem>> -> memref<128x128xf32, #tpu.memory_space<vmem>>
      %dma_start3A_387 = arith.constant 0 : i32
      %dma_start3A_388 = tpu.memref_slice %arg15[%multiple_of3A_24, %dma_start3A_387] : memref<10112x128xf32, #tpu.memory_space<vmem_shared>> -> memref<128x128xf32, #tpu.memory_space<vmem_shared>>
      %dma_start3A_389 = arith.constant 0 : i32
      %dma_start3A_390 = tpu.memref_slice %arg15[%multiple_of3A_24, %dma_start3A_389] : memref<10112x128xf32, #tpu.memory_space<vmem_shared>> -> memref<128x128xf32, #tpu.memory_space<vmem_shared>>
      %dma_start3A_391 = arith.constant 0 : i32
      %dma_start3A_392 = arith.constant 0 : i32
      %dma_start3A_393 = tpu.memref_slice %arg9[%run_scoped3A_25, %dma_start3A_391, %dma_start3A_392] : memref<3x128x128xf32, #tpu.memory_space<vmem>> -> memref<1x128x128xf32, #tpu.memory_space<vmem>>
      %dma_start3A_394 = tpu.memref_squeeze %dma_start3A_393 : memref<1x128x128xf32, #tpu.memory_space<vmem>> -> memref<128x128xf32, #tpu.memory_space<vmem>>
      tpu.enqueue_dma source(%dma_start3A_394 : memref<128x128xf32, #tpu.memory_space<vmem>>) target(%dma_start3A_390 : memref<128x128xf32, #tpu.memory_space<vmem_shared>>) target_semaphore(%run_scoped3A_382 : memref<!tpu.dma_semaphore, #tpu.memory_space<semaphore_mem>>)
      %dma_wait3A_395 = arith.constant 0 : i32
      %dma_wait3A_396 = arith.constant 0 : i32
      %dma_wait3A_397 = tpu.memref_slice %arg9[%run_scoped3A_25, %dma_wait3A_395, %dma_wait3A_396] : memref<3x128x128xf32, #tpu.memory_space<vmem>> -> memref<1x128x128xf32, #tpu.memory_space<vmem>>
      %dma_wait3A_398 = tpu.memref_squeeze %dma_wait3A_397 : memref<1x128x128xf32, #tpu.memory_space<vmem>> -> memref<128x128xf32, #tpu.memory_space<vmem>>
      %dma_wait3A_399 = arith.constant 0 : i32
      %dma_wait3A_400 = tpu.memref_slice %arg15[%multiple_of3A_24, %dma_wait3A_399] : memref<10112x128xf32, #tpu.memory_space<vmem_shared>> -> memref<128x128xf32, #tpu.memory_space<vmem_shared>>
      %dma_wait3A_401 = arith.constant 0 : i32
      %dma_wait3A_402 = tpu.memref_slice %arg15[%multiple_of3A_24, %dma_wait3A_401] : memref<10112x128xf32, #tpu.memory_space<vmem_shared>> -> memref<128x128xf32, #tpu.memory_space<vmem_shared>>
      %dma_wait3A_403 = arith.constant 0 : i32
      %dma_wait3A_404 = arith.constant 0 : i32
      %dma_wait3A_405 = tpu.memref_slice %arg9[%run_scoped3A_25, %dma_wait3A_403, %dma_wait3A_404] : memref<3x128x128xf32, #tpu.memory_space<vmem>> -> memref<1x128x128xf32, #tpu.memory_space<vmem>>
      %dma_wait3A_406 = tpu.memref_squeeze %dma_wait3A_405 : memref<1x128x128xf32, #tpu.memory_space<vmem>> -> memref<128x128xf32, #tpu.memory_space<vmem>>
      tpu.wait_dma2 semaphore(%run_scoped3A_382 : memref<!tpu.dma_semaphore, #tpu.memory_space<semaphore_mem>>) src(%dma_wait3A_406 : memref<128x128xf32, #tpu.memory_space<vmem>>) dst(%dma_wait3A_402 : memref<128x128xf32, #tpu.memory_space<vmem_shared>>)
      tpu.yield
    }) : () -> ()
    %lt3A = arith.constant 15 : i32
    %lt3A_26 = arith.cmpi slt, %arg1, %lt3A : i32
    %convert_element_type3A = arith.extui %lt3A_26 : i1 to i32
    %cond3A = arith.constant 0 : i32
    %cond3A_27 = arith.cmpi ne, %convert_element_type3A, %cond3A : i32
    scf.if %cond3A_27 {
      %add3A_382 = arith.constant 64 : i32
      %add3A_383 = arith.addi %arg1, %add3A_382 : i32
      %mul3A_384 = arith.constant 128 : i32
      %mul3A_385 = arith.muli %add3A_383, %mul3A_384 : i32
      %multiple_of3A_386 = tpu.assume_multiple %mul3A_385, 128 : i32
      %run_scoped3A_387 = arith.constant 0 : i32
      "tpu.region"() ({
        %run_scoped3A_388 = tpu.sem_alloc : memref<!tpu.dma_semaphore, #tpu.memory_space<semaphore_mem>>
        %dma_start3A_389 = arith.constant 0 : i32
        %dma_start3A_390 = arith.constant 0 : i32
        %dma_start3A_391 = tpu.memref_slice %arg9[%run_scoped3A_387, %dma_start3A_389, %dma_start3A_390] : memref<3x128x128xf32, #tpu.memory_space<vmem>> -> memref<1x128x128xf32, #tpu.memory_space<vmem>>
        %dma_start3A_392 = tpu.memref_squeeze %dma_start3A_391 : memref<1x128x128xf32, #tpu.memory_space<vmem>> -> memref<128x128xf32, #tpu.memory_space<vmem>>
        %dma_start3A_393 = arith.constant 0 : i32
        %dma_start3A_394 = tpu.memref_slice %arg15[%multiple_of3A_386, %dma_start3A_393] : memref<10112x128xf32, #tpu.memory_space<vmem_shared>> -> memref<128x128xf32, #tpu.memory_space<vmem_shared>>
        %dma_start3A_395 = arith.constant 0 : i32
        %dma_start3A_396 = tpu.memref_slice %arg15[%multiple_of3A_386, %dma_start3A_395] : memref<10112x128xf32, #tpu.memory_space<vmem_shared>> -> memref<128x128xf32, #tpu.memory_space<vmem_shared>>
        %dma_start3A_397 = arith.constant 0 : i32
        %dma_start3A_398 = arith.constant 0 : i32
        %dma_start3A_399 = tpu.memref_slice %arg9[%run_scoped3A_387, %dma_start3A_397, %dma_start3A_398] : memref<3x128x128xf32, #tpu.memory_space<vmem>> -> memref<1x128x128xf32, #tpu.memory_space<vmem>>
        %dma_start3A_400 = tpu.memref_squeeze %dma_start3A_399 : memref<1x128x128xf32, #tpu.memory_space<vmem>> -> memref<128x128xf32, #tpu.memory_space<vmem>>
        tpu.enqueue_dma source(%dma_start3A_400 : memref<128x128xf32, #tpu.memory_space<vmem>>) target(%dma_start3A_396 : memref<128x128xf32, #tpu.memory_space<vmem_shared>>) target_semaphore(%run_scoped3A_388 : memref<!tpu.dma_semaphore, #tpu.memory_space<semaphore_mem>>)
        %dma_wait3A_401 = arith.constant 0 : i32
        %dma_wait3A_402 = arith.constant 0 : i32
        %dma_wait3A_403 = tpu.memref_slice %arg9[%run_scoped3A_387, %dma_wait3A_401, %dma_wait3A_402] : memref<3x128x128xf32, #tpu.memory_space<vmem>> -> memref<1x128x128xf32, #tpu.memory_space<vmem>>
        %dma_wait3A_404 = tpu.memref_squeeze %dma_wait3A_403 : memref<1x128x128xf32, #tpu.memory_space<vmem>> -> memref<128x128xf32, #tpu.memory_space<vmem>>
        %dma_wait3A_405 = arith.constant 0 : i32
        %dma_wait3A_406 = tpu.memref_slice %arg15[%multiple_of3A_386, %dma_wait3A_405] : memref<10112x128xf32, #tpu.memory_space<vmem_shared>> -> memref<128x128xf32, #tpu.memory_space<vmem_shared>>
        %dma_wait3A_407 = arith.constant 0 : i32
        %dma_wait3A_408 = tpu.memref_slice %arg15[%multiple_of3A_386, %dma_wait3A_407] : memref<10112x128xf32, #tpu.memory_space<vmem_shared>> -> memref<128x128xf32, #tpu.memory_space<vmem_shared>>
        %dma_wait3A_409 = arith.constant 0 : i32
        %dma_wait3A_410 = arith.constant 0 : i32
        %dma_wait3A_411 = tpu.memref_slice %arg9[%run_scoped3A_387, %dma_wait3A_409, %dma_wait3A_410] : memref<3x128x128xf32, #tpu.memory_space<vmem>> -> memref<1x128x128xf32, #tpu.memory_space<vmem>>
        %dma_wait3A_412 = tpu.memref_squeeze %dma_wait3A_411 : memref<1x128x128xf32, #tpu.memory_space<vmem>> -> memref<128x128xf32, #tpu.memory_space<vmem>>
        tpu.wait_dma2 semaphore(%run_scoped3A_388 : memref<!tpu.dma_semaphore, #tpu.memory_space<semaphore_mem>>) src(%dma_wait3A_412 : memref<128x128xf32, #tpu.memory_space<vmem>>) dst(%dma_wait3A_408 : memref<128x128xf32, #tpu.memory_space<vmem_shared>>)
        tpu.yield
      }) : () -> ()
    } else {
    }
    %barrier3A = arith.constant 0 : index
    tpu.barrier barrier_id(%barrier3A)
    %add3A_28 = arith.constant 0 : i32
    %add3A_29 = arith.addi %mul3A_2, %add3A_28 : i32
    %dma_start3A = arith.constant 0 : i32
    %dma_start3A_30 = arith.constant 0 : i32
    %dma_start3A_31 = tpu.memref_slice %arg7[%dma_start3A, %dma_start3A_30] : memref<3x128xi32, #tpu.memory_space<vmem>> -> memref<1x128xi32, #tpu.memory_space<vmem>>
    %dma_start3A_32 = tpu.memref_squeeze %dma_start3A_31 : memref<1x128xi32, #tpu.memory_space<vmem>> -> memref<128xi32, #tpu.memory_space<vmem>>
    %dma_start3A_33 = arith.constant 0 : i32
    %dma_start3A_34 = tpu.memref_slice %arg3[%add3A_29, %dma_start3A_33] : memref<2560x128xi32, #tpu.memory_space<hbm>> -> memref<1x128xi32, #tpu.memory_space<hbm>>
    %dma_start3A_35 = tpu.memref_squeeze %dma_start3A_34 : memref<1x128xi32, #tpu.memory_space<hbm>> -> memref<128xi32, #tpu.memory_space<hbm>>
    %dma_start3A_36 = arith.constant 0 : i32
    %dma_start3A_37 = tpu.memref_slice %arg7[%dma_start3A, %dma_start3A_36] : memref<3x128xi32, #tpu.memory_space<vmem>> -> memref<1x128xi32, #tpu.memory_space<vmem>>
    %dma_start3A_38 = tpu.memref_squeeze %dma_start3A_37 : memref<1x128xi32, #tpu.memory_space<vmem>> -> memref<128xi32, #tpu.memory_space<vmem>>
    %dma_start3A_39 = arith.constant 0 : i32
    %dma_start3A_40 = tpu.memref_slice %arg3[%add3A_29, %dma_start3A_39] : memref<2560x128xi32, #tpu.memory_space<hbm>> -> memref<1x128xi32, #tpu.memory_space<hbm>>
    %dma_start3A_41 = tpu.memref_squeeze %dma_start3A_40 : memref<1x128xi32, #tpu.memory_space<hbm>> -> memref<128xi32, #tpu.memory_space<hbm>>
    tpu.enqueue_dma source(%dma_start3A_41 : memref<128xi32, #tpu.memory_space<hbm>>) target(%dma_start3A_38 : memref<128xi32, #tpu.memory_space<vmem>>) target_semaphore(%arg10 : memref<!tpu.dma_semaphore, #tpu.memory_space<semaphore_mem>>)
    %add3A_42 = arith.constant 0 : i32
    %add3A_43 = arith.addi %mul3A_2, %add3A_42 : i32
    %dma_start3A_44 = arith.constant 0 : i32
    %dma_start3A_45 = arith.constant 0 : i32
    %dma_start3A_46 = tpu.memref_slice %arg8[%dma_start3A_44, %dma_start3A_45] : memref<3x128xi32, #tpu.memory_space<vmem>> -> memref<1x128xi32, #tpu.memory_space<vmem>>
    %dma_start3A_47 = tpu.memref_squeeze %dma_start3A_46 : memref<1x128xi32, #tpu.memory_space<vmem>> -> memref<128xi32, #tpu.memory_space<vmem>>
    %dma_start3A_48 = arith.constant 0 : i32
    %dma_start3A_49 = tpu.memref_slice %arg4[%add3A_43, %dma_start3A_48] : memref<2560x128xi32, #tpu.memory_space<hbm>> -> memref<1x128xi32, #tpu.memory_space<hbm>>
    %dma_start3A_50 = tpu.memref_squeeze %dma_start3A_49 : memref<1x128xi32, #tpu.memory_space<hbm>> -> memref<128xi32, #tpu.memory_space<hbm>>
    %dma_start3A_51 = arith.constant 0 : i32
    %dma_start3A_52 = tpu.memref_slice %arg8[%dma_start3A_44, %dma_start3A_51] : memref<3x128xi32, #tpu.memory_space<vmem>> -> memref<1x128xi32, #tpu.memory_space<vmem>>
    %dma_start3A_53 = tpu.memref_squeeze %dma_start3A_52 : memref<1x128xi32, #tpu.memory_space<vmem>> -> memref<128xi32, #tpu.memory_space<vmem>>
    %dma_start3A_54 = arith.constant 0 : i32
    %dma_start3A_55 = tpu.memref_slice %arg4[%add3A_43, %dma_start3A_54] : memref<2560x128xi32, #tpu.memory_space<hbm>> -> memref<1x128xi32, #tpu.memory_space<hbm>>
    %dma_start3A_56 = tpu.memref_squeeze %dma_start3A_55 : memref<1x128xi32, #tpu.memory_space<hbm>> -> memref<128xi32, #tpu.memory_space<hbm>>
    tpu.enqueue_dma source(%dma_start3A_56 : memref<128xi32, #tpu.memory_space<hbm>>) target(%dma_start3A_53 : memref<128xi32, #tpu.memory_space<vmem>>) target_semaphore(%arg10 : memref<!tpu.dma_semaphore, #tpu.memory_space<semaphore_mem>>)
    %add3A_57 = arith.constant 1 : i32
    %add3A_58 = arith.addi %mul3A_2, %add3A_57 : i32
    %dma_start3A_59 = arith.constant 1 : i32
    %dma_start3A_60 = arith.constant 0 : i32
    %dma_start3A_61 = tpu.memref_slice %arg7[%dma_start3A_59, %dma_start3A_60] : memref<3x128xi32, #tpu.memory_space<vmem>> -> memref<1x128xi32, #tpu.memory_space<vmem>>
    %dma_start3A_62 = tpu.memref_squeeze %dma_start3A_61 : memref<1x128xi32, #tpu.memory_space<vmem>> -> memref<128xi32, #tpu.memory_space<vmem>>
    %dma_start3A_63 = arith.constant 0 : i32
    %dma_start3A_64 = tpu.memref_slice %arg3[%add3A_58, %dma_start3A_63] : memref<2560x128xi32, #tpu.memory_space<hbm>> -> memref<1x128xi32, #tpu.memory_space<hbm>>
    %dma_start3A_65 = tpu.memref_squeeze %dma_start3A_64 : memref<1x128xi32, #tpu.memory_space<hbm>> -> memref<128xi32, #tpu.memory_space<hbm>>
    %dma_start3A_66 = arith.constant 0 : i32
    %dma_start3A_67 = tpu.memref_slice %arg7[%dma_start3A_59, %dma_start3A_66] : memref<3x128xi32, #tpu.memory_space<vmem>> -> memref<1x128xi32, #tpu.memory_space<vmem>>
    %dma_start3A_68 = tpu.memref_squeeze %dma_start3A_67 : memref<1x128xi32, #tpu.memory_space<vmem>> -> memref<128xi32, #tpu.memory_space<vmem>>
    %dma_start3A_69 = arith.constant 0 : i32
    %dma_start3A_70 = tpu.memref_slice %arg3[%add3A_58, %dma_start3A_69] : memref<2560x128xi32, #tpu.memory_space<hbm>> -> memref<1x128xi32, #tpu.memory_space<hbm>>
    %dma_start3A_71 = tpu.memref_squeeze %dma_start3A_70 : memref<1x128xi32, #tpu.memory_space<hbm>> -> memref<128xi32, #tpu.memory_space<hbm>>
    tpu.enqueue_dma source(%dma_start3A_71 : memref<128xi32, #tpu.memory_space<hbm>>) target(%dma_start3A_68 : memref<128xi32, #tpu.memory_space<vmem>>) target_semaphore(%arg10 : memref<!tpu.dma_semaphore, #tpu.memory_space<semaphore_mem>>)
    %add3A_72 = arith.constant 1 : i32
    %add3A_73 = arith.addi %mul3A_2, %add3A_72 : i32
    %dma_start3A_74 = arith.constant 1 : i32
    %dma_start3A_75 = arith.constant 0 : i32
    %dma_start3A_76 = tpu.memref_slice %arg8[%dma_start3A_74, %dma_start3A_75] : memref<3x128xi32, #tpu.memory_space<vmem>> -> memref<1x128xi32, #tpu.memory_space<vmem>>
    %dma_start3A_77 = tpu.memref_squeeze %dma_start3A_76 : memref<1x128xi32, #tpu.memory_space<vmem>> -> memref<128xi32, #tpu.memory_space<vmem>>
    %dma_start3A_78 = arith.constant 0 : i32
    %dma_start3A_79 = tpu.memref_slice %arg4[%add3A_73, %dma_start3A_78] : memref<2560x128xi32, #tpu.memory_space<hbm>> -> memref<1x128xi32, #tpu.memory_space<hbm>>
    %dma_start3A_80 = tpu.memref_squeeze %dma_start3A_79 : memref<1x128xi32, #tpu.memory_space<hbm>> -> memref<128xi32, #tpu.memory_space<hbm>>
    %dma_start3A_81 = arith.constant 0 : i32
    %dma_start3A_82 = tpu.memref_slice %arg8[%dma_start3A_74, %dma_start3A_81] : memref<3x128xi32, #tpu.memory_space<vmem>> -> memref<1x128xi32, #tpu.memory_space<vmem>>
    %dma_start3A_83 = tpu.memref_squeeze %dma_start3A_82 : memref<1x128xi32, #tpu.memory_space<vmem>> -> memref<128xi32, #tpu.memory_space<vmem>>
    %dma_start3A_84 = arith.constant 0 : i32
    %dma_start3A_85 = tpu.memref_slice %arg4[%add3A_73, %dma_start3A_84] : memref<2560x128xi32, #tpu.memory_space<hbm>> -> memref<1x128xi32, #tpu.memory_space<hbm>>
    %dma_start3A_86 = tpu.memref_squeeze %dma_start3A_85 : memref<1x128xi32, #tpu.memory_space<hbm>> -> memref<128xi32, #tpu.memory_space<hbm>>
    tpu.enqueue_dma source(%dma_start3A_86 : memref<128xi32, #tpu.memory_space<hbm>>) target(%dma_start3A_83 : memref<128xi32, #tpu.memory_space<vmem>>) target_semaphore(%arg10 : memref<!tpu.dma_semaphore, #tpu.memory_space<semaphore_mem>>)
    %dma_wait3A = arith.constant 0 : i32
    %dma_wait3A_87 = arith.constant 0 : i32
    %dma_wait3A_88 = tpu.memref_slice %arg7[%dma_wait3A, %dma_wait3A_87] : memref<3x128xi32, #tpu.memory_space<vmem>> -> memref<1x128xi32, #tpu.memory_space<vmem>>
    %dma_wait3A_89 = tpu.memref_squeeze %dma_wait3A_88 : memref<1x128xi32, #tpu.memory_space<vmem>> -> memref<128xi32, #tpu.memory_space<vmem>>
    %dma_wait3A_90 = arith.constant 0 : i32
    %dma_wait3A_91 = tpu.memref_slice %arg3[%add3A_29, %dma_wait3A_90] : memref<2560x128xi32, #tpu.memory_space<hbm>> -> memref<1x128xi32, #tpu.memory_space<hbm>>
    %dma_wait3A_92 = tpu.memref_squeeze %dma_wait3A_91 : memref<1x128xi32, #tpu.memory_space<hbm>> -> memref<128xi32, #tpu.memory_space<hbm>>
    %dma_wait3A_93 = arith.constant 0 : i32
    %dma_wait3A_94 = tpu.memref_slice %arg7[%dma_wait3A, %dma_wait3A_93] : memref<3x128xi32, #tpu.memory_space<vmem>> -> memref<1x128xi32, #tpu.memory_space<vmem>>
    %dma_wait3A_95 = tpu.memref_squeeze %dma_wait3A_94 : memref<1x128xi32, #tpu.memory_space<vmem>> -> memref<128xi32, #tpu.memory_space<vmem>>
    %dma_wait3A_96 = arith.constant 0 : i32
    %dma_wait3A_97 = tpu.memref_slice %arg3[%add3A_29, %dma_wait3A_96] : memref<2560x128xi32, #tpu.memory_space<hbm>> -> memref<1x128xi32, #tpu.memory_space<hbm>>
    %dma_wait3A_98 = tpu.memref_squeeze %dma_wait3A_97 : memref<1x128xi32, #tpu.memory_space<hbm>> -> memref<128xi32, #tpu.memory_space<hbm>>
    tpu.wait_dma2 semaphore(%arg10 : memref<!tpu.dma_semaphore, #tpu.memory_space<semaphore_mem>>) src(%dma_wait3A_98 : memref<128xi32, #tpu.memory_space<hbm>>) dst(%dma_wait3A_95 : memref<128xi32, #tpu.memory_space<vmem>>)
    %dma_wait3A_99 = arith.constant 0 : i32
    %dma_wait3A_100 = arith.constant 0 : i32
    %dma_wait3A_101 = tpu.memref_slice %arg8[%dma_wait3A_99, %dma_wait3A_100] : memref<3x128xi32, #tpu.memory_space<vmem>> -> memref<1x128xi32, #tpu.memory_space<vmem>>
    %dma_wait3A_102 = tpu.memref_squeeze %dma_wait3A_101 : memref<1x128xi32, #tpu.memory_space<vmem>> -> memref<128xi32, #tpu.memory_space<vmem>>
    %dma_wait3A_103 = arith.constant 0 : i32
    %dma_wait3A_104 = tpu.memref_slice %arg4[%add3A_43, %dma_wait3A_103] : memref<2560x128xi32, #tpu.memory_space<hbm>> -> memref<1x128xi32, #tpu.memory_space<hbm>>
    %dma_wait3A_105 = tpu.memref_squeeze %dma_wait3A_104 : memref<1x128xi32, #tpu.memory_space<hbm>> -> memref<128xi32, #tpu.memory_space<hbm>>
    %dma_wait3A_106 = arith.constant 0 : i32
    %dma_wait3A_107 = tpu.memref_slice %arg8[%dma_wait3A_99, %dma_wait3A_106] : memref<3x128xi32, #tpu.memory_space<vmem>> -> memref<1x128xi32, #tpu.memory_space<vmem>>
    %dma_wait3A_108 = tpu.memref_squeeze %dma_wait3A_107 : memref<1x128xi32, #tpu.memory_space<vmem>> -> memref<128xi32, #tpu.memory_space<vmem>>
    %dma_wait3A_109 = arith.constant 0 : i32
    %dma_wait3A_110 = tpu.memref_slice %arg4[%add3A_43, %dma_wait3A_109] : memref<2560x128xi32, #tpu.memory_space<hbm>> -> memref<1x128xi32, #tpu.memory_space<hbm>>
    %dma_wait3A_111 = tpu.memref_squeeze %dma_wait3A_110 : memref<1x128xi32, #tpu.memory_space<hbm>> -> memref<128xi32, #tpu.memory_space<hbm>>
    tpu.wait_dma2 semaphore(%arg10 : memref<!tpu.dma_semaphore, #tpu.memory_space<semaphore_mem>>) src(%dma_wait3A_111 : memref<128xi32, #tpu.memory_space<hbm>>) dst(%dma_wait3A_108 : memref<128xi32, #tpu.memory_space<vmem>>)
    %dma_start3A_112 = arith.constant 0 : i32
    %dma_start3A_113 = arith.constant 0 : i32
    %dma_start3A_114 = arith.constant 0 : i32
    %dma_start3A_115 = arith.constant 0 : i32
    %dma_start3A_116 = tpu.memref_slice %arg9[%dma_start3A_113, %dma_start3A_114, %dma_start3A_115] : memref<3x128x128xf32, #tpu.memory_space<vmem>> -> memref<1x128x128xf32, #tpu.memory_space<vmem>>
    %dma_start3A_117 = tpu.memref_squeeze %dma_start3A_116 : memref<1x128x128xf32, #tpu.memory_space<vmem>> -> memref<128x128xf32, #tpu.memory_space<vmem>>
    %dma_start3A_118 = arith.constant 0 : i32
    %dma_start3A_119 = tpu.memref_slice %arg7[%dma_start3A_112, %dma_start3A_118] : memref<3x128xi32, #tpu.memory_space<vmem>> -> memref<1x128xi32, #tpu.memory_space<vmem>>
    %dma_start3A_120 = tpu.memref_squeeze %dma_start3A_119 : memref<1x128xi32, #tpu.memory_space<vmem>> -> memref<128xi32, #tpu.memory_space<vmem>>
    %dma_start3A_121 = arith.constant 0 : i32
    %dma_start3A_122 = arith.constant 0 : i32
    %dma_start3A_123 = tpu.memref_slice %arg2[%dma_start3A_121, %dma_start3A_122] : memref<10000x128xf32, #tpu.memory_space<hbm>> -> memref<10000x128xf32, #tpu.memory_space<hbm>>
    tpu.enqueue_indirect_dma source(%dma_start3A_123 : memref<10000x128xf32, #tpu.memory_space<hbm>>) target(%dma_start3A_117 : memref<128x128xf32, #tpu.memory_space<vmem>>) offsets(%dma_start3A_120 : memref<128xi32, #tpu.memory_space<vmem>>) semaphore(%arg11 : memref<!tpu.dma_semaphore, #tpu.memory_space<semaphore_mem>>)
    %dma_wait3A_124 = arith.constant 0 : i32
    %dma_wait3A_125 = arith.constant 0 : i32
    %dma_wait3A_126 = arith.constant 0 : i32
    %dma_wait3A_127 = arith.constant 0 : i32
    %dma_wait3A_128 = tpu.memref_slice %arg9[%dma_wait3A_125, %dma_wait3A_126, %dma_wait3A_127] : memref<3x128x128xf32, #tpu.memory_space<vmem>> -> memref<1x128x128xf32, #tpu.memory_space<vmem>>
    %dma_wait3A_129 = tpu.memref_squeeze %dma_wait3A_128 : memref<1x128x128xf32, #tpu.memory_space<vmem>> -> memref<128x128xf32, #tpu.memory_space<vmem>>
    %dma_wait3A_130 = arith.constant 0 : i32
    %dma_wait3A_131 = tpu.memref_slice %arg7[%dma_wait3A_124, %dma_wait3A_130] : memref<3x128xi32, #tpu.memory_space<vmem>> -> memref<1x128xi32, #tpu.memory_space<vmem>>
    %dma_wait3A_132 = tpu.memref_squeeze %dma_wait3A_131 : memref<1x128xi32, #tpu.memory_space<vmem>> -> memref<128xi32, #tpu.memory_space<vmem>>
    %dma_wait3A_133 = arith.constant 0 : i32
    %dma_wait3A_134 = arith.constant 0 : i32
    %dma_wait3A_135 = tpu.memref_slice %arg2[%dma_wait3A_133, %dma_wait3A_134] : memref<10000x128xf32, #tpu.memory_space<hbm>> -> memref<10000x128xf32, #tpu.memory_space<hbm>>
    tpu.wait_indirect_dma semaphore(%arg11 : memref<!tpu.dma_semaphore, #tpu.memory_space<semaphore_mem>>) src(%dma_wait3A_135 : memref<10000x128xf32, #tpu.memory_space<hbm>>) dst(%dma_wait3A_129 : memref<128x128xf32, #tpu.memory_space<vmem>>)
    %dma_wait3A_136 = arith.constant 1 : i32
    %dma_wait3A_137 = arith.constant 0 : i32
    %dma_wait3A_138 = tpu.memref_slice %arg7[%dma_wait3A_136, %dma_wait3A_137] : memref<3x128xi32, #tpu.memory_space<vmem>> -> memref<1x128xi32, #tpu.memory_space<vmem>>
    %dma_wait3A_139 = tpu.memref_squeeze %dma_wait3A_138 : memref<1x128xi32, #tpu.memory_space<vmem>> -> memref<128xi32, #tpu.memory_space<vmem>>
    %dma_wait3A_140 = arith.constant 0 : i32
    %dma_wait3A_141 = tpu.memref_slice %arg3[%add3A_58, %dma_wait3A_140] : memref<2560x128xi32, #tpu.memory_space<hbm>> -> memref<1x128xi32, #tpu.memory_space<hbm>>
    %dma_wait3A_142 = tpu.memref_squeeze %dma_wait3A_141 : memref<1x128xi32, #tpu.memory_space<hbm>> -> memref<128xi32, #tpu.memory_space<hbm>>
    %dma_wait3A_143 = arith.constant 0 : i32
    %dma_wait3A_144 = tpu.memref_slice %arg7[%dma_wait3A_136, %dma_wait3A_143] : memref<3x128xi32, #tpu.memory_space<vmem>> -> memref<1x128xi32, #tpu.memory_space<vmem>>
    %dma_wait3A_145 = tpu.memref_squeeze %dma_wait3A_144 : memref<1x128xi32, #tpu.memory_space<vmem>> -> memref<128xi32, #tpu.memory_space<vmem>>
    %dma_wait3A_146 = arith.constant 0 : i32
    %dma_wait3A_147 = tpu.memref_slice %arg3[%add3A_58, %dma_wait3A_146] : memref<2560x128xi32, #tpu.memory_space<hbm>> -> memref<1x128xi32, #tpu.memory_space<hbm>>
    %dma_wait3A_148 = tpu.memref_squeeze %dma_wait3A_147 : memref<1x128xi32, #tpu.memory_space<hbm>> -> memref<128xi32, #tpu.memory_space<hbm>>
    tpu.wait_dma2 semaphore(%arg10 : memref<!tpu.dma_semaphore, #tpu.memory_space<semaphore_mem>>) src(%dma_wait3A_148 : memref<128xi32, #tpu.memory_space<hbm>>) dst(%dma_wait3A_145 : memref<128xi32, #tpu.memory_space<vmem>>)
    %dma_wait3A_149 = arith.constant 1 : i32
    %dma_wait3A_150 = arith.constant 0 : i32
    %dma_wait3A_151 = tpu.memref_slice %arg8[%dma_wait3A_149, %dma_wait3A_150] : memref<3x128xi32, #tpu.memory_space<vmem>> -> memref<1x128xi32, #tpu.memory_space<vmem>>
    %dma_wait3A_152 = tpu.memref_squeeze %dma_wait3A_151 : memref<1x128xi32, #tpu.memory_space<vmem>> -> memref<128xi32, #tpu.memory_space<vmem>>
    %dma_wait3A_153 = arith.constant 0 : i32
    %dma_wait3A_154 = tpu.memref_slice %arg4[%add3A_73, %dma_wait3A_153] : memref<2560x128xi32, #tpu.memory_space<hbm>> -> memref<1x128xi32, #tpu.memory_space<hbm>>
    %dma_wait3A_155 = tpu.memref_squeeze %dma_wait3A_154 : memref<1x128xi32, #tpu.memory_space<hbm>> -> memref<128xi32, #tpu.memory_space<hbm>>
    %dma_wait3A_156 = arith.constant 0 : i32
    %dma_wait3A_157 = tpu.memref_slice %arg8[%dma_wait3A_149, %dma_wait3A_156] : memref<3x128xi32, #tpu.memory_space<vmem>> -> memref<1x128xi32, #tpu.memory_space<vmem>>
    %dma_wait3A_158 = tpu.memref_squeeze %dma_wait3A_157 : memref<1x128xi32, #tpu.memory_space<vmem>> -> memref<128xi32, #tpu.memory_space<vmem>>
    %dma_wait3A_159 = arith.constant 0 : i32
    %dma_wait3A_160 = tpu.memref_slice %arg4[%add3A_73, %dma_wait3A_159] : memref<2560x128xi32, #tpu.memory_space<hbm>> -> memref<1x128xi32, #tpu.memory_space<hbm>>
    %dma_wait3A_161 = tpu.memref_squeeze %dma_wait3A_160 : memref<1x128xi32, #tpu.memory_space<hbm>> -> memref<128xi32, #tpu.memory_space<hbm>>
    tpu.wait_dma2 semaphore(%arg10 : memref<!tpu.dma_semaphore, #tpu.memory_space<semaphore_mem>>) src(%dma_wait3A_161 : memref<128xi32, #tpu.memory_space<hbm>>) dst(%dma_wait3A_158 : memref<128xi32, #tpu.memory_space<vmem>>)
    %dma_start3A_162 = arith.constant 1 : i32
    %dma_start3A_163 = arith.constant 1 : i32
    %dma_start3A_164 = arith.constant 0 : i32
    %dma_start3A_165 = arith.constant 0 : i32
    %dma_start3A_166 = tpu.memref_slice %arg9[%dma_start3A_163, %dma_start3A_164, %dma_start3A_165] : memref<3x128x128xf32, #tpu.memory_space<vmem>> -> memref<1x128x128xf32, #tpu.memory_space<vmem>>
    %dma_start3A_167 = tpu.memref_squeeze %dma_start3A_166 : memref<1x128x128xf32, #tpu.memory_space<vmem>> -> memref<128x128xf32, #tpu.memory_space<vmem>>
    %dma_start3A_168 = arith.constant 0 : i32
    %dma_start3A_169 = tpu.memref_slice %arg7[%dma_start3A_162, %dma_start3A_168] : memref<3x128xi32, #tpu.memory_space<vmem>> -> memref<1x128xi32, #tpu.memory_space<vmem>>
    %dma_start3A_170 = tpu.memref_squeeze %dma_start3A_169 : memref<1x128xi32, #tpu.memory_space<vmem>> -> memref<128xi32, #tpu.memory_space<vmem>>
    %dma_start3A_171 = arith.constant 0 : i32
    %dma_start3A_172 = arith.constant 0 : i32
    %dma_start3A_173 = tpu.memref_slice %arg2[%dma_start3A_171, %dma_start3A_172] : memref<10000x128xf32, #tpu.memory_space<hbm>> -> memref<10000x128xf32, #tpu.memory_space<hbm>>
    tpu.enqueue_indirect_dma source(%dma_start3A_173 : memref<10000x128xf32, #tpu.memory_space<hbm>>) target(%dma_start3A_167 : memref<128x128xf32, #tpu.memory_space<vmem>>) offsets(%dma_start3A_170 : memref<128xi32, #tpu.memory_space<vmem>>) semaphore(%arg11 : memref<!tpu.dma_semaphore, #tpu.memory_space<semaphore_mem>>)
    %add3A_174 = arith.constant 2 : i32
    %add3A_175 = arith.addi %mul3A_2, %add3A_174 : i32
    %dma_start3A_176 = arith.constant 2 : i32
    %dma_start3A_177 = arith.constant 0 : i32
    %dma_start3A_178 = tpu.memref_slice %arg7[%dma_start3A_176, %dma_start3A_177] : memref<3x128xi32, #tpu.memory_space<vmem>> -> memref<1x128xi32, #tpu.memory_space<vmem>>
    %dma_start3A_179 = tpu.memref_squeeze %dma_start3A_178 : memref<1x128xi32, #tpu.memory_space<vmem>> -> memref<128xi32, #tpu.memory_space<vmem>>
    %dma_start3A_180 = arith.constant 0 : i32
    %dma_start3A_181 = tpu.memref_slice %arg3[%add3A_175, %dma_start3A_180] : memref<2560x128xi32, #tpu.memory_space<hbm>> -> memref<1x128xi32, #tpu.memory_space<hbm>>
    %dma_start3A_182 = tpu.memref_squeeze %dma_start3A_181 : memref<1x128xi32, #tpu.memory_space<hbm>> -> memref<128xi32, #tpu.memory_space<hbm>>
    %dma_start3A_183 = arith.constant 0 : i32
    %dma_start3A_184 = tpu.memref_slice %arg7[%dma_start3A_176, %dma_start3A_183] : memref<3x128xi32, #tpu.memory_space<vmem>> -> memref<1x128xi32, #tpu.memory_space<vmem>>
    %dma_start3A_185 = tpu.memref_squeeze %dma_start3A_184 : memref<1x128xi32, #tpu.memory_space<vmem>> -> memref<128xi32, #tpu.memory_space<vmem>>
    %dma_start3A_186 = arith.constant 0 : i32
    %dma_start3A_187 = tpu.memref_slice %arg3[%add3A_175, %dma_start3A_186] : memref<2560x128xi32, #tpu.memory_space<hbm>> -> memref<1x128xi32, #tpu.memory_space<hbm>>
    %dma_start3A_188 = tpu.memref_squeeze %dma_start3A_187 : memref<1x128xi32, #tpu.memory_space<hbm>> -> memref<128xi32, #tpu.memory_space<hbm>>
    tpu.enqueue_dma source(%dma_start3A_188 : memref<128xi32, #tpu.memory_space<hbm>>) target(%dma_start3A_185 : memref<128xi32, #tpu.memory_space<vmem>>) target_semaphore(%arg10 : memref<!tpu.dma_semaphore, #tpu.memory_space<semaphore_mem>>)
    %add3A_189 = arith.constant 2 : i32
    %add3A_190 = arith.addi %mul3A_2, %add3A_189 : i32
    %dma_start3A_191 = arith.constant 2 : i32
    %dma_start3A_192 = arith.constant 0 : i32
    %dma_start3A_193 = tpu.memref_slice %arg8[%dma_start3A_191, %dma_start3A_192] : memref<3x128xi32, #tpu.memory_space<vmem>> -> memref<1x128xi32, #tpu.memory_space<vmem>>
    %dma_start3A_194 = tpu.memref_squeeze %dma_start3A_193 : memref<1x128xi32, #tpu.memory_space<vmem>> -> memref<128xi32, #tpu.memory_space<vmem>>
    %dma_start3A_195 = arith.constant 0 : i32
    %dma_start3A_196 = tpu.memref_slice %arg4[%add3A_190, %dma_start3A_195] : memref<2560x128xi32, #tpu.memory_space<hbm>> -> memref<1x128xi32, #tpu.memory_space<hbm>>
    %dma_start3A_197 = tpu.memref_squeeze %dma_start3A_196 : memref<1x128xi32, #tpu.memory_space<hbm>> -> memref<128xi32, #tpu.memory_space<hbm>>
    %dma_start3A_198 = arith.constant 0 : i32
    %dma_start3A_199 = tpu.memref_slice %arg8[%dma_start3A_191, %dma_start3A_198] : memref<3x128xi32, #tpu.memory_space<vmem>> -> memref<1x128xi32, #tpu.memory_space<vmem>>
    %dma_start3A_200 = tpu.memref_squeeze %dma_start3A_199 : memref<1x128xi32, #tpu.memory_space<vmem>> -> memref<128xi32, #tpu.memory_space<vmem>>
    %dma_start3A_201 = arith.constant 0 : i32
    %dma_start3A_202 = tpu.memref_slice %arg4[%add3A_190, %dma_start3A_201] : memref<2560x128xi32, #tpu.memory_space<hbm>> -> memref<1x128xi32, #tpu.memory_space<hbm>>
    %dma_start3A_203 = tpu.memref_squeeze %dma_start3A_202 : memref<1x128xi32, #tpu.memory_space<hbm>> -> memref<128xi32, #tpu.memory_space<hbm>>
    tpu.enqueue_dma source(%dma_start3A_203 : memref<128xi32, #tpu.memory_space<hbm>>) target(%dma_start3A_200 : memref<128xi32, #tpu.memory_space<vmem>>) target_semaphore(%arg10 : memref<!tpu.dma_semaphore, #tpu.memory_space<semaphore_mem>>)
    %dma_start3A_204 = arith.constant 0 : i32
    %dma_start3A_205 = arith.constant 0 : i32
    %dma_start3A_206 = arith.constant 0 : i32
    %dma_start3A_207 = arith.constant 0 : i32
    %dma_start3A_208 = tpu.memref_slice %arg9[%dma_start3A_204, %dma_start3A_206, %dma_start3A_207] : memref<3x128x128xf32, #tpu.memory_space<vmem>> -> memref<1x128x128xf32, #tpu.memory_space<vmem>>
    %dma_start3A_209 = tpu.memref_squeeze %dma_start3A_208 : memref<1x128x128xf32, #tpu.memory_space<vmem>> -> memref<128x128xf32, #tpu.memory_space<vmem>>
    %dma_start3A_210 = arith.constant 0 : i32
    %dma_start3A_211 = tpu.memref_slice %arg8[%dma_start3A_205, %dma_start3A_210] : memref<3x128xi32, #tpu.memory_space<vmem>> -> memref<1x128xi32, #tpu.memory_space<vmem>>
    %dma_start3A_212 = tpu.memref_squeeze %dma_start3A_211 : memref<1x128xi32, #tpu.memory_space<vmem>> -> memref<128xi32, #tpu.memory_space<vmem>>
    %dma_start3A_213 = arith.constant 0 : i32
    %dma_start3A_214 = arith.constant 0 : i32
    %dma_start3A_215 = tpu.memref_slice %arg15[%dma_start3A_213, %dma_start3A_214] : memref<10112x128xf32, #tpu.memory_space<vmem_shared>> -> memref<10112x128xf32, #tpu.memory_space<vmem_shared>>
    tpu.enqueue_indirect_dma source(%dma_start3A_209 : memref<128x128xf32, #tpu.memory_space<vmem>>) target(%dma_start3A_215 : memref<10112x128xf32, #tpu.memory_space<vmem_shared>>) offsets(%dma_start3A_212 : memref<128xi32, #tpu.memory_space<vmem>>) semaphore(%arg12 : memref<!tpu.dma_semaphore, #tpu.memory_space<semaphore_mem>>) {add = true}
    %dma_wait3A_216 = arith.constant 2 : i32
    %dma_wait3A_217 = arith.constant 0 : i32
    %dma_wait3A_218 = tpu.memref_slice %arg7[%dma_wait3A_216, %dma_wait3A_217] : memref<3x128xi32, #tpu.memory_space<vmem>> -> memref<1x128xi32, #tpu.memory_space<vmem>>
    %dma_wait3A_219 = tpu.memref_squeeze %dma_wait3A_218 : memref<1x128xi32, #tpu.memory_space<vmem>> -> memref<128xi32, #tpu.memory_space<vmem>>
    %dma_wait3A_220 = arith.constant 0 : i32
    %dma_wait3A_221 = tpu.memref_slice %arg3[%add3A_175, %dma_wait3A_220] : memref<2560x128xi32, #tpu.memory_space<hbm>> -> memref<1x128xi32, #tpu.memory_space<hbm>>
    %dma_wait3A_222 = tpu.memref_squeeze %dma_wait3A_221 : memref<1x128xi32, #tpu.memory_space<hbm>> -> memref<128xi32, #tpu.memory_space<hbm>>
    %dma_wait3A_223 = arith.constant 0 : i32
    %dma_wait3A_224 = tpu.memref_slice %arg7[%dma_wait3A_216, %dma_wait3A_223] : memref<3x128xi32, #tpu.memory_space<vmem>> -> memref<1x128xi32, #tpu.memory_space<vmem>>
    %dma_wait3A_225 = tpu.memref_squeeze %dma_wait3A_224 : memref<1x128xi32, #tpu.memory_space<vmem>> -> memref<128xi32, #tpu.memory_space<vmem>>
    %dma_wait3A_226 = arith.constant 0 : i32
    %dma_wait3A_227 = tpu.memref_slice %arg3[%add3A_175, %dma_wait3A_226] : memref<2560x128xi32, #tpu.memory_space<hbm>> -> memref<1x128xi32, #tpu.memory_space<hbm>>
    %dma_wait3A_228 = tpu.memref_squeeze %dma_wait3A_227 : memref<1x128xi32, #tpu.memory_space<hbm>> -> memref<128xi32, #tpu.memory_space<hbm>>
    tpu.wait_dma2 semaphore(%arg10 : memref<!tpu.dma_semaphore, #tpu.memory_space<semaphore_mem>>) src(%dma_wait3A_228 : memref<128xi32, #tpu.memory_space<hbm>>) dst(%dma_wait3A_225 : memref<128xi32, #tpu.memory_space<vmem>>)
    %dma_wait3A_229 = arith.constant 2 : i32
    %dma_wait3A_230 = arith.constant 0 : i32
    %dma_wait3A_231 = tpu.memref_slice %arg8[%dma_wait3A_229, %dma_wait3A_230] : memref<3x128xi32, #tpu.memory_space<vmem>> -> memref<1x128xi32, #tpu.memory_space<vmem>>
    %dma_wait3A_232 = tpu.memref_squeeze %dma_wait3A_231 : memref<1x128xi32, #tpu.memory_space<vmem>> -> memref<128xi32, #tpu.memory_space<vmem>>
    %dma_wait3A_233 = arith.constant 0 : i32
    %dma_wait3A_234 = tpu.memref_slice %arg4[%add3A_190, %dma_wait3A_233] : memref<2560x128xi32, #tpu.memory_space<hbm>> -> memref<1x128xi32, #tpu.memory_space<hbm>>
    %dma_wait3A_235 = tpu.memref_squeeze %dma_wait3A_234 : memref<1x128xi32, #tpu.memory_space<hbm>> -> memref<128xi32, #tpu.memory_space<hbm>>
    %dma_wait3A_236 = arith.constant 0 : i32
    %dma_wait3A_237 = tpu.memref_slice %arg8[%dma_wait3A_229, %dma_wait3A_236] : memref<3x128xi32, #tpu.memory_space<vmem>> -> memref<1x128xi32, #tpu.memory_space<vmem>>
    %dma_wait3A_238 = tpu.memref_squeeze %dma_wait3A_237 : memref<1x128xi32, #tpu.memory_space<vmem>> -> memref<128xi32, #tpu.memory_space<vmem>>
    %dma_wait3A_239 = arith.constant 0 : i32
    %dma_wait3A_240 = tpu.memref_slice %arg4[%add3A_190, %dma_wait3A_239] : memref<2560x128xi32, #tpu.memory_space<hbm>> -> memref<1x128xi32, #tpu.memory_space<hbm>>
    %dma_wait3A_241 = tpu.memref_squeeze %dma_wait3A_240 : memref<1x128xi32, #tpu.memory_space<hbm>> -> memref<128xi32, #tpu.memory_space<hbm>>
    tpu.wait_dma2 semaphore(%arg10 : memref<!tpu.dma_semaphore, #tpu.memory_space<semaphore_mem>>) src(%dma_wait3A_241 : memref<128xi32, #tpu.memory_space<hbm>>) dst(%dma_wait3A_238 : memref<128xi32, #tpu.memory_space<vmem>>)
    %dma_wait3A_242 = arith.constant 1 : i32
    %dma_wait3A_243 = arith.constant 1 : i32
    %dma_wait3A_244 = arith.constant 0 : i32
    %dma_wait3A_245 = arith.constant 0 : i32
    %dma_wait3A_246 = tpu.memref_slice %arg9[%dma_wait3A_243, %dma_wait3A_244, %dma_wait3A_245] : memref<3x128x128xf32, #tpu.memory_space<vmem>> -> memref<1x128x128xf32, #tpu.memory_space<vmem>>
    %dma_wait3A_247 = tpu.memref_squeeze %dma_wait3A_246 : memref<1x128x128xf32, #tpu.memory_space<vmem>> -> memref<128x128xf32, #tpu.memory_space<vmem>>
    %dma_wait3A_248 = arith.constant 0 : i32
    %dma_wait3A_249 = tpu.memref_slice %arg7[%dma_wait3A_242, %dma_wait3A_248] : memref<3x128xi32, #tpu.memory_space<vmem>> -> memref<1x128xi32, #tpu.memory_space<vmem>>
    %dma_wait3A_250 = tpu.memref_squeeze %dma_wait3A_249 : memref<1x128xi32, #tpu.memory_space<vmem>> -> memref<128xi32, #tpu.memory_space<vmem>>
    %dma_wait3A_251 = arith.constant 0 : i32
    %dma_wait3A_252 = arith.constant 0 : i32
    %dma_wait3A_253 = tpu.memref_slice %arg2[%dma_wait3A_251, %dma_wait3A_252] : memref<10000x128xf32, #tpu.memory_space<hbm>> -> memref<10000x128xf32, #tpu.memory_space<hbm>>
    tpu.wait_indirect_dma semaphore(%arg11 : memref<!tpu.dma_semaphore, #tpu.memory_space<semaphore_mem>>) src(%dma_wait3A_253 : memref<10000x128xf32, #tpu.memory_space<hbm>>) dst(%dma_wait3A_247 : memref<128x128xf32, #tpu.memory_space<vmem>>)
    %dma_start3A_254 = arith.constant 2 : i32
    %dma_start3A_255 = arith.constant 2 : i32
    %dma_start3A_256 = arith.constant 0 : i32
    %dma_start3A_257 = arith.constant 0 : i32
    %dma_start3A_258 = tpu.memref_slice %arg9[%dma_start3A_255, %dma_start3A_256, %dma_start3A_257] : memref<3x128x128xf32, #tpu.memory_space<vmem>> -> memref<1x128x128xf32, #tpu.memory_space<vmem>>
    %dma_start3A_259 = tpu.memref_squeeze %dma_start3A_258 : memref<1x128x128xf32, #tpu.memory_space<vmem>> -> memref<128x128xf32, #tpu.memory_space<vmem>>
    %dma_start3A_260 = arith.constant 0 : i32
    %dma_start3A_261 = tpu.memref_slice %arg7[%dma_start3A_254, %dma_start3A_260] : memref<3x128xi32, #tpu.memory_space<vmem>> -> memref<1x128xi32, #tpu.memory_space<vmem>>
    %dma_start3A_262 = tpu.memref_squeeze %dma_start3A_261 : memref<1x128xi32, #tpu.memory_space<vmem>> -> memref<128xi32, #tpu.memory_space<vmem>>
    %dma_start3A_263 = arith.constant 0 : i32
    %dma_start3A_264 = arith.constant 0 : i32
    %dma_start3A_265 = tpu.memref_slice %arg2[%dma_start3A_263, %dma_start3A_264] : memref<10000x128xf32, #tpu.memory_space<hbm>> -> memref<10000x128xf32, #tpu.memory_space<hbm>>
    tpu.enqueue_indirect_dma source(%dma_start3A_265 : memref<10000x128xf32, #tpu.memory_space<hbm>>) target(%dma_start3A_259 : memref<128x128xf32, #tpu.memory_space<vmem>>) offsets(%dma_start3A_262 : memref<128xi32, #tpu.memory_space<vmem>>) semaphore(%arg11 : memref<!tpu.dma_semaphore, #tpu.memory_space<semaphore_mem>>)
    %dma_wait3A_266 = arith.constant 0 : i32
    %dma_wait3A_267 = arith.constant 0 : i32
    %dma_wait3A_268 = arith.constant 0 : i32
    %dma_wait3A_269 = arith.constant 0 : i32
    %dma_wait3A_270 = tpu.memref_slice %arg9[%dma_wait3A_266, %dma_wait3A_268, %dma_wait3A_269] : memref<3x128x128xf32, #tpu.memory_space<vmem>> -> memref<1x128x128xf32, #tpu.memory_space<vmem>>
    %dma_wait3A_271 = tpu.memref_squeeze %dma_wait3A_270 : memref<1x128x128xf32, #tpu.memory_space<vmem>> -> memref<128x128xf32, #tpu.memory_space<vmem>>
    %dma_wait3A_272 = arith.constant 0 : i32
    %dma_wait3A_273 = tpu.memref_slice %arg8[%dma_wait3A_267, %dma_wait3A_272] : memref<3x128xi32, #tpu.memory_space<vmem>> -> memref<1x128xi32, #tpu.memory_space<vmem>>
    %dma_wait3A_274 = tpu.memref_squeeze %dma_wait3A_273 : memref<1x128xi32, #tpu.memory_space<vmem>> -> memref<128xi32, #tpu.memory_space<vmem>>
    %dma_wait3A_275 = arith.constant 0 : i32
    %dma_wait3A_276 = arith.constant 0 : i32
    %dma_wait3A_277 = tpu.memref_slice %arg15[%dma_wait3A_275, %dma_wait3A_276] : memref<10112x128xf32, #tpu.memory_space<vmem_shared>> -> memref<10112x128xf32, #tpu.memory_space<vmem_shared>>
    tpu.wait_indirect_dma semaphore(%arg12 : memref<!tpu.dma_semaphore, #tpu.memory_space<semaphore_mem>>) src(%dma_wait3A_271 : memref<128x128xf32, #tpu.memory_space<vmem>>) dst(%dma_wait3A_277 : memref<10112x128xf32, #tpu.memory_space<vmem_shared>>)
    %add3A_278 = arith.constant 3 : i32
    %add3A_279 = arith.addi %mul3A_2, %add3A_278 : i32
    %dma_start3A_280 = arith.constant 0 : i32
    %dma_start3A_281 = arith.constant 0 : i32
    %dma_start3A_282 = tpu.memref_slice %arg7[%dma_start3A_280, %dma_start3A_281] : memref<3x128xi32, #tpu.memory_space<vmem>> -> memref<1x128xi32, #tpu.memory_space<vmem>>
    %dma_start3A_283 = tpu.memref_squeeze %dma_start3A_282 : memref<1x128xi32, #tpu.memory_space<vmem>> -> memref<128xi32, #tpu.memory_space<vmem>>
    %dma_start3A_284 = arith.constant 0 : i32
    %dma_start3A_285 = tpu.memref_slice %arg3[%add3A_279, %dma_start3A_284] : memref<2560x128xi32, #tpu.memory_space<hbm>> -> memref<1x128xi32, #tpu.memory_space<hbm>>
    %dma_start3A_286 = tpu.memref_squeeze %dma_start3A_285 : memref<1x128xi32, #tpu.memory_space<hbm>> -> memref<128xi32, #tpu.memory_space<hbm>>
    %dma_start3A_287 = arith.constant 0 : i32
    %dma_start3A_288 = tpu.memref_slice %arg7[%dma_start3A_280, %dma_start3A_287] : memref<3x128xi32, #tpu.memory_space<vmem>> -> memref<1x128xi32, #tpu.memory_space<vmem>>
    %dma_start3A_289 = tpu.memref_squeeze %dma_start3A_288 : memref<1x128xi32, #tpu.memory_space<vmem>> -> memref<128xi32, #tpu.memory_space<vmem>>
    %dma_start3A_290 = arith.constant 0 : i32
    %dma_start3A_291 = tpu.memref_slice %arg3[%add3A_279, %dma_start3A_290] : memref<2560x128xi32, #tpu.memory_space<hbm>> -> memref<1x128xi32, #tpu.memory_space<hbm>>
    %dma_start3A_292 = tpu.memref_squeeze %dma_start3A_291 : memref<1x128xi32, #tpu.memory_space<hbm>> -> memref<128xi32, #tpu.memory_space<hbm>>
    tpu.enqueue_dma source(%dma_start3A_292 : memref<128xi32, #tpu.memory_space<hbm>>) target(%dma_start3A_289 : memref<128xi32, #tpu.memory_space<vmem>>) target_semaphore(%arg10 : memref<!tpu.dma_semaphore, #tpu.memory_space<semaphore_mem>>)
    %add3A_293 = arith.constant 3 : i32
    %add3A_294 = arith.addi %mul3A_2, %add3A_293 : i32
    %dma_start3A_295 = arith.constant 0 : i32
    %dma_start3A_296 = arith.constant 0 : i32
    %dma_start3A_297 = tpu.memref_slice %arg8[%dma_start3A_295, %dma_start3A_296] : memref<3x128xi32, #tpu.memory_space<vmem>> -> memref<1x128xi32, #tpu.memory_space<vmem>>
    %dma_start3A_298 = tpu.memref_squeeze %dma_start3A_297 : memref<1x128xi32, #tpu.memory_space<vmem>> -> memref<128xi32, #tpu.memory_space<vmem>>
    %dma_start3A_299 = arith.constant 0 : i32
    %dma_start3A_300 = tpu.memref_slice %arg4[%add3A_294, %dma_start3A_299] : memref<2560x128xi32, #tpu.memory_space<hbm>> -> memref<1x128xi32, #tpu.memory_space<hbm>>
    %dma_start3A_301 = tpu.memref_squeeze %dma_start3A_300 : memref<1x128xi32, #tpu.memory_space<hbm>> -> memref<128xi32, #tpu.memory_space<hbm>>
    %dma_start3A_302 = arith.constant 0 : i32
    %dma_start3A_303 = tpu.memref_slice %arg8[%dma_start3A_295, %dma_start3A_302] : memref<3x128xi32, #tpu.memory_space<vmem>> -> memref<1x128xi32, #tpu.memory_space<vmem>>
    %dma_start3A_304 = tpu.memref_squeeze %dma_start3A_303 : memref<1x128xi32, #tpu.memory_space<vmem>> -> memref<128xi32, #tpu.memory_space<vmem>>
    %dma_start3A_305 = arith.constant 0 : i32
    %dma_start3A_306 = tpu.memref_slice %arg4[%add3A_294, %dma_start3A_305] : memref<2560x128xi32, #tpu.memory_space<hbm>> -> memref<1x128xi32, #tpu.memory_space<hbm>>
    %dma_start3A_307 = tpu.memref_squeeze %dma_start3A_306 : memref<1x128xi32, #tpu.memory_space<hbm>> -> memref<128xi32, #tpu.memory_space<hbm>>
    tpu.enqueue_dma source(%dma_start3A_307 : memref<128xi32, #tpu.memory_space<hbm>>) target(%dma_start3A_304 : memref<128xi32, #tpu.memory_space<vmem>>) target_semaphore(%arg10 : memref<!tpu.dma_semaphore, #tpu.memory_space<semaphore_mem>>)
    %dma_start3A_308 = arith.constant 1 : i32
    %dma_start3A_309 = arith.constant 1 : i32
    %dma_start3A_310 = arith.constant 0 : i32
    %dma_start3A_311 = arith.constant 0 : i32
    %dma_start3A_312 = tpu.memref_slice %arg9[%dma_start3A_308, %dma_start3A_310, %dma_start3A_311] : memref<3x128x128xf32, #tpu.memory_space<vmem>> -> memref<1x128x128xf32, #tpu.memory_space<vmem>>
    %dma_start3A_313 = tpu.memref_squeeze %dma_start3A_312 : memref<1x128x128xf32, #tpu.memory_space<vmem>> -> memref<128x128xf32, #tpu.memory_space<vmem>>
    %dma_start3A_314 = arith.constant 0 : i32
    %dma_start3A_315 = tpu.memref_slice %arg8[%dma_start3A_309, %dma_start3A_314] : memref<3x128xi32, #tpu.memory_space<vmem>> -> memref<1x128xi32, #tpu.memory_space<vmem>>
    %dma_start3A_316 = tpu.memref_squeeze %dma_start3A_315 : memref<1x128xi32, #tpu.memory_space<vmem>> -> memref<128xi32, #tpu.memory_space<vmem>>
    %dma_start3A_317 = arith.constant 0 : i32
    %dma_start3A_318 = arith.constant 0 : i32
    %dma_start3A_319 = tpu.memref_slice %arg15[%dma_start3A_317, %dma_start3A_318] : memref<10112x128xf32, #tpu.memory_space<vmem_shared>> -> memref<10112x128xf32, #tpu.memory_space<vmem_shared>>
    tpu.enqueue_indirect_dma source(%dma_start3A_313 : memref<128x128xf32, #tpu.memory_space<vmem>>) target(%dma_start3A_319 : memref<10112x128xf32, #tpu.memory_space<vmem_shared>>) offsets(%dma_start3A_316 : memref<128xi32, #tpu.memory_space<vmem>>) semaphore(%arg13 : memref<!tpu.dma_semaphore, #tpu.memory_space<semaphore_mem>>) {add = true}
    %dma_wait3A_320 = arith.constant 0 : i32
    %dma_wait3A_321 = arith.constant 0 : i32
    %dma_wait3A_322 = tpu.memref_slice %arg7[%dma_wait3A_320, %dma_wait3A_321] : memref<3x128xi32, #tpu.memory_space<vmem>> -> memref<1x128xi32, #tpu.memory_space<vmem>>
    %dma_wait3A_323 = tpu.memref_squeeze %dma_wait3A_322 : memref<1x128xi32, #tpu.memory_space<vmem>> -> memref<128xi32, #tpu.memory_space<vmem>>
    %dma_wait3A_324 = arith.constant 0 : i32
    %dma_wait3A_325 = tpu.memref_slice %arg3[%add3A_279, %dma_wait3A_324] : memref<2560x128xi32, #tpu.memory_space<hbm>> -> memref<1x128xi32, #tpu.memory_space<hbm>>
    %dma_wait3A_326 = tpu.memref_squeeze %dma_wait3A_325 : memref<1x128xi32, #tpu.memory_space<hbm>> -> memref<128xi32, #tpu.memory_space<hbm>>
    %dma_wait3A_327 = arith.constant 0 : i32
    %dma_wait3A_328 = tpu.memref_slice %arg7[%dma_wait3A_320, %dma_wait3A_327] : memref<3x128xi32, #tpu.memory_space<vmem>> -> memref<1x128xi32, #tpu.memory_space<vmem>>
    %dma_wait3A_329 = tpu.memref_squeeze %dma_wait3A_328 : memref<1x128xi32, #tpu.memory_space<vmem>> -> memref<128xi32, #tpu.memory_space<vmem>>
    %dma_wait3A_330 = arith.constant 0 : i32
    %dma_wait3A_331 = tpu.memref_slice %arg3[%add3A_279, %dma_wait3A_330] : memref<2560x128xi32, #tpu.memory_space<hbm>> -> memref<1x128xi32, #tpu.memory_space<hbm>>
    %dma_wait3A_332 = tpu.memref_squeeze %dma_wait3A_331 : memref<1x128xi32, #tpu.memory_space<hbm>> -> memref<128xi32, #tpu.memory_space<hbm>>
    tpu.wait_dma2 semaphore(%arg10 : memref<!tpu.dma_semaphore, #tpu.memory_space<semaphore_mem>>) src(%dma_wait3A_332 : memref<128xi32, #tpu.memory_space<hbm>>) dst(%dma_wait3A_329 : memref<128xi32, #tpu.memory_space<vmem>>)
    %dma_wait3A_333 = arith.constant 0 : i32
    %dma_wait3A_334 = arith.constant 0 : i32
    %dma_wait3A_335 = tpu.memref_slice %arg8[%dma_wait3A_333, %dma_wait3A_334] : memref<3x128xi32, #tpu.memory_space<vmem>> -> memref<1x128xi32, #tpu.memory_space<vmem>>
    %dma_wait3A_336 = tpu.memref_squeeze %dma_wait3A_335 : memref<1x128xi32, #tpu.memory_space<vmem>> -> memref<128xi32, #tpu.memory_space<vmem>>
    %dma_wait3A_337 = arith.constant 0 : i32
    %dma_wait3A_338 = tpu.memref_slice %arg4[%add3A_294, %dma_wait3A_337] : memref<2560x128xi32, #tpu.memory_space<hbm>> -> memref<1x128xi32, #tpu.memory_space<hbm>>
    %dma_wait3A_339 = tpu.memref_squeeze %dma_wait3A_338 : memref<1x128xi32, #tpu.memory_space<hbm>> -> memref<128xi32, #tpu.memory_space<hbm>>
    %dma_wait3A_340 = arith.constant 0 : i32
    %dma_wait3A_341 = tpu.memref_slice %arg8[%dma_wait3A_333, %dma_wait3A_340] : memref<3x128xi32, #tpu.memory_space<vmem>> -> memref<1x128xi32, #tpu.memory_space<vmem>>
    %dma_wait3A_342 = tpu.memref_squeeze %dma_wait3A_341 : memref<1x128xi32, #tpu.memory_space<vmem>> -> memref<128xi32, #tpu.memory_space<vmem>>
    %dma_wait3A_343 = arith.constant 0 : i32
    %dma_wait3A_344 = tpu.memref_slice %arg4[%add3A_294, %dma_wait3A_343] : memref<2560x128xi32, #tpu.memory_space<hbm>> -> memref<1x128xi32, #tpu.memory_space<hbm>>
    %dma_wait3A_345 = tpu.memref_squeeze %dma_wait3A_344 : memref<1x128xi32, #tpu.memory_space<hbm>> -> memref<128xi32, #tpu.memory_space<hbm>>
    tpu.wait_dma2 semaphore(%arg10 : memref<!tpu.dma_semaphore, #tpu.memory_space<semaphore_mem>>) src(%dma_wait3A_345 : memref<128xi32, #tpu.memory_space<hbm>>) dst(%dma_wait3A_342 : memref<128xi32, #tpu.memory_space<vmem>>)
    %dma_wait3A_346 = arith.constant 2 : i32
    %dma_wait3A_347 = arith.constant 2 : i32
    %dma_wait3A_348 = arith.constant 0 : i32
    %dma_wait3A_349 = arith.constant 0 : i32
    %dma_wait3A_350 = tpu.memref_slice %arg9[%dma_wait3A_347, %dma_wait3A_348, %dma_wait3A_349] : memref<3x128x128xf32, #tpu.memory_space<vmem>> -> memref<1x128x128xf32, #tpu.memory_space<vmem>>
    %dma_wait3A_351 = tpu.memref_squeeze %dma_wait3A_350 : memref<1x128x128xf32, #tpu.memory_space<vmem>> -> memref<128x128xf32, #tpu.memory_space<vmem>>
    %dma_wait3A_352 = arith.constant 0 : i32
    %dma_wait3A_353 = tpu.memref_slice %arg7[%dma_wait3A_346, %dma_wait3A_352] : memref<3x128xi32, #tpu.memory_space<vmem>> -> memref<1x128xi32, #tpu.memory_space<vmem>>
    %dma_wait3A_354 = tpu.memref_squeeze %dma_wait3A_353 : memref<1x128xi32, #tpu.memory_space<vmem>> -> memref<128xi32, #tpu.memory_space<vmem>>
    %dma_wait3A_355 = arith.constant 0 : i32
    %dma_wait3A_356 = arith.constant 0 : i32
    %dma_wait3A_357 = tpu.memref_slice %arg2[%dma_wait3A_355, %dma_wait3A_356] : memref<10000x128xf32, #tpu.memory_space<hbm>> -> memref<10000x128xf32, #tpu.memory_space<hbm>>
    tpu.wait_indirect_dma semaphore(%arg11 : memref<!tpu.dma_semaphore, #tpu.memory_space<semaphore_mem>>) src(%dma_wait3A_357 : memref<10000x128xf32, #tpu.memory_space<hbm>>) dst(%dma_wait3A_351 : memref<128x128xf32, #tpu.memory_space<vmem>>)
    %scan3A = arith.constant 0 : i32
    %scan3A_358 = arith.constant 26 : i32
    %scan3A_359 = arith.addi %scan3A, %scan3A_358 : i32
    %scan3A_360 = arith.constant 1 : i32
    scf.for %scan3A_382 = %scan3A to %scan3A_359 step %scan3A_360  : i32 {
      %mul3A_383 = arith.constant 1 : i32
      %mul3A_384 = arith.muli %scan3A_382, %mul3A_383 : i32
      %add3A_385 = arith.constant 0 : i32
      %add3A_386 = arith.addi %add3A_385, %mul3A_384 : i32
      %mul3A_387 = arith.constant 3 : i32
      %mul3A_388 = arith.muli %add3A_386, %mul3A_387 : i32
      %add3A_389 = arith.constant 2 : i32
      %add3A_390 = arith.addi %mul3A_388, %add3A_389 : i32
      %add3A_391 = arith.constant 0 : i32
      %add3A_392 = arith.addi %add3A_390, %add3A_391 : i32
      %add3A_393 = arith.constant 2 : i32
      %add3A_394 = arith.addi %add3A_392, %add3A_393 : i32
      %ge3A = arith.constant 80 : i32
      %ge3A_395 = arith.cmpi sge, %add3A_394, %ge3A : i32
      %sub3A = arith.constant 80 : i32
      %sub3A_396 = arith.subi %add3A_394, %sub3A : i32
      %select_n3A = arith.select %ge3A_395, %sub3A_396, %add3A_394 : i32
      %dma_start3A_397 = arith.constant 0 : i32
      %dma_start3A_398 = arith.constant 0 : i32
      %dma_start3A_399 = arith.constant 0 : i32
      %dma_start3A_400 = arith.constant 0 : i32
      %dma_start3A_401 = tpu.memref_slice %arg9[%dma_start3A_398, %dma_start3A_399, %dma_start3A_400] : memref<3x128x128xf32, #tpu.memory_space<vmem>> -> memref<1x128x128xf32, #tpu.memory_space<vmem>>
      %dma_start3A_402 = tpu.memref_squeeze %dma_start3A_401 : memref<1x128x128xf32, #tpu.memory_space<vmem>> -> memref<128x128xf32, #tpu.memory_space<vmem>>
      %dma_start3A_403 = arith.constant 0 : i32
      %dma_start3A_404 = tpu.memref_slice %arg7[%dma_start3A_397, %dma_start3A_403] : memref<3x128xi32, #tpu.memory_space<vmem>> -> memref<1x128xi32, #tpu.memory_space<vmem>>
      %dma_start3A_405 = tpu.memref_squeeze %dma_start3A_404 : memref<1x128xi32, #tpu.memory_space<vmem>> -> memref<128xi32, #tpu.memory_space<vmem>>
      %dma_start3A_406 = arith.constant 0 : i32
      %dma_start3A_407 = arith.constant 0 : i32
      %dma_start3A_408 = tpu.memref_slice %arg2[%dma_start3A_406, %dma_start3A_407] : memref<10000x128xf32, #tpu.memory_space<hbm>> -> memref<10000x128xf32, #tpu.memory_space<hbm>>
      tpu.enqueue_indirect_dma source(%dma_start3A_408 : memref<10000x128xf32, #tpu.memory_space<hbm>>) target(%dma_start3A_402 : memref<128x128xf32, #tpu.memory_space<vmem>>) offsets(%dma_start3A_405 : memref<128xi32, #tpu.memory_space<vmem>>) semaphore(%arg11 : memref<!tpu.dma_semaphore, #tpu.memory_space<semaphore_mem>>)
      %dma_wait3A_409 = arith.constant 1 : i32
      %dma_wait3A_410 = arith.constant 0 : i32
      %dma_wait3A_411 = arith.constant 0 : i32
      %dma_wait3A_412 = arith.constant 0 : i32
      %dma_wait3A_413 = tpu.memref_slice %arg9[%dma_wait3A_409, %dma_wait3A_411, %dma_wait3A_412] : memref<3x128x128xf32, #tpu.memory_space<vmem>> -> memref<1x128x128xf32, #tpu.memory_space<vmem>>
      %dma_wait3A_414 = tpu.memref_squeeze %dma_wait3A_413 : memref<1x128x128xf32, #tpu.memory_space<vmem>> -> memref<128x128xf32, #tpu.memory_space<vmem>>
      %dma_wait3A_415 = arith.constant 0 : i32
      %dma_wait3A_416 = tpu.memref_slice %arg8[%dma_wait3A_410, %dma_wait3A_415] : memref<3x128xi32, #tpu.memory_space<vmem>> -> memref<1x128xi32, #tpu.memory_space<vmem>>
      %dma_wait3A_417 = tpu.memref_squeeze %dma_wait3A_416 : memref<1x128xi32, #tpu.memory_space<vmem>> -> memref<128xi32, #tpu.memory_space<vmem>>
      %dma_wait3A_418 = arith.constant 0 : i32
      %dma_wait3A_419 = arith.constant 0 : i32
      %dma_wait3A_420 = tpu.memref_slice %arg15[%dma_wait3A_418, %dma_wait3A_419] : memref<10112x128xf32, #tpu.memory_space<vmem_shared>> -> memref<10112x128xf32, #tpu.memory_space<vmem_shared>>
      tpu.wait_indirect_dma semaphore(%arg13 : memref<!tpu.dma_semaphore, #tpu.memory_space<semaphore_mem>>) src(%dma_wait3A_414 : memref<128x128xf32, #tpu.memory_space<vmem>>) dst(%dma_wait3A_420 : memref<10112x128xf32, #tpu.memory_space<vmem_shared>>)
      %add3A_421 = arith.addi %mul3A_2, %select_n3A : i32
      %dma_start3A_422 = arith.constant 1 : i32
      %dma_start3A_423 = arith.constant 0 : i32
      %dma_start3A_424 = tpu.memref_slice %arg7[%dma_start3A_422, %dma_start3A_423] : memref<3x128xi32, #tpu.memory_space<vmem>> -> memref<1x128xi32, #tpu.memory_space<vmem>>
      %dma_start3A_425 = tpu.memref_squeeze %dma_start3A_424 : memref<1x128xi32, #tpu.memory_space<vmem>> -> memref<128xi32, #tpu.memory_space<vmem>>
      %dma_start3A_426 = arith.constant 0 : i32
      %dma_start3A_427 = tpu.memref_slice %arg3[%add3A_421, %dma_start3A_426] : memref<2560x128xi32, #tpu.memory_space<hbm>> -> memref<1x128xi32, #tpu.memory_space<hbm>>
      %dma_start3A_428 = tpu.memref_squeeze %dma_start3A_427 : memref<1x128xi32, #tpu.memory_space<hbm>> -> memref<128xi32, #tpu.memory_space<hbm>>
      %dma_start3A_429 = arith.constant 0 : i32
      %dma_start3A_430 = tpu.memref_slice %arg7[%dma_start3A_422, %dma_start3A_429] : memref<3x128xi32, #tpu.memory_space<vmem>> -> memref<1x128xi32, #tpu.memory_space<vmem>>
      %dma_start3A_431 = tpu.memref_squeeze %dma_start3A_430 : memref<1x128xi32, #tpu.memory_space<vmem>> -> memref<128xi32, #tpu.memory_space<vmem>>
      %dma_start3A_432 = arith.constant 0 : i32
      %dma_start3A_433 = tpu.memref_slice %arg3[%add3A_421, %dma_start3A_432] : memref<2560x128xi32, #tpu.memory_space<hbm>> -> memref<1x128xi32, #tpu.memory_space<hbm>>
      %dma_start3A_434 = tpu.memref_squeeze %dma_start3A_433 : memref<1x128xi32, #tpu.memory_space<hbm>> -> memref<128xi32, #tpu.memory_space<hbm>>
      tpu.enqueue_dma source(%dma_start3A_434 : memref<128xi32, #tpu.memory_space<hbm>>) target(%dma_start3A_431 : memref<128xi32, #tpu.memory_space<vmem>>) target_semaphore(%arg10 : memref<!tpu.dma_semaphore, #tpu.memory_space<semaphore_mem>>)
      %add3A_435 = arith.addi %mul3A_2, %select_n3A : i32
      %dma_start3A_436 = arith.constant 1 : i32
      %dma_start3A_437 = arith.constant 0 : i32
      %dma_start3A_438 = tpu.memref_slice %arg8[%dma_start3A_436, %dma_start3A_437] : memref<3x128xi32, #tpu.memory_space<vmem>> -> memref<1x128xi32, #tpu.memory_space<vmem>>
      %dma_start3A_439 = tpu.memref_squeeze %dma_start3A_438 : memref<1x128xi32, #tpu.memory_space<vmem>> -> memref<128xi32, #tpu.memory_space<vmem>>
      %dma_start3A_440 = arith.constant 0 : i32
      %dma_start3A_441 = tpu.memref_slice %arg4[%add3A_435, %dma_start3A_440] : memref<2560x128xi32, #tpu.memory_space<hbm>> -> memref<1x128xi32, #tpu.memory_space<hbm>>
      %dma_start3A_442 = tpu.memref_squeeze %dma_start3A_441 : memref<1x128xi32, #tpu.memory_space<hbm>> -> memref<128xi32, #tpu.memory_space<hbm>>
      %dma_start3A_443 = arith.constant 0 : i32
      %dma_start3A_444 = tpu.memref_slice %arg8[%dma_start3A_436, %dma_start3A_443] : memref<3x128xi32, #tpu.memory_space<vmem>> -> memref<1x128xi32, #tpu.memory_space<vmem>>
      %dma_start3A_445 = tpu.memref_squeeze %dma_start3A_444 : memref<1x128xi32, #tpu.memory_space<vmem>> -> memref<128xi32, #tpu.memory_space<vmem>>
      %dma_start3A_446 = arith.constant 0 : i32
      %dma_start3A_447 = tpu.memref_slice %arg4[%add3A_435, %dma_start3A_446] : memref<2560x128xi32, #tpu.memory_space<hbm>> -> memref<1x128xi32, #tpu.memory_space<hbm>>
      %dma_start3A_448 = tpu.memref_squeeze %dma_start3A_447 : memref<1x128xi32, #tpu.memory_space<hbm>> -> memref<128xi32, #tpu.memory_space<hbm>>
      tpu.enqueue_dma source(%dma_start3A_448 : memref<128xi32, #tpu.memory_space<hbm>>) target(%dma_start3A_445 : memref<128xi32, #tpu.memory_space<vmem>>) target_semaphore(%arg10 : memref<!tpu.dma_semaphore, #tpu.memory_space<semaphore_mem>>)
      %dma_start3A_449 = arith.constant 2 : i32
      %dma_start3A_450 = arith.constant 2 : i32
      %dma_start3A_451 = arith.constant 0 : i32
      %dma_start3A_452 = arith.constant 0 : i32
      %dma_start3A_453 = tpu.memref_slice %arg9[%dma_start3A_449, %dma_start3A_451, %dma_start3A_452] : memref<3x128x128xf32, #tpu.memory_space<vmem>> -> memref<1x128x128xf32, #tpu.memory_space<vmem>>
      %dma_start3A_454 = tpu.memref_squeeze %dma_start3A_453 : memref<1x128x128xf32, #tpu.memory_space<vmem>> -> memref<128x128xf32, #tpu.memory_space<vmem>>
      %dma_start3A_455 = arith.constant 0 : i32
      %dma_start3A_456 = tpu.memref_slice %arg8[%dma_start3A_450, %dma_start3A_455] : memref<3x128xi32, #tpu.memory_space<vmem>> -> memref<1x128xi32, #tpu.memory_space<vmem>>
      %dma_start3A_457 = tpu.memref_squeeze %dma_start3A_456 : memref<1x128xi32, #tpu.memory_space<vmem>> -> memref<128xi32, #tpu.memory_space<vmem>>
      %dma_start3A_458 = arith.constant 0 : i32
      %dma_start3A_459 = arith.constant 0 : i32
      %dma_start3A_460 = tpu.memref_slice %arg15[%dma_start3A_458, %dma_start3A_459] : memref<10112x128xf32, #tpu.memory_space<vmem_shared>> -> memref<10112x128xf32, #tpu.memory_space<vmem_shared>>
      tpu.enqueue_indirect_dma source(%dma_start3A_454 : memref<128x128xf32, #tpu.memory_space<vmem>>) target(%dma_start3A_460 : memref<10112x128xf32, #tpu.memory_space<vmem_shared>>) offsets(%dma_start3A_457 : memref<128xi32, #tpu.memory_space<vmem>>) semaphore(%arg14 : memref<!tpu.dma_semaphore, #tpu.memory_space<semaphore_mem>>) {add = true}
      %dma_wait3A_461 = arith.constant 1 : i32
      %dma_wait3A_462 = arith.constant 0 : i32
      %dma_wait3A_463 = tpu.memref_slice %arg7[%dma_wait3A_461, %dma_wait3A_462] : memref<3x128xi32, #tpu.memory_space<vmem>> -> memref<1x128xi32, #tpu.memory_space<vmem>>
      %dma_wait3A_464 = tpu.memref_squeeze %dma_wait3A_463 : memref<1x128xi32, #tpu.memory_space<vmem>> -> memref<128xi32, #tpu.memory_space<vmem>>
      %dma_wait3A_465 = arith.constant 0 : i32
      %dma_wait3A_466 = tpu.memref_slice %arg3[%add3A_421, %dma_wait3A_465] : memref<2560x128xi32, #tpu.memory_space<hbm>> -> memref<1x128xi32, #tpu.memory_space<hbm>>
      %dma_wait3A_467 = tpu.memref_squeeze %dma_wait3A_466 : memref<1x128xi32, #tpu.memory_space<hbm>> -> memref<128xi32, #tpu.memory_space<hbm>>
      %dma_wait3A_468 = arith.constant 0 : i32
      %dma_wait3A_469 = tpu.memref_slice %arg7[%dma_wait3A_461, %dma_wait3A_468] : memref<3x128xi32, #tpu.memory_space<vmem>> -> memref<1x128xi32, #tpu.memory_space<vmem>>
      %dma_wait3A_470 = tpu.memref_squeeze %dma_wait3A_469 : memref<1x128xi32, #tpu.memory_space<vmem>> -> memref<128xi32, #tpu.memory_space<vmem>>
      %dma_wait3A_471 = arith.constant 0 : i32
      %dma_wait3A_472 = tpu.memref_slice %arg3[%add3A_421, %dma_wait3A_471] : memref<2560x128xi32, #tpu.memory_space<hbm>> -> memref<1x128xi32, #tpu.memory_space<hbm>>
      %dma_wait3A_473 = tpu.memref_squeeze %dma_wait3A_472 : memref<1x128xi32, #tpu.memory_space<hbm>> -> memref<128xi32, #tpu.memory_space<hbm>>
      tpu.wait_dma2 semaphore(%arg10 : memref<!tpu.dma_semaphore, #tpu.memory_space<semaphore_mem>>) src(%dma_wait3A_473 : memref<128xi32, #tpu.memory_space<hbm>>) dst(%dma_wait3A_470 : memref<128xi32, #tpu.memory_space<vmem>>)
      %dma_wait3A_474 = arith.constant 1 : i32
      %dma_wait3A_475 = arith.constant 0 : i32
      %dma_wait3A_476 = tpu.memref_slice %arg8[%dma_wait3A_474, %dma_wait3A_475] : memref<3x128xi32, #tpu.memory_space<vmem>> -> memref<1x128xi32, #tpu.memory_space<vmem>>
      %dma_wait3A_477 = tpu.memref_squeeze %dma_wait3A_476 : memref<1x128xi32, #tpu.memory_space<vmem>> -> memref<128xi32, #tpu.memory_space<vmem>>
      %dma_wait3A_478 = arith.constant 0 : i32
      %dma_wait3A_479 = tpu.memref_slice %arg4[%add3A_435, %dma_wait3A_478] : memref<2560x128xi32, #tpu.memory_space<hbm>> -> memref<1x128xi32, #tpu.memory_space<hbm>>
      %dma_wait3A_480 = tpu.memref_squeeze %dma_wait3A_479 : memref<1x128xi32, #tpu.memory_space<hbm>> -> memref<128xi32, #tpu.memory_space<hbm>>
      %dma_wait3A_481 = arith.constant 0 : i32
      %dma_wait3A_482 = tpu.memref_slice %arg8[%dma_wait3A_474, %dma_wait3A_481] : memref<3x128xi32, #tpu.memory_space<vmem>> -> memref<1x128xi32, #tpu.memory_space<vmem>>
      %dma_wait3A_483 = tpu.memref_squeeze %dma_wait3A_482 : memref<1x128xi32, #tpu.memory_space<vmem>> -> memref<128xi32, #tpu.memory_space<vmem>>
      %dma_wait3A_484 = arith.constant 0 : i32
      %dma_wait3A_485 = tpu.memref_slice %arg4[%add3A_435, %dma_wait3A_484] : memref<2560x128xi32, #tpu.memory_space<hbm>> -> memref<1x128xi32, #tpu.memory_space<hbm>>
      %dma_wait3A_486 = tpu.memref_squeeze %dma_wait3A_485 : memref<1x128xi32, #tpu.memory_space<hbm>> -> memref<128xi32, #tpu.memory_space<hbm>>
      tpu.wait_dma2 semaphore(%arg10 : memref<!tpu.dma_semaphore, #tpu.memory_space<semaphore_mem>>) src(%dma_wait3A_486 : memref<128xi32, #tpu.memory_space<hbm>>) dst(%dma_wait3A_483 : memref<128xi32, #tpu.memory_space<vmem>>)
      %dma_wait3A_487 = arith.constant 0 : i32
      %dma_wait3A_488 = arith.constant 0 : i32
      %dma_wait3A_489 = arith.constant 0 : i32
      %dma_wait3A_490 = arith.constant 0 : i32
      %dma_wait3A_491 = tpu.memref_slice %arg9[%dma_wait3A_488, %dma_wait3A_489, %dma_wait3A_490] : memref<3x128x128xf32, #tpu.memory_space<vmem>> -> memref<1x128x128xf32, #tpu.memory_space<vmem>>
      %dma_wait3A_492 = tpu.memref_squeeze %dma_wait3A_491 : memref<1x128x128xf32, #tpu.memory_space<vmem>> -> memref<128x128xf32, #tpu.memory_space<vmem>>
      %dma_wait3A_493 = arith.constant 0 : i32
      %dma_wait3A_494 = tpu.memref_slice %arg7[%dma_wait3A_487, %dma_wait3A_493] : memref<3x128xi32, #tpu.memory_space<vmem>> -> memref<1x128xi32, #tpu.memory_space<vmem>>
      %dma_wait3A_495 = tpu.memref_squeeze %dma_wait3A_494 : memref<1x128xi32, #tpu.memory_space<vmem>> -> memref<128xi32, #tpu.memory_space<vmem>>
      %dma_wait3A_496 = arith.constant 0 : i32
      %dma_wait3A_497 = arith.constant 0 : i32
      %dma_wait3A_498 = tpu.memref_slice %arg2[%dma_wait3A_496, %dma_wait3A_497] : memref<10000x128xf32, #tpu.memory_space<hbm>> -> memref<10000x128xf32, #tpu.memory_space<hbm>>
      tpu.wait_indirect_dma semaphore(%arg11 : memref<!tpu.dma_semaphore, #tpu.memory_space<semaphore_mem>>) src(%dma_wait3A_498 : memref<10000x128xf32, #tpu.memory_space<hbm>>) dst(%dma_wait3A_492 : memref<128x128xf32, #tpu.memory_space<vmem>>)
      %add3A_499 = arith.constant 1 : i32
      %add3A_500 = arith.addi %add3A_390, %add3A_499 : i32
      %add3A_501 = arith.constant 2 : i32
      %add3A_502 = arith.addi %add3A_500, %add3A_501 : i32
      %ge3A_503 = arith.constant 80 : i32
      %ge3A_504 = arith.cmpi sge, %add3A_502, %ge3A_503 : i32
      %sub3A_505 = arith.constant 80 : i32
      %sub3A_506 = arith.subi %add3A_502, %sub3A_505 : i32
      %select_n3A_507 = arith.select %ge3A_504, %sub3A_506, %add3A_502 : i32
      %dma_start3A_508 = arith.constant 1 : i32
      %dma_start3A_509 = arith.constant 1 : i32
      %dma_start3A_510 = arith.constant 0 : i32
      %dma_start3A_511 = arith.constant 0 : i32
      %dma_start3A_512 = tpu.memref_slice %arg9[%dma_start3A_509, %dma_start3A_510, %dma_start3A_511] : memref<3x128x128xf32, #tpu.memory_space<vmem>> -> memref<1x128x128xf32, #tpu.memory_space<vmem>>
      %dma_start3A_513 = tpu.memref_squeeze %dma_start3A_512 : memref<1x128x128xf32, #tpu.memory_space<vmem>> -> memref<128x128xf32, #tpu.memory_space<vmem>>
      %dma_start3A_514 = arith.constant 0 : i32
      %dma_start3A_515 = tpu.memref_slice %arg7[%dma_start3A_508, %dma_start3A_514] : memref<3x128xi32, #tpu.memory_space<vmem>> -> memref<1x128xi32, #tpu.memory_space<vmem>>
      %dma_start3A_516 = tpu.memref_squeeze %dma_start3A_515 : memref<1x128xi32, #tpu.memory_space<vmem>> -> memref<128xi32, #tpu.memory_space<vmem>>
      %dma_start3A_517 = arith.constant 0 : i32
      %dma_start3A_518 = arith.constant 0 : i32
      %dma_start3A_519 = tpu.memref_slice %arg2[%dma_start3A_517, %dma_start3A_518] : memref<10000x128xf32, #tpu.memory_space<hbm>> -> memref<10000x128xf32, #tpu.memory_space<hbm>>
      tpu.enqueue_indirect_dma source(%dma_start3A_519 : memref<10000x128xf32, #tpu.memory_space<hbm>>) target(%dma_start3A_513 : memref<128x128xf32, #tpu.memory_space<vmem>>) offsets(%dma_start3A_516 : memref<128xi32, #tpu.memory_space<vmem>>) semaphore(%arg11 : memref<!tpu.dma_semaphore, #tpu.memory_space<semaphore_mem>>)
      %dma_wait3A_520 = arith.constant 2 : i32
      %dma_wait3A_521 = arith.constant 0 : i32
      %dma_wait3A_522 = arith.constant 0 : i32
      %dma_wait3A_523 = arith.constant 0 : i32
      %dma_wait3A_524 = tpu.memref_slice %arg9[%dma_wait3A_520, %dma_wait3A_522, %dma_wait3A_523] : memref<3x128x128xf32, #tpu.memory_space<vmem>> -> memref<1x128x128xf32, #tpu.memory_space<vmem>>
      %dma_wait3A_525 = tpu.memref_squeeze %dma_wait3A_524 : memref<1x128x128xf32, #tpu.memory_space<vmem>> -> memref<128x128xf32, #tpu.memory_space<vmem>>
      %dma_wait3A_526 = arith.constant 0 : i32
      %dma_wait3A_527 = tpu.memref_slice %arg8[%dma_wait3A_521, %dma_wait3A_526] : memref<3x128xi32, #tpu.memory_space<vmem>> -> memref<1x128xi32, #tpu.memory_space<vmem>>
      %dma_wait3A_528 = tpu.memref_squeeze %dma_wait3A_527 : memref<1x128xi32, #tpu.memory_space<vmem>> -> memref<128xi32, #tpu.memory_space<vmem>>
      %dma_wait3A_529 = arith.constant 0 : i32
      %dma_wait3A_530 = arith.constant 0 : i32
      %dma_wait3A_531 = tpu.memref_slice %arg15[%dma_wait3A_529, %dma_wait3A_530] : memref<10112x128xf32, #tpu.memory_space<vmem_shared>> -> memref<10112x128xf32, #tpu.memory_space<vmem_shared>>
      tpu.wait_indirect_dma semaphore(%arg14 : memref<!tpu.dma_semaphore, #tpu.memory_space<semaphore_mem>>) src(%dma_wait3A_525 : memref<128x128xf32, #tpu.memory_space<vmem>>) dst(%dma_wait3A_531 : memref<10112x128xf32, #tpu.memory_space<vmem_shared>>)
      %add3A_532 = arith.addi %mul3A_2, %select_n3A_507 : i32
      %dma_start3A_533 = arith.constant 2 : i32
      %dma_start3A_534 = arith.constant 0 : i32
      %dma_start3A_535 = tpu.memref_slice %arg7[%dma_start3A_533, %dma_start3A_534] : memref<3x128xi32, #tpu.memory_space<vmem>> -> memref<1x128xi32, #tpu.memory_space<vmem>>
      %dma_start3A_536 = tpu.memref_squeeze %dma_start3A_535 : memref<1x128xi32, #tpu.memory_space<vmem>> -> memref<128xi32, #tpu.memory_space<vmem>>
      %dma_start3A_537 = arith.constant 0 : i32
      %dma_start3A_538 = tpu.memref_slice %arg3[%add3A_532, %dma_start3A_537] : memref<2560x128xi32, #tpu.memory_space<hbm>> -> memref<1x128xi32, #tpu.memory_space<hbm>>
      %dma_start3A_539 = tpu.memref_squeeze %dma_start3A_538 : memref<1x128xi32, #tpu.memory_space<hbm>> -> memref<128xi32, #tpu.memory_space<hbm>>
      %dma_start3A_540 = arith.constant 0 : i32
      %dma_start3A_541 = tpu.memref_slice %arg7[%dma_start3A_533, %dma_start3A_540] : memref<3x128xi32, #tpu.memory_space<vmem>> -> memref<1x128xi32, #tpu.memory_space<vmem>>
      %dma_start3A_542 = tpu.memref_squeeze %dma_start3A_541 : memref<1x128xi32, #tpu.memory_space<vmem>> -> memref<128xi32, #tpu.memory_space<vmem>>
      %dma_start3A_543 = arith.constant 0 : i32
      %dma_start3A_544 = tpu.memref_slice %arg3[%add3A_532, %dma_start3A_543] : memref<2560x128xi32, #tpu.memory_space<hbm>> -> memref<1x128xi32, #tpu.memory_space<hbm>>
      %dma_start3A_545 = tpu.memref_squeeze %dma_start3A_544 : memref<1x128xi32, #tpu.memory_space<hbm>> -> memref<128xi32, #tpu.memory_space<hbm>>
      tpu.enqueue_dma source(%dma_start3A_545 : memref<128xi32, #tpu.memory_space<hbm>>) target(%dma_start3A_542 : memref<128xi32, #tpu.memory_space<vmem>>) target_semaphore(%arg10 : memref<!tpu.dma_semaphore, #tpu.memory_space<semaphore_mem>>)
      %add3A_546 = arith.addi %mul3A_2, %select_n3A_507 : i32
      %dma_start3A_547 = arith.constant 2 : i32
      %dma_start3A_548 = arith.constant 0 : i32
      %dma_start3A_549 = tpu.memref_slice %arg8[%dma_start3A_547, %dma_start3A_548] : memref<3x128xi32, #tpu.memory_space<vmem>> -> memref<1x128xi32, #tpu.memory_space<vmem>>
      %dma_start3A_550 = tpu.memref_squeeze %dma_start3A_549 : memref<1x128xi32, #tpu.memory_space<vmem>> -> memref<128xi32, #tpu.memory_space<vmem>>
      %dma_start3A_551 = arith.constant 0 : i32
      %dma_start3A_552 = tpu.memref_slice %arg4[%add3A_546, %dma_start3A_551] : memref<2560x128xi32, #tpu.memory_space<hbm>> -> memref<1x128xi32, #tpu.memory_space<hbm>>
      %dma_start3A_553 = tpu.memref_squeeze %dma_start3A_552 : memref<1x128xi32, #tpu.memory_space<hbm>> -> memref<128xi32, #tpu.memory_space<hbm>>
      %dma_start3A_554 = arith.constant 0 : i32
      %dma_start3A_555 = tpu.memref_slice %arg8[%dma_start3A_547, %dma_start3A_554] : memref<3x128xi32, #tpu.memory_space<vmem>> -> memref<1x128xi32, #tpu.memory_space<vmem>>
      %dma_start3A_556 = tpu.memref_squeeze %dma_start3A_555 : memref<1x128xi32, #tpu.memory_space<vmem>> -> memref<128xi32, #tpu.memory_space<vmem>>
      %dma_start3A_557 = arith.constant 0 : i32
      %dma_start3A_558 = tpu.memref_slice %arg4[%add3A_546, %dma_start3A_557] : memref<2560x128xi32, #tpu.memory_space<hbm>> -> memref<1x128xi32, #tpu.memory_space<hbm>>
      %dma_start3A_559 = tpu.memref_squeeze %dma_start3A_558 : memref<1x128xi32, #tpu.memory_space<hbm>> -> memref<128xi32, #tpu.memory_space<hbm>>
      tpu.enqueue_dma source(%dma_start3A_559 : memref<128xi32, #tpu.memory_space<hbm>>) target(%dma_start3A_556 : memref<128xi32, #tpu.memory_space<vmem>>) target_semaphore(%arg10 : memref<!tpu.dma_semaphore, #tpu.memory_space<semaphore_mem>>)
      %dma_start3A_560 = arith.constant 0 : i32
      %dma_start3A_561 = arith.constant 0 : i32
      %dma_start3A_562 = arith.constant 0 : i32
      %dma_start3A_563 = arith.constant 0 : i32
      %dma_start3A_564 = tpu.memref_slice %arg9[%dma_start3A_560, %dma_start3A_562, %dma_start3A_563] : memref<3x128x128xf32, #tpu.memory_space<vmem>> -> memref<1x128x128xf32, #tpu.memory_space<vmem>>
      %dma_start3A_565 = tpu.memref_squeeze %dma_start3A_564 : memref<1x128x128xf32, #tpu.memory_space<vmem>> -> memref<128x128xf32, #tpu.memory_space<vmem>>
      %dma_start3A_566 = arith.constant 0 : i32
      %dma_start3A_567 = tpu.memref_slice %arg8[%dma_start3A_561, %dma_start3A_566] : memref<3x128xi32, #tpu.memory_space<vmem>> -> memref<1x128xi32, #tpu.memory_space<vmem>>
      %dma_start3A_568 = tpu.memref_squeeze %dma_start3A_567 : memref<1x128xi32, #tpu.memory_space<vmem>> -> memref<128xi32, #tpu.memory_space<vmem>>
      %dma_start3A_569 = arith.constant 0 : i32
      %dma_start3A_570 = arith.constant 0 : i32
      %dma_start3A_571 = tpu.memref_slice %arg15[%dma_start3A_569, %dma_start3A_570] : memref<10112x128xf32, #tpu.memory_space<vmem_shared>> -> memref<10112x128xf32, #tpu.memory_space<vmem_shared>>
      tpu.enqueue_indirect_dma source(%dma_start3A_565 : memref<128x128xf32, #tpu.memory_space<vmem>>) target(%dma_start3A_571 : memref<10112x128xf32, #tpu.memory_space<vmem_shared>>) offsets(%dma_start3A_568 : memref<128xi32, #tpu.memory_space<vmem>>) semaphore(%arg12 : memref<!tpu.dma_semaphore, #tpu.memory_space<semaphore_mem>>) {add = true}
      %dma_wait3A_572 = arith.constant 2 : i32
      %dma_wait3A_573 = arith.constant 0 : i32
      %dma_wait3A_574 = tpu.memref_slice %arg7[%dma_wait3A_572, %dma_wait3A_573] : memref<3x128xi32, #tpu.memory_space<vmem>> -> memref<1x128xi32, #tpu.memory_space<vmem>>
      %dma_wait3A_575 = tpu.memref_squeeze %dma_wait3A_574 : memref<1x128xi32, #tpu.memory_space<vmem>> -> memref<128xi32, #tpu.memory_space<vmem>>
      %dma_wait3A_576 = arith.constant 0 : i32
      %dma_wait3A_577 = tpu.memref_slice %arg3[%add3A_532, %dma_wait3A_576] : memref<2560x128xi32, #tpu.memory_space<hbm>> -> memref<1x128xi32, #tpu.memory_space<hbm>>
      %dma_wait3A_578 = tpu.memref_squeeze %dma_wait3A_577 : memref<1x128xi32, #tpu.memory_space<hbm>> -> memref<128xi32, #tpu.memory_space<hbm>>
      %dma_wait3A_579 = arith.constant 0 : i32
      %dma_wait3A_580 = tpu.memref_slice %arg7[%dma_wait3A_572, %dma_wait3A_579] : memref<3x128xi32, #tpu.memory_space<vmem>> -> memref<1x128xi32, #tpu.memory_space<vmem>>
      %dma_wait3A_581 = tpu.memref_squeeze %dma_wait3A_580 : memref<1x128xi32, #tpu.memory_space<vmem>> -> memref<128xi32, #tpu.memory_space<vmem>>
      %dma_wait3A_582 = arith.constant 0 : i32
      %dma_wait3A_583 = tpu.memref_slice %arg3[%add3A_532, %dma_wait3A_582] : memref<2560x128xi32, #tpu.memory_space<hbm>> -> memref<1x128xi32, #tpu.memory_space<hbm>>
      %dma_wait3A_584 = tpu.memref_squeeze %dma_wait3A_583 : memref<1x128xi32, #tpu.memory_space<hbm>> -> memref<128xi32, #tpu.memory_space<hbm>>
      tpu.wait_dma2 semaphore(%arg10 : memref<!tpu.dma_semaphore, #tpu.memory_space<semaphore_mem>>) src(%dma_wait3A_584 : memref<128xi32, #tpu.memory_space<hbm>>) dst(%dma_wait3A_581 : memref<128xi32, #tpu.memory_space<vmem>>)
      %dma_wait3A_585 = arith.constant 2 : i32
      %dma_wait3A_586 = arith.constant 0 : i32
      %dma_wait3A_587 = tpu.memref_slice %arg8[%dma_wait3A_585, %dma_wait3A_586] : memref<3x128xi32, #tpu.memory_space<vmem>> -> memref<1x128xi32, #tpu.memory_space<vmem>>
      %dma_wait3A_588 = tpu.memref_squeeze %dma_wait3A_587 : memref<1x128xi32, #tpu.memory_space<vmem>> -> memref<128xi32, #tpu.memory_space<vmem>>
      %dma_wait3A_589 = arith.constant 0 : i32
      %dma_wait3A_590 = tpu.memref_slice %arg4[%add3A_546, %dma_wait3A_589] : memref<2560x128xi32, #tpu.memory_space<hbm>> -> memref<1x128xi32, #tpu.memory_space<hbm>>
      %dma_wait3A_591 = tpu.memref_squeeze %dma_wait3A_590 : memref<1x128xi32, #tpu.memory_space<hbm>> -> memref<128xi32, #tpu.memory_space<hbm>>
      %dma_wait3A_592 = arith.constant 0 : i32
      %dma_wait3A_593 = tpu.memref_slice %arg8[%dma_wait3A_585, %dma_wait3A_592] : memref<3x128xi32, #tpu.memory_space<vmem>> -> memref<1x128xi32, #tpu.memory_space<vmem>>
      %dma_wait3A_594 = tpu.memref_squeeze %dma_wait3A_593 : memref<1x128xi32, #tpu.memory_space<vmem>> -> memref<128xi32, #tpu.memory_space<vmem>>
      %dma_wait3A_595 = arith.constant 0 : i32
      %dma_wait3A_596 = tpu.memref_slice %arg4[%add3A_546, %dma_wait3A_595] : memref<2560x128xi32, #tpu.memory_space<hbm>> -> memref<1x128xi32, #tpu.memory_space<hbm>>
      %dma_wait3A_597 = tpu.memref_squeeze %dma_wait3A_596 : memref<1x128xi32, #tpu.memory_space<hbm>> -> memref<128xi32, #tpu.memory_space<hbm>>
      tpu.wait_dma2 semaphore(%arg10 : memref<!tpu.dma_semaphore, #tpu.memory_space<semaphore_mem>>) src(%dma_wait3A_597 : memref<128xi32, #tpu.memory_space<hbm>>) dst(%dma_wait3A_594 : memref<128xi32, #tpu.memory_space<vmem>>)
      %dma_wait3A_598 = arith.constant 1 : i32
      %dma_wait3A_599 = arith.constant 1 : i32
      %dma_wait3A_600 = arith.constant 0 : i32
      %dma_wait3A_601 = arith.constant 0 : i32
      %dma_wait3A_602 = tpu.memref_slice %arg9[%dma_wait3A_599, %dma_wait3A_600, %dma_wait3A_601] : memref<3x128x128xf32, #tpu.memory_space<vmem>> -> memref<1x128x128xf32, #tpu.memory_space<vmem>>
      %dma_wait3A_603 = tpu.memref_squeeze %dma_wait3A_602 : memref<1x128x128xf32, #tpu.memory_space<vmem>> -> memref<128x128xf32, #tpu.memory_space<vmem>>
      %dma_wait3A_604 = arith.constant 0 : i32
      %dma_wait3A_605 = tpu.memref_slice %arg7[%dma_wait3A_598, %dma_wait3A_604] : memref<3x128xi32, #tpu.memory_space<vmem>> -> memref<1x128xi32, #tpu.memory_space<vmem>>
      %dma_wait3A_606 = tpu.memref_squeeze %dma_wait3A_605 : memref<1x128xi32, #tpu.memory_space<vmem>> -> memref<128xi32, #tpu.memory_space<vmem>>
      %dma_wait3A_607 = arith.constant 0 : i32
      %dma_wait3A_608 = arith.constant 0 : i32
      %dma_wait3A_609 = tpu.memref_slice %arg2[%dma_wait3A_607, %dma_wait3A_608] : memref<10000x128xf32, #tpu.memory_space<hbm>> -> memref<10000x128xf32, #tpu.memory_space<hbm>>
      tpu.wait_indirect_dma semaphore(%arg11 : memref<!tpu.dma_semaphore, #tpu.memory_space<semaphore_mem>>) src(%dma_wait3A_609 : memref<10000x128xf32, #tpu.memory_space<hbm>>) dst(%dma_wait3A_603 : memref<128x128xf32, #tpu.memory_space<vmem>>)
      %add3A_610 = arith.constant 2 : i32
      %add3A_611 = arith.addi %add3A_390, %add3A_610 : i32
      %add3A_612 = arith.constant 2 : i32
      %add3A_613 = arith.addi %add3A_611, %add3A_612 : i32
      %ge3A_614 = arith.constant 80 : i32
      %ge3A_615 = arith.cmpi sge, %add3A_613, %ge3A_614 : i32
      %sub3A_616 = arith.constant 80 : i32
      %sub3A_617 = arith.subi %add3A_613, %sub3A_616 : i32
      %select_n3A_618 = arith.select %ge3A_615, %sub3A_617, %add3A_613 : i32
      %dma_start3A_619 = arith.constant 2 : i32
      %dma_start3A_620 = arith.constant 2 : i32
      %dma_start3A_621 = arith.constant 0 : i32
      %dma_start3A_622 = arith.constant 0 : i32
      %dma_start3A_623 = tpu.memref_slice %arg9[%dma_start3A_620, %dma_start3A_621, %dma_start3A_622] : memref<3x128x128xf32, #tpu.memory_space<vmem>> -> memref<1x128x128xf32, #tpu.memory_space<vmem>>
      %dma_start3A_624 = tpu.memref_squeeze %dma_start3A_623 : memref<1x128x128xf32, #tpu.memory_space<vmem>> -> memref<128x128xf32, #tpu.memory_space<vmem>>
      %dma_start3A_625 = arith.constant 0 : i32
      %dma_start3A_626 = tpu.memref_slice %arg7[%dma_start3A_619, %dma_start3A_625] : memref<3x128xi32, #tpu.memory_space<vmem>> -> memref<1x128xi32, #tpu.memory_space<vmem>>
      %dma_start3A_627 = tpu.memref_squeeze %dma_start3A_626 : memref<1x128xi32, #tpu.memory_space<vmem>> -> memref<128xi32, #tpu.memory_space<vmem>>
      %dma_start3A_628 = arith.constant 0 : i32
      %dma_start3A_629 = arith.constant 0 : i32
      %dma_start3A_630 = tpu.memref_slice %arg2[%dma_start3A_628, %dma_start3A_629] : memref<10000x128xf32, #tpu.memory_space<hbm>> -> memref<10000x128xf32, #tpu.memory_space<hbm>>
      tpu.enqueue_indirect_dma source(%dma_start3A_630 : memref<10000x128xf32, #tpu.memory_space<hbm>>) target(%dma_start3A_624 : memref<128x128xf32, #tpu.memory_space<vmem>>) offsets(%dma_start3A_627 : memref<128xi32, #tpu.memory_space<vmem>>) semaphore(%arg11 : memref<!tpu.dma_semaphore, #tpu.memory_space<semaphore_mem>>)
      %dma_wait3A_631 = arith.constant 0 : i32
      %dma_wait3A_632 = arith.constant 0 : i32
      %dma_wait3A_633 = arith.constant 0 : i32
      %dma_wait3A_634 = arith.constant 0 : i32
      %dma_wait3A_635 = tpu.memref_slice %arg9[%dma_wait3A_631, %dma_wait3A_633, %dma_wait3A_634] : memref<3x128x128xf32, #tpu.memory_space<vmem>> -> memref<1x128x128xf32, #tpu.memory_space<vmem>>
      %dma_wait3A_636 = tpu.memref_squeeze %dma_wait3A_635 : memref<1x128x128xf32, #tpu.memory_space<vmem>> -> memref<128x128xf32, #tpu.memory_space<vmem>>
      %dma_wait3A_637 = arith.constant 0 : i32
      %dma_wait3A_638 = tpu.memref_slice %arg8[%dma_wait3A_632, %dma_wait3A_637] : memref<3x128xi32, #tpu.memory_space<vmem>> -> memref<1x128xi32, #tpu.memory_space<vmem>>
      %dma_wait3A_639 = tpu.memref_squeeze %dma_wait3A_638 : memref<1x128xi32, #tpu.memory_space<vmem>> -> memref<128xi32, #tpu.memory_space<vmem>>
      %dma_wait3A_640 = arith.constant 0 : i32
      %dma_wait3A_641 = arith.constant 0 : i32
      %dma_wait3A_642 = tpu.memref_slice %arg15[%dma_wait3A_640, %dma_wait3A_641] : memref<10112x128xf32, #tpu.memory_space<vmem_shared>> -> memref<10112x128xf32, #tpu.memory_space<vmem_shared>>
      tpu.wait_indirect_dma semaphore(%arg12 : memref<!tpu.dma_semaphore, #tpu.memory_space<semaphore_mem>>) src(%dma_wait3A_636 : memref<128x128xf32, #tpu.memory_space<vmem>>) dst(%dma_wait3A_642 : memref<10112x128xf32, #tpu.memory_space<vmem_shared>>)
      %add3A_643 = arith.addi %mul3A_2, %select_n3A_618 : i32
      %dma_start3A_644 = arith.constant 0 : i32
      %dma_start3A_645 = arith.constant 0 : i32
      %dma_start3A_646 = tpu.memref_slice %arg7[%dma_start3A_644, %dma_start3A_645] : memref<3x128xi32, #tpu.memory_space<vmem>> -> memref<1x128xi32, #tpu.memory_space<vmem>>
      %dma_start3A_647 = tpu.memref_squeeze %dma_start3A_646 : memref<1x128xi32, #tpu.memory_space<vmem>> -> memref<128xi32, #tpu.memory_space<vmem>>
      %dma_start3A_648 = arith.constant 0 : i32
      %dma_start3A_649 = tpu.memref_slice %arg3[%add3A_643, %dma_start3A_648] : memref<2560x128xi32, #tpu.memory_space<hbm>> -> memref<1x128xi32, #tpu.memory_space<hbm>>
      %dma_start3A_650 = tpu.memref_squeeze %dma_start3A_649 : memref<1x128xi32, #tpu.memory_space<hbm>> -> memref<128xi32, #tpu.memory_space<hbm>>
      %dma_start3A_651 = arith.constant 0 : i32
      %dma_start3A_652 = tpu.memref_slice %arg7[%dma_start3A_644, %dma_start3A_651] : memref<3x128xi32, #tpu.memory_space<vmem>> -> memref<1x128xi32, #tpu.memory_space<vmem>>
      %dma_start3A_653 = tpu.memref_squeeze %dma_start3A_652 : memref<1x128xi32, #tpu.memory_space<vmem>> -> memref<128xi32, #tpu.memory_space<vmem>>
      %dma_start3A_654 = arith.constant 0 : i32
      %dma_start3A_655 = tpu.memref_slice %arg3[%add3A_643, %dma_start3A_654] : memref<2560x128xi32, #tpu.memory_space<hbm>> -> memref<1x128xi32, #tpu.memory_space<hbm>>
      %dma_start3A_656 = tpu.memref_squeeze %dma_start3A_655 : memref<1x128xi32, #tpu.memory_space<hbm>> -> memref<128xi32, #tpu.memory_space<hbm>>
      tpu.enqueue_dma source(%dma_start3A_656 : memref<128xi32, #tpu.memory_space<hbm>>) target(%dma_start3A_653 : memref<128xi32, #tpu.memory_space<vmem>>) target_semaphore(%arg10 : memref<!tpu.dma_semaphore, #tpu.memory_space<semaphore_mem>>)
      %add3A_657 = arith.addi %mul3A_2, %select_n3A_618 : i32
      %dma_start3A_658 = arith.constant 0 : i32
      %dma_start3A_659 = arith.constant 0 : i32
      %dma_start3A_660 = tpu.memref_slice %arg8[%dma_start3A_658, %dma_start3A_659] : memref<3x128xi32, #tpu.memory_space<vmem>> -> memref<1x128xi32, #tpu.memory_space<vmem>>
      %dma_start3A_661 = tpu.memref_squeeze %dma_start3A_660 : memref<1x128xi32, #tpu.memory_space<vmem>> -> memref<128xi32, #tpu.memory_space<vmem>>
      %dma_start3A_662 = arith.constant 0 : i32
      %dma_start3A_663 = tpu.memref_slice %arg4[%add3A_657, %dma_start3A_662] : memref<2560x128xi32, #tpu.memory_space<hbm>> -> memref<1x128xi32, #tpu.memory_space<hbm>>
      %dma_start3A_664 = tpu.memref_squeeze %dma_start3A_663 : memref<1x128xi32, #tpu.memory_space<hbm>> -> memref<128xi32, #tpu.memory_space<hbm>>
      %dma_start3A_665 = arith.constant 0 : i32
      %dma_start3A_666 = tpu.memref_slice %arg8[%dma_start3A_658, %dma_start3A_665] : memref<3x128xi32, #tpu.memory_space<vmem>> -> memref<1x128xi32, #tpu.memory_space<vmem>>
      %dma_start3A_667 = tpu.memref_squeeze %dma_start3A_666 : memref<1x128xi32, #tpu.memory_space<vmem>> -> memref<128xi32, #tpu.memory_space<vmem>>
      %dma_start3A_668 = arith.constant 0 : i32
      %dma_start3A_669 = tpu.memref_slice %arg4[%add3A_657, %dma_start3A_668] : memref<2560x128xi32, #tpu.memory_space<hbm>> -> memref<1x128xi32, #tpu.memory_space<hbm>>
      %dma_start3A_670 = tpu.memref_squeeze %dma_start3A_669 : memref<1x128xi32, #tpu.memory_space<hbm>> -> memref<128xi32, #tpu.memory_space<hbm>>
      tpu.enqueue_dma source(%dma_start3A_670 : memref<128xi32, #tpu.memory_space<hbm>>) target(%dma_start3A_667 : memref<128xi32, #tpu.memory_space<vmem>>) target_semaphore(%arg10 : memref<!tpu.dma_semaphore, #tpu.memory_space<semaphore_mem>>)
      %dma_start3A_671 = arith.constant 1 : i32
      %dma_start3A_672 = arith.constant 1 : i32
      %dma_start3A_673 = arith.constant 0 : i32
      %dma_start3A_674 = arith.constant 0 : i32
      %dma_start3A_675 = tpu.memref_slice %arg9[%dma_start3A_671, %dma_start3A_673, %dma_start3A_674] : memref<3x128x128xf32, #tpu.memory_space<vmem>> -> memref<1x128x128xf32, #tpu.memory_space<vmem>>
      %dma_start3A_676 = tpu.memref_squeeze %dma_start3A_675 : memref<1x128x128xf32, #tpu.memory_space<vmem>> -> memref<128x128xf32, #tpu.memory_space<vmem>>
      %dma_start3A_677 = arith.constant 0 : i32
      %dma_start3A_678 = tpu.memref_slice %arg8[%dma_start3A_672, %dma_start3A_677] : memref<3x128xi32, #tpu.memory_space<vmem>> -> memref<1x128xi32, #tpu.memory_space<vmem>>
      %dma_start3A_679 = tpu.memref_squeeze %dma_start3A_678 : memref<1x128xi32, #tpu.memory_space<vmem>> -> memref<128xi32, #tpu.memory_space<vmem>>
      %dma_start3A_680 = arith.constant 0 : i32
      %dma_start3A_681 = arith.constant 0 : i32
      %dma_start3A_682 = tpu.memref_slice %arg15[%dma_start3A_680, %dma_start3A_681] : memref<10112x128xf32, #tpu.memory_space<vmem_shared>> -> memref<10112x128xf32, #tpu.memory_space<vmem_shared>>
      tpu.enqueue_indirect_dma source(%dma_start3A_676 : memref<128x128xf32, #tpu.memory_space<vmem>>) target(%dma_start3A_682 : memref<10112x128xf32, #tpu.memory_space<vmem_shared>>) offsets(%dma_start3A_679 : memref<128xi32, #tpu.memory_space<vmem>>) semaphore(%arg13 : memref<!tpu.dma_semaphore, #tpu.memory_space<semaphore_mem>>) {add = true}
      %dma_wait3A_683 = arith.constant 0 : i32
      %dma_wait3A_684 = arith.constant 0 : i32
      %dma_wait3A_685 = tpu.memref_slice %arg7[%dma_wait3A_683, %dma_wait3A_684] : memref<3x128xi32, #tpu.memory_space<vmem>> -> memref<1x128xi32, #tpu.memory_space<vmem>>
      %dma_wait3A_686 = tpu.memref_squeeze %dma_wait3A_685 : memref<1x128xi32, #tpu.memory_space<vmem>> -> memref<128xi32, #tpu.memory_space<vmem>>
      %dma_wait3A_687 = arith.constant 0 : i32
      %dma_wait3A_688 = tpu.memref_slice %arg3[%add3A_643, %dma_wait3A_687] : memref<2560x128xi32, #tpu.memory_space<hbm>> -> memref<1x128xi32, #tpu.memory_space<hbm>>
      %dma_wait3A_689 = tpu.memref_squeeze %dma_wait3A_688 : memref<1x128xi32, #tpu.memory_space<hbm>> -> memref<128xi32, #tpu.memory_space<hbm>>
      %dma_wait3A_690 = arith.constant 0 : i32
      %dma_wait3A_691 = tpu.memref_slice %arg7[%dma_wait3A_683, %dma_wait3A_690] : memref<3x128xi32, #tpu.memory_space<vmem>> -> memref<1x128xi32, #tpu.memory_space<vmem>>
      %dma_wait3A_692 = tpu.memref_squeeze %dma_wait3A_691 : memref<1x128xi32, #tpu.memory_space<vmem>> -> memref<128xi32, #tpu.memory_space<vmem>>
      %dma_wait3A_693 = arith.constant 0 : i32
      %dma_wait3A_694 = tpu.memref_slice %arg3[%add3A_643, %dma_wait3A_693] : memref<2560x128xi32, #tpu.memory_space<hbm>> -> memref<1x128xi32, #tpu.memory_space<hbm>>
      %dma_wait3A_695 = tpu.memref_squeeze %dma_wait3A_694 : memref<1x128xi32, #tpu.memory_space<hbm>> -> memref<128xi32, #tpu.memory_space<hbm>>
      tpu.wait_dma2 semaphore(%arg10 : memref<!tpu.dma_semaphore, #tpu.memory_space<semaphore_mem>>) src(%dma_wait3A_695 : memref<128xi32, #tpu.memory_space<hbm>>) dst(%dma_wait3A_692 : memref<128xi32, #tpu.memory_space<vmem>>)
      %dma_wait3A_696 = arith.constant 0 : i32
      %dma_wait3A_697 = arith.constant 0 : i32
      %dma_wait3A_698 = tpu.memref_slice %arg8[%dma_wait3A_696, %dma_wait3A_697] : memref<3x128xi32, #tpu.memory_space<vmem>> -> memref<1x128xi32, #tpu.memory_space<vmem>>
      %dma_wait3A_699 = tpu.memref_squeeze %dma_wait3A_698 : memref<1x128xi32, #tpu.memory_space<vmem>> -> memref<128xi32, #tpu.memory_space<vmem>>
      %dma_wait3A_700 = arith.constant 0 : i32
      %dma_wait3A_701 = tpu.memref_slice %arg4[%add3A_657, %dma_wait3A_700] : memref<2560x128xi32, #tpu.memory_space<hbm>> -> memref<1x128xi32, #tpu.memory_space<hbm>>
      %dma_wait3A_702 = tpu.memref_squeeze %dma_wait3A_701 : memref<1x128xi32, #tpu.memory_space<hbm>> -> memref<128xi32, #tpu.memory_space<hbm>>
      %dma_wait3A_703 = arith.constant 0 : i32
      %dma_wait3A_704 = tpu.memref_slice %arg8[%dma_wait3A_696, %dma_wait3A_703] : memref<3x128xi32, #tpu.memory_space<vmem>> -> memref<1x128xi32, #tpu.memory_space<vmem>>
      %dma_wait3A_705 = tpu.memref_squeeze %dma_wait3A_704 : memref<1x128xi32, #tpu.memory_space<vmem>> -> memref<128xi32, #tpu.memory_space<vmem>>
      %dma_wait3A_706 = arith.constant 0 : i32
      %dma_wait3A_707 = tpu.memref_slice %arg4[%add3A_657, %dma_wait3A_706] : memref<2560x128xi32, #tpu.memory_space<hbm>> -> memref<1x128xi32, #tpu.memory_space<hbm>>
      %dma_wait3A_708 = tpu.memref_squeeze %dma_wait3A_707 : memref<1x128xi32, #tpu.memory_space<hbm>> -> memref<128xi32, #tpu.memory_space<hbm>>
      tpu.wait_dma2 semaphore(%arg10 : memref<!tpu.dma_semaphore, #tpu.memory_space<semaphore_mem>>) src(%dma_wait3A_708 : memref<128xi32, #tpu.memory_space<hbm>>) dst(%dma_wait3A_705 : memref<128xi32, #tpu.memory_space<vmem>>)
      %dma_wait3A_709 = arith.constant 2 : i32
      %dma_wait3A_710 = arith.constant 2 : i32
      %dma_wait3A_711 = arith.constant 0 : i32
      %dma_wait3A_712 = arith.constant 0 : i32
      %dma_wait3A_713 = tpu.memref_slice %arg9[%dma_wait3A_710, %dma_wait3A_711, %dma_wait3A_712] : memref<3x128x128xf32, #tpu.memory_space<vmem>> -> memref<1x128x128xf32, #tpu.memory_space<vmem>>
      %dma_wait3A_714 = tpu.memref_squeeze %dma_wait3A_713 : memref<1x128x128xf32, #tpu.memory_space<vmem>> -> memref<128x128xf32, #tpu.memory_space<vmem>>
      %dma_wait3A_715 = arith.constant 0 : i32
      %dma_wait3A_716 = tpu.memref_slice %arg7[%dma_wait3A_709, %dma_wait3A_715] : memref<3x128xi32, #tpu.memory_space<vmem>> -> memref<1x128xi32, #tpu.memory_space<vmem>>
      %dma_wait3A_717 = tpu.memref_squeeze %dma_wait3A_716 : memref<1x128xi32, #tpu.memory_space<vmem>> -> memref<128xi32, #tpu.memory_space<vmem>>
      %dma_wait3A_718 = arith.constant 0 : i32
      %dma_wait3A_719 = arith.constant 0 : i32
      %dma_wait3A_720 = tpu.memref_slice %arg2[%dma_wait3A_718, %dma_wait3A_719] : memref<10000x128xf32, #tpu.memory_space<hbm>> -> memref<10000x128xf32, #tpu.memory_space<hbm>>
      tpu.wait_indirect_dma semaphore(%arg11 : memref<!tpu.dma_semaphore, #tpu.memory_space<semaphore_mem>>) src(%dma_wait3A_720 : memref<10000x128xf32, #tpu.memory_space<hbm>>) dst(%dma_wait3A_714 : memref<128x128xf32, #tpu.memory_space<vmem>>)
    }
    %scan3A_361 = arith.constant 26 : i32
    %dma_wait3A_362 = arith.constant 1 : i32
    %dma_wait3A_363 = arith.constant 0 : i32
    %dma_wait3A_364 = arith.constant 0 : i32
    %dma_wait3A_365 = arith.constant 0 : i32
    %dma_wait3A_366 = tpu.memref_slice %arg9[%dma_wait3A_362, %dma_wait3A_364, %dma_wait3A_365] : memref<3x128x128xf32, #tpu.memory_space<vmem>> -> memref<1x128x128xf32, #tpu.memory_space<vmem>>
    %dma_wait3A_367 = tpu.memref_squeeze %dma_wait3A_366 : memref<1x128x128xf32, #tpu.memory_space<vmem>> -> memref<128x128xf32, #tpu.memory_space<vmem>>
    %dma_wait3A_368 = arith.constant 0 : i32
    %dma_wait3A_369 = tpu.memref_slice %arg8[%dma_wait3A_363, %dma_wait3A_368] : memref<3x128xi32, #tpu.memory_space<vmem>> -> memref<1x128xi32, #tpu.memory_space<vmem>>
    %dma_wait3A_370 = tpu.memref_squeeze %dma_wait3A_369 : memref<1x128xi32, #tpu.memory_space<vmem>> -> memref<128xi32, #tpu.memory_space<vmem>>
    %dma_wait3A_371 = arith.constant 0 : i32
    %dma_wait3A_372 = arith.constant 0 : i32
    %dma_wait3A_373 = tpu.memref_slice %arg15[%dma_wait3A_371, %dma_wait3A_372] : memref<10112x128xf32, #tpu.memory_space<vmem_shared>> -> memref<10112x128xf32, #tpu.memory_space<vmem_shared>>
    tpu.wait_indirect_dma semaphore(%arg13 : memref<!tpu.dma_semaphore, #tpu.memory_space<semaphore_mem>>) src(%dma_wait3A_367 : memref<128x128xf32, #tpu.memory_space<vmem>>) dst(%dma_wait3A_373 : memref<10112x128xf32, #tpu.memory_space<vmem_shared>>)
    %barrier3A_374 = arith.constant 0 : index
    tpu.barrier barrier_id(%barrier3A_374)
    %mul3A_375 = arith.constant 632 : i32
    %mul3A_376 = arith.muli %arg1, %mul3A_375 : i32
    %mul3A_377 = arith.constant 10112 : i32
    %mul3A_378 = arith.muli %arg0, %mul3A_377 : i32
    %mul3A_379 = arith.constant 632 : i32
    %mul3A_380 = arith.muli %arg1, %mul3A_379 : i32
    %add3A_381 = arith.addi %mul3A_378, %mul3A_380 : i32
    "tpu.region"() ({
      %run_scoped3A_382 = tpu.sem_alloc : memref<!tpu.dma_semaphore, #tpu.memory_space<semaphore_mem>>
      %dma_start3A_383 = arith.constant 0 : i32
      %dma_start3A_384 = tpu.memref_slice %arg6[%add3A_381, %dma_start3A_383] : memref<20224x128xf32, #tpu.memory_space<hbm>> -> memref<632x128xf32, #tpu.memory_space<hbm>>
      %dma_start3A_385 = arith.constant 0 : i32
      %dma_start3A_386 = tpu.memref_slice %arg15[%mul3A_376, %dma_start3A_385] : memref<10112x128xf32, #tpu.memory_space<vmem_shared>> -> memref<632x128xf32, #tpu.memory_space<vmem_shared>>
      tpu.enqueue_dma source(%dma_start3A_386 : memref<632x128xf32, #tpu.memory_space<vmem_shared>>) target(%dma_start3A_384 : memref<632x128xf32, #tpu.memory_space<hbm>>) target_semaphore(%run_scoped3A_382 : memref<!tpu.dma_semaphore, #tpu.memory_space<semaphore_mem>>)
      %dma_wait3A_387 = arith.constant 0 : i32
      %dma_wait3A_388 = tpu.memref_slice %arg6[%add3A_381, %dma_wait3A_387] : memref<20224x128xf32, #tpu.memory_space<hbm>> -> memref<632x128xf32, #tpu.memory_space<hbm>>
      %dma_wait3A_389 = arith.constant 0 : i32
      %dma_wait3A_390 = tpu.memref_slice %arg15[%mul3A_376, %dma_wait3A_389] : memref<10112x128xf32, #tpu.memory_space<vmem_shared>> -> memref<632x128xf32, #tpu.memory_space<vmem_shared>>
      tpu.wait_dma2 semaphore(%run_scoped3A_382 : memref<!tpu.dma_semaphore, #tpu.memory_space<semaphore_mem>>) src(%dma_wait3A_390 : memref<632x128xf32, #tpu.memory_space<vmem_shared>>) dst(%dma_wait3A_388 : memref<632x128xf32, #tpu.memory_space<hbm>>)
      tpu.yield
    }) : () -> ()
    return
  }
}

#map = affine_map<(d0, d1) -> (0, 0)>
module attributes {stable_mosaic.version = 14 : i64} {
  func.func @_scatter_kernel(%arg0: i32, %arg1: i32, %arg2: memref<10000x128xf32, #tpu.memory_space<hbm>>, %arg3: memref<2560x128xi32, #tpu.memory_space<hbm>>, %arg4: memref<2560x128xi32, #tpu.memory_space<hbm>>, %arg5: memref<128x128xf32, #tpu.memory_space<hbm>>, %arg6: memref<20224x128xf32, #tpu.memory_space<hbm>>, %arg7: memref<3x128xi32, #tpu.memory_space<vmem>>, %arg8: memref<3x128xi32, #tpu.memory_space<vmem>>, %arg9: memref<3x128x128xf32, #tpu.memory_space<vmem>>, %arg10: memref<!tpu.dma_semaphore, #tpu.memory_space<semaphore_mem>>, %arg11: memref<!tpu.dma_semaphore, #tpu.memory_space<semaphore_mem>>, %arg12: memref<!tpu.dma_semaphore, #tpu.memory_space<semaphore_mem>>, %arg13: memref<!tpu.dma_semaphore, #tpu.memory_space<semaphore_mem>>, %arg14: memref<!tpu.dma_semaphore, #tpu.memory_space<semaphore_mem>>, %arg15: memref<10112x128xf32, #tpu.memory_space<vmem_shared>>) attributes {dimension_semantics = [#tpu.dimension_semantics<core_parallel>, #tpu.dimension_semantics<subcore_parallel>], iteration_bounds = array<i64: 2, 16>, scalar_prefetch = 0 : i64, scratch_operands = 9 : i64, tpu.core_type = #tpu.core_type<sc_vector_subcore>, window_params = [{transform_indices = #map}, {transform_indices = #map}, {transform_indices = #map}, {transform_indices = #map}, {transform_indices = #map}]} {
    %mul3A = arith.constant 2 : i32
    %mul3A_0 = arith.muli %arg1, %mul3A : i32
    %add3A = arith.addi %mul3A_0, %arg0 : i32
    %mul3A_1 = arith.constant 80 : i32
    %mul3A_2 = arith.muli %add3A, %mul3A_1 : i32
    %run_scoped3A = arith.constant 0 : i32
    "tpu.region"() ({
      %run_scoped3A_382 = tpu.sem_alloc : memref<!tpu.dma_semaphore, #tpu.memory_space<semaphore_mem>>
      %dma_start3A_383 = arith.constant 0 : i32
      %dma_start3A_384 = arith.constant 0 : i32
      %dma_start3A_385 = tpu.memref_slice %arg9[%run_scoped3A, %dma_start3A_383, %dma_start3A_384] : memref<3x128x128xf32, #tpu.memory_space<vmem>> -> memref<1x128x128xf32, #tpu.memory_space<vmem>>
      %dma_start3A_386 = tpu.memref_squeeze %dma_start3A_385 : memref<1x128x128xf32, #tpu.memory_space<vmem>> -> memref<128x128xf32, #tpu.memory_space<vmem>>
      %dma_start3A_387 = arith.constant 0 : i32
      %dma_start3A_388 = arith.constant 0 : i32
      %dma_start3A_389 = tpu.memref_slice %arg9[%run_scoped3A, %dma_start3A_387, %dma_start3A_388] : memref<3x128x128xf32, #tpu.memory_space<vmem>> -> memref<1x128x128xf32, #tpu.memory_space<vmem>>
      %dma_start3A_390 = tpu.memref_squeeze %dma_start3A_389 : memref<1x128x128xf32, #tpu.memory_space<vmem>> -> memref<128x128xf32, #tpu.memory_space<vmem>>
      tpu.enqueue_dma source(%arg5 : memref<128x128xf32, #tpu.memory_space<hbm>>) target(%dma_start3A_390 : memref<128x128xf32, #tpu.memory_space<vmem>>) target_semaphore(%run_scoped3A_382 : memref<!tpu.dma_semaphore, #tpu.memory_space<semaphore_mem>>)
      %dma_wait3A_391 = arith.constant 0 : i32
      %dma_wait3A_392 = arith.constant 0 : i32
      %dma_wait3A_393 = tpu.memref_slice %arg9[%run_scoped3A, %dma_wait3A_391, %dma_wait3A_392] : memref<3x128x128xf32, #tpu.memory_space<vmem>> -> memref<1x128x128xf32, #tpu.memory_space<vmem>>
      %dma_wait3A_394 = tpu.memref_squeeze %dma_wait3A_393 : memref<1x128x128xf32, #tpu.memory_space<vmem>> -> memref<128x128xf32, #tpu.memory_space<vmem>>
      %dma_wait3A_395 = arith.constant 0 : i32
      %dma_wait3A_396 = arith.constant 0 : i32
      %dma_wait3A_397 = tpu.memref_slice %arg9[%run_scoped3A, %dma_wait3A_395, %dma_wait3A_396] : memref<3x128x128xf32, #tpu.memory_space<vmem>> -> memref<1x128x128xf32, #tpu.memory_space<vmem>>
      %dma_wait3A_398 = tpu.memref_squeeze %dma_wait3A_397 : memref<1x128x128xf32, #tpu.memory_space<vmem>> -> memref<128x128xf32, #tpu.memory_space<vmem>>
      tpu.wait_dma2 semaphore(%run_scoped3A_382 : memref<!tpu.dma_semaphore, #tpu.memory_space<semaphore_mem>>) src(%arg5 : memref<128x128xf32, #tpu.memory_space<hbm>>) dst(%dma_wait3A_398 : memref<128x128xf32, #tpu.memory_space<vmem>>)
      tpu.yield
    }) : () -> ()
    %add3A_3 = arith.constant 0 : i32
    %add3A_4 = arith.addi %arg1, %add3A_3 : i32
    %mul3A_5 = arith.constant 128 : i32
    %mul3A_6 = arith.muli %add3A_4, %mul3A_5 : i32
    %multiple_of3A = tpu.assume_multiple %mul3A_6, 128 : i32
    %run_scoped3A_7 = arith.constant 0 : i32
    "tpu.region"() ({
      %run_scoped3A_382 = tpu.sem_alloc : memref<!tpu.dma_semaphore, #tpu.memory_space<semaphore_mem>>
      %dma_start3A_383 = arith.constant 0 : i32
      %dma_start3A_384 = arith.constant 0 : i32
      %dma_start3A_385 = tpu.memref_slice %arg9[%run_scoped3A_7, %dma_start3A_383, %dma_start3A_384] : memref<3x128x128xf32, #tpu.memory_space<vmem>> -> memref<1x128x128xf32, #tpu.memory_space<vmem>>
      %dma_start3A_386 = tpu.memref_squeeze %dma_start3A_385 : memref<1x128x128xf32, #tpu.memory_space<vmem>> -> memref<128x128xf32, #tpu.memory_space<vmem>>
      %dma_start3A_387 = arith.constant 0 : i32
      %dma_start3A_388 = tpu.memref_slice %arg15[%multiple_of3A, %dma_start3A_387] : memref<10112x128xf32, #tpu.memory_space<vmem_shared>> -> memref<128x128xf32, #tpu.memory_space<vmem_shared>>
      %dma_start3A_389 = arith.constant 0 : i32
      %dma_start3A_390 = tpu.memref_slice %arg15[%multiple_of3A, %dma_start3A_389] : memref<10112x128xf32, #tpu.memory_space<vmem_shared>> -> memref<128x128xf32, #tpu.memory_space<vmem_shared>>
      %dma_start3A_391 = arith.constant 0 : i32
      %dma_start3A_392 = arith.constant 0 : i32
      %dma_start3A_393 = tpu.memref_slice %arg9[%run_scoped3A_7, %dma_start3A_391, %dma_start3A_392] : memref<3x128x128xf32, #tpu.memory_space<vmem>> -> memref<1x128x128xf32, #tpu.memory_space<vmem>>
      %dma_start3A_394 = tpu.memref_squeeze %dma_start3A_393 : memref<1x128x128xf32, #tpu.memory_space<vmem>> -> memref<128x128xf32, #tpu.memory_space<vmem>>
      tpu.enqueue_dma source(%dma_start3A_394 : memref<128x128xf32, #tpu.memory_space<vmem>>) target(%dma_start3A_390 : memref<128x128xf32, #tpu.memory_space<vmem_shared>>) target_semaphore(%run_scoped3A_382 : memref<!tpu.dma_semaphore, #tpu.memory_space<semaphore_mem>>)
      %dma_wait3A_395 = arith.constant 0 : i32
      %dma_wait3A_396 = arith.constant 0 : i32
      %dma_wait3A_397 = tpu.memref_slice %arg9[%run_scoped3A_7, %dma_wait3A_395, %dma_wait3A_396] : memref<3x128x128xf32, #tpu.memory_space<vmem>> -> memref<1x128x128xf32, #tpu.memory_space<vmem>>
      %dma_wait3A_398 = tpu.memref_squeeze %dma_wait3A_397 : memref<1x128x128xf32, #tpu.memory_space<vmem>> -> memref<128x128xf32, #tpu.memory_space<vmem>>
      %dma_wait3A_399 = arith.constant 0 : i32
      %dma_wait3A_400 = tpu.memref_slice %arg15[%multiple_of3A, %dma_wait3A_399] : memref<10112x128xf32, #tpu.memory_space<vmem_shared>> -> memref<128x128xf32, #tpu.memory_space<vmem_shared>>
      %dma_wait3A_401 = arith.constant 0 : i32
      %dma_wait3A_402 = tpu.memref_slice %arg15[%multiple_of3A, %dma_wait3A_401] : memref<10112x128xf32, #tpu.memory_space<vmem_shared>> -> memref<128x128xf32, #tpu.memory_space<vmem_shared>>
      %dma_wait3A_403 = arith.constant 0 : i32
      %dma_wait3A_404 = arith.constant 0 : i32
      %dma_wait3A_405 = tpu.memref_slice %arg9[%run_scoped3A_7, %dma_wait3A_403, %dma_wait3A_404] : memref<3x128x128xf32, #tpu.memory_space<vmem>> -> memref<1x128x128xf32, #tpu.memory_space<vmem>>
      %dma_wait3A_406 = tpu.memref_squeeze %dma_wait3A_405 : memref<1x128x128xf32, #tpu.memory_space<vmem>> -> memref<128x128xf32, #tpu.memory_space<vmem>>
      tpu.wait_dma2 semaphore(%run_scoped3A_382 : memref<!tpu.dma_semaphore, #tpu.memory_space<semaphore_mem>>) src(%dma_wait3A_406 : memref<128x128xf32, #tpu.memory_space<vmem>>) dst(%dma_wait3A_402 : memref<128x128xf32, #tpu.memory_space<vmem_shared>>)
      tpu.yield
    }) : () -> ()
    %add3A_8 = arith.constant 16 : i32
    %add3A_9 = arith.addi %arg1, %add3A_8 : i32
    %mul3A_10 = arith.constant 128 : i32
    %mul3A_11 = arith.muli %add3A_9, %mul3A_10 : i32
    %multiple_of3A_12 = tpu.assume_multiple %mul3A_11, 128 : i32
    %run_scoped3A_13 = arith.constant 0 : i32
    "tpu.region"() ({
      %run_scoped3A_382 = tpu.sem_alloc : memref<!tpu.dma_semaphore, #tpu.memory_space<semaphore_mem>>
      %dma_start3A_383 = arith.constant 0 : i32
      %dma_start3A_384 = arith.constant 0 : i32
      %dma_start3A_385 = tpu.memref_slice %arg9[%run_scoped3A_13, %dma_start3A_383, %dma_start3A_384] : memref<3x128x128xf32, #tpu.memory_space<vmem>> -> memref<1x128x128xf32, #tpu.memory_space<vmem>>
      %dma_start3A_386 = tpu.memref_squeeze %dma_start3A_385 : memref<1x128x128xf32, #tpu.memory_space<vmem>> -> memref<128x128xf32, #tpu.memory_space<vmem>>
      %dma_start3A_387 = arith.constant 0 : i32
      %dma_start3A_388 = tpu.memref_slice %arg15[%multiple_of3A_12, %dma_start3A_387] : memref<10112x128xf32, #tpu.memory_space<vmem_shared>> -> memref<128x128xf32, #tpu.memory_space<vmem_shared>>
      %dma_start3A_389 = arith.constant 0 : i32
      %dma_start3A_390 = tpu.memref_slice %arg15[%multiple_of3A_12, %dma_start3A_389] : memref<10112x128xf32, #tpu.memory_space<vmem_shared>> -> memref<128x128xf32, #tpu.memory_space<vmem_shared>>
      %dma_start3A_391 = arith.constant 0 : i32
      %dma_start3A_392 = arith.constant 0 : i32
      %dma_start3A_393 = tpu.memref_slice %arg9[%run_scoped3A_13, %dma_start3A_391, %dma_start3A_392] : memref<3x128x128xf32, #tpu.memory_space<vmem>> -> memref<1x128x128xf32, #tpu.memory_space<vmem>>
      %dma_start3A_394 = tpu.memref_squeeze %dma_start3A_393 : memref<1x128x128xf32, #tpu.memory_space<vmem>> -> memref<128x128xf32, #tpu.memory_space<vmem>>
      tpu.enqueue_dma source(%dma_start3A_394 : memref<128x128xf32, #tpu.memory_space<vmem>>) target(%dma_start3A_390 : memref<128x128xf32, #tpu.memory_space<vmem_shared>>) target_semaphore(%run_scoped3A_382 : memref<!tpu.dma_semaphore, #tpu.memory_space<semaphore_mem>>)
      %dma_wait3A_395 = arith.constant 0 : i32
      %dma_wait3A_396 = arith.constant 0 : i32
      %dma_wait3A_397 = tpu.memref_slice %arg9[%run_scoped3A_13, %dma_wait3A_395, %dma_wait3A_396] : memref<3x128x128xf32, #tpu.memory_space<vmem>> -> memref<1x128x128xf32, #tpu.memory_space<vmem>>
      %dma_wait3A_398 = tpu.memref_squeeze %dma_wait3A_397 : memref<1x128x128xf32, #tpu.memory_space<vmem>> -> memref<128x128xf32, #tpu.memory_space<vmem>>
      %dma_wait3A_399 = arith.constant 0 : i32
      %dma_wait3A_400 = tpu.memref_slice %arg15[%multiple_of3A_12, %dma_wait3A_399] : memref<10112x128xf32, #tpu.memory_space<vmem_shared>> -> memref<128x128xf32, #tpu.memory_space<vmem_shared>>
      %dma_wait3A_401 = arith.constant 0 : i32
      %dma_wait3A_402 = tpu.memref_slice %arg15[%multiple_of3A_12, %dma_wait3A_401] : memref<10112x128xf32, #tpu.memory_space<vmem_shared>> -> memref<128x128xf32, #tpu.memory_space<vmem_shared>>
      %dma_wait3A_403 = arith.constant 0 : i32
      %dma_wait3A_404 = arith.constant 0 : i32
      %dma_wait3A_405 = tpu.memref_slice %arg9[%run_scoped3A_13, %dma_wait3A_403, %dma_wait3A_404] : memref<3x128x128xf32, #tpu.memory_space<vmem>> -> memref<1x128x128xf32, #tpu.memory_space<vmem>>
      %dma_wait3A_406 = tpu.memref_squeeze %dma_wait3A_405 : memref<1x128x128xf32, #tpu.memory_space<vmem>> -> memref<128x128xf32, #tpu.memory_space<vmem>>
      tpu.wait_dma2 semaphore(%run_scoped3A_382 : memref<!tpu.dma_semaphore, #tpu.memory_space<semaphore_mem>>) src(%dma_wait3A_406 : memref<128x128xf32, #tpu.memory_space<vmem>>) dst(%dma_wait3A_402 : memref<128x128xf32, #tpu.memory_space<vmem_shared>>)
      tpu.yield
    }) : () -> ()
    %add3A_14 = arith.constant 32 : i32
    %add3A_15 = arith.addi %arg1, %add3A_14 : i32
    %mul3A_16 = arith.constant 128 : i32
    %mul3A_17 = arith.muli %add3A_15, %mul3A_16 : i32
    %multiple_of3A_18 = tpu.assume_multiple %mul3A_17, 128 : i32
    %run_scoped3A_19 = arith.constant 0 : i32
    "tpu.region"() ({
      %run_scoped3A_382 = tpu.sem_alloc : memref<!tpu.dma_semaphore, #tpu.memory_space<semaphore_mem>>
      %dma_start3A_383 = arith.constant 0 : i32
      %dma_start3A_384 = arith.constant 0 : i32
      %dma_start3A_385 = tpu.memref_slice %arg9[%run_scoped3A_19, %dma_start3A_383, %dma_start3A_384] : memref<3x128x128xf32, #tpu.memory_space<vmem>> -> memref<1x128x128xf32, #tpu.memory_space<vmem>>
      %dma_start3A_386 = tpu.memref_squeeze %dma_start3A_385 : memref<1x128x128xf32, #tpu.memory_space<vmem>> -> memref<128x128xf32, #tpu.memory_space<vmem>>
      %dma_start3A_387 = arith.constant 0 : i32
      %dma_start3A_388 = tpu.memref_slice %arg15[%multiple_of3A_18, %dma_start3A_387] : memref<10112x128xf32, #tpu.memory_space<vmem_shared>> -> memref<128x128xf32, #tpu.memory_space<vmem_shared>>
      %dma_start3A_389 = arith.constant 0 : i32
      %dma_start3A_390 = tpu.memref_slice %arg15[%multiple_of3A_18, %dma_start3A_389] : memref<10112x128xf32, #tpu.memory_space<vmem_shared>> -> memref<128x128xf32, #tpu.memory_space<vmem_shared>>
      %dma_start3A_391 = arith.constant 0 : i32
      %dma_start3A_392 = arith.constant 0 : i32
      %dma_start3A_393 = tpu.memref_slice %arg9[%run_scoped3A_19, %dma_start3A_391, %dma_start3A_392] : memref<3x128x128xf32, #tpu.memory_space<vmem>> -> memref<1x128x128xf32, #tpu.memory_space<vmem>>
      %dma_start3A_394 = tpu.memref_squeeze %dma_start3A_393 : memref<1x128x128xf32, #tpu.memory_space<vmem>> -> memref<128x128xf32, #tpu.memory_space<vmem>>
      tpu.enqueue_dma source(%dma_start3A_394 : memref<128x128xf32, #tpu.memory_space<vmem>>) target(%dma_start3A_390 : memref<128x128xf32, #tpu.memory_space<vmem_shared>>) target_semaphore(%run_scoped3A_382 : memref<!tpu.dma_semaphore, #tpu.memory_space<semaphore_mem>>)
      %dma_wait3A_395 = arith.constant 0 : i32
      %dma_wait3A_396 = arith.constant 0 : i32
      %dma_wait3A_397 = tpu.memref_slice %arg9[%run_scoped3A_19, %dma_wait3A_395, %dma_wait3A_396] : memref<3x128x128xf32, #tpu.memory_space<vmem>> -> memref<1x128x128xf32, #tpu.memory_space<vmem>>
      %dma_wait3A_398 = tpu.memref_squeeze %dma_wait3A_397 : memref<1x128x128xf32, #tpu.memory_space<vmem>> -> memref<128x128xf32, #tpu.memory_space<vmem>>
      %dma_wait3A_399 = arith.constant 0 : i32
      %dma_wait3A_400 = tpu.memref_slice %arg15[%multiple_of3A_18, %dma_wait3A_399] : memref<10112x128xf32, #tpu.memory_space<vmem_shared>> -> memref<128x128xf32, #tpu.memory_space<vmem_shared>>
      %dma_wait3A_401 = arith.constant 0 : i32
      %dma_wait3A_402 = tpu.memref_slice %arg15[%multiple_of3A_18, %dma_wait3A_401] : memref<10112x128xf32, #tpu.memory_space<vmem_shared>> -> memref<128x128xf32, #tpu.memory_space<vmem_shared>>
      %dma_wait3A_403 = arith.constant 0 : i32
      %dma_wait3A_404 = arith.constant 0 : i32
      %dma_wait3A_405 = tpu.memref_slice %arg9[%run_scoped3A_19, %dma_wait3A_403, %dma_wait3A_404] : memref<3x128x128xf32, #tpu.memory_space<vmem>> -> memref<1x128x128xf32, #tpu.memory_space<vmem>>
      %dma_wait3A_406 = tpu.memref_squeeze %dma_wait3A_405 : memref<1x128x128xf32, #tpu.memory_space<vmem>> -> memref<128x128xf32, #tpu.memory_space<vmem>>
      tpu.wait_dma2 semaphore(%run_scoped3A_382 : memref<!tpu.dma_semaphore, #tpu.memory_space<semaphore_mem>>) src(%dma_wait3A_406 : memref<128x128xf32, #tpu.memory_space<vmem>>) dst(%dma_wait3A_402 : memref<128x128xf32, #tpu.memory_space<vmem_shared>>)
      tpu.yield
    }) : () -> ()
    %add3A_20 = arith.constant 48 : i32
    %add3A_21 = arith.addi %arg1, %add3A_20 : i32
    %mul3A_22 = arith.constant 128 : i32
    %mul3A_23 = arith.muli %add3A_21, %mul3A_22 : i32
    %multiple_of3A_24 = tpu.assume_multiple %mul3A_23, 128 : i32
    %run_scoped3A_25 = arith.constant 0 : i32
    "tpu.region"() ({
      %run_scoped3A_382 = tpu.sem_alloc : memref<!tpu.dma_semaphore, #tpu.memory_space<semaphore_mem>>
      %dma_start3A_383 = arith.constant 0 : i32
      %dma_start3A_384 = arith.constant 0 : i32
      %dma_start3A_385 = tpu.memref_slice %arg9[%run_scoped3A_25, %dma_start3A_383, %dma_start3A_384] : memref<3x128x128xf32, #tpu.memory_space<vmem>> -> memref<1x128x128xf32, #tpu.memory_space<vmem>>
      %dma_start3A_386 = tpu.memref_squeeze %dma_start3A_385 : memref<1x128x128xf32, #tpu.memory_space<vmem>> -> memref<128x128xf32, #tpu.memory_space<vmem>>
      %dma_start3A_387 = arith.constant 0 : i32
      %dma_start3A_388 = tpu.memref_slice %arg15[%multiple_of3A_24, %dma_start3A_387] : memref<10112x128xf32, #tpu.memory_space<vmem_shared>> -> memref<128x128xf32, #tpu.memory_space<vmem_shared>>
      %dma_start3A_389 = arith.constant 0 : i32
      %dma_start3A_390 = tpu.memref_slice %arg15[%multiple_of3A_24, %dma_start3A_389] : memref<10112x128xf32, #tpu.memory_space<vmem_shared>> -> memref<128x128xf32, #tpu.memory_space<vmem_shared>>
      %dma_start3A_391 = arith.constant 0 : i32
      %dma_start3A_392 = arith.constant 0 : i32
      %dma_start3A_393 = tpu.memref_slice %arg9[%run_scoped3A_25, %dma_start3A_391, %dma_start3A_392] : memref<3x128x128xf32, #tpu.memory_space<vmem>> -> memref<1x128x128xf32, #tpu.memory_space<vmem>>
      %dma_start3A_394 = tpu.memref_squeeze %dma_start3A_393 : memref<1x128x128xf32, #tpu.memory_space<vmem>> -> memref<128x128xf32, #tpu.memory_space<vmem>>
      tpu.enqueue_dma source(%dma_start3A_394 : memref<128x128xf32, #tpu.memory_space<vmem>>) target(%dma_start3A_390 : memref<128x128xf32, #tpu.memory_space<vmem_shared>>) target_semaphore(%run_scoped3A_382 : memref<!tpu.dma_semaphore, #tpu.memory_space<semaphore_mem>>)
      %dma_wait3A_395 = arith.constant 0 : i32
      %dma_wait3A_396 = arith.constant 0 : i32
      %dma_wait3A_397 = tpu.memref_slice %arg9[%run_scoped3A_25, %dma_wait3A_395, %dma_wait3A_396] : memref<3x128x128xf32, #tpu.memory_space<vmem>> -> memref<1x128x128xf32, #tpu.memory_space<vmem>>
      %dma_wait3A_398 = tpu.memref_squeeze %dma_wait3A_397 : memref<1x128x128xf32, #tpu.memory_space<vmem>> -> memref<128x128xf32, #tpu.memory_space<vmem>>
      %dma_wait3A_399 = arith.constant 0 : i32
      %dma_wait3A_400 = tpu.memref_slice %arg15[%multiple_of3A_24, %dma_wait3A_399] : memref<10112x128xf32, #tpu.memory_space<vmem_shared>> -> memref<128x128xf32, #tpu.memory_space<vmem_shared>>
      %dma_wait3A_401 = arith.constant 0 : i32
      %dma_wait3A_402 = tpu.memref_slice %arg15[%multiple_of3A_24, %dma_wait3A_401] : memref<10112x128xf32, #tpu.memory_space<vmem_shared>> -> memref<128x128xf32, #tpu.memory_space<vmem_shared>>
      %dma_wait3A_403 = arith.constant 0 : i32
      %dma_wait3A_404 = arith.constant 0 : i32
      %dma_wait3A_405 = tpu.memref_slice %arg9[%run_scoped3A_25, %dma_wait3A_403, %dma_wait3A_404] : memref<3x128x128xf32, #tpu.memory_space<vmem>> -> memref<1x128x128xf32, #tpu.memory_space<vmem>>
      %dma_wait3A_406 = tpu.memref_squeeze %dma_wait3A_405 : memref<1x128x128xf32, #tpu.memory_space<vmem>> -> memref<128x128xf32, #tpu.memory_space<vmem>>
      tpu.wait_dma2 semaphore(%run_scoped3A_382 : memref<!tpu.dma_semaphore, #tpu.memory_space<semaphore_mem>>) src(%dma_wait3A_406 : memref<128x128xf32, #tpu.memory_space<vmem>>) dst(%dma_wait3A_402 : memref<128x128xf32, #tpu.memory_space<vmem_shared>>)
      tpu.yield
    }) : () -> ()
    %lt3A = arith.constant 15 : i32
    %lt3A_26 = arith.cmpi slt, %arg1, %lt3A : i32
    %convert_element_type3A = arith.extui %lt3A_26 : i1 to i32
    %cond3A = arith.constant 0 : i32
    %cond3A_27 = arith.cmpi ne, %convert_element_type3A, %cond3A : i32
    scf.if %cond3A_27 {
      %add3A_382 = arith.constant 64 : i32
      %add3A_383 = arith.addi %arg1, %add3A_382 : i32
      %mul3A_384 = arith.constant 128 : i32
      %mul3A_385 = arith.muli %add3A_383, %mul3A_384 : i32
      %multiple_of3A_386 = tpu.assume_multiple %mul3A_385, 128 : i32
      %run_scoped3A_387 = arith.constant 0 : i32
      "tpu.region"() ({
        %run_scoped3A_388 = tpu.sem_alloc : memref<!tpu.dma_semaphore, #tpu.memory_space<semaphore_mem>>
        %dma_start3A_389 = arith.constant 0 : i32
        %dma_start3A_390 = arith.constant 0 : i32
        %dma_start3A_391 = tpu.memref_slice %arg9[%run_scoped3A_387, %dma_start3A_389, %dma_start3A_390] : memref<3x128x128xf32, #tpu.memory_space<vmem>> -> memref<1x128x128xf32, #tpu.memory_space<vmem>>
        %dma_start3A_392 = tpu.memref_squeeze %dma_start3A_391 : memref<1x128x128xf32, #tpu.memory_space<vmem>> -> memref<128x128xf32, #tpu.memory_space<vmem>>
        %dma_start3A_393 = arith.constant 0 : i32
        %dma_start3A_394 = tpu.memref_slice %arg15[%multiple_of3A_386, %dma_start3A_393] : memref<10112x128xf32, #tpu.memory_space<vmem_shared>> -> memref<128x128xf32, #tpu.memory_space<vmem_shared>>
        %dma_start3A_395 = arith.constant 0 : i32
        %dma_start3A_396 = tpu.memref_slice %arg15[%multiple_of3A_386, %dma_start3A_395] : memref<10112x128xf32, #tpu.memory_space<vmem_shared>> -> memref<128x128xf32, #tpu.memory_space<vmem_shared>>
        %dma_start3A_397 = arith.constant 0 : i32
        %dma_start3A_398 = arith.constant 0 : i32
        %dma_start3A_399 = tpu.memref_slice %arg9[%run_scoped3A_387, %dma_start3A_397, %dma_start3A_398] : memref<3x128x128xf32, #tpu.memory_space<vmem>> -> memref<1x128x128xf32, #tpu.memory_space<vmem>>
        %dma_start3A_400 = tpu.memref_squeeze %dma_start3A_399 : memref<1x128x128xf32, #tpu.memory_space<vmem>> -> memref<128x128xf32, #tpu.memory_space<vmem>>
        tpu.enqueue_dma source(%dma_start3A_400 : memref<128x128xf32, #tpu.memory_space<vmem>>) target(%dma_start3A_396 : memref<128x128xf32, #tpu.memory_space<vmem_shared>>) target_semaphore(%run_scoped3A_388 : memref<!tpu.dma_semaphore, #tpu.memory_space<semaphore_mem>>)
        %dma_wait3A_401 = arith.constant 0 : i32
        %dma_wait3A_402 = arith.constant 0 : i32
        %dma_wait3A_403 = tpu.memref_slice %arg9[%run_scoped3A_387, %dma_wait3A_401, %dma_wait3A_402] : memref<3x128x128xf32, #tpu.memory_space<vmem>> -> memref<1x128x128xf32, #tpu.memory_space<vmem>>
        %dma_wait3A_404 = tpu.memref_squeeze %dma_wait3A_403 : memref<1x128x128xf32, #tpu.memory_space<vmem>> -> memref<128x128xf32, #tpu.memory_space<vmem>>
        %dma_wait3A_405 = arith.constant 0 : i32
        %dma_wait3A_406 = tpu.memref_slice %arg15[%multiple_of3A_386, %dma_wait3A_405] : memref<10112x128xf32, #tpu.memory_space<vmem_shared>> -> memref<128x128xf32, #tpu.memory_space<vmem_shared>>
        %dma_wait3A_407 = arith.constant 0 : i32
        %dma_wait3A_408 = tpu.memref_slice %arg15[%multiple_of3A_386, %dma_wait3A_407] : memref<10112x128xf32, #tpu.memory_space<vmem_shared>> -> memref<128x128xf32, #tpu.memory_space<vmem_shared>>
        %dma_wait3A_409 = arith.constant 0 : i32
        %dma_wait3A_410 = arith.constant 0 : i32
        %dma_wait3A_411 = tpu.memref_slice %arg9[%run_scoped3A_387, %dma_wait3A_409, %dma_wait3A_410] : memref<3x128x128xf32, #tpu.memory_space<vmem>> -> memref<1x128x128xf32, #tpu.memory_space<vmem>>
        %dma_wait3A_412 = tpu.memref_squeeze %dma_wait3A_411 : memref<1x128x128xf32, #tpu.memory_space<vmem>> -> memref<128x128xf32, #tpu.memory_space<vmem>>
        tpu.wait_dma2 semaphore(%run_scoped3A_388 : memref<!tpu.dma_semaphore, #tpu.memory_space<semaphore_mem>>) src(%dma_wait3A_412 : memref<128x128xf32, #tpu.memory_space<vmem>>) dst(%dma_wait3A_408 : memref<128x128xf32, #tpu.memory_space<vmem_shared>>)
        tpu.yield
      }) : () -> ()
    } else {
    }
    %barrier3A = arith.constant 0 : index
    tpu.barrier barrier_id(%barrier3A)
    %add3A_28 = arith.constant 0 : i32
    %add3A_29 = arith.addi %mul3A_2, %add3A_28 : i32
    %dma_start3A = arith.constant 0 : i32
    %dma_start3A_30 = arith.constant 0 : i32
    %dma_start3A_31 = tpu.memref_slice %arg7[%dma_start3A, %dma_start3A_30] : memref<3x128xi32, #tpu.memory_space<vmem>> -> memref<1x128xi32, #tpu.memory_space<vmem>>
    %dma_start3A_32 = tpu.memref_squeeze %dma_start3A_31 : memref<1x128xi32, #tpu.memory_space<vmem>> -> memref<128xi32, #tpu.memory_space<vmem>>
    %dma_start3A_33 = arith.constant 0 : i32
    %dma_start3A_34 = tpu.memref_slice %arg3[%add3A_29, %dma_start3A_33] : memref<2560x128xi32, #tpu.memory_space<hbm>> -> memref<1x128xi32, #tpu.memory_space<hbm>>
    %dma_start3A_35 = tpu.memref_squeeze %dma_start3A_34 : memref<1x128xi32, #tpu.memory_space<hbm>> -> memref<128xi32, #tpu.memory_space<hbm>>
    %dma_start3A_36 = arith.constant 0 : i32
    %dma_start3A_37 = tpu.memref_slice %arg7[%dma_start3A, %dma_start3A_36] : memref<3x128xi32, #tpu.memory_space<vmem>> -> memref<1x128xi32, #tpu.memory_space<vmem>>
    %dma_start3A_38 = tpu.memref_squeeze %dma_start3A_37 : memref<1x128xi32, #tpu.memory_space<vmem>> -> memref<128xi32, #tpu.memory_space<vmem>>
    %dma_start3A_39 = arith.constant 0 : i32
    %dma_start3A_40 = tpu.memref_slice %arg3[%add3A_29, %dma_start3A_39] : memref<2560x128xi32, #tpu.memory_space<hbm>> -> memref<1x128xi32, #tpu.memory_space<hbm>>
    %dma_start3A_41 = tpu.memref_squeeze %dma_start3A_40 : memref<1x128xi32, #tpu.memory_space<hbm>> -> memref<128xi32, #tpu.memory_space<hbm>>
    tpu.enqueue_dma source(%dma_start3A_41 : memref<128xi32, #tpu.memory_space<hbm>>) target(%dma_start3A_38 : memref<128xi32, #tpu.memory_space<vmem>>) target_semaphore(%arg10 : memref<!tpu.dma_semaphore, #tpu.memory_space<semaphore_mem>>)
    %add3A_42 = arith.constant 0 : i32
    %add3A_43 = arith.addi %mul3A_2, %add3A_42 : i32
    %dma_start3A_44 = arith.constant 0 : i32
    %dma_start3A_45 = arith.constant 0 : i32
    %dma_start3A_46 = tpu.memref_slice %arg8[%dma_start3A_44, %dma_start3A_45] : memref<3x128xi32, #tpu.memory_space<vmem>> -> memref<1x128xi32, #tpu.memory_space<vmem>>
    %dma_start3A_47 = tpu.memref_squeeze %dma_start3A_46 : memref<1x128xi32, #tpu.memory_space<vmem>> -> memref<128xi32, #tpu.memory_space<vmem>>
    %dma_start3A_48 = arith.constant 0 : i32
    %dma_start3A_49 = tpu.memref_slice %arg4[%add3A_43, %dma_start3A_48] : memref<2560x128xi32, #tpu.memory_space<hbm>> -> memref<1x128xi32, #tpu.memory_space<hbm>>
    %dma_start3A_50 = tpu.memref_squeeze %dma_start3A_49 : memref<1x128xi32, #tpu.memory_space<hbm>> -> memref<128xi32, #tpu.memory_space<hbm>>
    %dma_start3A_51 = arith.constant 0 : i32
    %dma_start3A_52 = tpu.memref_slice %arg8[%dma_start3A_44, %dma_start3A_51] : memref<3x128xi32, #tpu.memory_space<vmem>> -> memref<1x128xi32, #tpu.memory_space<vmem>>
    %dma_start3A_53 = tpu.memref_squeeze %dma_start3A_52 : memref<1x128xi32, #tpu.memory_space<vmem>> -> memref<128xi32, #tpu.memory_space<vmem>>
    %dma_start3A_54 = arith.constant 0 : i32
    %dma_start3A_55 = tpu.memref_slice %arg4[%add3A_43, %dma_start3A_54] : memref<2560x128xi32, #tpu.memory_space<hbm>> -> memref<1x128xi32, #tpu.memory_space<hbm>>
    %dma_start3A_56 = tpu.memref_squeeze %dma_start3A_55 : memref<1x128xi32, #tpu.memory_space<hbm>> -> memref<128xi32, #tpu.memory_space<hbm>>
    tpu.enqueue_dma source(%dma_start3A_56 : memref<128xi32, #tpu.memory_space<hbm>>) target(%dma_start3A_53 : memref<128xi32, #tpu.memory_space<vmem>>) target_semaphore(%arg10 : memref<!tpu.dma_semaphore, #tpu.memory_space<semaphore_mem>>)
    %add3A_57 = arith.constant 1 : i32
    %add3A_58 = arith.addi %mul3A_2, %add3A_57 : i32
    %dma_start3A_59 = arith.constant 1 : i32
    %dma_start3A_60 = arith.constant 0 : i32
    %dma_start3A_61 = tpu.memref_slice %arg7[%dma_start3A_59, %dma_start3A_60] : memref<3x128xi32, #tpu.memory_space<vmem>> -> memref<1x128xi32, #tpu.memory_space<vmem>>
    %dma_start3A_62 = tpu.memref_squeeze %dma_start3A_61 : memref<1x128xi32, #tpu.memory_space<vmem>> -> memref<128xi32, #tpu.memory_space<vmem>>
    %dma_start3A_63 = arith.constant 0 : i32
    %dma_start3A_64 = tpu.memref_slice %arg3[%add3A_58, %dma_start3A_63] : memref<2560x128xi32, #tpu.memory_space<hbm>> -> memref<1x128xi32, #tpu.memory_space<hbm>>
    %dma_start3A_65 = tpu.memref_squeeze %dma_start3A_64 : memref<1x128xi32, #tpu.memory_space<hbm>> -> memref<128xi32, #tpu.memory_space<hbm>>
    %dma_start3A_66 = arith.constant 0 : i32
    %dma_start3A_67 = tpu.memref_slice %arg7[%dma_start3A_59, %dma_start3A_66] : memref<3x128xi32, #tpu.memory_space<vmem>> -> memref<1x128xi32, #tpu.memory_space<vmem>>
    %dma_start3A_68 = tpu.memref_squeeze %dma_start3A_67 : memref<1x128xi32, #tpu.memory_space<vmem>> -> memref<128xi32, #tpu.memory_space<vmem>>
    %dma_start3A_69 = arith.constant 0 : i32
    %dma_start3A_70 = tpu.memref_slice %arg3[%add3A_58, %dma_start3A_69] : memref<2560x128xi32, #tpu.memory_space<hbm>> -> memref<1x128xi32, #tpu.memory_space<hbm>>
    %dma_start3A_71 = tpu.memref_squeeze %dma_start3A_70 : memref<1x128xi32, #tpu.memory_space<hbm>> -> memref<128xi32, #tpu.memory_space<hbm>>
    tpu.enqueue_dma source(%dma_start3A_71 : memref<128xi32, #tpu.memory_space<hbm>>) target(%dma_start3A_68 : memref<128xi32, #tpu.memory_space<vmem>>) target_semaphore(%arg10 : memref<!tpu.dma_semaphore, #tpu.memory_space<semaphore_mem>>)
    %add3A_72 = arith.constant 1 : i32
    %add3A_73 = arith.addi %mul3A_2, %add3A_72 : i32
    %dma_start3A_74 = arith.constant 1 : i32
    %dma_start3A_75 = arith.constant 0 : i32
    %dma_start3A_76 = tpu.memref_slice %arg8[%dma_start3A_74, %dma_start3A_75] : memref<3x128xi32, #tpu.memory_space<vmem>> -> memref<1x128xi32, #tpu.memory_space<vmem>>
    %dma_start3A_77 = tpu.memref_squeeze %dma_start3A_76 : memref<1x128xi32, #tpu.memory_space<vmem>> -> memref<128xi32, #tpu.memory_space<vmem>>
    %dma_start3A_78 = arith.constant 0 : i32
    %dma_start3A_79 = tpu.memref_slice %arg4[%add3A_73, %dma_start3A_78] : memref<2560x128xi32, #tpu.memory_space<hbm>> -> memref<1x128xi32, #tpu.memory_space<hbm>>
    %dma_start3A_80 = tpu.memref_squeeze %dma_start3A_79 : memref<1x128xi32, #tpu.memory_space<hbm>> -> memref<128xi32, #tpu.memory_space<hbm>>
    %dma_start3A_81 = arith.constant 0 : i32
    %dma_start3A_82 = tpu.memref_slice %arg8[%dma_start3A_74, %dma_start3A_81] : memref<3x128xi32, #tpu.memory_space<vmem>> -> memref<1x128xi32, #tpu.memory_space<vmem>>
    %dma_start3A_83 = tpu.memref_squeeze %dma_start3A_82 : memref<1x128xi32, #tpu.memory_space<vmem>> -> memref<128xi32, #tpu.memory_space<vmem>>
    %dma_start3A_84 = arith.constant 0 : i32
    %dma_start3A_85 = tpu.memref_slice %arg4[%add3A_73, %dma_start3A_84] : memref<2560x128xi32, #tpu.memory_space<hbm>> -> memref<1x128xi32, #tpu.memory_space<hbm>>
    %dma_start3A_86 = tpu.memref_squeeze %dma_start3A_85 : memref<1x128xi32, #tpu.memory_space<hbm>> -> memref<128xi32, #tpu.memory_space<hbm>>
    tpu.enqueue_dma source(%dma_start3A_86 : memref<128xi32, #tpu.memory_space<hbm>>) target(%dma_start3A_83 : memref<128xi32, #tpu.memory_space<vmem>>) target_semaphore(%arg10 : memref<!tpu.dma_semaphore, #tpu.memory_space<semaphore_mem>>)
    %dma_wait3A = arith.constant 0 : i32
    %dma_wait3A_87 = arith.constant 0 : i32
    %dma_wait3A_88 = tpu.memref_slice %arg7[%dma_wait3A, %dma_wait3A_87] : memref<3x128xi32, #tpu.memory_space<vmem>> -> memref<1x128xi32, #tpu.memory_space<vmem>>
    %dma_wait3A_89 = tpu.memref_squeeze %dma_wait3A_88 : memref<1x128xi32, #tpu.memory_space<vmem>> -> memref<128xi32, #tpu.memory_space<vmem>>
    %dma_wait3A_90 = arith.constant 0 : i32
    %dma_wait3A_91 = tpu.memref_slice %arg3[%add3A_29, %dma_wait3A_90] : memref<2560x128xi32, #tpu.memory_space<hbm>> -> memref<1x128xi32, #tpu.memory_space<hbm>>
    %dma_wait3A_92 = tpu.memref_squeeze %dma_wait3A_91 : memref<1x128xi32, #tpu.memory_space<hbm>> -> memref<128xi32, #tpu.memory_space<hbm>>
    %dma_wait3A_93 = arith.constant 0 : i32
    %dma_wait3A_94 = tpu.memref_slice %arg7[%dma_wait3A, %dma_wait3A_93] : memref<3x128xi32, #tpu.memory_space<vmem>> -> memref<1x128xi32, #tpu.memory_space<vmem>>
    %dma_wait3A_95 = tpu.memref_squeeze %dma_wait3A_94 : memref<1x128xi32, #tpu.memory_space<vmem>> -> memref<128xi32, #tpu.memory_space<vmem>>
    %dma_wait3A_96 = arith.constant 0 : i32
    %dma_wait3A_97 = tpu.memref_slice %arg3[%add3A_29, %dma_wait3A_96] : memref<2560x128xi32, #tpu.memory_space<hbm>> -> memref<1x128xi32, #tpu.memory_space<hbm>>
    %dma_wait3A_98 = tpu.memref_squeeze %dma_wait3A_97 : memref<1x128xi32, #tpu.memory_space<hbm>> -> memref<128xi32, #tpu.memory_space<hbm>>
    tpu.wait_dma2 semaphore(%arg10 : memref<!tpu.dma_semaphore, #tpu.memory_space<semaphore_mem>>) src(%dma_wait3A_98 : memref<128xi32, #tpu.memory_space<hbm>>) dst(%dma_wait3A_95 : memref<128xi32, #tpu.memory_space<vmem>>)
    %dma_wait3A_99 = arith.constant 0 : i32
    %dma_wait3A_100 = arith.constant 0 : i32
    %dma_wait3A_101 = tpu.memref_slice %arg8[%dma_wait3A_99, %dma_wait3A_100] : memref<3x128xi32, #tpu.memory_space<vmem>> -> memref<1x128xi32, #tpu.memory_space<vmem>>
    %dma_wait3A_102 = tpu.memref_squeeze %dma_wait3A_101 : memref<1x128xi32, #tpu.memory_space<vmem>> -> memref<128xi32, #tpu.memory_space<vmem>>
    %dma_wait3A_103 = arith.constant 0 : i32
    %dma_wait3A_104 = tpu.memref_slice %arg4[%add3A_43, %dma_wait3A_103] : memref<2560x128xi32, #tpu.memory_space<hbm>> -> memref<1x128xi32, #tpu.memory_space<hbm>>
    %dma_wait3A_105 = tpu.memref_squeeze %dma_wait3A_104 : memref<1x128xi32, #tpu.memory_space<hbm>> -> memref<128xi32, #tpu.memory_space<hbm>>
    %dma_wait3A_106 = arith.constant 0 : i32
    %dma_wait3A_107 = tpu.memref_slice %arg8[%dma_wait3A_99, %dma_wait3A_106] : memref<3x128xi32, #tpu.memory_space<vmem>> -> memref<1x128xi32, #tpu.memory_space<vmem>>
    %dma_wait3A_108 = tpu.memref_squeeze %dma_wait3A_107 : memref<1x128xi32, #tpu.memory_space<vmem>> -> memref<128xi32, #tpu.memory_space<vmem>>
    %dma_wait3A_109 = arith.constant 0 : i32
    %dma_wait3A_110 = tpu.memref_slice %arg4[%add3A_43, %dma_wait3A_109] : memref<2560x128xi32, #tpu.memory_space<hbm>> -> memref<1x128xi32, #tpu.memory_space<hbm>>
    %dma_wait3A_111 = tpu.memref_squeeze %dma_wait3A_110 : memref<1x128xi32, #tpu.memory_space<hbm>> -> memref<128xi32, #tpu.memory_space<hbm>>
    tpu.wait_dma2 semaphore(%arg10 : memref<!tpu.dma_semaphore, #tpu.memory_space<semaphore_mem>>) src(%dma_wait3A_111 : memref<128xi32, #tpu.memory_space<hbm>>) dst(%dma_wait3A_108 : memref<128xi32, #tpu.memory_space<vmem>>)
    %dma_start3A_112 = arith.constant 0 : i32
    %dma_start3A_113 = arith.constant 0 : i32
    %dma_start3A_114 = arith.constant 0 : i32
    %dma_start3A_115 = arith.constant 0 : i32
    %dma_start3A_116 = tpu.memref_slice %arg9[%dma_start3A_113, %dma_start3A_114, %dma_start3A_115] : memref<3x128x128xf32, #tpu.memory_space<vmem>> -> memref<1x128x128xf32, #tpu.memory_space<vmem>>
    %dma_start3A_117 = tpu.memref_squeeze %dma_start3A_116 : memref<1x128x128xf32, #tpu.memory_space<vmem>> -> memref<128x128xf32, #tpu.memory_space<vmem>>
    %dma_start3A_118 = arith.constant 0 : i32
    %dma_start3A_119 = tpu.memref_slice %arg7[%dma_start3A_112, %dma_start3A_118] : memref<3x128xi32, #tpu.memory_space<vmem>> -> memref<1x128xi32, #tpu.memory_space<vmem>>
    %dma_start3A_120 = tpu.memref_squeeze %dma_start3A_119 : memref<1x128xi32, #tpu.memory_space<vmem>> -> memref<128xi32, #tpu.memory_space<vmem>>
    %dma_start3A_121 = arith.constant 0 : i32
    %dma_start3A_122 = arith.constant 0 : i32
    %dma_start3A_123 = tpu.memref_slice %arg2[%dma_start3A_121, %dma_start3A_122] : memref<10000x128xf32, #tpu.memory_space<hbm>> -> memref<10000x128xf32, #tpu.memory_space<hbm>>
    tpu.enqueue_indirect_dma source(%dma_start3A_123 : memref<10000x128xf32, #tpu.memory_space<hbm>>) target(%dma_start3A_117 : memref<128x128xf32, #tpu.memory_space<vmem>>) offsets(%dma_start3A_120 : memref<128xi32, #tpu.memory_space<vmem>>) semaphore(%arg11 : memref<!tpu.dma_semaphore, #tpu.memory_space<semaphore_mem>>)
    %dma_wait3A_124 = arith.constant 0 : i32
    %dma_wait3A_125 = arith.constant 0 : i32
    %dma_wait3A_126 = arith.constant 0 : i32
    %dma_wait3A_127 = arith.constant 0 : i32
    %dma_wait3A_128 = tpu.memref_slice %arg9[%dma_wait3A_125, %dma_wait3A_126, %dma_wait3A_127] : memref<3x128x128xf32, #tpu.memory_space<vmem>> -> memref<1x128x128xf32, #tpu.memory_space<vmem>>
    %dma_wait3A_129 = tpu.memref_squeeze %dma_wait3A_128 : memref<1x128x128xf32, #tpu.memory_space<vmem>> -> memref<128x128xf32, #tpu.memory_space<vmem>>
    %dma_wait3A_130 = arith.constant 0 : i32
    %dma_wait3A_131 = tpu.memref_slice %arg7[%dma_wait3A_124, %dma_wait3A_130] : memref<3x128xi32, #tpu.memory_space<vmem>> -> memref<1x128xi32, #tpu.memory_space<vmem>>
    %dma_wait3A_132 = tpu.memref_squeeze %dma_wait3A_131 : memref<1x128xi32, #tpu.memory_space<vmem>> -> memref<128xi32, #tpu.memory_space<vmem>>
    %dma_wait3A_133 = arith.constant 0 : i32
    %dma_wait3A_134 = arith.constant 0 : i32
    %dma_wait3A_135 = tpu.memref_slice %arg2[%dma_wait3A_133, %dma_wait3A_134] : memref<10000x128xf32, #tpu.memory_space<hbm>> -> memref<10000x128xf32, #tpu.memory_space<hbm>>
    tpu.wait_indirect_dma semaphore(%arg11 : memref<!tpu.dma_semaphore, #tpu.memory_space<semaphore_mem>>) src(%dma_wait3A_135 : memref<10000x128xf32, #tpu.memory_space<hbm>>) dst(%dma_wait3A_129 : memref<128x128xf32, #tpu.memory_space<vmem>>)
    %dma_wait3A_136 = arith.constant 1 : i32
    %dma_wait3A_137 = arith.constant 0 : i32
    %dma_wait3A_138 = tpu.memref_slice %arg7[%dma_wait3A_136, %dma_wait3A_137] : memref<3x128xi32, #tpu.memory_space<vmem>> -> memref<1x128xi32, #tpu.memory_space<vmem>>
    %dma_wait3A_139 = tpu.memref_squeeze %dma_wait3A_138 : memref<1x128xi32, #tpu.memory_space<vmem>> -> memref<128xi32, #tpu.memory_space<vmem>>
    %dma_wait3A_140 = arith.constant 0 : i32
    %dma_wait3A_141 = tpu.memref_slice %arg3[%add3A_58, %dma_wait3A_140] : memref<2560x128xi32, #tpu.memory_space<hbm>> -> memref<1x128xi32, #tpu.memory_space<hbm>>
    %dma_wait3A_142 = tpu.memref_squeeze %dma_wait3A_141 : memref<1x128xi32, #tpu.memory_space<hbm>> -> memref<128xi32, #tpu.memory_space<hbm>>
    %dma_wait3A_143 = arith.constant 0 : i32
    %dma_wait3A_144 = tpu.memref_slice %arg7[%dma_wait3A_136, %dma_wait3A_143] : memref<3x128xi32, #tpu.memory_space<vmem>> -> memref<1x128xi32, #tpu.memory_space<vmem>>
    %dma_wait3A_145 = tpu.memref_squeeze %dma_wait3A_144 : memref<1x128xi32, #tpu.memory_space<vmem>> -> memref<128xi32, #tpu.memory_space<vmem>>
    %dma_wait3A_146 = arith.constant 0 : i32
    %dma_wait3A_147 = tpu.memref_slice %arg3[%add3A_58, %dma_wait3A_146] : memref<2560x128xi32, #tpu.memory_space<hbm>> -> memref<1x128xi32, #tpu.memory_space<hbm>>
    %dma_wait3A_148 = tpu.memref_squeeze %dma_wait3A_147 : memref<1x128xi32, #tpu.memory_space<hbm>> -> memref<128xi32, #tpu.memory_space<hbm>>
    tpu.wait_dma2 semaphore(%arg10 : memref<!tpu.dma_semaphore, #tpu.memory_space<semaphore_mem>>) src(%dma_wait3A_148 : memref<128xi32, #tpu.memory_space<hbm>>) dst(%dma_wait3A_145 : memref<128xi32, #tpu.memory_space<vmem>>)
    %dma_wait3A_149 = arith.constant 1 : i32
    %dma_wait3A_150 = arith.constant 0 : i32
    %dma_wait3A_151 = tpu.memref_slice %arg8[%dma_wait3A_149, %dma_wait3A_150] : memref<3x128xi32, #tpu.memory_space<vmem>> -> memref<1x128xi32, #tpu.memory_space<vmem>>
    %dma_wait3A_152 = tpu.memref_squeeze %dma_wait3A_151 : memref<1x128xi32, #tpu.memory_space<vmem>> -> memref<128xi32, #tpu.memory_space<vmem>>
    %dma_wait3A_153 = arith.constant 0 : i32
    %dma_wait3A_154 = tpu.memref_slice %arg4[%add3A_73, %dma_wait3A_153] : memref<2560x128xi32, #tpu.memory_space<hbm>> -> memref<1x128xi32, #tpu.memory_space<hbm>>
    %dma_wait3A_155 = tpu.memref_squeeze %dma_wait3A_154 : memref<1x128xi32, #tpu.memory_space<hbm>> -> memref<128xi32, #tpu.memory_space<hbm>>
    %dma_wait3A_156 = arith.constant 0 : i32
    %dma_wait3A_157 = tpu.memref_slice %arg8[%dma_wait3A_149, %dma_wait3A_156] : memref<3x128xi32, #tpu.memory_space<vmem>> -> memref<1x128xi32, #tpu.memory_space<vmem>>
    %dma_wait3A_158 = tpu.memref_squeeze %dma_wait3A_157 : memref<1x128xi32, #tpu.memory_space<vmem>> -> memref<128xi32, #tpu.memory_space<vmem>>
    %dma_wait3A_159 = arith.constant 0 : i32
    %dma_wait3A_160 = tpu.memref_slice %arg4[%add3A_73, %dma_wait3A_159] : memref<2560x128xi32, #tpu.memory_space<hbm>> -> memref<1x128xi32, #tpu.memory_space<hbm>>
    %dma_wait3A_161 = tpu.memref_squeeze %dma_wait3A_160 : memref<1x128xi32, #tpu.memory_space<hbm>> -> memref<128xi32, #tpu.memory_space<hbm>>
    tpu.wait_dma2 semaphore(%arg10 : memref<!tpu.dma_semaphore, #tpu.memory_space<semaphore_mem>>) src(%dma_wait3A_161 : memref<128xi32, #tpu.memory_space<hbm>>) dst(%dma_wait3A_158 : memref<128xi32, #tpu.memory_space<vmem>>)
    %dma_start3A_162 = arith.constant 1 : i32
    %dma_start3A_163 = arith.constant 1 : i32
    %dma_start3A_164 = arith.constant 0 : i32
    %dma_start3A_165 = arith.constant 0 : i32
    %dma_start3A_166 = tpu.memref_slice %arg9[%dma_start3A_163, %dma_start3A_164, %dma_start3A_165] : memref<3x128x128xf32, #tpu.memory_space<vmem>> -> memref<1x128x128xf32, #tpu.memory_space<vmem>>
    %dma_start3A_167 = tpu.memref_squeeze %dma_start3A_166 : memref<1x128x128xf32, #tpu.memory_space<vmem>> -> memref<128x128xf32, #tpu.memory_space<vmem>>
    %dma_start3A_168 = arith.constant 0 : i32
    %dma_start3A_169 = tpu.memref_slice %arg7[%dma_start3A_162, %dma_start3A_168] : memref<3x128xi32, #tpu.memory_space<vmem>> -> memref<1x128xi32, #tpu.memory_space<vmem>>
    %dma_start3A_170 = tpu.memref_squeeze %dma_start3A_169 : memref<1x128xi32, #tpu.memory_space<vmem>> -> memref<128xi32, #tpu.memory_space<vmem>>
    %dma_start3A_171 = arith.constant 0 : i32
    %dma_start3A_172 = arith.constant 0 : i32
    %dma_start3A_173 = tpu.memref_slice %arg2[%dma_start3A_171, %dma_start3A_172] : memref<10000x128xf32, #tpu.memory_space<hbm>> -> memref<10000x128xf32, #tpu.memory_space<hbm>>
    tpu.enqueue_indirect_dma source(%dma_start3A_173 : memref<10000x128xf32, #tpu.memory_space<hbm>>) target(%dma_start3A_167 : memref<128x128xf32, #tpu.memory_space<vmem>>) offsets(%dma_start3A_170 : memref<128xi32, #tpu.memory_space<vmem>>) semaphore(%arg11 : memref<!tpu.dma_semaphore, #tpu.memory_space<semaphore_mem>>)
    %add3A_174 = arith.constant 2 : i32
    %add3A_175 = arith.addi %mul3A_2, %add3A_174 : i32
    %dma_start3A_176 = arith.constant 2 : i32
    %dma_start3A_177 = arith.constant 0 : i32
    %dma_start3A_178 = tpu.memref_slice %arg7[%dma_start3A_176, %dma_start3A_177] : memref<3x128xi32, #tpu.memory_space<vmem>> -> memref<1x128xi32, #tpu.memory_space<vmem>>
    %dma_start3A_179 = tpu.memref_squeeze %dma_start3A_178 : memref<1x128xi32, #tpu.memory_space<vmem>> -> memref<128xi32, #tpu.memory_space<vmem>>
    %dma_start3A_180 = arith.constant 0 : i32
    %dma_start3A_181 = tpu.memref_slice %arg3[%add3A_175, %dma_start3A_180] : memref<2560x128xi32, #tpu.memory_space<hbm>> -> memref<1x128xi32, #tpu.memory_space<hbm>>
    %dma_start3A_182 = tpu.memref_squeeze %dma_start3A_181 : memref<1x128xi32, #tpu.memory_space<hbm>> -> memref<128xi32, #tpu.memory_space<hbm>>
    %dma_start3A_183 = arith.constant 0 : i32
    %dma_start3A_184 = tpu.memref_slice %arg7[%dma_start3A_176, %dma_start3A_183] : memref<3x128xi32, #tpu.memory_space<vmem>> -> memref<1x128xi32, #tpu.memory_space<vmem>>
    %dma_start3A_185 = tpu.memref_squeeze %dma_start3A_184 : memref<1x128xi32, #tpu.memory_space<vmem>> -> memref<128xi32, #tpu.memory_space<vmem>>
    %dma_start3A_186 = arith.constant 0 : i32
    %dma_start3A_187 = tpu.memref_slice %arg3[%add3A_175, %dma_start3A_186] : memref<2560x128xi32, #tpu.memory_space<hbm>> -> memref<1x128xi32, #tpu.memory_space<hbm>>
    %dma_start3A_188 = tpu.memref_squeeze %dma_start3A_187 : memref<1x128xi32, #tpu.memory_space<hbm>> -> memref<128xi32, #tpu.memory_space<hbm>>
    tpu.enqueue_dma source(%dma_start3A_188 : memref<128xi32, #tpu.memory_space<hbm>>) target(%dma_start3A_185 : memref<128xi32, #tpu.memory_space<vmem>>) target_semaphore(%arg10 : memref<!tpu.dma_semaphore, #tpu.memory_space<semaphore_mem>>)
    %add3A_189 = arith.constant 2 : i32
    %add3A_190 = arith.addi %mul3A_2, %add3A_189 : i32
    %dma_start3A_191 = arith.constant 2 : i32
    %dma_start3A_192 = arith.constant 0 : i32
    %dma_start3A_193 = tpu.memref_slice %arg8[%dma_start3A_191, %dma_start3A_192] : memref<3x128xi32, #tpu.memory_space<vmem>> -> memref<1x128xi32, #tpu.memory_space<vmem>>
    %dma_start3A_194 = tpu.memref_squeeze %dma_start3A_193 : memref<1x128xi32, #tpu.memory_space<vmem>> -> memref<128xi32, #tpu.memory_space<vmem>>
    %dma_start3A_195 = arith.constant 0 : i32
    %dma_start3A_196 = tpu.memref_slice %arg4[%add3A_190, %dma_start3A_195] : memref<2560x128xi32, #tpu.memory_space<hbm>> -> memref<1x128xi32, #tpu.memory_space<hbm>>
    %dma_start3A_197 = tpu.memref_squeeze %dma_start3A_196 : memref<1x128xi32, #tpu.memory_space<hbm>> -> memref<128xi32, #tpu.memory_space<hbm>>
    %dma_start3A_198 = arith.constant 0 : i32
    %dma_start3A_199 = tpu.memref_slice %arg8[%dma_start3A_191, %dma_start3A_198] : memref<3x128xi32, #tpu.memory_space<vmem>> -> memref<1x128xi32, #tpu.memory_space<vmem>>
    %dma_start3A_200 = tpu.memref_squeeze %dma_start3A_199 : memref<1x128xi32, #tpu.memory_space<vmem>> -> memref<128xi32, #tpu.memory_space<vmem>>
    %dma_start3A_201 = arith.constant 0 : i32
    %dma_start3A_202 = tpu.memref_slice %arg4[%add3A_190, %dma_start3A_201] : memref<2560x128xi32, #tpu.memory_space<hbm>> -> memref<1x128xi32, #tpu.memory_space<hbm>>
    %dma_start3A_203 = tpu.memref_squeeze %dma_start3A_202 : memref<1x128xi32, #tpu.memory_space<hbm>> -> memref<128xi32, #tpu.memory_space<hbm>>
    tpu.enqueue_dma source(%dma_start3A_203 : memref<128xi32, #tpu.memory_space<hbm>>) target(%dma_start3A_200 : memref<128xi32, #tpu.memory_space<vmem>>) target_semaphore(%arg10 : memref<!tpu.dma_semaphore, #tpu.memory_space<semaphore_mem>>)
    %dma_start3A_204 = arith.constant 0 : i32
    %dma_start3A_205 = arith.constant 0 : i32
    %dma_start3A_206 = arith.constant 0 : i32
    %dma_start3A_207 = arith.constant 0 : i32
    %dma_start3A_208 = tpu.memref_slice %arg9[%dma_start3A_204, %dma_start3A_206, %dma_start3A_207] : memref<3x128x128xf32, #tpu.memory_space<vmem>> -> memref<1x128x128xf32, #tpu.memory_space<vmem>>
    %dma_start3A_209 = tpu.memref_squeeze %dma_start3A_208 : memref<1x128x128xf32, #tpu.memory_space<vmem>> -> memref<128x128xf32, #tpu.memory_space<vmem>>
    %dma_start3A_210 = arith.constant 0 : i32
    %dma_start3A_211 = tpu.memref_slice %arg8[%dma_start3A_205, %dma_start3A_210] : memref<3x128xi32, #tpu.memory_space<vmem>> -> memref<1x128xi32, #tpu.memory_space<vmem>>
    %dma_start3A_212 = tpu.memref_squeeze %dma_start3A_211 : memref<1x128xi32, #tpu.memory_space<vmem>> -> memref<128xi32, #tpu.memory_space<vmem>>
    %dma_start3A_213 = arith.constant 0 : i32
    %dma_start3A_214 = arith.constant 0 : i32
    %dma_start3A_215 = tpu.memref_slice %arg15[%dma_start3A_213, %dma_start3A_214] : memref<10112x128xf32, #tpu.memory_space<vmem_shared>> -> memref<10112x128xf32, #tpu.memory_space<vmem_shared>>
    tpu.enqueue_indirect_dma source(%dma_start3A_209 : memref<128x128xf32, #tpu.memory_space<vmem>>) target(%dma_start3A_215 : memref<10112x128xf32, #tpu.memory_space<vmem_shared>>) offsets(%dma_start3A_212 : memref<128xi32, #tpu.memory_space<vmem>>) semaphore(%arg12 : memref<!tpu.dma_semaphore, #tpu.memory_space<semaphore_mem>>) {add = true}
    %dma_wait3A_216 = arith.constant 2 : i32
    %dma_wait3A_217 = arith.constant 0 : i32
    %dma_wait3A_218 = tpu.memref_slice %arg7[%dma_wait3A_216, %dma_wait3A_217] : memref<3x128xi32, #tpu.memory_space<vmem>> -> memref<1x128xi32, #tpu.memory_space<vmem>>
    %dma_wait3A_219 = tpu.memref_squeeze %dma_wait3A_218 : memref<1x128xi32, #tpu.memory_space<vmem>> -> memref<128xi32, #tpu.memory_space<vmem>>
    %dma_wait3A_220 = arith.constant 0 : i32
    %dma_wait3A_221 = tpu.memref_slice %arg3[%add3A_175, %dma_wait3A_220] : memref<2560x128xi32, #tpu.memory_space<hbm>> -> memref<1x128xi32, #tpu.memory_space<hbm>>
    %dma_wait3A_222 = tpu.memref_squeeze %dma_wait3A_221 : memref<1x128xi32, #tpu.memory_space<hbm>> -> memref<128xi32, #tpu.memory_space<hbm>>
    %dma_wait3A_223 = arith.constant 0 : i32
    %dma_wait3A_224 = tpu.memref_slice %arg7[%dma_wait3A_216, %dma_wait3A_223] : memref<3x128xi32, #tpu.memory_space<vmem>> -> memref<1x128xi32, #tpu.memory_space<vmem>>
    %dma_wait3A_225 = tpu.memref_squeeze %dma_wait3A_224 : memref<1x128xi32, #tpu.memory_space<vmem>> -> memref<128xi32, #tpu.memory_space<vmem>>
    %dma_wait3A_226 = arith.constant 0 : i32
    %dma_wait3A_227 = tpu.memref_slice %arg3[%add3A_175, %dma_wait3A_226] : memref<2560x128xi32, #tpu.memory_space<hbm>> -> memref<1x128xi32, #tpu.memory_space<hbm>>
    %dma_wait3A_228 = tpu.memref_squeeze %dma_wait3A_227 : memref<1x128xi32, #tpu.memory_space<hbm>> -> memref<128xi32, #tpu.memory_space<hbm>>
    tpu.wait_dma2 semaphore(%arg10 : memref<!tpu.dma_semaphore, #tpu.memory_space<semaphore_mem>>) src(%dma_wait3A_228 : memref<128xi32, #tpu.memory_space<hbm>>) dst(%dma_wait3A_225 : memref<128xi32, #tpu.memory_space<vmem>>)
    %dma_wait3A_229 = arith.constant 2 : i32
    %dma_wait3A_230 = arith.constant 0 : i32
    %dma_wait3A_231 = tpu.memref_slice %arg8[%dma_wait3A_229, %dma_wait3A_230] : memref<3x128xi32, #tpu.memory_space<vmem>> -> memref<1x128xi32, #tpu.memory_space<vmem>>
    %dma_wait3A_232 = tpu.memref_squeeze %dma_wait3A_231 : memref<1x128xi32, #tpu.memory_space<vmem>> -> memref<128xi32, #tpu.memory_space<vmem>>
    %dma_wait3A_233 = arith.constant 0 : i32
    %dma_wait3A_234 = tpu.memref_slice %arg4[%add3A_190, %dma_wait3A_233] : memref<2560x128xi32, #tpu.memory_space<hbm>> -> memref<1x128xi32, #tpu.memory_space<hbm>>
    %dma_wait3A_235 = tpu.memref_squeeze %dma_wait3A_234 : memref<1x128xi32, #tpu.memory_space<hbm>> -> memref<128xi32, #tpu.memory_space<hbm>>
    %dma_wait3A_236 = arith.constant 0 : i32
    %dma_wait3A_237 = tpu.memref_slice %arg8[%dma_wait3A_229, %dma_wait3A_236] : memref<3x128xi32, #tpu.memory_space<vmem>> -> memref<1x128xi32, #tpu.memory_space<vmem>>
    %dma_wait3A_238 = tpu.memref_squeeze %dma_wait3A_237 : memref<1x128xi32, #tpu.memory_space<vmem>> -> memref<128xi32, #tpu.memory_space<vmem>>
    %dma_wait3A_239 = arith.constant 0 : i32
    %dma_wait3A_240 = tpu.memref_slice %arg4[%add3A_190, %dma_wait3A_239] : memref<2560x128xi32, #tpu.memory_space<hbm>> -> memref<1x128xi32, #tpu.memory_space<hbm>>
    %dma_wait3A_241 = tpu.memref_squeeze %dma_wait3A_240 : memref<1x128xi32, #tpu.memory_space<hbm>> -> memref<128xi32, #tpu.memory_space<hbm>>
    tpu.wait_dma2 semaphore(%arg10 : memref<!tpu.dma_semaphore, #tpu.memory_space<semaphore_mem>>) src(%dma_wait3A_241 : memref<128xi32, #tpu.memory_space<hbm>>) dst(%dma_wait3A_238 : memref<128xi32, #tpu.memory_space<vmem>>)
    %dma_wait3A_242 = arith.constant 1 : i32
    %dma_wait3A_243 = arith.constant 1 : i32
    %dma_wait3A_244 = arith.constant 0 : i32
    %dma_wait3A_245 = arith.constant 0 : i32
    %dma_wait3A_246 = tpu.memref_slice %arg9[%dma_wait3A_243, %dma_wait3A_244, %dma_wait3A_245] : memref<3x128x128xf32, #tpu.memory_space<vmem>> -> memref<1x128x128xf32, #tpu.memory_space<vmem>>
    %dma_wait3A_247 = tpu.memref_squeeze %dma_wait3A_246 : memref<1x128x128xf32, #tpu.memory_space<vmem>> -> memref<128x128xf32, #tpu.memory_space<vmem>>
    %dma_wait3A_248 = arith.constant 0 : i32
    %dma_wait3A_249 = tpu.memref_slice %arg7[%dma_wait3A_242, %dma_wait3A_248] : memref<3x128xi32, #tpu.memory_space<vmem>> -> memref<1x128xi32, #tpu.memory_space<vmem>>
    %dma_wait3A_250 = tpu.memref_squeeze %dma_wait3A_249 : memref<1x128xi32, #tpu.memory_space<vmem>> -> memref<128xi32, #tpu.memory_space<vmem>>
    %dma_wait3A_251 = arith.constant 0 : i32
    %dma_wait3A_252 = arith.constant 0 : i32
    %dma_wait3A_253 = tpu.memref_slice %arg2[%dma_wait3A_251, %dma_wait3A_252] : memref<10000x128xf32, #tpu.memory_space<hbm>> -> memref<10000x128xf32, #tpu.memory_space<hbm>>
    tpu.wait_indirect_dma semaphore(%arg11 : memref<!tpu.dma_semaphore, #tpu.memory_space<semaphore_mem>>) src(%dma_wait3A_253 : memref<10000x128xf32, #tpu.memory_space<hbm>>) dst(%dma_wait3A_247 : memref<128x128xf32, #tpu.memory_space<vmem>>)
    %dma_start3A_254 = arith.constant 2 : i32
    %dma_start3A_255 = arith.constant 2 : i32
    %dma_start3A_256 = arith.constant 0 : i32
    %dma_start3A_257 = arith.constant 0 : i32
    %dma_start3A_258 = tpu.memref_slice %arg9[%dma_start3A_255, %dma_start3A_256, %dma_start3A_257] : memref<3x128x128xf32, #tpu.memory_space<vmem>> -> memref<1x128x128xf32, #tpu.memory_space<vmem>>
    %dma_start3A_259 = tpu.memref_squeeze %dma_start3A_258 : memref<1x128x128xf32, #tpu.memory_space<vmem>> -> memref<128x128xf32, #tpu.memory_space<vmem>>
    %dma_start3A_260 = arith.constant 0 : i32
    %dma_start3A_261 = tpu.memref_slice %arg7[%dma_start3A_254, %dma_start3A_260] : memref<3x128xi32, #tpu.memory_space<vmem>> -> memref<1x128xi32, #tpu.memory_space<vmem>>
    %dma_start3A_262 = tpu.memref_squeeze %dma_start3A_261 : memref<1x128xi32, #tpu.memory_space<vmem>> -> memref<128xi32, #tpu.memory_space<vmem>>
    %dma_start3A_263 = arith.constant 0 : i32
    %dma_start3A_264 = arith.constant 0 : i32
    %dma_start3A_265 = tpu.memref_slice %arg2[%dma_start3A_263, %dma_start3A_264] : memref<10000x128xf32, #tpu.memory_space<hbm>> -> memref<10000x128xf32, #tpu.memory_space<hbm>>
    tpu.enqueue_indirect_dma source(%dma_start3A_265 : memref<10000x128xf32, #tpu.memory_space<hbm>>) target(%dma_start3A_259 : memref<128x128xf32, #tpu.memory_space<vmem>>) offsets(%dma_start3A_262 : memref<128xi32, #tpu.memory_space<vmem>>) semaphore(%arg11 : memref<!tpu.dma_semaphore, #tpu.memory_space<semaphore_mem>>)
    %dma_wait3A_266 = arith.constant 0 : i32
    %dma_wait3A_267 = arith.constant 0 : i32
    %dma_wait3A_268 = arith.constant 0 : i32
    %dma_wait3A_269 = arith.constant 0 : i32
    %dma_wait3A_270 = tpu.memref_slice %arg9[%dma_wait3A_266, %dma_wait3A_268, %dma_wait3A_269] : memref<3x128x128xf32, #tpu.memory_space<vmem>> -> memref<1x128x128xf32, #tpu.memory_space<vmem>>
    %dma_wait3A_271 = tpu.memref_squeeze %dma_wait3A_270 : memref<1x128x128xf32, #tpu.memory_space<vmem>> -> memref<128x128xf32, #tpu.memory_space<vmem>>
    %dma_wait3A_272 = arith.constant 0 : i32
    %dma_wait3A_273 = tpu.memref_slice %arg8[%dma_wait3A_267, %dma_wait3A_272] : memref<3x128xi32, #tpu.memory_space<vmem>> -> memref<1x128xi32, #tpu.memory_space<vmem>>
    %dma_wait3A_274 = tpu.memref_squeeze %dma_wait3A_273 : memref<1x128xi32, #tpu.memory_space<vmem>> -> memref<128xi32, #tpu.memory_space<vmem>>
    %dma_wait3A_275 = arith.constant 0 : i32
    %dma_wait3A_276 = arith.constant 0 : i32
    %dma_wait3A_277 = tpu.memref_slice %arg15[%dma_wait3A_275, %dma_wait3A_276] : memref<10112x128xf32, #tpu.memory_space<vmem_shared>> -> memref<10112x128xf32, #tpu.memory_space<vmem_shared>>
    tpu.wait_indirect_dma semaphore(%arg12 : memref<!tpu.dma_semaphore, #tpu.memory_space<semaphore_mem>>) src(%dma_wait3A_271 : memref<128x128xf32, #tpu.memory_space<vmem>>) dst(%dma_wait3A_277 : memref<10112x128xf32, #tpu.memory_space<vmem_shared>>)
    %add3A_278 = arith.constant 3 : i32
    %add3A_279 = arith.addi %mul3A_2, %add3A_278 : i32
    %dma_start3A_280 = arith.constant 0 : i32
    %dma_start3A_281 = arith.constant 0 : i32
    %dma_start3A_282 = tpu.memref_slice %arg7[%dma_start3A_280, %dma_start3A_281] : memref<3x128xi32, #tpu.memory_space<vmem>> -> memref<1x128xi32, #tpu.memory_space<vmem>>
    %dma_start3A_283 = tpu.memref_squeeze %dma_start3A_282 : memref<1x128xi32, #tpu.memory_space<vmem>> -> memref<128xi32, #tpu.memory_space<vmem>>
    %dma_start3A_284 = arith.constant 0 : i32
    %dma_start3A_285 = tpu.memref_slice %arg3[%add3A_279, %dma_start3A_284] : memref<2560x128xi32, #tpu.memory_space<hbm>> -> memref<1x128xi32, #tpu.memory_space<hbm>>
    %dma_start3A_286 = tpu.memref_squeeze %dma_start3A_285 : memref<1x128xi32, #tpu.memory_space<hbm>> -> memref<128xi32, #tpu.memory_space<hbm>>
    %dma_start3A_287 = arith.constant 0 : i32
    %dma_start3A_288 = tpu.memref_slice %arg7[%dma_start3A_280, %dma_start3A_287] : memref<3x128xi32, #tpu.memory_space<vmem>> -> memref<1x128xi32, #tpu.memory_space<vmem>>
    %dma_start3A_289 = tpu.memref_squeeze %dma_start3A_288 : memref<1x128xi32, #tpu.memory_space<vmem>> -> memref<128xi32, #tpu.memory_space<vmem>>
    %dma_start3A_290 = arith.constant 0 : i32
    %dma_start3A_291 = tpu.memref_slice %arg3[%add3A_279, %dma_start3A_290] : memref<2560x128xi32, #tpu.memory_space<hbm>> -> memref<1x128xi32, #tpu.memory_space<hbm>>
    %dma_start3A_292 = tpu.memref_squeeze %dma_start3A_291 : memref<1x128xi32, #tpu.memory_space<hbm>> -> memref<128xi32, #tpu.memory_space<hbm>>
    tpu.enqueue_dma source(%dma_start3A_292 : memref<128xi32, #tpu.memory_space<hbm>>) target(%dma_start3A_289 : memref<128xi32, #tpu.memory_space<vmem>>) target_semaphore(%arg10 : memref<!tpu.dma_semaphore, #tpu.memory_space<semaphore_mem>>)
    %add3A_293 = arith.constant 3 : i32
    %add3A_294 = arith.addi %mul3A_2, %add3A_293 : i32
    %dma_start3A_295 = arith.constant 0 : i32
    %dma_start3A_296 = arith.constant 0 : i32
    %dma_start3A_297 = tpu.memref_slice %arg8[%dma_start3A_295, %dma_start3A_296] : memref<3x128xi32, #tpu.memory_space<vmem>> -> memref<1x128xi32, #tpu.memory_space<vmem>>
    %dma_start3A_298 = tpu.memref_squeeze %dma_start3A_297 : memref<1x128xi32, #tpu.memory_space<vmem>> -> memref<128xi32, #tpu.memory_space<vmem>>
    %dma_start3A_299 = arith.constant 0 : i32
    %dma_start3A_300 = tpu.memref_slice %arg4[%add3A_294, %dma_start3A_299] : memref<2560x128xi32, #tpu.memory_space<hbm>> -> memref<1x128xi32, #tpu.memory_space<hbm>>
    %dma_start3A_301 = tpu.memref_squeeze %dma_start3A_300 : memref<1x128xi32, #tpu.memory_space<hbm>> -> memref<128xi32, #tpu.memory_space<hbm>>
    %dma_start3A_302 = arith.constant 0 : i32
    %dma_start3A_303 = tpu.memref_slice %arg8[%dma_start3A_295, %dma_start3A_302] : memref<3x128xi32, #tpu.memory_space<vmem>> -> memref<1x128xi32, #tpu.memory_space<vmem>>
    %dma_start3A_304 = tpu.memref_squeeze %dma_start3A_303 : memref<1x128xi32, #tpu.memory_space<vmem>> -> memref<128xi32, #tpu.memory_space<vmem>>
    %dma_start3A_305 = arith.constant 0 : i32
    %dma_start3A_306 = tpu.memref_slice %arg4[%add3A_294, %dma_start3A_305] : memref<2560x128xi32, #tpu.memory_space<hbm>> -> memref<1x128xi32, #tpu.memory_space<hbm>>
    %dma_start3A_307 = tpu.memref_squeeze %dma_start3A_306 : memref<1x128xi32, #tpu.memory_space<hbm>> -> memref<128xi32, #tpu.memory_space<hbm>>
    tpu.enqueue_dma source(%dma_start3A_307 : memref<128xi32, #tpu.memory_space<hbm>>) target(%dma_start3A_304 : memref<128xi32, #tpu.memory_space<vmem>>) target_semaphore(%arg10 : memref<!tpu.dma_semaphore, #tpu.memory_space<semaphore_mem>>)
    %dma_start3A_308 = arith.constant 1 : i32
    %dma_start3A_309 = arith.constant 1 : i32
    %dma_start3A_310 = arith.constant 0 : i32
    %dma_start3A_311 = arith.constant 0 : i32
    %dma_start3A_312 = tpu.memref_slice %arg9[%dma_start3A_308, %dma_start3A_310, %dma_start3A_311] : memref<3x128x128xf32, #tpu.memory_space<vmem>> -> memref<1x128x128xf32, #tpu.memory_space<vmem>>
    %dma_start3A_313 = tpu.memref_squeeze %dma_start3A_312 : memref<1x128x128xf32, #tpu.memory_space<vmem>> -> memref<128x128xf32, #tpu.memory_space<vmem>>
    %dma_start3A_314 = arith.constant 0 : i32
    %dma_start3A_315 = tpu.memref_slice %arg8[%dma_start3A_309, %dma_start3A_314] : memref<3x128xi32, #tpu.memory_space<vmem>> -> memref<1x128xi32, #tpu.memory_space<vmem>>
    %dma_start3A_316 = tpu.memref_squeeze %dma_start3A_315 : memref<1x128xi32, #tpu.memory_space<vmem>> -> memref<128xi32, #tpu.memory_space<vmem>>
    %dma_start3A_317 = arith.constant 0 : i32
    %dma_start3A_318 = arith.constant 0 : i32
    %dma_start3A_319 = tpu.memref_slice %arg15[%dma_start3A_317, %dma_start3A_318] : memref<10112x128xf32, #tpu.memory_space<vmem_shared>> -> memref<10112x128xf32, #tpu.memory_space<vmem_shared>>
    tpu.enqueue_indirect_dma source(%dma_start3A_313 : memref<128x128xf32, #tpu.memory_space<vmem>>) target(%dma_start3A_319 : memref<10112x128xf32, #tpu.memory_space<vmem_shared>>) offsets(%dma_start3A_316 : memref<128xi32, #tpu.memory_space<vmem>>) semaphore(%arg13 : memref<!tpu.dma_semaphore, #tpu.memory_space<semaphore_mem>>) {add = true}
    %dma_wait3A_320 = arith.constant 0 : i32
    %dma_wait3A_321 = arith.constant 0 : i32
    %dma_wait3A_322 = tpu.memref_slice %arg7[%dma_wait3A_320, %dma_wait3A_321] : memref<3x128xi32, #tpu.memory_space<vmem>> -> memref<1x128xi32, #tpu.memory_space<vmem>>
    %dma_wait3A_323 = tpu.memref_squeeze %dma_wait3A_322 : memref<1x128xi32, #tpu.memory_space<vmem>> -> memref<128xi32, #tpu.memory_space<vmem>>
    %dma_wait3A_324 = arith.constant 0 : i32
    %dma_wait3A_325 = tpu.memref_slice %arg3[%add3A_279, %dma_wait3A_324] : memref<2560x128xi32, #tpu.memory_space<hbm>> -> memref<1x128xi32, #tpu.memory_space<hbm>>
    %dma_wait3A_326 = tpu.memref_squeeze %dma_wait3A_325 : memref<1x128xi32, #tpu.memory_space<hbm>> -> memref<128xi32, #tpu.memory_space<hbm>>
    %dma_wait3A_327 = arith.constant 0 : i32
    %dma_wait3A_328 = tpu.memref_slice %arg7[%dma_wait3A_320, %dma_wait3A_327] : memref<3x128xi32, #tpu.memory_space<vmem>> -> memref<1x128xi32, #tpu.memory_space<vmem>>
    %dma_wait3A_329 = tpu.memref_squeeze %dma_wait3A_328 : memref<1x128xi32, #tpu.memory_space<vmem>> -> memref<128xi32, #tpu.memory_space<vmem>>
    %dma_wait3A_330 = arith.constant 0 : i32
    %dma_wait3A_331 = tpu.memref_slice %arg3[%add3A_279, %dma_wait3A_330] : memref<2560x128xi32, #tpu.memory_space<hbm>> -> memref<1x128xi32, #tpu.memory_space<hbm>>
    %dma_wait3A_332 = tpu.memref_squeeze %dma_wait3A_331 : memref<1x128xi32, #tpu.memory_space<hbm>> -> memref<128xi32, #tpu.memory_space<hbm>>
    tpu.wait_dma2 semaphore(%arg10 : memref<!tpu.dma_semaphore, #tpu.memory_space<semaphore_mem>>) src(%dma_wait3A_332 : memref<128xi32, #tpu.memory_space<hbm>>) dst(%dma_wait3A_329 : memref<128xi32, #tpu.memory_space<vmem>>)
    %dma_wait3A_333 = arith.constant 0 : i32
    %dma_wait3A_334 = arith.constant 0 : i32
    %dma_wait3A_335 = tpu.memref_slice %arg8[%dma_wait3A_333, %dma_wait3A_334] : memref<3x128xi32, #tpu.memory_space<vmem>> -> memref<1x128xi32, #tpu.memory_space<vmem>>
    %dma_wait3A_336 = tpu.memref_squeeze %dma_wait3A_335 : memref<1x128xi32, #tpu.memory_space<vmem>> -> memref<128xi32, #tpu.memory_space<vmem>>
    %dma_wait3A_337 = arith.constant 0 : i32
    %dma_wait3A_338 = tpu.memref_slice %arg4[%add3A_294, %dma_wait3A_337] : memref<2560x128xi32, #tpu.memory_space<hbm>> -> memref<1x128xi32, #tpu.memory_space<hbm>>
    %dma_wait3A_339 = tpu.memref_squeeze %dma_wait3A_338 : memref<1x128xi32, #tpu.memory_space<hbm>> -> memref<128xi32, #tpu.memory_space<hbm>>
    %dma_wait3A_340 = arith.constant 0 : i32
    %dma_wait3A_341 = tpu.memref_slice %arg8[%dma_wait3A_333, %dma_wait3A_340] : memref<3x128xi32, #tpu.memory_space<vmem>> -> memref<1x128xi32, #tpu.memory_space<vmem>>
    %dma_wait3A_342 = tpu.memref_squeeze %dma_wait3A_341 : memref<1x128xi32, #tpu.memory_space<vmem>> -> memref<128xi32, #tpu.memory_space<vmem>>
    %dma_wait3A_343 = arith.constant 0 : i32
    %dma_wait3A_344 = tpu.memref_slice %arg4[%add3A_294, %dma_wait3A_343] : memref<2560x128xi32, #tpu.memory_space<hbm>> -> memref<1x128xi32, #tpu.memory_space<hbm>>
    %dma_wait3A_345 = tpu.memref_squeeze %dma_wait3A_344 : memref<1x128xi32, #tpu.memory_space<hbm>> -> memref<128xi32, #tpu.memory_space<hbm>>
    tpu.wait_dma2 semaphore(%arg10 : memref<!tpu.dma_semaphore, #tpu.memory_space<semaphore_mem>>) src(%dma_wait3A_345 : memref<128xi32, #tpu.memory_space<hbm>>) dst(%dma_wait3A_342 : memref<128xi32, #tpu.memory_space<vmem>>)
    %dma_wait3A_346 = arith.constant 2 : i32
    %dma_wait3A_347 = arith.constant 2 : i32
    %dma_wait3A_348 = arith.constant 0 : i32
    %dma_wait3A_349 = arith.constant 0 : i32
    %dma_wait3A_350 = tpu.memref_slice %arg9[%dma_wait3A_347, %dma_wait3A_348, %dma_wait3A_349] : memref<3x128x128xf32, #tpu.memory_space<vmem>> -> memref<1x128x128xf32, #tpu.memory_space<vmem>>
    %dma_wait3A_351 = tpu.memref_squeeze %dma_wait3A_350 : memref<1x128x128xf32, #tpu.memory_space<vmem>> -> memref<128x128xf32, #tpu.memory_space<vmem>>
    %dma_wait3A_352 = arith.constant 0 : i32
    %dma_wait3A_353 = tpu.memref_slice %arg7[%dma_wait3A_346, %dma_wait3A_352] : memref<3x128xi32, #tpu.memory_space<vmem>> -> memref<1x128xi32, #tpu.memory_space<vmem>>
    %dma_wait3A_354 = tpu.memref_squeeze %dma_wait3A_353 : memref<1x128xi32, #tpu.memory_space<vmem>> -> memref<128xi32, #tpu.memory_space<vmem>>
    %dma_wait3A_355 = arith.constant 0 : i32
    %dma_wait3A_356 = arith.constant 0 : i32
    %dma_wait3A_357 = tpu.memref_slice %arg2[%dma_wait3A_355, %dma_wait3A_356] : memref<10000x128xf32, #tpu.memory_space<hbm>> -> memref<10000x128xf32, #tpu.memory_space<hbm>>
    tpu.wait_indirect_dma semaphore(%arg11 : memref<!tpu.dma_semaphore, #tpu.memory_space<semaphore_mem>>) src(%dma_wait3A_357 : memref<10000x128xf32, #tpu.memory_space<hbm>>) dst(%dma_wait3A_351 : memref<128x128xf32, #tpu.memory_space<vmem>>)
    %scan3A = arith.constant 0 : i32
    %scan3A_358 = arith.constant 26 : i32
    %scan3A_359 = arith.addi %scan3A, %scan3A_358 : i32
    %scan3A_360 = arith.constant 1 : i32
    scf.for %scan3A_382 = %scan3A to %scan3A_359 step %scan3A_360  : i32 {
      %mul3A_383 = arith.constant 1 : i32
      %mul3A_384 = arith.muli %scan3A_382, %mul3A_383 : i32
      %add3A_385 = arith.constant 0 : i32
      %add3A_386 = arith.addi %add3A_385, %mul3A_384 : i32
      %mul3A_387 = arith.constant 3 : i32
      %mul3A_388 = arith.muli %add3A_386, %mul3A_387 : i32
      %add3A_389 = arith.constant 2 : i32
      %add3A_390 = arith.addi %mul3A_388, %add3A_389 : i32
      %add3A_391 = arith.constant 0 : i32
      %add3A_392 = arith.addi %add3A_390, %add3A_391 : i32
      %add3A_393 = arith.constant 2 : i32
      %add3A_394 = arith.addi %add3A_392, %add3A_393 : i32
      %ge3A = arith.constant 80 : i32
      %ge3A_395 = arith.cmpi sge, %add3A_394, %ge3A : i32
      %sub3A = arith.constant 80 : i32
      %sub3A_396 = arith.subi %add3A_394, %sub3A : i32
      %select_n3A = arith.select %ge3A_395, %sub3A_396, %add3A_394 : i32
      %dma_start3A_397 = arith.constant 0 : i32
      %dma_start3A_398 = arith.constant 0 : i32
      %dma_start3A_399 = arith.constant 0 : i32
      %dma_start3A_400 = arith.constant 0 : i32
      %dma_start3A_401 = tpu.memref_slice %arg9[%dma_start3A_398, %dma_start3A_399, %dma_start3A_400] : memref<3x128x128xf32, #tpu.memory_space<vmem>> -> memref<1x128x128xf32, #tpu.memory_space<vmem>>
      %dma_start3A_402 = tpu.memref_squeeze %dma_start3A_401 : memref<1x128x128xf32, #tpu.memory_space<vmem>> -> memref<128x128xf32, #tpu.memory_space<vmem>>
      %dma_start3A_403 = arith.constant 0 : i32
      %dma_start3A_404 = tpu.memref_slice %arg7[%dma_start3A_397, %dma_start3A_403] : memref<3x128xi32, #tpu.memory_space<vmem>> -> memref<1x128xi32, #tpu.memory_space<vmem>>
      %dma_start3A_405 = tpu.memref_squeeze %dma_start3A_404 : memref<1x128xi32, #tpu.memory_space<vmem>> -> memref<128xi32, #tpu.memory_space<vmem>>
      %dma_start3A_406 = arith.constant 0 : i32
      %dma_start3A_407 = arith.constant 0 : i32
      %dma_start3A_408 = tpu.memref_slice %arg2[%dma_start3A_406, %dma_start3A_407] : memref<10000x128xf32, #tpu.memory_space<hbm>> -> memref<10000x128xf32, #tpu.memory_space<hbm>>
      tpu.enqueue_indirect_dma source(%dma_start3A_408 : memref<10000x128xf32, #tpu.memory_space<hbm>>) target(%dma_start3A_402 : memref<128x128xf32, #tpu.memory_space<vmem>>) offsets(%dma_start3A_405 : memref<128xi32, #tpu.memory_space<vmem>>) semaphore(%arg11 : memref<!tpu.dma_semaphore, #tpu.memory_space<semaphore_mem>>)
      %dma_wait3A_409 = arith.constant 1 : i32
      %dma_wait3A_410 = arith.constant 0 : i32
      %dma_wait3A_411 = arith.constant 0 : i32
      %dma_wait3A_412 = arith.constant 0 : i32
      %dma_wait3A_413 = tpu.memref_slice %arg9[%dma_wait3A_409, %dma_wait3A_411, %dma_wait3A_412] : memref<3x128x128xf32, #tpu.memory_space<vmem>> -> memref<1x128x128xf32, #tpu.memory_space<vmem>>
      %dma_wait3A_414 = tpu.memref_squeeze %dma_wait3A_413 : memref<1x128x128xf32, #tpu.memory_space<vmem>> -> memref<128x128xf32, #tpu.memory_space<vmem>>
      %dma_wait3A_415 = arith.constant 0 : i32
      %dma_wait3A_416 = tpu.memref_slice %arg8[%dma_wait3A_410, %dma_wait3A_415] : memref<3x128xi32, #tpu.memory_space<vmem>> -> memref<1x128xi32, #tpu.memory_space<vmem>>
      %dma_wait3A_417 = tpu.memref_squeeze %dma_wait3A_416 : memref<1x128xi32, #tpu.memory_space<vmem>> -> memref<128xi32, #tpu.memory_space<vmem>>
      %dma_wait3A_418 = arith.constant 0 : i32
      %dma_wait3A_419 = arith.constant 0 : i32
      %dma_wait3A_420 = tpu.memref_slice %arg15[%dma_wait3A_418, %dma_wait3A_419] : memref<10112x128xf32, #tpu.memory_space<vmem_shared>> -> memref<10112x128xf32, #tpu.memory_space<vmem_shared>>
      tpu.wait_indirect_dma semaphore(%arg13 : memref<!tpu.dma_semaphore, #tpu.memory_space<semaphore_mem>>) src(%dma_wait3A_414 : memref<128x128xf32, #tpu.memory_space<vmem>>) dst(%dma_wait3A_420 : memref<10112x128xf32, #tpu.memory_space<vmem_shared>>)
      %add3A_421 = arith.addi %mul3A_2, %select_n3A : i32
      %dma_start3A_422 = arith.constant 1 : i32
      %dma_start3A_423 = arith.constant 0 : i32
      %dma_start3A_424 = tpu.memref_slice %arg7[%dma_start3A_422, %dma_start3A_423] : memref<3x128xi32, #tpu.memory_space<vmem>> -> memref<1x128xi32, #tpu.memory_space<vmem>>
      %dma_start3A_425 = tpu.memref_squeeze %dma_start3A_424 : memref<1x128xi32, #tpu.memory_space<vmem>> -> memref<128xi32, #tpu.memory_space<vmem>>
      %dma_start3A_426 = arith.constant 0 : i32
      %dma_start3A_427 = tpu.memref_slice %arg3[%add3A_421, %dma_start3A_426] : memref<2560x128xi32, #tpu.memory_space<hbm>> -> memref<1x128xi32, #tpu.memory_space<hbm>>
      %dma_start3A_428 = tpu.memref_squeeze %dma_start3A_427 : memref<1x128xi32, #tpu.memory_space<hbm>> -> memref<128xi32, #tpu.memory_space<hbm>>
      %dma_start3A_429 = arith.constant 0 : i32
      %dma_start3A_430 = tpu.memref_slice %arg7[%dma_start3A_422, %dma_start3A_429] : memref<3x128xi32, #tpu.memory_space<vmem>> -> memref<1x128xi32, #tpu.memory_space<vmem>>
      %dma_start3A_431 = tpu.memref_squeeze %dma_start3A_430 : memref<1x128xi32, #tpu.memory_space<vmem>> -> memref<128xi32, #tpu.memory_space<vmem>>
      %dma_start3A_432 = arith.constant 0 : i32
      %dma_start3A_433 = tpu.memref_slice %arg3[%add3A_421, %dma_start3A_432] : memref<2560x128xi32, #tpu.memory_space<hbm>> -> memref<1x128xi32, #tpu.memory_space<hbm>>
      %dma_start3A_434 = tpu.memref_squeeze %dma_start3A_433 : memref<1x128xi32, #tpu.memory_space<hbm>> -> memref<128xi32, #tpu.memory_space<hbm>>
      tpu.enqueue_dma source(%dma_start3A_434 : memref<128xi32, #tpu.memory_space<hbm>>) target(%dma_start3A_431 : memref<128xi32, #tpu.memory_space<vmem>>) target_semaphore(%arg10 : memref<!tpu.dma_semaphore, #tpu.memory_space<semaphore_mem>>)
      %add3A_435 = arith.addi %mul3A_2, %select_n3A : i32
      %dma_start3A_436 = arith.constant 1 : i32
      %dma_start3A_437 = arith.constant 0 : i32
      %dma_start3A_438 = tpu.memref_slice %arg8[%dma_start3A_436, %dma_start3A_437] : memref<3x128xi32, #tpu.memory_space<vmem>> -> memref<1x128xi32, #tpu.memory_space<vmem>>
      %dma_start3A_439 = tpu.memref_squeeze %dma_start3A_438 : memref<1x128xi32, #tpu.memory_space<vmem>> -> memref<128xi32, #tpu.memory_space<vmem>>
      %dma_start3A_440 = arith.constant 0 : i32
      %dma_start3A_441 = tpu.memref_slice %arg4[%add3A_435, %dma_start3A_440] : memref<2560x128xi32, #tpu.memory_space<hbm>> -> memref<1x128xi32, #tpu.memory_space<hbm>>
      %dma_start3A_442 = tpu.memref_squeeze %dma_start3A_441 : memref<1x128xi32, #tpu.memory_space<hbm>> -> memref<128xi32, #tpu.memory_space<hbm>>
      %dma_start3A_443 = arith.constant 0 : i32
      %dma_start3A_444 = tpu.memref_slice %arg8[%dma_start3A_436, %dma_start3A_443] : memref<3x128xi32, #tpu.memory_space<vmem>> -> memref<1x128xi32, #tpu.memory_space<vmem>>
      %dma_start3A_445 = tpu.memref_squeeze %dma_start3A_444 : memref<1x128xi32, #tpu.memory_space<vmem>> -> memref<128xi32, #tpu.memory_space<vmem>>
      %dma_start3A_446 = arith.constant 0 : i32
      %dma_start3A_447 = tpu.memref_slice %arg4[%add3A_435, %dma_start3A_446] : memref<2560x128xi32, #tpu.memory_space<hbm>> -> memref<1x128xi32, #tpu.memory_space<hbm>>
      %dma_start3A_448 = tpu.memref_squeeze %dma_start3A_447 : memref<1x128xi32, #tpu.memory_space<hbm>> -> memref<128xi32, #tpu.memory_space<hbm>>
      tpu.enqueue_dma source(%dma_start3A_448 : memref<128xi32, #tpu.memory_space<hbm>>) target(%dma_start3A_445 : memref<128xi32, #tpu.memory_space<vmem>>) target_semaphore(%arg10 : memref<!tpu.dma_semaphore, #tpu.memory_space<semaphore_mem>>)
      %dma_start3A_449 = arith.constant 2 : i32
      %dma_start3A_450 = arith.constant 2 : i32
      %dma_start3A_451 = arith.constant 0 : i32
      %dma_start3A_452 = arith.constant 0 : i32
      %dma_start3A_453 = tpu.memref_slice %arg9[%dma_start3A_449, %dma_start3A_451, %dma_start3A_452] : memref<3x128x128xf32, #tpu.memory_space<vmem>> -> memref<1x128x128xf32, #tpu.memory_space<vmem>>
      %dma_start3A_454 = tpu.memref_squeeze %dma_start3A_453 : memref<1x128x128xf32, #tpu.memory_space<vmem>> -> memref<128x128xf32, #tpu.memory_space<vmem>>
      %dma_start3A_455 = arith.constant 0 : i32
      %dma_start3A_456 = tpu.memref_slice %arg8[%dma_start3A_450, %dma_start3A_455] : memref<3x128xi32, #tpu.memory_space<vmem>> -> memref<1x128xi32, #tpu.memory_space<vmem>>
      %dma_start3A_457 = tpu.memref_squeeze %dma_start3A_456 : memref<1x128xi32, #tpu.memory_space<vmem>> -> memref<128xi32, #tpu.memory_space<vmem>>
      %dma_start3A_458 = arith.constant 0 : i32
      %dma_start3A_459 = arith.constant 0 : i32
      %dma_start3A_460 = tpu.memref_slice %arg15[%dma_start3A_458, %dma_start3A_459] : memref<10112x128xf32, #tpu.memory_space<vmem_shared>> -> memref<10112x128xf32, #tpu.memory_space<vmem_shared>>
      tpu.enqueue_indirect_dma source(%dma_start3A_454 : memref<128x128xf32, #tpu.memory_space<vmem>>) target(%dma_start3A_460 : memref<10112x128xf32, #tpu.memory_space<vmem_shared>>) offsets(%dma_start3A_457 : memref<128xi32, #tpu.memory_space<vmem>>) semaphore(%arg14 : memref<!tpu.dma_semaphore, #tpu.memory_space<semaphore_mem>>) {add = true}
      %dma_wait3A_461 = arith.constant 1 : i32
      %dma_wait3A_462 = arith.constant 0 : i32
      %dma_wait3A_463 = tpu.memref_slice %arg7[%dma_wait3A_461, %dma_wait3A_462] : memref<3x128xi32, #tpu.memory_space<vmem>> -> memref<1x128xi32, #tpu.memory_space<vmem>>
      %dma_wait3A_464 = tpu.memref_squeeze %dma_wait3A_463 : memref<1x128xi32, #tpu.memory_space<vmem>> -> memref<128xi32, #tpu.memory_space<vmem>>
      %dma_wait3A_465 = arith.constant 0 : i32
      %dma_wait3A_466 = tpu.memref_slice %arg3[%add3A_421, %dma_wait3A_465] : memref<2560x128xi32, #tpu.memory_space<hbm>> -> memref<1x128xi32, #tpu.memory_space<hbm>>
      %dma_wait3A_467 = tpu.memref_squeeze %dma_wait3A_466 : memref<1x128xi32, #tpu.memory_space<hbm>> -> memref<128xi32, #tpu.memory_space<hbm>>
      %dma_wait3A_468 = arith.constant 0 : i32
      %dma_wait3A_469 = tpu.memref_slice %arg7[%dma_wait3A_461, %dma_wait3A_468] : memref<3x128xi32, #tpu.memory_space<vmem>> -> memref<1x128xi32, #tpu.memory_space<vmem>>
      %dma_wait3A_470 = tpu.memref_squeeze %dma_wait3A_469 : memref<1x128xi32, #tpu.memory_space<vmem>> -> memref<128xi32, #tpu.memory_space<vmem>>
      %dma_wait3A_471 = arith.constant 0 : i32
      %dma_wait3A_472 = tpu.memref_slice %arg3[%add3A_421, %dma_wait3A_471] : memref<2560x128xi32, #tpu.memory_space<hbm>> -> memref<1x128xi32, #tpu.memory_space<hbm>>
      %dma_wait3A_473 = tpu.memref_squeeze %dma_wait3A_472 : memref<1x128xi32, #tpu.memory_space<hbm>> -> memref<128xi32, #tpu.memory_space<hbm>>
      tpu.wait_dma2 semaphore(%arg10 : memref<!tpu.dma_semaphore, #tpu.memory_space<semaphore_mem>>) src(%dma_wait3A_473 : memref<128xi32, #tpu.memory_space<hbm>>) dst(%dma_wait3A_470 : memref<128xi32, #tpu.memory_space<vmem>>)
      %dma_wait3A_474 = arith.constant 1 : i32
      %dma_wait3A_475 = arith.constant 0 : i32
      %dma_wait3A_476 = tpu.memref_slice %arg8[%dma_wait3A_474, %dma_wait3A_475] : memref<3x128xi32, #tpu.memory_space<vmem>> -> memref<1x128xi32, #tpu.memory_space<vmem>>
      %dma_wait3A_477 = tpu.memref_squeeze %dma_wait3A_476 : memref<1x128xi32, #tpu.memory_space<vmem>> -> memref<128xi32, #tpu.memory_space<vmem>>
      %dma_wait3A_478 = arith.constant 0 : i32
      %dma_wait3A_479 = tpu.memref_slice %arg4[%add3A_435, %dma_wait3A_478] : memref<2560x128xi32, #tpu.memory_space<hbm>> -> memref<1x128xi32, #tpu.memory_space<hbm>>
      %dma_wait3A_480 = tpu.memref_squeeze %dma_wait3A_479 : memref<1x128xi32, #tpu.memory_space<hbm>> -> memref<128xi32, #tpu.memory_space<hbm>>
      %dma_wait3A_481 = arith.constant 0 : i32
      %dma_wait3A_482 = tpu.memref_slice %arg8[%dma_wait3A_474, %dma_wait3A_481] : memref<3x128xi32, #tpu.memory_space<vmem>> -> memref<1x128xi32, #tpu.memory_space<vmem>>
      %dma_wait3A_483 = tpu.memref_squeeze %dma_wait3A_482 : memref<1x128xi32, #tpu.memory_space<vmem>> -> memref<128xi32, #tpu.memory_space<vmem>>
      %dma_wait3A_484 = arith.constant 0 : i32
      %dma_wait3A_485 = tpu.memref_slice %arg4[%add3A_435, %dma_wait3A_484] : memref<2560x128xi32, #tpu.memory_space<hbm>> -> memref<1x128xi32, #tpu.memory_space<hbm>>
      %dma_wait3A_486 = tpu.memref_squeeze %dma_wait3A_485 : memref<1x128xi32, #tpu.memory_space<hbm>> -> memref<128xi32, #tpu.memory_space<hbm>>
      tpu.wait_dma2 semaphore(%arg10 : memref<!tpu.dma_semaphore, #tpu.memory_space<semaphore_mem>>) src(%dma_wait3A_486 : memref<128xi32, #tpu.memory_space<hbm>>) dst(%dma_wait3A_483 : memref<128xi32, #tpu.memory_space<vmem>>)
      %dma_wait3A_487 = arith.constant 0 : i32
      %dma_wait3A_488 = arith.constant 0 : i32
      %dma_wait3A_489 = arith.constant 0 : i32
      %dma_wait3A_490 = arith.constant 0 : i32
      %dma_wait3A_491 = tpu.memref_slice %arg9[%dma_wait3A_488, %dma_wait3A_489, %dma_wait3A_490] : memref<3x128x128xf32, #tpu.memory_space<vmem>> -> memref<1x128x128xf32, #tpu.memory_space<vmem>>
      %dma_wait3A_492 = tpu.memref_squeeze %dma_wait3A_491 : memref<1x128x128xf32, #tpu.memory_space<vmem>> -> memref<128x128xf32, #tpu.memory_space<vmem>>
      %dma_wait3A_493 = arith.constant 0 : i32
      %dma_wait3A_494 = tpu.memref_slice %arg7[%dma_wait3A_487, %dma_wait3A_493] : memref<3x128xi32, #tpu.memory_space<vmem>> -> memref<1x128xi32, #tpu.memory_space<vmem>>
      %dma_wait3A_495 = tpu.memref_squeeze %dma_wait3A_494 : memref<1x128xi32, #tpu.memory_space<vmem>> -> memref<128xi32, #tpu.memory_space<vmem>>
      %dma_wait3A_496 = arith.constant 0 : i32
      %dma_wait3A_497 = arith.constant 0 : i32
      %dma_wait3A_498 = tpu.memref_slice %arg2[%dma_wait3A_496, %dma_wait3A_497] : memref<10000x128xf32, #tpu.memory_space<hbm>> -> memref<10000x128xf32, #tpu.memory_space<hbm>>
      tpu.wait_indirect_dma semaphore(%arg11 : memref<!tpu.dma_semaphore, #tpu.memory_space<semaphore_mem>>) src(%dma_wait3A_498 : memref<10000x128xf32, #tpu.memory_space<hbm>>) dst(%dma_wait3A_492 : memref<128x128xf32, #tpu.memory_space<vmem>>)
      %add3A_499 = arith.constant 1 : i32
      %add3A_500 = arith.addi %add3A_390, %add3A_499 : i32
      %add3A_501 = arith.constant 2 : i32
      %add3A_502 = arith.addi %add3A_500, %add3A_501 : i32
      %ge3A_503 = arith.constant 80 : i32
      %ge3A_504 = arith.cmpi sge, %add3A_502, %ge3A_503 : i32
      %sub3A_505 = arith.constant 80 : i32
      %sub3A_506 = arith.subi %add3A_502, %sub3A_505 : i32
      %select_n3A_507 = arith.select %ge3A_504, %sub3A_506, %add3A_502 : i32
      %dma_start3A_508 = arith.constant 1 : i32
      %dma_start3A_509 = arith.constant 1 : i32
      %dma_start3A_510 = arith.constant 0 : i32
      %dma_start3A_511 = arith.constant 0 : i32
      %dma_start3A_512 = tpu.memref_slice %arg9[%dma_start3A_509, %dma_start3A_510, %dma_start3A_511] : memref<3x128x128xf32, #tpu.memory_space<vmem>> -> memref<1x128x128xf32, #tpu.memory_space<vmem>>
      %dma_start3A_513 = tpu.memref_squeeze %dma_start3A_512 : memref<1x128x128xf32, #tpu.memory_space<vmem>> -> memref<128x128xf32, #tpu.memory_space<vmem>>
      %dma_start3A_514 = arith.constant 0 : i32
      %dma_start3A_515 = tpu.memref_slice %arg7[%dma_start3A_508, %dma_start3A_514] : memref<3x128xi32, #tpu.memory_space<vmem>> -> memref<1x128xi32, #tpu.memory_space<vmem>>
      %dma_start3A_516 = tpu.memref_squeeze %dma_start3A_515 : memref<1x128xi32, #tpu.memory_space<vmem>> -> memref<128xi32, #tpu.memory_space<vmem>>
      %dma_start3A_517 = arith.constant 0 : i32
      %dma_start3A_518 = arith.constant 0 : i32
      %dma_start3A_519 = tpu.memref_slice %arg2[%dma_start3A_517, %dma_start3A_518] : memref<10000x128xf32, #tpu.memory_space<hbm>> -> memref<10000x128xf32, #tpu.memory_space<hbm>>
      tpu.enqueue_indirect_dma source(%dma_start3A_519 : memref<10000x128xf32, #tpu.memory_space<hbm>>) target(%dma_start3A_513 : memref<128x128xf32, #tpu.memory_space<vmem>>) offsets(%dma_start3A_516 : memref<128xi32, #tpu.memory_space<vmem>>) semaphore(%arg11 : memref<!tpu.dma_semaphore, #tpu.memory_space<semaphore_mem>>)
      %dma_wait3A_520 = arith.constant 2 : i32
      %dma_wait3A_521 = arith.constant 0 : i32
      %dma_wait3A_522 = arith.constant 0 : i32
      %dma_wait3A_523 = arith.constant 0 : i32
      %dma_wait3A_524 = tpu.memref_slice %arg9[%dma_wait3A_520, %dma_wait3A_522, %dma_wait3A_523] : memref<3x128x128xf32, #tpu.memory_space<vmem>> -> memref<1x128x128xf32, #tpu.memory_space<vmem>>
      %dma_wait3A_525 = tpu.memref_squeeze %dma_wait3A_524 : memref<1x128x128xf32, #tpu.memory_space<vmem>> -> memref<128x128xf32, #tpu.memory_space<vmem>>
      %dma_wait3A_526 = arith.constant 0 : i32
      %dma_wait3A_527 = tpu.memref_slice %arg8[%dma_wait3A_521, %dma_wait3A_526] : memref<3x128xi32, #tpu.memory_space<vmem>> -> memref<1x128xi32, #tpu.memory_space<vmem>>
      %dma_wait3A_528 = tpu.memref_squeeze %dma_wait3A_527 : memref<1x128xi32, #tpu.memory_space<vmem>> -> memref<128xi32, #tpu.memory_space<vmem>>
      %dma_wait3A_529 = arith.constant 0 : i32
      %dma_wait3A_530 = arith.constant 0 : i32
      %dma_wait3A_531 = tpu.memref_slice %arg15[%dma_wait3A_529, %dma_wait3A_530] : memref<10112x128xf32, #tpu.memory_space<vmem_shared>> -> memref<10112x128xf32, #tpu.memory_space<vmem_shared>>
      tpu.wait_indirect_dma semaphore(%arg14 : memref<!tpu.dma_semaphore, #tpu.memory_space<semaphore_mem>>) src(%dma_wait3A_525 : memref<128x128xf32, #tpu.memory_space<vmem>>) dst(%dma_wait3A_531 : memref<10112x128xf32, #tpu.memory_space<vmem_shared>>)
      %add3A_532 = arith.addi %mul3A_2, %select_n3A_507 : i32
      %dma_start3A_533 = arith.constant 2 : i32
      %dma_start3A_534 = arith.constant 0 : i32
      %dma_start3A_535 = tpu.memref_slice %arg7[%dma_start3A_533, %dma_start3A_534] : memref<3x128xi32, #tpu.memory_space<vmem>> -> memref<1x128xi32, #tpu.memory_space<vmem>>
      %dma_start3A_536 = tpu.memref_squeeze %dma_start3A_535 : memref<1x128xi32, #tpu.memory_space<vmem>> -> memref<128xi32, #tpu.memory_space<vmem>>
      %dma_start3A_537 = arith.constant 0 : i32
      %dma_start3A_538 = tpu.memref_slice %arg3[%add3A_532, %dma_start3A_537] : memref<2560x128xi32, #tpu.memory_space<hbm>> -> memref<1x128xi32, #tpu.memory_space<hbm>>
      %dma_start3A_539 = tpu.memref_squeeze %dma_start3A_538 : memref<1x128xi32, #tpu.memory_space<hbm>> -> memref<128xi32, #tpu.memory_space<hbm>>
      %dma_start3A_540 = arith.constant 0 : i32
      %dma_start3A_541 = tpu.memref_slice %arg7[%dma_start3A_533, %dma_start3A_540] : memref<3x128xi32, #tpu.memory_space<vmem>> -> memref<1x128xi32, #tpu.memory_space<vmem>>
      %dma_start3A_542 = tpu.memref_squeeze %dma_start3A_541 : memref<1x128xi32, #tpu.memory_space<vmem>> -> memref<128xi32, #tpu.memory_space<vmem>>
      %dma_start3A_543 = arith.constant 0 : i32
      %dma_start3A_544 = tpu.memref_slice %arg3[%add3A_532, %dma_start3A_543] : memref<2560x128xi32, #tpu.memory_space<hbm>> -> memref<1x128xi32, #tpu.memory_space<hbm>>
      %dma_start3A_545 = tpu.memref_squeeze %dma_start3A_544 : memref<1x128xi32, #tpu.memory_space<hbm>> -> memref<128xi32, #tpu.memory_space<hbm>>
      tpu.enqueue_dma source(%dma_start3A_545 : memref<128xi32, #tpu.memory_space<hbm>>) target(%dma_start3A_542 : memref<128xi32, #tpu.memory_space<vmem>>) target_semaphore(%arg10 : memref<!tpu.dma_semaphore, #tpu.memory_space<semaphore_mem>>)
      %add3A_546 = arith.addi %mul3A_2, %select_n3A_507 : i32
      %dma_start3A_547 = arith.constant 2 : i32
      %dma_start3A_548 = arith.constant 0 : i32
      %dma_start3A_549 = tpu.memref_slice %arg8[%dma_start3A_547, %dma_start3A_548] : memref<3x128xi32, #tpu.memory_space<vmem>> -> memref<1x128xi32, #tpu.memory_space<vmem>>
      %dma_start3A_550 = tpu.memref_squeeze %dma_start3A_549 : memref<1x128xi32, #tpu.memory_space<vmem>> -> memref<128xi32, #tpu.memory_space<vmem>>
      %dma_start3A_551 = arith.constant 0 : i32
      %dma_start3A_552 = tpu.memref_slice %arg4[%add3A_546, %dma_start3A_551] : memref<2560x128xi32, #tpu.memory_space<hbm>> -> memref<1x128xi32, #tpu.memory_space<hbm>>
      %dma_start3A_553 = tpu.memref_squeeze %dma_start3A_552 : memref<1x128xi32, #tpu.memory_space<hbm>> -> memref<128xi32, #tpu.memory_space<hbm>>
      %dma_start3A_554 = arith.constant 0 : i32
      %dma_start3A_555 = tpu.memref_slice %arg8[%dma_start3A_547, %dma_start3A_554] : memref<3x128xi32, #tpu.memory_space<vmem>> -> memref<1x128xi32, #tpu.memory_space<vmem>>
      %dma_start3A_556 = tpu.memref_squeeze %dma_start3A_555 : memref<1x128xi32, #tpu.memory_space<vmem>> -> memref<128xi32, #tpu.memory_space<vmem>>
      %dma_start3A_557 = arith.constant 0 : i32
      %dma_start3A_558 = tpu.memref_slice %arg4[%add3A_546, %dma_start3A_557] : memref<2560x128xi32, #tpu.memory_space<hbm>> -> memref<1x128xi32, #tpu.memory_space<hbm>>
      %dma_start3A_559 = tpu.memref_squeeze %dma_start3A_558 : memref<1x128xi32, #tpu.memory_space<hbm>> -> memref<128xi32, #tpu.memory_space<hbm>>
      tpu.enqueue_dma source(%dma_start3A_559 : memref<128xi32, #tpu.memory_space<hbm>>) target(%dma_start3A_556 : memref<128xi32, #tpu.memory_space<vmem>>) target_semaphore(%arg10 : memref<!tpu.dma_semaphore, #tpu.memory_space<semaphore_mem>>)
      %dma_start3A_560 = arith.constant 0 : i32
      %dma_start3A_561 = arith.constant 0 : i32
      %dma_start3A_562 = arith.constant 0 : i32
      %dma_start3A_563 = arith.constant 0 : i32
      %dma_start3A_564 = tpu.memref_slice %arg9[%dma_start3A_560, %dma_start3A_562, %dma_start3A_563] : memref<3x128x128xf32, #tpu.memory_space<vmem>> -> memref<1x128x128xf32, #tpu.memory_space<vmem>>
      %dma_start3A_565 = tpu.memref_squeeze %dma_start3A_564 : memref<1x128x128xf32, #tpu.memory_space<vmem>> -> memref<128x128xf32, #tpu.memory_space<vmem>>
      %dma_start3A_566 = arith.constant 0 : i32
      %dma_start3A_567 = tpu.memref_slice %arg8[%dma_start3A_561, %dma_start3A_566] : memref<3x128xi32, #tpu.memory_space<vmem>> -> memref<1x128xi32, #tpu.memory_space<vmem>>
      %dma_start3A_568 = tpu.memref_squeeze %dma_start3A_567 : memref<1x128xi32, #tpu.memory_space<vmem>> -> memref<128xi32, #tpu.memory_space<vmem>>
      %dma_start3A_569 = arith.constant 0 : i32
      %dma_start3A_570 = arith.constant 0 : i32
      %dma_start3A_571 = tpu.memref_slice %arg15[%dma_start3A_569, %dma_start3A_570] : memref<10112x128xf32, #tpu.memory_space<vmem_shared>> -> memref<10112x128xf32, #tpu.memory_space<vmem_shared>>
      tpu.enqueue_indirect_dma source(%dma_start3A_565 : memref<128x128xf32, #tpu.memory_space<vmem>>) target(%dma_start3A_571 : memref<10112x128xf32, #tpu.memory_space<vmem_shared>>) offsets(%dma_start3A_568 : memref<128xi32, #tpu.memory_space<vmem>>) semaphore(%arg12 : memref<!tpu.dma_semaphore, #tpu.memory_space<semaphore_mem>>) {add = true}
      %dma_wait3A_572 = arith.constant 2 : i32
      %dma_wait3A_573 = arith.constant 0 : i32
      %dma_wait3A_574 = tpu.memref_slice %arg7[%dma_wait3A_572, %dma_wait3A_573] : memref<3x128xi32, #tpu.memory_space<vmem>> -> memref<1x128xi32, #tpu.memory_space<vmem>>
      %dma_wait3A_575 = tpu.memref_squeeze %dma_wait3A_574 : memref<1x128xi32, #tpu.memory_space<vmem>> -> memref<128xi32, #tpu.memory_space<vmem>>
      %dma_wait3A_576 = arith.constant 0 : i32
      %dma_wait3A_577 = tpu.memref_slice %arg3[%add3A_532, %dma_wait3A_576] : memref<2560x128xi32, #tpu.memory_space<hbm>> -> memref<1x128xi32, #tpu.memory_space<hbm>>
      %dma_wait3A_578 = tpu.memref_squeeze %dma_wait3A_577 : memref<1x128xi32, #tpu.memory_space<hbm>> -> memref<128xi32, #tpu.memory_space<hbm>>
      %dma_wait3A_579 = arith.constant 0 : i32
      %dma_wait3A_580 = tpu.memref_slice %arg7[%dma_wait3A_572, %dma_wait3A_579] : memref<3x128xi32, #tpu.memory_space<vmem>> -> memref<1x128xi32, #tpu.memory_space<vmem>>
      %dma_wait3A_581 = tpu.memref_squeeze %dma_wait3A_580 : memref<1x128xi32, #tpu.memory_space<vmem>> -> memref<128xi32, #tpu.memory_space<vmem>>
      %dma_wait3A_582 = arith.constant 0 : i32
      %dma_wait3A_583 = tpu.memref_slice %arg3[%add3A_532, %dma_wait3A_582] : memref<2560x128xi32, #tpu.memory_space<hbm>> -> memref<1x128xi32, #tpu.memory_space<hbm>>
      %dma_wait3A_584 = tpu.memref_squeeze %dma_wait3A_583 : memref<1x128xi32, #tpu.memory_space<hbm>> -> memref<128xi32, #tpu.memory_space<hbm>>
      tpu.wait_dma2 semaphore(%arg10 : memref<!tpu.dma_semaphore, #tpu.memory_space<semaphore_mem>>) src(%dma_wait3A_584 : memref<128xi32, #tpu.memory_space<hbm>>) dst(%dma_wait3A_581 : memref<128xi32, #tpu.memory_space<vmem>>)
      %dma_wait3A_585 = arith.constant 2 : i32
      %dma_wait3A_586 = arith.constant 0 : i32
      %dma_wait3A_587 = tpu.memref_slice %arg8[%dma_wait3A_585, %dma_wait3A_586] : memref<3x128xi32, #tpu.memory_space<vmem>> -> memref<1x128xi32, #tpu.memory_space<vmem>>
      %dma_wait3A_588 = tpu.memref_squeeze %dma_wait3A_587 : memref<1x128xi32, #tpu.memory_space<vmem>> -> memref<128xi32, #tpu.memory_space<vmem>>
      %dma_wait3A_589 = arith.constant 0 : i32
      %dma_wait3A_590 = tpu.memref_slice %arg4[%add3A_546, %dma_wait3A_589] : memref<2560x128xi32, #tpu.memory_space<hbm>> -> memref<1x128xi32, #tpu.memory_space<hbm>>
      %dma_wait3A_591 = tpu.memref_squeeze %dma_wait3A_590 : memref<1x128xi32, #tpu.memory_space<hbm>> -> memref<128xi32, #tpu.memory_space<hbm>>
      %dma_wait3A_592 = arith.constant 0 : i32
      %dma_wait3A_593 = tpu.memref_slice %arg8[%dma_wait3A_585, %dma_wait3A_592] : memref<3x128xi32, #tpu.memory_space<vmem>> -> memref<1x128xi32, #tpu.memory_space<vmem>>
      %dma_wait3A_594 = tpu.memref_squeeze %dma_wait3A_593 : memref<1x128xi32, #tpu.memory_space<vmem>> -> memref<128xi32, #tpu.memory_space<vmem>>
      %dma_wait3A_595 = arith.constant 0 : i32
      %dma_wait3A_596 = tpu.memref_slice %arg4[%add3A_546, %dma_wait3A_595] : memref<2560x128xi32, #tpu.memory_space<hbm>> -> memref<1x128xi32, #tpu.memory_space<hbm>>
      %dma_wait3A_597 = tpu.memref_squeeze %dma_wait3A_596 : memref<1x128xi32, #tpu.memory_space<hbm>> -> memref<128xi32, #tpu.memory_space<hbm>>
      tpu.wait_dma2 semaphore(%arg10 : memref<!tpu.dma_semaphore, #tpu.memory_space<semaphore_mem>>) src(%dma_wait3A_597 : memref<128xi32, #tpu.memory_space<hbm>>) dst(%dma_wait3A_594 : memref<128xi32, #tpu.memory_space<vmem>>)
      %dma_wait3A_598 = arith.constant 1 : i32
      %dma_wait3A_599 = arith.constant 1 : i32
      %dma_wait3A_600 = arith.constant 0 : i32
      %dma_wait3A_601 = arith.constant 0 : i32
      %dma_wait3A_602 = tpu.memref_slice %arg9[%dma_wait3A_599, %dma_wait3A_600, %dma_wait3A_601] : memref<3x128x128xf32, #tpu.memory_space<vmem>> -> memref<1x128x128xf32, #tpu.memory_space<vmem>>
      %dma_wait3A_603 = tpu.memref_squeeze %dma_wait3A_602 : memref<1x128x128xf32, #tpu.memory_space<vmem>> -> memref<128x128xf32, #tpu.memory_space<vmem>>
      %dma_wait3A_604 = arith.constant 0 : i32
      %dma_wait3A_605 = tpu.memref_slice %arg7[%dma_wait3A_598, %dma_wait3A_604] : memref<3x128xi32, #tpu.memory_space<vmem>> -> memref<1x128xi32, #tpu.memory_space<vmem>>
      %dma_wait3A_606 = tpu.memref_squeeze %dma_wait3A_605 : memref<1x128xi32, #tpu.memory_space<vmem>> -> memref<128xi32, #tpu.memory_space<vmem>>
      %dma_wait3A_607 = arith.constant 0 : i32
      %dma_wait3A_608 = arith.constant 0 : i32
      %dma_wait3A_609 = tpu.memref_slice %arg2[%dma_wait3A_607, %dma_wait3A_608] : memref<10000x128xf32, #tpu.memory_space<hbm>> -> memref<10000x128xf32, #tpu.memory_space<hbm>>
      tpu.wait_indirect_dma semaphore(%arg11 : memref<!tpu.dma_semaphore, #tpu.memory_space<semaphore_mem>>) src(%dma_wait3A_609 : memref<10000x128xf32, #tpu.memory_space<hbm>>) dst(%dma_wait3A_603 : memref<128x128xf32, #tpu.memory_space<vmem>>)
      %add3A_610 = arith.constant 2 : i32
      %add3A_611 = arith.addi %add3A_390, %add3A_610 : i32
      %add3A_612 = arith.constant 2 : i32
      %add3A_613 = arith.addi %add3A_611, %add3A_612 : i32
      %ge3A_614 = arith.constant 80 : i32
      %ge3A_615 = arith.cmpi sge, %add3A_613, %ge3A_614 : i32
      %sub3A_616 = arith.constant 80 : i32
      %sub3A_617 = arith.subi %add3A_613, %sub3A_616 : i32
      %select_n3A_618 = arith.select %ge3A_615, %sub3A_617, %add3A_613 : i32
      %dma_start3A_619 = arith.constant 2 : i32
      %dma_start3A_620 = arith.constant 2 : i32
      %dma_start3A_621 = arith.constant 0 : i32
      %dma_start3A_622 = arith.constant 0 : i32
      %dma_start3A_623 = tpu.memref_slice %arg9[%dma_start3A_620, %dma_start3A_621, %dma_start3A_622] : memref<3x128x128xf32, #tpu.memory_space<vmem>> -> memref<1x128x128xf32, #tpu.memory_space<vmem>>
      %dma_start3A_624 = tpu.memref_squeeze %dma_start3A_623 : memref<1x128x128xf32, #tpu.memory_space<vmem>> -> memref<128x128xf32, #tpu.memory_space<vmem>>
      %dma_start3A_625 = arith.constant 0 : i32
      %dma_start3A_626 = tpu.memref_slice %arg7[%dma_start3A_619, %dma_start3A_625] : memref<3x128xi32, #tpu.memory_space<vmem>> -> memref<1x128xi32, #tpu.memory_space<vmem>>
      %dma_start3A_627 = tpu.memref_squeeze %dma_start3A_626 : memref<1x128xi32, #tpu.memory_space<vmem>> -> memref<128xi32, #tpu.memory_space<vmem>>
      %dma_start3A_628 = arith.constant 0 : i32
      %dma_start3A_629 = arith.constant 0 : i32
      %dma_start3A_630 = tpu.memref_slice %arg2[%dma_start3A_628, %dma_start3A_629] : memref<10000x128xf32, #tpu.memory_space<hbm>> -> memref<10000x128xf32, #tpu.memory_space<hbm>>
      tpu.enqueue_indirect_dma source(%dma_start3A_630 : memref<10000x128xf32, #tpu.memory_space<hbm>>) target(%dma_start3A_624 : memref<128x128xf32, #tpu.memory_space<vmem>>) offsets(%dma_start3A_627 : memref<128xi32, #tpu.memory_space<vmem>>) semaphore(%arg11 : memref<!tpu.dma_semaphore, #tpu.memory_space<semaphore_mem>>)
      %dma_wait3A_631 = arith.constant 0 : i32
      %dma_wait3A_632 = arith.constant 0 : i32
      %dma_wait3A_633 = arith.constant 0 : i32
      %dma_wait3A_634 = arith.constant 0 : i32
      %dma_wait3A_635 = tpu.memref_slice %arg9[%dma_wait3A_631, %dma_wait3A_633, %dma_wait3A_634] : memref<3x128x128xf32, #tpu.memory_space<vmem>> -> memref<1x128x128xf32, #tpu.memory_space<vmem>>
      %dma_wait3A_636 = tpu.memref_squeeze %dma_wait3A_635 : memref<1x128x128xf32, #tpu.memory_space<vmem>> -> memref<128x128xf32, #tpu.memory_space<vmem>>
      %dma_wait3A_637 = arith.constant 0 : i32
      %dma_wait3A_638 = tpu.memref_slice %arg8[%dma_wait3A_632, %dma_wait3A_637] : memref<3x128xi32, #tpu.memory_space<vmem>> -> memref<1x128xi32, #tpu.memory_space<vmem>>
      %dma_wait3A_639 = tpu.memref_squeeze %dma_wait3A_638 : memref<1x128xi32, #tpu.memory_space<vmem>> -> memref<128xi32, #tpu.memory_space<vmem>>
      %dma_wait3A_640 = arith.constant 0 : i32
      %dma_wait3A_641 = arith.constant 0 : i32
      %dma_wait3A_642 = tpu.memref_slice %arg15[%dma_wait3A_640, %dma_wait3A_641] : memref<10112x128xf32, #tpu.memory_space<vmem_shared>> -> memref<10112x128xf32, #tpu.memory_space<vmem_shared>>
      tpu.wait_indirect_dma semaphore(%arg12 : memref<!tpu.dma_semaphore, #tpu.memory_space<semaphore_mem>>) src(%dma_wait3A_636 : memref<128x128xf32, #tpu.memory_space<vmem>>) dst(%dma_wait3A_642 : memref<10112x128xf32, #tpu.memory_space<vmem_shared>>)
      %add3A_643 = arith.addi %mul3A_2, %select_n3A_618 : i32
      %dma_start3A_644 = arith.constant 0 : i32
      %dma_start3A_645 = arith.constant 0 : i32
      %dma_start3A_646 = tpu.memref_slice %arg7[%dma_start3A_644, %dma_start3A_645] : memref<3x128xi32, #tpu.memory_space<vmem>> -> memref<1x128xi32, #tpu.memory_space<vmem>>
      %dma_start3A_647 = tpu.memref_squeeze %dma_start3A_646 : memref<1x128xi32, #tpu.memory_space<vmem>> -> memref<128xi32, #tpu.memory_space<vmem>>
      %dma_start3A_648 = arith.constant 0 : i32
      %dma_start3A_649 = tpu.memref_slice %arg3[%add3A_643, %dma_start3A_648] : memref<2560x128xi32, #tpu.memory_space<hbm>> -> memref<1x128xi32, #tpu.memory_space<hbm>>
      %dma_start3A_650 = tpu.memref_squeeze %dma_start3A_649 : memref<1x128xi32, #tpu.memory_space<hbm>> -> memref<128xi32, #tpu.memory_space<hbm>>
      %dma_start3A_651 = arith.constant 0 : i32
      %dma_start3A_652 = tpu.memref_slice %arg7[%dma_start3A_644, %dma_start3A_651] : memref<3x128xi32, #tpu.memory_space<vmem>> -> memref<1x128xi32, #tpu.memory_space<vmem>>
      %dma_start3A_653 = tpu.memref_squeeze %dma_start3A_652 : memref<1x128xi32, #tpu.memory_space<vmem>> -> memref<128xi32, #tpu.memory_space<vmem>>
      %dma_start3A_654 = arith.constant 0 : i32
      %dma_start3A_655 = tpu.memref_slice %arg3[%add3A_643, %dma_start3A_654] : memref<2560x128xi32, #tpu.memory_space<hbm>> -> memref<1x128xi32, #tpu.memory_space<hbm>>
      %dma_start3A_656 = tpu.memref_squeeze %dma_start3A_655 : memref<1x128xi32, #tpu.memory_space<hbm>> -> memref<128xi32, #tpu.memory_space<hbm>>
      tpu.enqueue_dma source(%dma_start3A_656 : memref<128xi32, #tpu.memory_space<hbm>>) target(%dma_start3A_653 : memref<128xi32, #tpu.memory_space<vmem>>) target_semaphore(%arg10 : memref<!tpu.dma_semaphore, #tpu.memory_space<semaphore_mem>>)
      %add3A_657 = arith.addi %mul3A_2, %select_n3A_618 : i32
      %dma_start3A_658 = arith.constant 0 : i32
      %dma_start3A_659 = arith.constant 0 : i32
      %dma_start3A_660 = tpu.memref_slice %arg8[%dma_start3A_658, %dma_start3A_659] : memref<3x128xi32, #tpu.memory_space<vmem>> -> memref<1x128xi32, #tpu.memory_space<vmem>>
      %dma_start3A_661 = tpu.memref_squeeze %dma_start3A_660 : memref<1x128xi32, #tpu.memory_space<vmem>> -> memref<128xi32, #tpu.memory_space<vmem>>
      %dma_start3A_662 = arith.constant 0 : i32
      %dma_start3A_663 = tpu.memref_slice %arg4[%add3A_657, %dma_start3A_662] : memref<2560x128xi32, #tpu.memory_space<hbm>> -> memref<1x128xi32, #tpu.memory_space<hbm>>
      %dma_start3A_664 = tpu.memref_squeeze %dma_start3A_663 : memref<1x128xi32, #tpu.memory_space<hbm>> -> memref<128xi32, #tpu.memory_space<hbm>>
      %dma_start3A_665 = arith.constant 0 : i32
      %dma_start3A_666 = tpu.memref_slice %arg8[%dma_start3A_658, %dma_start3A_665] : memref<3x128xi32, #tpu.memory_space<vmem>> -> memref<1x128xi32, #tpu.memory_space<vmem>>
      %dma_start3A_667 = tpu.memref_squeeze %dma_start3A_666 : memref<1x128xi32, #tpu.memory_space<vmem>> -> memref<128xi32, #tpu.memory_space<vmem>>
      %dma_start3A_668 = arith.constant 0 : i32
      %dma_start3A_669 = tpu.memref_slice %arg4[%add3A_657, %dma_start3A_668] : memref<2560x128xi32, #tpu.memory_space<hbm>> -> memref<1x128xi32, #tpu.memory_space<hbm>>
      %dma_start3A_670 = tpu.memref_squeeze %dma_start3A_669 : memref<1x128xi32, #tpu.memory_space<hbm>> -> memref<128xi32, #tpu.memory_space<hbm>>
      tpu.enqueue_dma source(%dma_start3A_670 : memref<128xi32, #tpu.memory_space<hbm>>) target(%dma_start3A_667 : memref<128xi32, #tpu.memory_space<vmem>>) target_semaphore(%arg10 : memref<!tpu.dma_semaphore, #tpu.memory_space<semaphore_mem>>)
      %dma_start3A_671 = arith.constant 1 : i32
      %dma_start3A_672 = arith.constant 1 : i32
      %dma_start3A_673 = arith.constant 0 : i32
      %dma_start3A_674 = arith.constant 0 : i32
      %dma_start3A_675 = tpu.memref_slice %arg9[%dma_start3A_671, %dma_start3A_673, %dma_start3A_674] : memref<3x128x128xf32, #tpu.memory_space<vmem>> -> memref<1x128x128xf32, #tpu.memory_space<vmem>>
      %dma_start3A_676 = tpu.memref_squeeze %dma_start3A_675 : memref<1x128x128xf32, #tpu.memory_space<vmem>> -> memref<128x128xf32, #tpu.memory_space<vmem>>
      %dma_start3A_677 = arith.constant 0 : i32
      %dma_start3A_678 = tpu.memref_slice %arg8[%dma_start3A_672, %dma_start3A_677] : memref<3x128xi32, #tpu.memory_space<vmem>> -> memref<1x128xi32, #tpu.memory_space<vmem>>
      %dma_start3A_679 = tpu.memref_squeeze %dma_start3A_678 : memref<1x128xi32, #tpu.memory_space<vmem>> -> memref<128xi32, #tpu.memory_space<vmem>>
      %dma_start3A_680 = arith.constant 0 : i32
      %dma_start3A_681 = arith.constant 0 : i32
      %dma_start3A_682 = tpu.memref_slice %arg15[%dma_start3A_680, %dma_start3A_681] : memref<10112x128xf32, #tpu.memory_space<vmem_shared>> -> memref<10112x128xf32, #tpu.memory_space<vmem_shared>>
      tpu.enqueue_indirect_dma source(%dma_start3A_676 : memref<128x128xf32, #tpu.memory_space<vmem>>) target(%dma_start3A_682 : memref<10112x128xf32, #tpu.memory_space<vmem_shared>>) offsets(%dma_start3A_679 : memref<128xi32, #tpu.memory_space<vmem>>) semaphore(%arg13 : memref<!tpu.dma_semaphore, #tpu.memory_space<semaphore_mem>>) {add = true}
      %dma_wait3A_683 = arith.constant 0 : i32
      %dma_wait3A_684 = arith.constant 0 : i32
      %dma_wait3A_685 = tpu.memref_slice %arg7[%dma_wait3A_683, %dma_wait3A_684] : memref<3x128xi32, #tpu.memory_space<vmem>> -> memref<1x128xi32, #tpu.memory_space<vmem>>
      %dma_wait3A_686 = tpu.memref_squeeze %dma_wait3A_685 : memref<1x128xi32, #tpu.memory_space<vmem>> -> memref<128xi32, #tpu.memory_space<vmem>>
      %dma_wait3A_687 = arith.constant 0 : i32
      %dma_wait3A_688 = tpu.memref_slice %arg3[%add3A_643, %dma_wait3A_687] : memref<2560x128xi32, #tpu.memory_space<hbm>> -> memref<1x128xi32, #tpu.memory_space<hbm>>
      %dma_wait3A_689 = tpu.memref_squeeze %dma_wait3A_688 : memref<1x128xi32, #tpu.memory_space<hbm>> -> memref<128xi32, #tpu.memory_space<hbm>>
      %dma_wait3A_690 = arith.constant 0 : i32
      %dma_wait3A_691 = tpu.memref_slice %arg7[%dma_wait3A_683, %dma_wait3A_690] : memref<3x128xi32, #tpu.memory_space<vmem>> -> memref<1x128xi32, #tpu.memory_space<vmem>>
      %dma_wait3A_692 = tpu.memref_squeeze %dma_wait3A_691 : memref<1x128xi32, #tpu.memory_space<vmem>> -> memref<128xi32, #tpu.memory_space<vmem>>
      %dma_wait3A_693 = arith.constant 0 : i32
      %dma_wait3A_694 = tpu.memref_slice %arg3[%add3A_643, %dma_wait3A_693] : memref<2560x128xi32, #tpu.memory_space<hbm>> -> memref<1x128xi32, #tpu.memory_space<hbm>>
      %dma_wait3A_695 = tpu.memref_squeeze %dma_wait3A_694 : memref<1x128xi32, #tpu.memory_space<hbm>> -> memref<128xi32, #tpu.memory_space<hbm>>
      tpu.wait_dma2 semaphore(%arg10 : memref<!tpu.dma_semaphore, #tpu.memory_space<semaphore_mem>>) src(%dma_wait3A_695 : memref<128xi32, #tpu.memory_space<hbm>>) dst(%dma_wait3A_692 : memref<128xi32, #tpu.memory_space<vmem>>)
      %dma_wait3A_696 = arith.constant 0 : i32
      %dma_wait3A_697 = arith.constant 0 : i32
      %dma_wait3A_698 = tpu.memref_slice %arg8[%dma_wait3A_696, %dma_wait3A_697] : memref<3x128xi32, #tpu.memory_space<vmem>> -> memref<1x128xi32, #tpu.memory_space<vmem>>
      %dma_wait3A_699 = tpu.memref_squeeze %dma_wait3A_698 : memref<1x128xi32, #tpu.memory_space<vmem>> -> memref<128xi32, #tpu.memory_space<vmem>>
      %dma_wait3A_700 = arith.constant 0 : i32
      %dma_wait3A_701 = tpu.memref_slice %arg4[%add3A_657, %dma_wait3A_700] : memref<2560x128xi32, #tpu.memory_space<hbm>> -> memref<1x128xi32, #tpu.memory_space<hbm>>
      %dma_wait3A_702 = tpu.memref_squeeze %dma_wait3A_701 : memref<1x128xi32, #tpu.memory_space<hbm>> -> memref<128xi32, #tpu.memory_space<hbm>>
      %dma_wait3A_703 = arith.constant 0 : i32
      %dma_wait3A_704 = tpu.memref_slice %arg8[%dma_wait3A_696, %dma_wait3A_703] : memref<3x128xi32, #tpu.memory_space<vmem>> -> memref<1x128xi32, #tpu.memory_space<vmem>>
      %dma_wait3A_705 = tpu.memref_squeeze %dma_wait3A_704 : memref<1x128xi32, #tpu.memory_space<vmem>> -> memref<128xi32, #tpu.memory_space<vmem>>
      %dma_wait3A_706 = arith.constant 0 : i32
      %dma_wait3A_707 = tpu.memref_slice %arg4[%add3A_657, %dma_wait3A_706] : memref<2560x128xi32, #tpu.memory_space<hbm>> -> memref<1x128xi32, #tpu.memory_space<hbm>>
      %dma_wait3A_708 = tpu.memref_squeeze %dma_wait3A_707 : memref<1x128xi32, #tpu.memory_space<hbm>> -> memref<128xi32, #tpu.memory_space<hbm>>
      tpu.wait_dma2 semaphore(%arg10 : memref<!tpu.dma_semaphore, #tpu.memory_space<semaphore_mem>>) src(%dma_wait3A_708 : memref<128xi32, #tpu.memory_space<hbm>>) dst(%dma_wait3A_705 : memref<128xi32, #tpu.memory_space<vmem>>)
      %dma_wait3A_709 = arith.constant 2 : i32
      %dma_wait3A_710 = arith.constant 2 : i32
      %dma_wait3A_711 = arith.constant 0 : i32
      %dma_wait3A_712 = arith.constant 0 : i32
      %dma_wait3A_713 = tpu.memref_slice %arg9[%dma_wait3A_710, %dma_wait3A_711, %dma_wait3A_712] : memref<3x128x128xf32, #tpu.memory_space<vmem>> -> memref<1x128x128xf32, #tpu.memory_space<vmem>>
      %dma_wait3A_714 = tpu.memref_squeeze %dma_wait3A_713 : memref<1x128x128xf32, #tpu.memory_space<vmem>> -> memref<128x128xf32, #tpu.memory_space<vmem>>
      %dma_wait3A_715 = arith.constant 0 : i32
      %dma_wait3A_716 = tpu.memref_slice %arg7[%dma_wait3A_709, %dma_wait3A_715] : memref<3x128xi32, #tpu.memory_space<vmem>> -> memref<1x128xi32, #tpu.memory_space<vmem>>
      %dma_wait3A_717 = tpu.memref_squeeze %dma_wait3A_716 : memref<1x128xi32, #tpu.memory_space<vmem>> -> memref<128xi32, #tpu.memory_space<vmem>>
      %dma_wait3A_718 = arith.constant 0 : i32
      %dma_wait3A_719 = arith.constant 0 : i32
      %dma_wait3A_720 = tpu.memref_slice %arg2[%dma_wait3A_718, %dma_wait3A_719] : memref<10000x128xf32, #tpu.memory_space<hbm>> -> memref<10000x128xf32, #tpu.memory_space<hbm>>
      tpu.wait_indirect_dma semaphore(%arg11 : memref<!tpu.dma_semaphore, #tpu.memory_space<semaphore_mem>>) src(%dma_wait3A_720 : memref<10000x128xf32, #tpu.memory_space<hbm>>) dst(%dma_wait3A_714 : memref<128x128xf32, #tpu.memory_space<vmem>>)
    }
    %scan3A_361 = arith.constant 26 : i32
    %dma_wait3A_362 = arith.constant 1 : i32
    %dma_wait3A_363 = arith.constant 0 : i32
    %dma_wait3A_364 = arith.constant 0 : i32
    %dma_wait3A_365 = arith.constant 0 : i32
    %dma_wait3A_366 = tpu.memref_slice %arg9[%dma_wait3A_362, %dma_wait3A_364, %dma_wait3A_365] : memref<3x128x128xf32, #tpu.memory_space<vmem>> -> memref<1x128x128xf32, #tpu.memory_space<vmem>>
    %dma_wait3A_367 = tpu.memref_squeeze %dma_wait3A_366 : memref<1x128x128xf32, #tpu.memory_space<vmem>> -> memref<128x128xf32, #tpu.memory_space<vmem>>
    %dma_wait3A_368 = arith.constant 0 : i32
    %dma_wait3A_369 = tpu.memref_slice %arg8[%dma_wait3A_363, %dma_wait3A_368] : memref<3x128xi32, #tpu.memory_space<vmem>> -> memref<1x128xi32, #tpu.memory_space<vmem>>
    %dma_wait3A_370 = tpu.memref_squeeze %dma_wait3A_369 : memref<1x128xi32, #tpu.memory_space<vmem>> -> memref<128xi32, #tpu.memory_space<vmem>>
    %dma_wait3A_371 = arith.constant 0 : i32
    %dma_wait3A_372 = arith.constant 0 : i32
    %dma_wait3A_373 = tpu.memref_slice %arg15[%dma_wait3A_371, %dma_wait3A_372] : memref<10112x128xf32, #tpu.memory_space<vmem_shared>> -> memref<10112x128xf32, #tpu.memory_space<vmem_shared>>
    tpu.wait_indirect_dma semaphore(%arg13 : memref<!tpu.dma_semaphore, #tpu.memory_space<semaphore_mem>>) src(%dma_wait3A_367 : memref<128x128xf32, #tpu.memory_space<vmem>>) dst(%dma_wait3A_373 : memref<10112x128xf32, #tpu.memory_space<vmem_shared>>)
    %barrier3A_374 = arith.constant 0 : index
    tpu.barrier barrier_id(%barrier3A_374)
    %mul3A_375 = arith.constant 632 : i32
    %mul3A_376 = arith.muli %arg1, %mul3A_375 : i32
    %mul3A_377 = arith.constant 10112 : i32
    %mul3A_378 = arith.muli %arg0, %mul3A_377 : i32
    %mul3A_379 = arith.constant 632 : i32
    %mul3A_380 = arith.muli %arg1, %mul3A_379 : i32
    %add3A_381 = arith.addi %mul3A_378, %mul3A_380 : i32
    "tpu.region"() ({
      %run_scoped3A_382 = tpu.sem_alloc : memref<!tpu.dma_semaphore, #tpu.memory_space<semaphore_mem>>
      %dma_start3A_383 = arith.constant 0 : i32
      %dma_start3A_384 = tpu.memref_slice %arg6[%add3A_381, %dma_start3A_383] : memref<20224x128xf32, #tpu.memory_space<hbm>> -> memref<632x128xf32, #tpu.memory_space<hbm>>
      %dma_start3A_385 = arith.constant 0 : i32
      %dma_start3A_386 = tpu.memref_slice %arg15[%mul3A_376, %dma_start3A_385] : memref<10112x128xf32, #tpu.memory_space<vmem_shared>> -> memref<632x128xf32, #tpu.memory_space<vmem_shared>>
      tpu.enqueue_dma source(%dma_start3A_386 : memref<632x128xf32, #tpu.memory_space<vmem_shared>>) target(%dma_start3A_384 : memref<632x128xf32, #tpu.memory_space<hbm>>) target_semaphore(%run_scoped3A_382 : memref<!tpu.dma_semaphore, #tpu.memory_space<semaphore_mem>>)
      %dma_wait3A_387 = arith.constant 0 : i32
      %dma_wait3A_388 = tpu.memref_slice %arg6[%add3A_381, %dma_wait3A_387] : memref<20224x128xf32, #tpu.memory_space<hbm>> -> memref<632x128xf32, #tpu.memory_space<hbm>>
      %dma_wait3A_389 = arith.constant 0 : i32
      %dma_wait3A_390 = tpu.memref_slice %arg15[%mul3A_376, %dma_wait3A_389] : memref<10112x128xf32, #tpu.memory_space<vmem_shared>> -> memref<632x128xf32, #tpu.memory_space<vmem_shared>>
      tpu.wait_dma2 semaphore(%run_scoped3A_382 : memref<!tpu.dma_semaphore, #tpu.memory_space<semaphore_mem>>) src(%dma_wait3A_390 : memref<632x128xf32, #tpu.memory_space<vmem_shared>>) dst(%dma_wait3A_388 : memref<632x128xf32, #tpu.memory_space<hbm>>)
      tpu.yield
    }) : () -> ()
    return
  }
}

module attributes {stable_mosaic.version = 14 : i64} {
  func.func @_mm1_body(%arg0: i32, %arg1: memref<1000x128xf32, #tpu.memory_space<vmem>>, %arg2: memref<128x128xf32, #tpu.memory_space<vmem>>, %arg3: memref<2x1000x1xf32, #tpu.memory_space<vmem>>, %arg4: memref<1000x128xf32, #tpu.memory_space<vmem>>, %arg5: memref<1000x1xf32, #tpu.memory_space<vmem>>) attributes {dimension_semantics = [#tpu.dimension_semantics<arbitrary>], iteration_bounds = array<i64: 10>, scalar_prefetch = 0 : i64, scratch_operands = 0 : i64, tpu.core_type = #tpu.core_type<tc>, window_params = [{transform_indices = @transform_0, window_bounds = array<i64: 1000, 128>}, {pipeline_mode = #tpu.pipeline_mode<synchronous>, transform_indices = @transform_1, window_bounds = array<i64: 128, 128>}, {transform_indices = @transform_2, window_bounds = array<i64: 2, 1000, 1>}, {transform_indices = @transform_3, window_bounds = array<i64: 1000, 128>}, {transform_indices = @transform_4, window_bounds = array<i64: 1000, 1>}]} {
    %get3A = arith.constant 0 : index
    %get3A_0 = arith.constant 0 : index
    %get3A_1 = arith.constant 0 : index
    %get3A_2 = vector.load %arg3[%get3A, %get3A_0, %get3A_1] : memref<2x1000x1xf32, #tpu.memory_space<vmem>>, vector<1x1000x1xf32>
    %get3A_3 = vector.shape_cast %get3A_2 : vector<1x1000x1xf32> to vector<1000x1xf32>
    %get3A_4 = arith.constant 1 : index
    %get3A_5 = arith.constant 0 : index
    %get3A_6 = arith.constant 0 : index
    %get3A_7 = vector.load %arg3[%get3A_4, %get3A_5, %get3A_6] : memref<2x1000x1xf32, #tpu.memory_space<vmem>>, vector<1x1000x1xf32>
    %get3A_8 = vector.shape_cast %get3A_7 : vector<1x1000x1xf32> to vector<1000x1xf32>
    %add3A = arith.addf %get3A_3, %get3A_8 : vector<1000x1xf32>
    %add3A_9 = arith.constant 1.000000e+00 : f32
    %add3A_10 = vector.broadcast %add3A_9 : f32 to vector<1000x1xf32>
    %add3A_11 = arith.addf %add3A, %add3A_10 : vector<1000x1xf32>
    %rsqrt3A = math.rsqrt %add3A_11 : vector<1000x1xf32>
    %swap3A = arith.constant 0 : index
    %swap3A_12 = arith.constant 0 : index
    %swap3A_13 = vector.load %arg5[%swap3A, %swap3A_12] : memref<1000x1xf32, #tpu.memory_space<vmem>>, vector<1000x1xf32>
    tpu.vector_store %arg5[%swap3A, %swap3A_12], %rsqrt3A {strides = array<i32>} : memref<1000x1xf32, #tpu.memory_space<vmem>>, vector<1000x1xf32>,
    %get3A_14 = arith.constant 0 : index
    %get3A_15 = arith.constant 0 : index
    %get3A_16 = vector.load %arg1[%get3A_14, %get3A_15] : memref<1000x128xf32, #tpu.memory_space<vmem>>, vector<1000x128xf32>
    %get3A_17 = arith.constant 0 : index
    %get3A_18 = arith.constant 0 : index
    %get3A_19 = vector.load %arg2[%get3A_17, %get3A_18] : memref<128x128xf32, #tpu.memory_space<vmem>>, vector<128x128xf32>
    %dot_general3A = arith.constant dense<0.000000e+00> : vector<1000x128xf32>
    %dot_general3A_20 = tpu.matmul %get3A_16, %get3A_19, %dot_general3A {dimension_numbers = #tpu.dot_dimension_numbers<[1], [0], [0], [1], [0, 0, 1, 1], [], []>, transpose_lhs_hint = false} : vector<1000x128xf32>, vector<128x128xf32>, vector<1000x128xf32> -> vector<1000x128xf32>
    %mul3A = vector.broadcast %rsqrt3A : vector<1000x1xf32> to vector<1000x128xf32>
    %mul3A_21 = arith.mulf %dot_general3A_20, %mul3A : vector<1000x128xf32>
    %swap3A_22 = arith.constant 0 : index
    %swap3A_23 = arith.constant 0 : index
    %swap3A_24 = vector.load %arg4[%swap3A_22, %swap3A_23] : memref<1000x128xf32, #tpu.memory_space<vmem>>, vector<1000x128xf32>
    tpu.vector_store %arg4[%swap3A_22, %swap3A_23], %mul3A_21 {strides = array<i32>} : memref<1000x128xf32, #tpu.memory_space<vmem>>, vector<1000x128xf32>,
    return
  }
  func.func @transform_0(%arg0: i32) -> (i32, i32) {
    %c0_i32 = arith.constant 0 : i32
    %c0_i32_0 = arith.constant 0 : i32
    return %arg0, %c0_i32 : i32, i32
  }
  func.func @transform_1(%arg0: i32) -> (i32, i32) {
    %c0_i32 = arith.constant 0 : i32
    %c0_i32_0 = arith.constant 0 : i32
    %c0_i32_1 = arith.constant 0 : i32
    return %c0_i32, %c0_i32_0 : i32, i32
  }
  func.func @transform_2(%arg0: i32) -> (i32, i32, i32) {
    %c0_i32 = arith.constant 0 : i32
    %c0_i32_0 = arith.constant 0 : i32
    %c0_i32_1 = arith.constant 0 : i32
    return %c0_i32, %arg0, %c0_i32_0 : i32, i32, i32
  }
  func.func @transform_3(%arg0: i32) -> (i32, i32) {
    %c0_i32 = arith.constant 0 : i32
    %c0_i32_0 = arith.constant 0 : i32
    return %arg0, %c0_i32 : i32, i32
  }
  func.func @transform_4(%arg0: i32) -> (i32, i32) {
    %c0_i32 = arith.constant 0 : i32
    %c0_i32_0 = arith.constant 0 : i32
    return %arg0, %c0_i32 : i32, i32
  }
}

module attributes {stable_mosaic.version = 14 : i64} {
  func.func @_layer_body(%arg0: i32, %arg1: memref<2x1000x128xf32, #tpu.memory_space<vmem>>, %arg2: memref<1000x128xf32, #tpu.memory_space<vmem>>, %arg3: memref<1000x1xf32, #tpu.memory_space<vmem>>, %arg4: memref<1x128xf32, #tpu.memory_space<vmem>>, %arg5: memref<1000x128xf32, #tpu.memory_space<vmem>>, %arg6: memref<1x1xf32, #tpu.memory_space<smem>>, %arg7: memref<128x128xf32, #tpu.memory_space<vmem>>, %arg8: memref<1000x128xf32, #tpu.memory_space<vmem>>) attributes {dimension_semantics = [#tpu.dimension_semantics<arbitrary>], iteration_bounds = array<i64: 10>, scalar_prefetch = 0 : i64, scratch_operands = 0 : i64, tpu.core_type = #tpu.core_type<tc>, window_params = [{transform_indices = @transform_0, window_bounds = array<i64: 2, 1000, 128>}, {transform_indices = @transform_1, window_bounds = array<i64: 1000, 128>}, {transform_indices = @transform_2, window_bounds = array<i64: 1000, 1>}, {pipeline_mode = #tpu.pipeline_mode<synchronous>, transform_indices = @transform_3, window_bounds = array<i64: 1, 128>}, {transform_indices = @transform_4, window_bounds = array<i64: 1000, 128>}, {transform_indices = @transform_5, window_bounds = array<i64: 1, 1>}, {pipeline_mode = #tpu.pipeline_mode<synchronous>, transform_indices = @transform_6, window_bounds = array<i64: 128, 128>}, {transform_indices = @transform_7, window_bounds = array<i64: 1000, 128>}]} {
    %get3A = arith.constant 0 : index
    %get3A_0 = arith.constant 0 : index
    %get3A_1 = vector.load %arg3[%get3A, %get3A_0] : memref<1000x1xf32, #tpu.memory_space<vmem>>, vector<1000x1xf32>
    %get3A_2 = arith.constant 0 : index
    %get3A_3 = arith.constant 0 : index
    %get3A_4 = arith.constant 0 : index
    %get3A_5 = vector.load %arg1[%get3A_2, %get3A_3, %get3A_4] : memref<2x1000x128xf32, #tpu.memory_space<vmem>>, vector<1x1000x128xf32>
    %get3A_6 = vector.shape_cast %get3A_5 : vector<1x1000x128xf32> to vector<1000x128xf32>
    %get3A_7 = arith.constant 1 : index
    %get3A_8 = arith.constant 0 : index
    %get3A_9 = arith.constant 0 : index
    %get3A_10 = vector.load %arg1[%get3A_7, %get3A_8, %get3A_9] : memref<2x1000x128xf32, #tpu.memory_space<vmem>>, vector<1x1000x128xf32>
    %get3A_11 = vector.shape_cast %get3A_10 : vector<1x1000x128xf32> to vector<1000x128xf32>
    %add3A = arith.addf %get3A_6, %get3A_11 : vector<1000x128xf32>
    %get3A_12 = arith.constant 0 : index
    %get3A_13 = arith.constant 0 : index
    %get3A_14 = vector.load %arg2[%get3A_12, %get3A_13] : memref<1000x128xf32, #tpu.memory_space<vmem>>, vector<1000x128xf32>
    %add3A_15 = arith.addf %add3A, %get3A_14 : vector<1000x128xf32>
    %mul3A = vector.broadcast %get3A_1 : vector<1000x1xf32> to vector<1000x128xf32>
    %mul3A_16 = arith.mulf %add3A_15, %mul3A : vector<1000x128xf32>
    %get3A_17 = arith.constant 0 : index
    %get3A_18 = arith.constant 0 : index
    %get3A_19 = vector.load %arg4[%get3A_17, %get3A_18] : memref<1x128xf32, #tpu.memory_space<vmem>>, vector<1x128xf32>
    %add3A_20 = vector.broadcast %get3A_19 : vector<1x128xf32> to vector<1000x128xf32>
    %add3A_21 = arith.addf %mul3A_16, %add3A_20 : vector<1000x128xf32>
    %get3A_22 = arith.constant 0 : index
    %get3A_23 = arith.constant 0 : index
    %get3A_24 = vector.load %arg5[%get3A_22, %get3A_23] : memref<1000x128xf32, #tpu.memory_space<vmem>>, vector<1000x128xf32>
    %get3A_25 = arith.constant 0 : index
    %get3A_26 = arith.constant 0 : index
    %get3A_27 = memref.load %arg6[%get3A_25, %get3A_26] : memref<1x1xf32, #tpu.memory_space<smem>>
    %mul3A_28 = vector.broadcast %get3A_27 : f32 to vector<1000x128xf32>
    %mul3A_29 = arith.mulf %get3A_24, %mul3A_28 : vector<1000x128xf32>
    %add3A_30 = arith.addf %add3A_21, %mul3A_29 : vector<1000x128xf32>
    %max3A = arith.constant 0.000000e+00 : f32
    %max3A_31 = vector.broadcast %max3A : f32 to vector<1000x128xf32>
    %max3A_32 = arith.maximumf %add3A_30, %max3A_31 : vector<1000x128xf32>
    %get3A_33 = arith.constant 0 : index
    %get3A_34 = arith.constant 0 : index
    %get3A_35 = vector.load %arg7[%get3A_33, %get3A_34] : memref<128x128xf32, #tpu.memory_space<vmem>>, vector<128x128xf32>
    %dot_general3A = arith.constant dense<0.000000e+00> : vector<1000x128xf32>
    %dot_general3A_36 = tpu.matmul %max3A_32, %get3A_35, %dot_general3A {dimension_numbers = #tpu.dot_dimension_numbers<[1], [0], [0], [1], [0, 0, 1, 1], [], []>, transpose_lhs_hint = false} : vector<1000x128xf32>, vector<128x128xf32>, vector<1000x128xf32> -> vector<1000x128xf32>
    %mul3A_37 = vector.broadcast %get3A_1 : vector<1000x1xf32> to vector<1000x128xf32>
    %mul3A_38 = arith.mulf %dot_general3A_36, %mul3A_37 : vector<1000x128xf32>
    %swap3A = arith.constant 0 : index
    %swap3A_39 = arith.constant 0 : index
    %swap3A_40 = vector.load %arg8[%swap3A, %swap3A_39] : memref<1000x128xf32, #tpu.memory_space<vmem>>, vector<1000x128xf32>
    tpu.vector_store %arg8[%swap3A, %swap3A_39], %mul3A_38 {strides = array<i32>} : memref<1000x128xf32, #tpu.memory_space<vmem>>, vector<1000x128xf32>,
    return
  }
  func.func @transform_0(%arg0: i32) -> (i32, i32, i32) {
    %c0_i32 = arith.constant 0 : i32
    %c0_i32_0 = arith.constant 0 : i32
    %c0_i32_1 = arith.constant 0 : i32
    return %c0_i32, %arg0, %c0_i32_0 : i32, i32, i32
  }
  func.func @transform_1(%arg0: i32) -> (i32, i32) {
    %c0_i32 = arith.constant 0 : i32
    %c0_i32_0 = arith.constant 0 : i32
    return %arg0, %c0_i32 : i32, i32
  }
  func.func @transform_2(%arg0: i32) -> (i32, i32) {
    %c0_i32 = arith.constant 0 : i32
    %c0_i32_0 = arith.constant 0 : i32
    return %arg0, %c0_i32 : i32, i32
  }
  func.func @transform_3(%arg0: i32) -> (i32, i32) {
    %c0_i32 = arith.constant 0 : i32
    %c0_i32_0 = arith.constant 0 : i32
    %c0_i32_1 = arith.constant 0 : i32
    return %c0_i32, %c0_i32_0 : i32, i32
  }
  func.func @transform_4(%arg0: i32) -> (i32, i32) {
    %c0_i32 = arith.constant 0 : i32
    %c0_i32_0 = arith.constant 0 : i32
    return %arg0, %c0_i32 : i32, i32
  }
  func.func @transform_5(%arg0: i32) -> (i32, i32) {
    %c0_i32 = arith.constant 0 : i32
    %c0_i32_0 = arith.constant 0 : i32
    %c0_i32_1 = arith.constant 0 : i32
    return %c0_i32, %c0_i32_0 : i32, i32
  }
  func.func @transform_6(%arg0: i32) -> (i32, i32) {
    %c0_i32 = arith.constant 0 : i32
    %c0_i32_0 = arith.constant 0 : i32
    %c0_i32_1 = arith.constant 0 : i32
    return %c0_i32, %c0_i32_0 : i32, i32
  }
  func.func @transform_7(%arg0: i32) -> (i32, i32) {
    %c0_i32 = arith.constant 0 : i32
    %c0_i32_0 = arith.constant 0 : i32
    return %arg0, %c0_i32 : i32, i32
  }
}

module attributes {stable_mosaic.version = 14 : i64} {
  func.func @_final_body(%arg0: i32, %arg1: memref<2x1000x128xf32, #tpu.memory_space<vmem>>, %arg2: memref<1000x128xf32, #tpu.memory_space<vmem>>, %arg3: memref<1000x1xf32, #tpu.memory_space<vmem>>, %arg4: memref<1x128xf32, #tpu.memory_space<vmem>>, %arg5: memref<1000x128xf32, #tpu.memory_space<vmem>>, %arg6: memref<1x1xf32, #tpu.memory_space<smem>>, %arg7: memref<1000x128xf32, #tpu.memory_space<vmem>>) attributes {dimension_semantics = [#tpu.dimension_semantics<arbitrary>], iteration_bounds = array<i64: 10>, scalar_prefetch = 0 : i64, scratch_operands = 0 : i64, tpu.core_type = #tpu.core_type<tc>, window_params = [{transform_indices = @transform_0, window_bounds = array<i64: 2, 1000, 128>}, {transform_indices = @transform_1, window_bounds = array<i64: 1000, 128>}, {transform_indices = @transform_2, window_bounds = array<i64: 1000, 1>}, {pipeline_mode = #tpu.pipeline_mode<synchronous>, transform_indices = @transform_3, window_bounds = array<i64: 1, 128>}, {transform_indices = @transform_4, window_bounds = array<i64: 1000, 128>}, {transform_indices = @transform_5, window_bounds = array<i64: 1, 1>}, {transform_indices = @transform_6, window_bounds = array<i64: 1000, 128>}]} {
    %get3A = arith.constant 0 : index
    %get3A_0 = arith.constant 0 : index
    %get3A_1 = arith.constant 0 : index
    %get3A_2 = vector.load %arg1[%get3A, %get3A_0, %get3A_1] : memref<2x1000x128xf32, #tpu.memory_space<vmem>>, vector<1x1000x128xf32>
    %get3A_3 = vector.shape_cast %get3A_2 : vector<1x1000x128xf32> to vector<1000x128xf32>
    %get3A_4 = arith.constant 1 : index
    %get3A_5 = arith.constant 0 : index
    %get3A_6 = arith.constant 0 : index
    %get3A_7 = vector.load %arg1[%get3A_4, %get3A_5, %get3A_6] : memref<2x1000x128xf32, #tpu.memory_space<vmem>>, vector<1x1000x128xf32>
    %get3A_8 = vector.shape_cast %get3A_7 : vector<1x1000x128xf32> to vector<1000x128xf32>
    %add3A = arith.addf %get3A_3, %get3A_8 : vector<1000x128xf32>
    %get3A_9 = arith.constant 0 : index
    %get3A_10 = arith.constant 0 : index
    %get3A_11 = vector.load %arg2[%get3A_9, %get3A_10] : memref<1000x128xf32, #tpu.memory_space<vmem>>, vector<1000x128xf32>
    %add3A_12 = arith.addf %add3A, %get3A_11 : vector<1000x128xf32>
    %get3A_13 = arith.constant 0 : index
    %get3A_14 = arith.constant 0 : index
    %get3A_15 = vector.load %arg3[%get3A_13, %get3A_14] : memref<1000x1xf32, #tpu.memory_space<vmem>>, vector<1000x1xf32>
    %mul3A = vector.broadcast %get3A_15 : vector<1000x1xf32> to vector<1000x128xf32>
    %mul3A_16 = arith.mulf %add3A_12, %mul3A : vector<1000x128xf32>
    %get3A_17 = arith.constant 0 : index
    %get3A_18 = arith.constant 0 : index
    %get3A_19 = vector.load %arg4[%get3A_17, %get3A_18] : memref<1x128xf32, #tpu.memory_space<vmem>>, vector<1x128xf32>
    %add3A_20 = vector.broadcast %get3A_19 : vector<1x128xf32> to vector<1000x128xf32>
    %add3A_21 = arith.addf %mul3A_16, %add3A_20 : vector<1000x128xf32>
    %get3A_22 = arith.constant 0 : index
    %get3A_23 = arith.constant 0 : index
    %get3A_24 = vector.load %arg5[%get3A_22, %get3A_23] : memref<1000x128xf32, #tpu.memory_space<vmem>>, vector<1000x128xf32>
    %get3A_25 = arith.constant 0 : index
    %get3A_26 = arith.constant 0 : index
    %get3A_27 = memref.load %arg6[%get3A_25, %get3A_26] : memref<1x1xf32, #tpu.memory_space<smem>>
    %mul3A_28 = vector.broadcast %get3A_27 : f32 to vector<1000x128xf32>
    %mul3A_29 = arith.mulf %get3A_24, %mul3A_28 : vector<1000x128xf32>
    %add3A_30 = arith.addf %add3A_21, %mul3A_29 : vector<1000x128xf32>
    %swap3A = arith.constant 0 : index
    %swap3A_31 = arith.constant 0 : index
    %swap3A_32 = vector.load %arg7[%swap3A, %swap3A_31] : memref<1000x128xf32, #tpu.memory_space<vmem>>, vector<1000x128xf32>
    tpu.vector_store %arg7[%swap3A, %swap3A_31], %add3A_30 {strides = array<i32>} : memref<1000x128xf32, #tpu.memory_space<vmem>>, vector<1000x128xf32>,
    return
  }
  func.func @transform_0(%arg0: i32) -> (i32, i32, i32) {
    %c0_i32 = arith.constant 0 : i32
    %c0_i32_0 = arith.constant 0 : i32
    %c0_i32_1 = arith.constant 0 : i32
    return %c0_i32, %arg0, %c0_i32_0 : i32, i32, i32
  }
  func.func @transform_1(%arg0: i32) -> (i32, i32) {
    %c0_i32 = arith.constant 0 : i32
    %c0_i32_0 = arith.constant 0 : i32
    return %arg0, %c0_i32 : i32, i32
  }
  func.func @transform_2(%arg0: i32) -> (i32, i32) {
    %c0_i32 = arith.constant 0 : i32
    %c0_i32_0 = arith.constant 0 : i32
    return %arg0, %c0_i32 : i32, i32
  }
  func.func @transform_3(%arg0: i32) -> (i32, i32) {
    %c0_i32 = arith.constant 0 : i32
    %c0_i32_0 = arith.constant 0 : i32
    %c0_i32_1 = arith.constant 0 : i32
    return %c0_i32, %c0_i32_0 : i32, i32
  }
  func.func @transform_4(%arg0: i32) -> (i32, i32) {
    %c0_i32 = arith.constant 0 : i32
    %c0_i32_0 = arith.constant 0 : i32
    return %arg0, %c0_i32 : i32, i32
  }
  func.func @transform_5(%arg0: i32) -> (i32, i32) {
    %c0_i32 = arith.constant 0 : i32
    %c0_i32_0 = arith.constant 0 : i32
    %c0_i32_1 = arith.constant 0 : i32
    return %c0_i32, %c0_i32_0 : i32, i32
  }
  func.func @transform_6(%arg0: i32) -> (i32, i32) {
    %c0_i32 = arith.constant 0 : i32
    %c0_i32_0 = arith.constant 0 : i32
    return %arg0, %c0_i32 : i32, i32
  }
}

</mosaic_0001>

<sc_bundles>
// kernel: kernel.11.cloned.1.call-start
scs
__scs_entry_jumppad:
0x0: {  	(pc) =	sbr.rel $0x88, $3  }
0x1: {  	(tag) =	ssettag $0x0;
	lr =	simm.s32 $0x1  }
0x2: {  	[smem:$0x3F98] =	sst lr;
	_ =	strace $0xD0000000  }
0x3: {  	_ = 	snop  }
0x4: {  	_ = 	snop  }
0x5: {  	_ = 	snop  }
0x6: {  	_ = 	snop  }
0x7: {  	_ = 	snop  }
__scs_overlays_trampoline_lowered:
0x8: {  	[smem:$0x3FA7] =	sst s0  }
0x9: {  	[smem:$0x3FA8] =	sst s1  }
0xa: {  	[smem:$0x3FA9] =	sst s2  }
0xb: {  	[smem:$0x3FAA] =	sst s3  }
0xc: {  	[smem:$0x3FAB] =	sst s4  }
0xd: {  	[smem:$0x3FAC] =	sst s5  }
0xe: {  	[smem:$0x3FAD] =	sst s6  }
0xf: {  	[smem:$0x3FAE] =	sst s7  }
0x10: {  	[smem:$0x3FAF] =	sst s8  }
0x11: {  	[smem:$0x3FB0] =	sst s9;
	s0 =	simm.s32 @!p0 $0x0  }
0x12: {  	s1 =	sld [smem:$0x3F96];
	s0 =	simm.s32 @p0 $0x1  }
0x13: {  	[smem:$0x3FB1] =	sst s0;
	s0 =	simm.s32 @!p1 $0x0  }
0x14: {  	s2 =	sld [smem:$0x3F95];
	s0 =	simm.s32 @p1 $0x1  }
0x15: {  	[smem:$0x3FB2] =	sst s0;
	s0 =	simm.s32 @!p2 $0x0  }
0x16: {  	s3 =	sld [smem:$0x3FDB];
	s0 =	simm.s32 @p2 $0x1  }
0x17: {  	s4 =	simm.s32 $0x1BF5;
	[smem:$0x3FB4] =	sst s0  }
0x18: {  	s0 =	sld [smem:$0x3F97];
	_ =	swait.ge [sflag:s4], $0x0  }
0x19: {  	s7 =	sld [smem:$0x3F98]  }
0x1a: {  	s8 =	sadd.s32 $0xFFFFE003, lr  }
0x1b: {  	s9 =	sadd.s32 $0xFFFFFEF7, lr;
	s5 =	simm.s32 $0xFFFFFFFF;
	p2 =	slt.u32 s8, $0xFFFFF086  }
0x1c: {  	p1 =	slt.u32 s9, $0xF7A;
	s5 =	simm.s32 @!p2 $0x0  }
0x1d: {  	s5 =	simm.s32 @p1 $0x1;
	p0 =	seq.s32 s7, s2  }
0x1e: {  	s7 =	smul.u32 @!p0 $0xF7A, s2;
	p2 =	seq.s32 @!p0 s5, $0x0  }
0x1f: {  	s9 =	smul.u32 $0xF7A, s1;
	s8 =	simm.s32 @!p0 $0x1BF5;
	p2 =	por !p2, p0  }
0x20: {  	[sflag:s8] =	ssyncset.s32 @!p0 $0xFFFFF086;
	s6 =	sadd.s32 @!p0 s3, s7;
	s7 =	simm.s32 @!p0 $0x108  }
0x21: {  	s3 =	sadd.s32 s3, s9;
	s6 =	sadd.s32 @!p0 $0x88, s6;
	s7 =	simm.s32 @p2 $0x1082  }
0x22: {  	[simem:s7], [sflag:s8] =	dma.local @!p0 [hbm:s6], $0xF7A  }
0x23: {  	s9 =	sor.u32 $0xD0000000, s2;
	s6 =	simm.s32 $0x108;
	_ =	swait.ge @!p0 [sflag:s8], $0x0  }
0x24: {  	s3 =	sadd.s32 $0x88, s3;
	s6 =	simm.s32 @!p1 $0x1082;
	[sflag:s4] =	ssyncset.s32 $0xFFFFF086  }
0x25: {  	[simem:s6], [sflag:s4] =	dma.local [hbm:s3], $0xF7A  }
0x26: {  	[smem:$0x3F98] =	sst s1;
	(tag) =	ssettag s2;
	_ =	strace s9  }
0x27: {  	s1 =	sld [smem:$0x3FA8]  }
0x28: {  	s2 =	sld [smem:$0x3FA9]  }
0x29: {  	s4 =	sld [smem:$0x3FAB]  }
0x2a: {  	p0 =	seq.s32 s5, $0x0;
	s5 =	sld [smem:$0x3FAC]  }
0x2b: {  	s6 =	sld [smem:$0x3FAD]  }
0x2c: {  	s7 =	sld [smem:$0x3FAE]  }
0x2d: {  	s3 =	simm.s32 $0x108;
	s8 =	sld [smem:$0x3FAF]  }
0x2e: {  	s3 =	simm.s32 @!p0 $0x1082;
	s9 =	sld [smem:$0x3FB0]  }
0x2f: {  	lr =	sadd.s32 s0, s3;
	s0 =	sld [smem:$0x3FA7]  }
0x30: {  	s3 =	sld [smem:$0x3FAA]  }
0x31: {  	[smem:$0x3FB3] =	sst s10  }
0x32: {  	s10 =	sld [smem:$0x3FB1];
	_ =	sdelay $0x3  }
0x33: {  	p0 =	seq.s32 s10, $0x1;
	s10 =	sld [smem:$0x3FB3];
	_ =	sdelay $0x3  }
0x34: {  	[smem:$0x3FB3] =	sst s10  }
0x35: {  	s10 =	sld [smem:$0x3FB2];
	_ =	sdelay $0x3  }
0x36: {  	p1 =	seq.s32 s10, $0x1;
	s10 =	sld [smem:$0x3FB3];
	_ =	sdelay $0x3  }
0x37: {  	[smem:$0x3FB3] =	sst s10  }
0x38: {  	s10 =	sld [smem:$0x3FB4]  }
0x39: {  	_ = 	snop;
	(pc) =	sbr.ind lr, $3  }
0x3a: {  	_ = 	snop  }
0x3b: {  	_ = 	snop  }
0x3c: {  	p2 =	seq.s32 s10, $0x1;
	s10 =	sld [smem:$0x3FB3]  }
0x3d: {  	_ =	shalt  }
0x3e: {  	_ =	shalt  }
0x3f: {  	_ =	shalt  }
0x40: {  	_ =	shalt  }
0x41: {  	_ =	shalt  }
0x42: {  	_ =	shalt  }
0x43: {  	_ =	shalt  }
0x44: {  	_ =	shalt  }
0x45: {  	_ =	shalt  }
0x46: {  	_ =	shalt  }
0x47: {  	_ =	shalt  }
0x48: {  	_ =	shalt  }
0x49: {  	_ =	shalt  }
0x4a: {  	_ =	shalt  }
0x4b: {  	_ =	shalt  }
0x4c: {  	_ =	shalt  }
0x4d: {  	_ =	shalt  }
0x4e: {  	_ =	shalt  }
0x4f: {  	_ =	shalt  }
0x50: {  	_ =	shalt  }
0x51: {  	_ =	shalt  }
0x52: {  	_ =	shalt  }
0x53: {  	_ =	shalt  }
0x54: {  	_ =	shalt  }
0x55: {  	_ =	shalt  }
0x56: {  	_ =	shalt  }
0x57: {  	_ =	shalt  }
0x58: {  	_ =	shalt  }
0x59: {  	_ =	shalt  }
0x5a: {  	_ =	shalt  }
0x5b: {  	_ =	shalt  }
0x5c: {  	_ =	shalt  }
0x5d: {  	_ =	shalt  }
0x5e: {  	_ =	shalt  }
0x5f: {  	_ =	shalt  }
0x60: {  	_ =	shalt  }
0x61: {  	_ =	shalt  }
0x62: {  	_ =	shalt  }
0x63: {  	_ =	shalt  }
0x64: {  	_ =	shalt  }
0x65: {  	_ =	shalt  }
0x66: {  	_ =	shalt  }
0x67: {  	_ =	shalt  }
0x68: {  	_ =	shalt  }
0x69: {  	_ =	shalt  }
0x6a: {  	_ =	shalt  }
0x6b: {  	_ =	shalt  }
0x6c: {  	_ =	shalt  }
0x6d: {  	_ =	shalt  }
0x6e: {  	_ =	shalt  }
0x6f: {  	_ =	shalt  }
0x70: {  	_ =	shalt  }
0x71: {  	_ =	shalt  }
0x72: {  	_ =	shalt  }
0x73: {  	_ =	shalt  }
0x74: {  	_ =	shalt  }
0x75: {  	_ =	shalt  }
0x76: {  	_ =	shalt  }
0x77: {  	_ =	shalt  }
0x78: {  	_ =	shalt  }
0x79: {  	_ =	shalt  }
0x7a: {  	_ =	shalt  }
0x7b: {  	_ =	shalt  }
0x7c: {  	_ =	shalt  }
0x7d: {  	_ =	shalt  }
0x7e: {  	_ =	shalt  }
0x7f: {  	_ =	shalt  }
0x80: {  	_ =	shalt  }
0x81: {  	_ =	shalt  }
0x82: {  	_ =	shalt  }
0x83: {  	_ =	shalt  }
0x84: {  	_ =	shalt  }
0x85: {  	_ =	shalt  }
0x86: {  	_ =	shalt  }
0x87: {  	_ =	shalt  }
.Lfunc_end0:
.L_simem_size_0:
called_computation.1_lowered:
.L_overlay_start_0:
0x88: {  	s2 =	sld [smem:$0x3FD9]  }
0x89: {  	s3 =	sld [smem:$0x3FFE];
	_ =	sdelay $0x1  }
0x8a: {  	s1 =	srdreg.scid  }
0x8b: {  	s0 =	sand.u32 $0x1, s1  }
0x8c: {  	s17 =	sshll.u32 s0, $0xA;
	s2 =	sadd.s32 s3, s2  }
0x8d: {  	s2 =	sadd.s32 s2, s17  }
0x8e: {  	[smem:$0x3FBF] =	sst s2  }
0x8f: {  	_ = 	snop  }
0x90: {  	s2 =	sld [smem:$0x3FD0];
	(tm) =	ssettm $0x1  }
0x91: {  	s18 =	sld [smem:$0x3FFB];
	_ =	sdelay $0x3  }
0x92: {  	_ =	strace s18  }
0x93: {  	s3 =	sld [smem:$0x3FFC];
	_ =	sdelay $0x3  }
0x94: {  	_ =	strace s3  }
0x95: {  	s3 =	sld [smem:$0x3FFD];
	_ =	sdelay $0x3  }
0x96: {  	_ =	strace s3  }
0x97: {  	_ =	strace $0x8FFFFFFF  }
0x98: {  	s19 =	sld [smem:$0x3FDB];
	_ =	sdelay $0x1  }
0x99: {  	s4 =	simm.s32 $_scs_section_size  }
0x9a: {  	s5 =	simm.s32 $_size__tile_overlayer_lowered;
	s6 =	simm.s32 $_tile_overlayer_lowered  }
0x9b: {  	s22 =	simm.s32 $0x1BFF;
	s21 =	sshll.u32 s6, $0x1;
	s3 =	sadd.s32 s4, s19  }
0x9c: {  	s7 =	simm.s32 $0x0;
	s20 =	sshll.u32 s5, $0x1;
	s5 =	sadd.s32 s21, s3  }
0x9d: {  	[timem:s7], [sflag:s22] =	dma.local [hbm:s5], s20  }
0x9e: {  	_ =	swait.ge [sflag:s22], s20  }
0x9f: {  	s4 =	ssub.s32 $0x0, s20;
	[sflag:s22] =	ssyncset.done $0x0  }
0xa0: {  	[sflag:s22] =	ssyncadd.s32 s4;
	_ =	sdelay $0x1  }
0xa1: {  	s23 =	simm.s32 $0x1B8B  }
0xa2: {  	_ =	swait.ge [sflag:s23], $0x1  }
0xa3: {  	[sflag:s23] =	ssyncset.done $0x0  }
0xa4: {  	s25 =	simm.s32 $0x1B8E;
	s24 =	sld [smem:$0x3FFE];
	[sflag:s23] =	ssyncadd.s32 $0xFFFFFFFF  }
0xa5: {  	s26 =	simm.s32 $execute0_lowered;
	[smem:$0x3FD2] =	sst s25  }
0xa6: {  	s5 =	sshll.u32 s26, $0x1;
	_ =	strace $0x80000049;
	[dreg:$0x1] =	wrdreg $0xFFFFFFFF  }
0xa7: {  	s28 =	simm.s32 $_size_execute0_lowered;
	s3 =	sadd.s32 s3, s5;
	[dreg:$0x0] =	wrdreg $0x0  }
0xa8: {  	s5 =	sshll.u32 s28, $0x1;
	[dreg:$0x2] =	wrdreg s3  }
0xa9: {  	[dreg:$0x3] =	wrdreg s5  }
0xaa: {  	[dreg:$0x4] =	wrdreg $0xC0  }
0xab: {  	_ =	task [dreg:s7], $0x5FFFF  }
0xac: {  	[dreg:$0x1] =	wrdreg $0xFFFFFFFF  }
0xad: {  	[dreg:$0x0] =	wrdreg $0x60  }
0xae: {  	[dreg:$0x2] =	wrdreg s2  }
0xaf: {  	[dreg:$0x3] =	wrdreg s24  }
0xb0: {  	[dreg:$0x4] =	wrdreg $0xC4000  }
0xb1: {  	[dreg:$0x5] =	wrdreg $0x9  }
0xb2: {  	_ =	task.clear_ibuf [dreg:s7], $0x6FFFF;
	_ =	strace $0x90000049  }
0xb3: {  	s29 =	simm.s32 $0x9;
	_ =	strace $0x8000004B  }
0xb4: {  	_ =	swait.ge [sflag:s29], $0x1  }
0xb5: {  	[sflag:s29] =	ssyncadd.s32 $0xFFFFFFFF  }
0xb6: {  	_ =	strace $0x9000004B  }
0xb7: {  	_ =	sfence  }
0xb8: {  	s30 =	sld [smem:$0x0];
	_ =	sdelay $0x2  }
0xb9: {  	s31 =	sshll.u32 s1, $0xD;
	s1 =	sshrl.u32 s1, $0x2  }
0xba: {  	s3 =	sand.u32 $0x4000, s31;
	s1 =	sadd.s32 s1, s30  }
0xbb: {  	s0 =	sor.u32 s3, s0;
	s1 =	sshll.u32 s1, $0x11  }
0xbc: {  	s0 =	sor.u32 s1, s0  }
0xbd: {  	s0 =	sadd.s32 $0x8F2B, s0  }
0xbe: {  	[sflag:s0] =	ssyncadd.remote.s32 $0x1  }
0xbf: {  	_ =	sfence.sel $0xFFFF  }
0xc0: {  	[dreg:$0x0] =	wrdreg $0xFFFFFFFF;
	(pc) =	sbr.abs _section_cstart, $3  }
0xc1: {  	[dreg:$0x1] =	wrdreg $0xFFFFFFFF  }
0xc2: {  	_ =	task.clear_ibuf [dreg:s7], $0x2FFFF;
	_ =	strace $0x9FFFFFFF  }
0xc3: {  	(tm) =	ssettm $0x7FFFFFFF  }
tec
execute0_lowered:
.L_overlay_start_1:
0x0: {  	(tag) =	ssettag $0x1  }
0x1: {  	s1 =	rddreg [dreg:$0x0]  }
0x2: {  	s0 =	rddreg [dreg:$0x1]  }
0x3: {  	s2 =	rddreg [dreg:$0x2];
	s3 =	srdreg.scid  }
0x4: {  	s4 =	simm.s32 $0x0;
	s14 =	stileid.u32;
	s28 =	simm.s32 $0x200  }
0x5: {  	s29 =	simm.s32 $0x80;
	s30 =	simm.s32 $0x280;
	s31 =	simm.s32 $0x1  }
0x6: {  	s3 =	sand.u32 $0x1, s3;
	[smem:$0x7FF] =	sst s4;
	s8 =	smul.u32 $0x2780, s14  }
0x7: {  	s5 =	sadd.s32 $0xD600, s0;
	s6 =	sadd.s32 $0x3600, s0;
	s9 =	sadd.s32 $0x17600, s0  }
0x8: {  	s12 =	sshll.u32 s14, $0x1;
	s15 =	sshll.u32 s14, $0xE;
	s25 =	smul.u32 $0x4F000, s14  }
0x9: {  	p0 =	seq.s32 s14, $0xF;
	s7 =	smul.u32 $0x27800, s3;
	_ =	strace $0x8000004A  }
0xa: {  	[dreg:$0x5] =	wrdreg s9;
	s10 =	sor.u32 s3, s12;
	s12 =	smul.u32 $0xA00, s14  }
0xb: {  	s11 =	ssub.s32 $0x2, s3;
	s3 =	smul.u32 $0x500, s3;
	s14 =	simm.s32 $0x5  }
0xc: {  	s13 =	sshrl.u32 s11, $0x1;
	s9 =	smul.u32 $0x50, s10;
	s7 =	sadd.s32 s8, s7  }
0xd: {  	s8 =	sadd.s32 s15, s2;
	s3 =	sadd.s32 s3, s12;
	s12 =	simm.s32 $0x3  }
0xe: {  	s0 =	sadd.s32 s7, s0;
	s16 =	sadd.s32 $0x40000, s8;
	[dreg:$0x4] =	wrdreg s3  }
0xf: {  	s7 =	ssub.s32 s11, s13;
	s17 =	sadd.s32 $0x80000, s8;
	[dreg:$0x6] =	wrdreg s16  }
0x10: {  	s11 =	smul.u32 $0x500, s10;
	s18 =	sadd.s32 $0xC0000, s8;
	[dreg:$0x7] =	wrdreg s17  }
0x11: {  	s15 =	simm.s32 $0x0;
	s19 =	sadd.s32 $0x100000, s8;
	[dreg:$0x8] =	wrdreg s18  }
0x12: {  	s3 =	simm.s32 $0x4400;
	[dreg:$0x9] =	wrdreg s19;
	s20 =	sadd.s32 s5, s11  }
0x13: {  	s21 =	sadd.s32 s6, s11;
	s22 =	sor.u32 $0x10, s11;
	[dreg:$0xa] =	wrdreg s20  }
0x14: {  	s23 =	sor.u32 $0x20, s11;
	[dreg:$0xb] =	wrdreg s21;
	s13 =	sadd.s32 s5, s22  }
0x15: {  	s11 =	sor.u32 $0x30, s11;
	s10 =	sadd.s32 s6, s22;
	[dreg:$0xc] =	wrdreg s13  }
0x16: {  	s24 =	sadd.s32 s5, s23;
	s26 =	sadd.s32 s5, s11;
	[dreg:$0xd] =	wrdreg s10  }
0x17: {  	s11 =	sadd.s32 s6, s11;
	s22 =	sadd.s32 $0x17E00, s0;
	[dreg:$0xe] =	wrdreg s24  }
0x18: {  	s0 =	simm.s32 $0x2;
	s13 =	sadd.s32 s6, s23;
	[dreg:$0x10] =	wrdreg s26  }
0x19: {  	[dreg:$0x11] =	wrdreg s11;
	s10 =	sshrl.u32 s25, $0x2;
	s23 =	smax.u32 s7, $0x1  }
0x1a: {  	s24 =	simm.s32 $0x400;
	s26 =	simm.s32 $0x6;
	s7 =	simm.s32 $0x100  }
0x1b: {  	s11 =	simm.s32 $0x8400;
	[dreg:$0xf] =	wrdreg s13;
	s10 =	sadd.s32 s10, s2  }
0x1c: {  	s13 =	simm.s32 $0x4;
	s25 =	sshrl.u32 s10, $0x3;
	s10 =	simm.s32 $0x300  }
.LBB2_1:
0x1d: {  	s16 =	rddreg [dreg:$0x5]  }
0x1e: {  	[tilespmem:s24], [sflag:$0x6] =	stream.linear.gather [hbm4b:s16+s4], $0x4000, $0x38;
	v63 =	vld [tilespmem:$0x0]  }
0x1f: {  	_ =	swait.ge [sflag:s26], $0x4000  }
0x20: {  	[sflag:s26] =	ssyncset.done $0x0  }
0x21: {  	[sflag:s26] =	ssyncadd.s32 $0xFFFFC000  }
0x22: {  	[spmem:s8] =	stream.linear.scatter [tilespmem:s24], [sflag:$0x6], $0x4000, $0x38;
	v63 =	vld [tilespmem:$0x0]  }
0x23: {  	_ =	swait.ge [sflag:s26], $0x4000  }
0x24: {  	[sflag:s26] =	ssyncset.done $0x0  }
0x25: {  	s17 =	rddreg [dreg:$0x6];
	[sflag:s26] =	ssyncadd.s32 $0xFFFFC000  }
0x26: {  	[spmem:s17] =	stream.linear.scatter [tilespmem:s24], [sflag:$0x6], $0x4000, $0x38;
	v63 =	vld [tilespmem:$0x0]  }
0x27: {  	_ =	swait.ge [sflag:s26], $0x4000  }
0x28: {  	[sflag:s26] =	ssyncset.done $0x0  }
0x29: {  	s18 =	rddreg [dreg:$0x7];
	[sflag:s26] =	ssyncadd.s32 $0xFFFFC000  }
0x2a: {  	[spmem:s18] =	stream.linear.scatter [tilespmem:s24], [sflag:$0x6], $0x4000, $0x38;
	v63 =	vld [tilespmem:$0x0]  }
0x2b: {  	_ =	swait.ge [sflag:s26], $0x4000  }
0x2c: {  	[sflag:s26] =	ssyncset.done $0x0  }
0x2d: {  	s19 =	rddreg [dreg:$0x8];
	[sflag:s26] =	ssyncadd.s32 $0xFFFFC000  }
0x2e: {  	[spmem:s19] =	stream.linear.scatter [tilespmem:s24], [sflag:$0x6], $0x4000, $0x38;
	v63 =	vld [tilespmem:$0x0]  }
0x2f: {  	_ =	swait.ge [sflag:s26], $0x4000  }
0x30: {  	[sflag:s26] =	ssyncset.done $0x0  }
0x31: {  	s16 =	simm.s32 @!p0 $0x400;
	s17 =	rddreg [dreg:$0x9];
	[sflag:s26] =	ssyncadd.s32 $0xFFFFC000  }
0x32: {  	[spmem:s17] =	stream.linear.scatter @!p0 [tilespmem:s16], [sflag:$0x6], $0x4000, $0x38;
	v63 =	vld [tilespmem:$0x0]  }
0x33: {  	s16 =	simm.s32 @!p0 $0x6  }
0x34: {  	_ =	swait.ge @!p0 [sflag:s16], $0x4000  }
0x35: {  	[sflag:s16] =	ssyncset.done @!p0 $0x0  }
0x36: {  	[sflag:s16] =	ssyncadd.s32 @!p0 $0xFFFFC000  }
0x37: {  	[bflag:$0x0] =	sbarrier.arrive $0xFFFF  }
0x38: {  	s20 =	rddreg [dreg:$0xa]  }
0x39: {  	[tilespmem:s4], [sflag:$0x1] =	stream.linear.gather [hbm4b:s20+s4], $0x80, $0x38;
	v63 =	vld [tilespmem:$0x0]  }
0x3a: {  	s21 =	rddreg [dreg:$0xb]  }
0x3b: {  	[tilespmem:s28], [sflag:$0x1] =	stream.linear.gather [hbm4b:s21+s4], $0x80, $0x38;
	v63 =	vld [tilespmem:$0x0]  }
0x3c: {  	s17 =	rddreg [dreg:$0xc]  }
0x3d: {  	[tilespmem:s29], [sflag:$0x1] =	stream.linear.gather [hbm4b:s17+s4], $0x80, $0x38;
	v63 =	vld [tilespmem:$0x0]  }
0x3e: {  	s18 =	rddreg [dreg:$0xd]  }
0x3f: {  	[tilespmem:s30], [sflag:$0x1] =	stream.linear.gather [hbm4b:s18+s4], $0x80, $0x38;
	v63 =	vld [tilespmem:$0x0]  }
0x40: {  	_ =	swait.ge [sflag:s31], $0x80  }
0x41: {  	[sflag:s31] =	ssyncset.done $0x0  }
0x42: {  	[sflag:s31] =	ssyncadd.s32 $0xFFFFFF80  }
0x43: {  	_ =	swait.ge [sflag:s31], $0x80  }
0x44: {  	[sflag:s31] =	ssyncset.done $0x0  }
0x45: {  	[sflag:s31] =	ssyncadd.s32 $0xFFFFFF80  }
0x46: {  	[tilespmem:s24], [sflag:$0x2] =	stream.indirect.gather [hbm4b:s1+s29], $0x80, s4, s29, $0xb8;
	v63 =	vld [tilespmem:$0x0]  }
0x47: {  	_ =	swait.ge [sflag:s0], $0x4000  }
0x48: {  	[sflag:s0] =	ssyncset.done $0x0  }
0x49: {  	[sflag:s0] =	ssyncadd.s32 $0xFFFFC000  }
0x4a: {  	_ =	swait.ge [sflag:s31], $0x80  }
0x4b: {  	[sflag:s31] =	ssyncset.done $0x0  }
0x4c: {  	[sflag:s31] =	ssyncadd.s32 $0xFFFFFF80  }
0x4d: {  	_ =	swait.ge [sflag:s31], $0x80  }
0x4e: {  	[sflag:s31] =	ssyncset.done $0x0  }
0x4f: {  	[sflag:s31] =	ssyncadd.s32 $0xFFFFFF80  }
0x50: {  	[tilespmem:s3], [sflag:$0x2] =	stream.indirect.gather [hbm4b:s1+s29], $0x80, s29, s29, $0xb8;
	v63 =	vld [tilespmem:$0x0]  }
0x51: {  	s19 =	rddreg [dreg:$0xe]  }
0x52: {  	[tilespmem:s7], [sflag:$0x1] =	stream.linear.gather [hbm4b:s19+s4], $0x80, $0x38;
	v63 =	vld [tilespmem:$0x0]  }
0x53: {  	s20 =	rddreg [dreg:$0xf]  }
0x54: {  	[tilespmem:s10], [sflag:$0x1] =	stream.linear.gather [hbm4b:s20+s4], $0x80, $0x38;
	v63 =	vld [tilespmem:$0x0]  }
0x55: {  	_ = 	snop  }
0x56: {  	[spmem:s2] =	stream.indirect.scatter.add.f32 [tilespmem:s24], [sflag:$0x3], $0x80, s28, s29, $0xb8;
	v63 =	vld [tilespmem:$0x0]  }
0x57: {  	_ =	swait.ge [sflag:s31], $0x80  }
0x58: {  	[sflag:s31] =	ssyncset.done $0x0  }
0x59: {  	[sflag:s31] =	ssyncadd.s32 $0xFFFFFF80  }
0x5a: {  	_ =	swait.ge [sflag:s31], $0x80  }
0x5b: {  	[sflag:s31] =	ssyncset.done $0x0  }
0x5c: {  	[sflag:s31] =	ssyncadd.s32 $0xFFFFFF80  }
0x5d: {  	_ =	swait.ge [sflag:s0], $0x4000  }
0x5e: {  	[sflag:s0] =	ssyncset.done $0x0  }
0x5f: {  	[sflag:s0] =	ssyncadd.s32 $0xFFFFC000  }
0x60: {  	[tilespmem:s11], [sflag:$0x2] =	stream.indirect.gather [hbm4b:s1+s29], $0x80, s7, s29, $0xb8;
	v63 =	vld [tilespmem:$0x0]  }
0x61: {  	_ =	swait.ge [sflag:s12], $0x4000  }
0x62: {  	[sflag:s12] =	ssyncset.done $0x0  }
0x63: {  	s21 =	rddreg [dreg:$0x10];
	[sflag:s12] =	ssyncadd.s32 $0xFFFFC000  }
0x64: {  	[tilespmem:s4], [sflag:$0x1] =	stream.linear.gather [hbm4b:s21+s4], $0x80, $0x38;
	v63 =	vld [tilespmem:$0x0]  }
0x65: {  	s17 =	rddreg [dreg:$0x11]  }
0x66: {  	[tilespmem:s28], [sflag:$0x1] =	stream.linear.gather [hbm4b:s17+s4], $0x80, $0x38;
	v63 =	vld [tilespmem:$0x0]  }
0x67: {  	_ = 	snop  }
0x68: {  	[spmem:s2] =	stream.indirect.scatter.add.f32 [tilespmem:s3], [sflag:$0x4], $0x80, s30, s29, $0xb8;
	v63 =	vld [tilespmem:$0x0]  }
0x69: {  	_ =	swait.ge [sflag:s31], $0x80  }
0x6a: {  	[sflag:s31] =	ssyncset.done $0x0  }
0x6b: {  	[sflag:s31] =	ssyncadd.s32 $0xFFFFFF80  }
0x6c: {  	_ =	swait.ge [sflag:s31], $0x80  }
0x6d: {  	[sflag:s31] =	ssyncset.done $0x0  }
0x6e: {  	[sflag:s31] =	ssyncadd.s32 $0xFFFFFF80  }
0x6f: {  	_ =	swait.ge [sflag:s0], $0x4000  }
0x70: {  	[sflag:s0] =	ssyncset.done $0x0  }
0x71: {  	[sflag:s0] =	ssyncadd.s32 $0xFFFFC000  }
0x72: {  	[tilespmem:s24], [sflag:$0x2] =	stream.indirect.gather [hbm4b:s1+s29], $0x80, s4, s29, $0xb8;
	v63 =	vld [tilespmem:$0x0]  }
0x73: {  	_ =	swait.ge [sflag:s13], $0x4000  }
0x74: {  	s18 =	rddreg [dreg:$0x4]  }
0x75: {  	s19 =	simm.s32 $0x40;
	s16 =	sadd.s32 $0x40, s18  }
0x76: {  	s17 =	sand.u32 $0x70, s19;
	s16 =	sand.u32 $0xFFFFF80, s16  }
0x77: {  	[sflag:s13] =	ssyncset.done $0x0;
	s16 =	sor.u32 s17, s16  }
0x78: {  	[sflag:s13] =	ssyncadd.s32 $0xFFFFC000;
	s17 =	sadd.s32 s5, s16  }
0x79: {  	[tilespmem:s29], [sflag:$0x1] =	stream.linear.gather [hbm4b:s17+s4], $0x80, $0x38;
	v63 =	vld [tilespmem:$0x0]  }
0x7a: {  	s16 =	sadd.s32 s6, s16  }
0x7b: {  	[tilespmem:s30], [sflag:$0x1] =	stream.linear.gather [hbm4b:s16+s4], $0x80, $0x38;
	v63 =	vld [tilespmem:$0x0]  }
0x7c: {  	_ = 	snop  }
0x7d: {  	[spmem:s2] =	stream.indirect.scatter.add.f32 [tilespmem:s11], [sflag:$0x5], $0x80, s10, s29, $0xb8;
	v63 =	vld [tilespmem:$0x0]  }
0x7e: {  	_ =	swait.ge [sflag:s31], $0x80  }
0x7f: {  	[sflag:s31] =	ssyncset.done $0x0  }
0x80: {  	[sflag:s31] =	ssyncadd.s32 $0xFFFFFF80  }
0x81: {  	_ =	swait.ge [sflag:s31], $0x80  }
0x82: {  	[sflag:s31] =	ssyncset.done $0x0  }
0x83: {  	p1 =	por $0x0, $0x0;
	s16 =	simm.s32 $0x5;
	[sflag:s31] =	ssyncadd.s32 $0xFFFFFF80  }
0x84: {  	s16 =	simm.s32 @p1 $0x0;
	_ =	swait.ge [sflag:s0], $0x4000  }
0x85: {  	s20 =	sadd.s32 s9, s16;
	[sflag:s0] =	ssyncset.done $0x0  }
0x86: {  	s16 =	sshll.u32 s16, $0x4;
	s17 =	sshll.u32 s20, $0x4;
	[sflag:s0] =	ssyncadd.s32 $0xFFFFC000  }
0x87: {  	[tilespmem:s3], [sflag:$0x2] =	stream.indirect.gather [hbm4b:s1+s29], $0x80, s29, s29, $0xb8;
	v63 =	vld [tilespmem:$0x0]  }
0x88: {  	s16 =	sand.u32 $0x70, s16;
	s17 =	sand.u32 $0xFFFFF80, s17;
	_ =	swait.ge [sflag:s14], $0x4000  }
0x89: {  	s16 =	sor.u32 s16, s17;
	[sflag:s14] =	ssyncset.done $0x0  }
0x8a: {  	s17 =	sadd.s32 s5, s16;
	[sflag:s14] =	ssyncadd.s32 $0xFFFFC000  }
0x8b: {  	[tilespmem:s7], [sflag:$0x1] =	stream.linear.gather [hbm4b:s17+s4], $0x80, $0x38;
	v63 =	vld [tilespmem:$0x0]  }
0x8c: {  	s16 =	sadd.s32 s6, s16  }
0x8d: {  	[tilespmem:s10], [sflag:$0x1] =	stream.linear.gather [hbm4b:s16+s4], $0x80, $0x38;
	v63 =	vld [tilespmem:$0x0]  }
0x8e: {  	_ = 	snop  }
0x8f: {  	[spmem:s2] =	stream.indirect.scatter.add.f32 [tilespmem:s24], [sflag:$0x3], $0x80, s28, s29, $0xb8;
	v63 =	vld [tilespmem:$0x0]  }
0x90: {  	_ =	swait.ge [sflag:s31], $0x80  }
0x91: {  	[sflag:s31] =	ssyncset.done $0x0  }
0x92: {  	[sflag:s31] =	ssyncadd.s32 $0xFFFFFF80  }
0x93: {  	_ =	swait.ge [sflag:s31], $0x80  }
0x94: {  	[sflag:s31] =	ssyncset.done $0x0  }
0x95: {  	s16 =	simm.s32 $0x6;
	[sflag:s31] =	ssyncadd.s32 $0xFFFFFF80  }
0x96: {  	s16 =	simm.s32 @p1 $0x1;
	_ =	swait.ge [sflag:s0], $0x4000  }
0x97: {  	s21 =	sadd.s32 s9, s16;
	[sflag:s0] =	ssyncset.done $0x0  }
0x98: {  	s16 =	sshll.u32 s16, $0x4;
	s17 =	sshll.u32 s21, $0x4;
	[sflag:s0] =	ssyncadd.s32 $0xFFFFC000  }
0x99: {  	[tilespmem:s11], [sflag:$0x2] =	stream.indirect.gather [hbm4b:s1+s29], $0x80, s7, s29, $0xb8;
	v63 =	vld [tilespmem:$0x0]  }
0x9a: {  	s16 =	sand.u32 $0x70, s16;
	s17 =	sand.u32 $0xFFFFF80, s17;
	_ =	swait.ge [sflag:s12], $0x4000  }
0x9b: {  	s16 =	sor.u32 s16, s17;
	[sflag:s12] =	ssyncset.done $0x0  }
0x9c: {  	s17 =	sadd.s32 s5, s16;
	[sflag:s12] =	ssyncadd.s32 $0xFFFFC000  }
0x9d: {  	[tilespmem:s4], [sflag:$0x1] =	stream.linear.gather [hbm4b:s17+s4], $0x80, $0x38;
	v63 =	vld [tilespmem:$0x0]  }
0x9e: {  	s16 =	sadd.s32 s6, s16  }
0x9f: {  	[tilespmem:s28], [sflag:$0x1] =	stream.linear.gather [hbm4b:s16+s4], $0x80, $0x38;
	v63 =	vld [tilespmem:$0x0]  }
0xa0: {  	_ = 	snop  }
0xa1: {  	[spmem:s2] =	stream.indirect.scatter.add.f32 [tilespmem:s3], [sflag:$0x4], $0x80, s30, s29, $0xb8;
	v63 =	vld [tilespmem:$0x0]  }
0xa2: {  	_ =	swait.ge [sflag:s31], $0x80  }
0xa3: {  	[sflag:s31] =	ssyncset.done $0x0  }
0xa4: {  	[sflag:s31] =	ssyncadd.s32 $0xFFFFFF80  }
0xa5: {  	_ =	swait.ge [sflag:s31], $0x80  }
0xa6: {  	[sflag:s31] =	ssyncset.done $0x0  }
0xa7: {  	[sflag:s31] =	ssyncadd.s32 $0xFFFFFF80  }
0xa8: {  	s17 =	simm.s32 $0x70;
	s16 =	simm.s32 $0x9;
	_ =	swait.ge [sflag:s0], $0x4000  }
.LBB2_2:
0xa9: {  	[sflag:s0] =	ssyncset.done $0x0  }
0xaa: {  	[sflag:s0] =	ssyncadd.s32 $0xFFFFC000  }
0xab: {  	[tilespmem:s24], [sflag:$0x2] =	stream.indirect.gather [hbm4b:s1+s29], $0x80, s4, s29, $0xb8;
	v63 =	vld [tilespmem:$0x0]  }
0xac: {  	_ =	swait.ge [sflag:s13], $0x4000  }
0xad: {  	s19 =	rddreg [dreg:$0x4]  }
0xae: {  	s19 =	sadd.s32 s17, s19  }
0xaf: {  	s20 =	sand.u32 $0x70, s17;
	s19 =	sand.u32 $0xFFFFF80, s19  }
0xb0: {  	[sflag:s13] =	ssyncset.done $0x0;
	s19 =	sor.u32 s20, s19  }
0xb1: {  	[sflag:s13] =	ssyncadd.s32 $0xFFFFC000;
	s20 =	sadd.s32 s5, s19  }
0xb2: {  	[tilespmem:s29], [sflag:$0x1] =	stream.linear.gather [hbm4b:s20+s4], $0x80, $0x38;
	v63 =	vld [tilespmem:$0x0]  }
0xb3: {  	s19 =	sadd.s32 s6, s19  }
0xb4: {  	[tilespmem:s30], [sflag:$0x1] =	stream.linear.gather [hbm4b:s19+s4], $0x80, $0x38;
	v63 =	vld [tilespmem:$0x0]  }
0xb5: {  	_ = 	snop  }
0xb6: {  	[spmem:s2] =	stream.indirect.scatter.add.f32 [tilespmem:s11], [sflag:$0x5], $0x80, s10, s29, $0xb8;
	v63 =	vld [tilespmem:$0x0]  }
0xb7: {  	_ =	swait.ge [sflag:s31], $0x80  }
0xb8: {  	[sflag:s31] =	ssyncset.done $0x0  }
0xb9: {  	[sflag:s31] =	ssyncadd.s32 $0xFFFFFF80  }
0xba: {  	_ =	swait.ge [sflag:s31], $0x80  }
0xbb: {  	s18 =	smov.u32 s16;
	[sflag:s31] =	ssyncset.done $0x0  }
0xbc: {  	p2 =	seq.s32 s18, $0x51;
	s19 =	sadd.s32 $0xFFFFFFFF, s18;
	[sflag:s31] =	ssyncadd.s32 $0xFFFFFF80  }
0xbd: {  	s19 =	simm.s32 @p2 $0x0;
	_ =	swait.ge [sflag:s0], $0x4000  }
0xbe: {  	s18 =	simm.s32 @p2 $0x1;
	s21 =	sadd.s32 s9, s19;
	[sflag:s0] =	ssyncset.done $0x0  }
0xbf: {  	s19 =	sshll.u32 s19, $0x4;
	s20 =	sshll.u32 s21, $0x4;
	[sflag:s0] =	ssyncadd.s32 $0xFFFFC000  }
0xc0: {  	[tilespmem:s3], [sflag:$0x2] =	stream.indirect.gather [hbm4b:s1+s29], $0x80, s29, s29, $0xb8;
	v63 =	vld [tilespmem:$0x0]  }
0xc1: {  	s19 =	sand.u32 $0x70, s19;
	s20 =	sand.u32 $0xFFFFF80, s20;
	_ =	swait.ge [sflag:s14], $0x4000  }
0xc2: {  	s21 =	sadd.s32 s9, s18;
	s19 =	sor.u32 s19, s20;
	[sflag:s14] =	ssyncset.done $0x0  }
0xc3: {  	s20 =	sshll.u32 s21, $0x4;
	s21 =	sadd.s32 s5, s19;
	[sflag:s14] =	ssyncadd.s32 $0xFFFFC000  }
0xc4: {  	[tilespmem:s7], [sflag:$0x1] =	stream.linear.gather [hbm4b:s21+s4], $0x80, $0x38;
	v63 =	vld [tilespmem:$0x0]  }
0xc5: {  	s19 =	sadd.s32 s6, s19  }
0xc6: {  	[tilespmem:s10], [sflag:$0x1] =	stream.linear.gather [hbm4b:s19+s4], $0x80, $0x38;
	v63 =	vld [tilespmem:$0x0]  }
0xc7: {  	_ = 	snop  }
0xc8: {  	[spmem:s2] =	stream.indirect.scatter.add.f32 [tilespmem:s24], [sflag:$0x3], $0x80, s28, s29, $0xb8;
	v63 =	vld [tilespmem:$0x0]  }
0xc9: {  	_ =	swait.ge [sflag:s31], $0x80  }
0xca: {  	[sflag:s31] =	ssyncset.done $0x0  }
0xcb: {  	[sflag:s31] =	ssyncadd.s32 $0xFFFFFF80  }
0xcc: {  	_ =	swait.ge [sflag:s31], $0x80  }
0xcd: {  	[sflag:s31] =	ssyncset.done $0x0  }
0xce: {  	[sflag:s31] =	ssyncadd.s32 $0xFFFFFF80  }
0xcf: {  	_ =	swait.ge [sflag:s0], $0x4000  }
0xd0: {  	[sflag:s0] =	ssyncset.done $0x0  }
0xd1: {  	s18 =	sshll.u32 s18, $0x4;
	[sflag:s0] =	ssyncadd.s32 $0xFFFFC000  }
0xd2: {  	[tilespmem:s11], [sflag:$0x2] =	stream.indirect.gather [hbm4b:s1+s29], $0x80, s7, s29, $0xb8;
	v63 =	vld [tilespmem:$0x0]  }
0xd3: {  	s18 =	sand.u32 $0x70, s18;
	s20 =	sand.u32 $0xFFFFF80, s20;
	_ =	swait.ge [sflag:s12], $0x4000  }
0xd4: {  	s18 =	sor.u32 s18, s20;
	[sflag:s12] =	ssyncset.done $0x0  }
0xd5: {  	s21 =	sadd.s32 s5, s18;
	[sflag:s12] =	ssyncadd.s32 $0xFFFFC000  }
0xd6: {  	[tilespmem:s4], [sflag:$0x1] =	stream.linear.gather [hbm4b:s21+s4], $0x80, $0x38;
	v63 =	vld [tilespmem:$0x0]  }
0xd7: {  	s18 =	sadd.s32 s6, s18  }
0xd8: {  	[tilespmem:s28], [sflag:$0x1] =	stream.linear.gather [hbm4b:s18+s4], $0x80, $0x38;
	v63 =	vld [tilespmem:$0x0]  }
0xd9: {  	_ = 	snop  }
0xda: {  	[spmem:s2] =	stream.indirect.scatter.add.f32 [tilespmem:s3], [sflag:$0x4], $0x80, s30, s29, $0xb8;
	v63 =	vld [tilespmem:$0x0]  }
0xdb: {  	_ =	swait.ge [sflag:s31], $0x80  }
0xdc: {  	p1 =	sne.s32 s16, $0x51;
	[sflag:s31] =	ssyncset.done $0x0  }
.Ltmp0:
0xdd: {  	[sflag:s31] =	ssyncadd.s32 $0xFFFFFF80;
	(pc) =	sbr.rel @p1 .LBB2_2-.Ltmp0, $4  }
0xde: {  	_ =	swait.ge [sflag:s31], $0x80  }
0xdf: {  	[sflag:s31] =	ssyncset.done $0x0  }
0xe0: {  	[sflag:s31] =	ssyncadd.s32 $0xFFFFFF80  }
0xe1: {  	s16 =	sadd.s32 $0x3, s16;
	s17 =	sadd.s32 $0x30, s17;
	_ =	swait.ge [sflag:s0], $0x4000  }
0xe2: {  	[sflag:s0] =	ssyncset.done $0x0  }
0xe3: {  	[sflag:s0] =	ssyncadd.s32 $0xFFFFC000  }
0xe4: {  	_ =	swait.ge [sflag:s13], $0x4000  }
0xe5: {  	s16 =	stileid.u32;
	s15 =	sadd.s32 $0x1, s15;
	[sflag:s13] =	ssyncset.done $0x0  }
0xe6: {  	s16 =	sshll.u32 s16, $0x6;
	p1 =	sne.s32 s15, s23;
	[sflag:s13] =	ssyncadd.s32 $0xFFFFC000  }
.Ltmp1:
0xe7: {  	s16 =	sor.u32 $0x1C06, s16;
	[bflag:$0x0] =	sbarrier.arrive $0xFFFF;
	(pc) =	sbr.rel @p1 .LBB2_1-.Ltmp1, $4  }
0xe8: {  	[hbm:s22], [sflag:s16] =	dma.local [spmem:s25], $0x2780  }
0xe9: {  	_ =	swait.ge [sflag:s26], $0x2780  }
0xea: {  	[sflag:s26] =	ssyncset.done $0x0  }
0xeb: {  	[sflag:s26] =	ssyncadd.s32 $0xFFFFD880  }
0xec: {  	_ =	sfence.sel $0x180000  }
0xed: {  	[bflag:$0x0] =	sbarrier.arrive $0xFFFF  }
0xee: {  	_ =	strace $0x9000004A  }
0xef: {  	s0 =	stileid.u32;
	[bflag:$0x2] =	sbarrier.arrive $0xFFFF  }
0xf0: {  	p0 =	sne.s32 s0, $0x0;
	s0 =	rddreg [dreg:$0x3]  }
0xf1: {  	s0 =	sadd.s32 @!p0 $0x100000, s0  }
0xf2: {  	[sflag:s0] =	ssyncadd.tile.s32 @!p0 $0x1;
	_ =	shalt  }
.Lfunc_end2:
_tile_overlayer_lowered:
.L_overlay_start_2:
0xf3: {  	(tag) =	ssettag $0x2  }
0xf4: {  	s0 =	rddreg [dreg:$0x0];
	s2 =	stileid.u32  }
0xf5: {  	s1 =	rddreg [dreg:$0x1];
	p0 =	sne.s32 s2, $0x0  }
0xf6: {  	s3 =	rddreg [dreg:$0x2];
	[bflag:$0x3] =	sbarrier.arrive $0xFFFF;
	s2 =	simm.s32 @!p0 $0x1C06  }
0xf7: {  	[timem:s3], [sflag:s2] =	dma.local @!p0 [hbm:s0], s1  }
0xf8: {  	s0 =	simm.s32 @!p0 $0x6  }
0xf9: {  	_ =	swait.ge @!p0 [sflag:s0], s1  }
0xfa: {  	s1 =	ssub.s32 @!p0 $0x0, s1;
	[sflag:s0] =	ssyncset.done @!p0 $0x0  }
0xfb: {  	[sflag:s0] =	ssyncadd.s32 @!p0 s1  }
0xfc: {  	[bflag:$0x3] =	sbarrier.arrive $0xFFFF  }
0xfd: {  	_ =	shalt  }

// kernel: kernel.14.cloned.1.call-start
scs
__scs_entry_jumppad:
0x0: {  	(pc) =	sbr.rel $0x88, $3  }
0x1: {  	(tag) =	ssettag $0x0;
	lr =	simm.s32 $0x1  }
0x2: {  	[smem:$0x3F98] =	sst lr;
	_ =	strace $0xD0000000  }
0x3: {  	_ = 	snop  }
0x4: {  	_ = 	snop  }
0x5: {  	_ = 	snop  }
0x6: {  	_ = 	snop  }
0x7: {  	_ = 	snop  }
__scs_overlays_trampoline_lowered:
0x8: {  	[smem:$0x3FA7] =	sst s0  }
0x9: {  	[smem:$0x3FA8] =	sst s1  }
0xa: {  	[smem:$0x3FA9] =	sst s2  }
0xb: {  	[smem:$0x3FAA] =	sst s3  }
0xc: {  	[smem:$0x3FAB] =	sst s4  }
0xd: {  	[smem:$0x3FAC] =	sst s5  }
0xe: {  	[smem:$0x3FAD] =	sst s6  }
0xf: {  	[smem:$0x3FAE] =	sst s7  }
0x10: {  	[smem:$0x3FAF] =	sst s8  }
0x11: {  	[smem:$0x3FB0] =	sst s9;
	s0 =	simm.s32 @!p0 $0x0  }
0x12: {  	s1 =	sld [smem:$0x3F96];
	s0 =	simm.s32 @p0 $0x1  }
0x13: {  	[smem:$0x3FB1] =	sst s0;
	s0 =	simm.s32 @!p1 $0x0  }
0x14: {  	s2 =	sld [smem:$0x3F95];
	s0 =	simm.s32 @p1 $0x1  }
0x15: {  	[smem:$0x3FB2] =	sst s0;
	s0 =	simm.s32 @!p2 $0x0  }
0x16: {  	s3 =	sld [smem:$0x3FDB];
	s0 =	simm.s32 @p2 $0x1  }
0x17: {  	s4 =	simm.s32 $0x1BF5;
	[smem:$0x3FB4] =	sst s0  }
0x18: {  	s0 =	sld [smem:$0x3F97];
	_ =	swait.ge [sflag:s4], $0x0  }
0x19: {  	s7 =	sld [smem:$0x3F98]  }
0x1a: {  	s8 =	sadd.s32 $0xFFFFE003, lr  }
0x1b: {  	s9 =	sadd.s32 $0xFFFFFEF7, lr;
	s5 =	simm.s32 $0xFFFFFFFF;
	p2 =	slt.u32 s8, $0xFFFFF086  }
0x1c: {  	p1 =	slt.u32 s9, $0xF7A;
	s5 =	simm.s32 @!p2 $0x0  }
0x1d: {  	s5 =	simm.s32 @p1 $0x1;
	p0 =	seq.s32 s7, s2  }
0x1e: {  	s7 =	smul.u32 @!p0 $0xF7A, s2;
	p2 =	seq.s32 @!p0 s5, $0x0  }
0x1f: {  	s9 =	smul.u32 $0xF7A, s1;
	s8 =	simm.s32 @!p0 $0x1BF5;
	p2 =	por !p2, p0  }
0x20: {  	[sflag:s8] =	ssyncset.s32 @!p0 $0xFFFFF086;
	s6 =	sadd.s32 @!p0 s3, s7;
	s7 =	simm.s32 @!p0 $0x108  }
0x21: {  	s3 =	sadd.s32 s3, s9;
	s6 =	sadd.s32 @!p0 $0x88, s6;
	s7 =	simm.s32 @p2 $0x1082  }
0x22: {  	[simem:s7], [sflag:s8] =	dma.local @!p0 [hbm:s6], $0xF7A  }
0x23: {  	s9 =	sor.u32 $0xD0000000, s2;
	s6 =	simm.s32 $0x108;
	_ =	swait.ge @!p0 [sflag:s8], $0x0  }
0x24: {  	s3 =	sadd.s32 $0x88, s3;
	s6 =	simm.s32 @!p1 $0x1082;
	[sflag:s4] =	ssyncset.s32 $0xFFFFF086  }
0x25: {  	[simem:s6], [sflag:s4] =	dma.local [hbm:s3], $0xF7A  }
0x26: {  	[smem:$0x3F98] =	sst s1;
	(tag) =	ssettag s2;
	_ =	strace s9  }
0x27: {  	s1 =	sld [smem:$0x3FA8]  }
0x28: {  	s2 =	sld [smem:$0x3FA9]  }
0x29: {  	s4 =	sld [smem:$0x3FAB]  }
0x2a: {  	p0 =	seq.s32 s5, $0x0;
	s5 =	sld [smem:$0x3FAC]  }
0x2b: {  	s6 =	sld [smem:$0x3FAD]  }
0x2c: {  	s7 =	sld [smem:$0x3FAE]  }
0x2d: {  	s3 =	simm.s32 $0x108;
	s8 =	sld [smem:$0x3FAF]  }
0x2e: {  	s3 =	simm.s32 @!p0 $0x1082;
	s9 =	sld [smem:$0x3FB0]  }
0x2f: {  	lr =	sadd.s32 s0, s3;
	s0 =	sld [smem:$0x3FA7]  }
0x30: {  	s3 =	sld [smem:$0x3FAA]  }
0x31: {  	[smem:$0x3FB3] =	sst s10  }
0x32: {  	s10 =	sld [smem:$0x3FB1];
	_ =	sdelay $0x3  }
0x33: {  	p0 =	seq.s32 s10, $0x1;
	s10 =	sld [smem:$0x3FB3];
	_ =	sdelay $0x3  }
0x34: {  	[smem:$0x3FB3] =	sst s10  }
0x35: {  	s10 =	sld [smem:$0x3FB2];
	_ =	sdelay $0x3  }
0x36: {  	p1 =	seq.s32 s10, $0x1;
	s10 =	sld [smem:$0x3FB3];
	_ =	sdelay $0x3  }
0x37: {  	[smem:$0x3FB3] =	sst s10  }
0x38: {  	s10 =	sld [smem:$0x3FB4]  }
0x39: {  	_ = 	snop;
	(pc) =	sbr.ind lr, $3  }
0x3a: {  	_ = 	snop  }
0x3b: {  	_ = 	snop  }
0x3c: {  	p2 =	seq.s32 s10, $0x1;
	s10 =	sld [smem:$0x3FB3]  }
0x3d: {  	_ =	shalt  }
0x3e: {  	_ =	shalt  }
0x3f: {  	_ =	shalt  }
0x40: {  	_ =	shalt  }
0x41: {  	_ =	shalt  }
0x42: {  	_ =	shalt  }
0x43: {  	_ =	shalt  }
0x44: {  	_ =	shalt  }
0x45: {  	_ =	shalt  }
0x46: {  	_ =	shalt  }
0x47: {  	_ =	shalt  }
0x48: {  	_ =	shalt  }
0x49: {  	_ =	shalt  }
0x4a: {  	_ =	shalt  }
0x4b: {  	_ =	shalt  }
0x4c: {  	_ =	shalt  }
0x4d: {  	_ =	shalt  }
0x4e: {  	_ =	shalt  }
0x4f: {  	_ =	shalt  }
0x50: {  	_ =	shalt  }
0x51: {  	_ =	shalt  }
0x52: {  	_ =	shalt  }
0x53: {  	_ =	shalt  }
0x54: {  	_ =	shalt  }
0x55: {  	_ =	shalt  }
0x56: {  	_ =	shalt  }
0x57: {  	_ =	shalt  }
0x58: {  	_ =	shalt  }
0x59: {  	_ =	shalt  }
0x5a: {  	_ =	shalt  }
0x5b: {  	_ =	shalt  }
0x5c: {  	_ =	shalt  }
0x5d: {  	_ =	shalt  }
0x5e: {  	_ =	shalt  }
0x5f: {  	_ =	shalt  }
0x60: {  	_ =	shalt  }
0x61: {  	_ =	shalt  }
0x62: {  	_ =	shalt  }
0x63: {  	_ =	shalt  }
0x64: {  	_ =	shalt  }
0x65: {  	_ =	shalt  }
0x66: {  	_ =	shalt  }
0x67: {  	_ =	shalt  }
0x68: {  	_ =	shalt  }
0x69: {  	_ =	shalt  }
0x6a: {  	_ =	shalt  }
0x6b: {  	_ =	shalt  }
0x6c: {  	_ =	shalt  }
0x6d: {  	_ =	shalt  }
0x6e: {  	_ =	shalt  }
0x6f: {  	_ =	shalt  }
0x70: {  	_ =	shalt  }
0x71: {  	_ =	shalt  }
0x72: {  	_ =	shalt  }
0x73: {  	_ =	shalt  }
0x74: {  	_ =	shalt  }
0x75: {  	_ =	shalt  }
0x76: {  	_ =	shalt  }
0x77: {  	_ =	shalt  }
0x78: {  	_ =	shalt  }
0x79: {  	_ =	shalt  }
0x7a: {  	_ =	shalt  }
0x7b: {  	_ =	shalt  }
0x7c: {  	_ =	shalt  }
0x7d: {  	_ =	shalt  }
0x7e: {  	_ =	shalt  }
0x7f: {  	_ =	shalt  }
0x80: {  	_ =	shalt  }
0x81: {  	_ =	shalt  }
0x82: {  	_ =	shalt  }
0x83: {  	_ =	shalt  }
0x84: {  	_ =	shalt  }
0x85: {  	_ =	shalt  }
0x86: {  	_ =	shalt  }
0x87: {  	_ =	shalt  }
.Lfunc_end0:
.L_simem_size_0:
called_computation.2_lowered:
.L_overlay_start_0:
0x88: {  	s2 =	sld [smem:$0x3FD9]  }
0x89: {  	s3 =	sld [smem:$0x3FFE];
	_ =	sdelay $0x1  }
0x8a: {  	s1 =	srdreg.scid  }
0x8b: {  	s0 =	sand.u32 $0x1, s1  }
0x8c: {  	s17 =	sshll.u32 s0, $0xA;
	s2 =	sadd.s32 s3, s2  }
0x8d: {  	s2 =	sadd.s32 s2, s17  }
0x8e: {  	[smem:$0x3FBF] =	sst s2  }
0x8f: {  	_ = 	snop  }
0x90: {  	s2 =	sld [smem:$0x3FD0];
	(tm) =	ssettm $0x1  }
0x91: {  	s18 =	sld [smem:$0x3FFB];
	_ =	sdelay $0x3  }
0x92: {  	_ =	strace s18  }
0x93: {  	s3 =	sld [smem:$0x3FFC];
	_ =	sdelay $0x3  }
0x94: {  	_ =	strace s3  }
0x95: {  	s3 =	sld [smem:$0x3FFD];
	_ =	sdelay $0x3  }
0x96: {  	_ =	strace s3  }
0x97: {  	_ =	strace $0x8FFFFFFF  }
0x98: {  	s19 =	sld [smem:$0x3FDB];
	_ =	sdelay $0x1  }
0x99: {  	s4 =	simm.s32 $_scs_section_size  }
0x9a: {  	s5 =	simm.s32 $_size__tile_overlayer_lowered;
	s6 =	simm.s32 $_tile_overlayer_lowered  }
0x9b: {  	s22 =	simm.s32 $0x1BFF;
	s21 =	sshll.u32 s6, $0x1;
	s3 =	sadd.s32 s4, s19  }
0x9c: {  	s7 =	simm.s32 $0x0;
	s20 =	sshll.u32 s5, $0x1;
	s5 =	sadd.s32 s21, s3  }
0x9d: {  	[timem:s7], [sflag:s22] =	dma.local [hbm:s5], s20  }
0x9e: {  	_ =	swait.ge [sflag:s22], s20  }
0x9f: {  	s4 =	ssub.s32 $0x0, s20;
	[sflag:s22] =	ssyncset.done $0x0  }
0xa0: {  	[sflag:s22] =	ssyncadd.s32 s4;
	_ =	sdelay $0x1  }
0xa1: {  	s23 =	simm.s32 $0x1B8B  }
0xa2: {  	_ =	swait.ge [sflag:s23], $0x1  }
0xa3: {  	[sflag:s23] =	ssyncset.done $0x0  }
0xa4: {  	s25 =	simm.s32 $0x1B8E;
	s24 =	sld [smem:$0x3FFE];
	[sflag:s23] =	ssyncadd.s32 $0xFFFFFFFF  }
0xa5: {  	s26 =	simm.s32 $execute0_lowered;
	[smem:$0x3FD2] =	sst s25  }
0xa6: {  	s5 =	sshll.u32 s26, $0x1;
	_ =	strace $0x8000004C;
	[dreg:$0x1] =	wrdreg $0xFFFFFFFF  }
0xa7: {  	s28 =	simm.s32 $_size_execute0_lowered;
	s3 =	sadd.s32 s3, s5;
	[dreg:$0x0] =	wrdreg $0x0  }
0xa8: {  	s5 =	sshll.u32 s28, $0x1;
	[dreg:$0x2] =	wrdreg s3  }
0xa9: {  	[dreg:$0x3] =	wrdreg s5  }
0xaa: {  	[dreg:$0x4] =	wrdreg $0xC0  }
0xab: {  	_ =	task [dreg:s7], $0x5FFFF  }
0xac: {  	[dreg:$0x1] =	wrdreg $0xFFFFFFFF  }
0xad: {  	[dreg:$0x0] =	wrdreg $0x60  }
0xae: {  	[dreg:$0x2] =	wrdreg s2  }
0xaf: {  	[dreg:$0x3] =	wrdreg s24  }
0xb0: {  	[dreg:$0x4] =	wrdreg $0xC4000  }
0xb1: {  	[dreg:$0x5] =	wrdreg $0x9  }
0xb2: {  	_ =	task.clear_ibuf [dreg:s7], $0x6FFFF;
	_ =	strace $0x9000004C  }
0xb3: {  	s29 =	simm.s32 $0x9;
	_ =	strace $0x8000004E  }
0xb4: {  	_ =	swait.ge [sflag:s29], $0x1  }
0xb5: {  	[sflag:s29] =	ssyncadd.s32 $0xFFFFFFFF  }
0xb6: {  	_ =	strace $0x9000004E  }
0xb7: {  	_ =	sfence  }
0xb8: {  	s30 =	sld [smem:$0x0];
	_ =	sdelay $0x2  }
0xb9: {  	s31 =	sshll.u32 s1, $0xD;
	s1 =	sshrl.u32 s1, $0x2  }
0xba: {  	s3 =	sand.u32 $0x4000, s31;
	s1 =	sadd.s32 s1, s30  }
0xbb: {  	s0 =	sor.u32 s3, s0;
	s1 =	sshll.u32 s1, $0x11  }
0xbc: {  	s0 =	sor.u32 s1, s0  }
0xbd: {  	s0 =	sadd.s32 $0x8F2B, s0  }
0xbe: {  	[sflag:s0] =	ssyncadd.remote.s32 $0x1  }
0xbf: {  	_ =	sfence.sel $0xFFFF  }
0xc0: {  	[dreg:$0x0] =	wrdreg $0xFFFFFFFF;
	(pc) =	sbr.abs _section_cstart, $3  }
0xc1: {  	[dreg:$0x1] =	wrdreg $0xFFFFFFFF  }
0xc2: {  	_ =	task.clear_ibuf [dreg:s7], $0x2FFFF;
	_ =	strace $0x9FFFFFFF  }
0xc3: {  	(tm) =	ssettm $0x7FFFFFFF  }
tec
execute0_lowered:
.L_overlay_start_1:
0x0: {  	(tag) =	ssettag $0x1  }
0x1: {  	s1 =	rddreg [dreg:$0x0]  }
0x2: {  	s0 =	rddreg [dreg:$0x1]  }
0x3: {  	s2 =	rddreg [dreg:$0x2];
	s3 =	srdreg.scid  }
0x4: {  	s4 =	simm.s32 $0x0;
	s14 =	stileid.u32;
	s28 =	simm.s32 $0x200  }
0x5: {  	s29 =	simm.s32 $0x80;
	s30 =	simm.s32 $0x280;
	s31 =	simm.s32 $0x1  }
0x6: {  	s3 =	sand.u32 $0x1, s3;
	[smem:$0x7FF] =	sst s4;
	s8 =	smul.u32 $0x2780, s14  }
0x7: {  	s5 =	sadd.s32 $0xD600, s0;
	s6 =	sadd.s32 $0x3600, s0;
	s9 =	sadd.s32 $0x17600, s0  }
0x8: {  	s12 =	sshll.u32 s14, $0x1;
	s15 =	sshll.u32 s14, $0xE;
	s25 =	smul.u32 $0x4F000, s14  }
0x9: {  	p0 =	seq.s32 s14, $0xF;
	s7 =	smul.u32 $0x27800, s3;
	_ =	strace $0x8000004D  }
0xa: {  	[dreg:$0x5] =	wrdreg s9;
	s10 =	sor.u32 s3, s12;
	s12 =	smul.u32 $0xA00, s14  }
0xb: {  	s11 =	ssub.s32 $0x2, s3;
	s3 =	smul.u32 $0x500, s3;
	s14 =	simm.s32 $0x5  }
0xc: {  	s13 =	sshrl.u32 s11, $0x1;
	s9 =	smul.u32 $0x50, s10;
	s7 =	sadd.s32 s8, s7  }
0xd: {  	s8 =	sadd.s32 s15, s2;
	s3 =	sadd.s32 s3, s12;
	s12 =	simm.s32 $0x3  }
0xe: {  	s0 =	sadd.s32 s7, s0;
	s16 =	sadd.s32 $0x40000, s8;
	[dreg:$0x4] =	wrdreg s3  }
0xf: {  	s7 =	ssub.s32 s11, s13;
	s17 =	sadd.s32 $0x80000, s8;
	[dreg:$0x6] =	wrdreg s16  }
0x10: {  	s11 =	smul.u32 $0x500, s10;
	s18 =	sadd.s32 $0xC0000, s8;
	[dreg:$0x7] =	wrdreg s17  }
0x11: {  	s15 =	simm.s32 $0x0;
	s19 =	sadd.s32 $0x100000, s8;
	[dreg:$0x8] =	wrdreg s18  }
0x12: {  	s3 =	simm.s32 $0x4400;
	[dreg:$0x9] =	wrdreg s19;
	s20 =	sadd.s32 s5, s11  }
0x13: {  	s21 =	sadd.s32 s6, s11;
	s22 =	sor.u32 $0x10, s11;
	[dreg:$0xa] =	wrdreg s20  }
0x14: {  	s23 =	sor.u32 $0x20, s11;
	[dreg:$0xb] =	wrdreg s21;
	s13 =	sadd.s32 s5, s22  }
0x15: {  	s11 =	sor.u32 $0x30, s11;
	s10 =	sadd.s32 s6, s22;
	[dreg:$0xc] =	wrdreg s13  }
0x16: {  	s24 =	sadd.s32 s5, s23;
	s26 =	sadd.s32 s5, s11;
	[dreg:$0xd] =	wrdreg s10  }
0x17: {  	s11 =	sadd.s32 s6, s11;
	s22 =	sadd.s32 $0x17E00, s0;
	[dreg:$0xe] =	wrdreg s24  }
0x18: {  	s0 =	simm.s32 $0x2;
	s13 =	sadd.s32 s6, s23;
	[dreg:$0x10] =	wrdreg s26  }
0x19: {  	[dreg:$0x11] =	wrdreg s11;
	s10 =	sshrl.u32 s25, $0x2;
	s23 =	smax.u32 s7, $0x1  }
0x1a: {  	s24 =	simm.s32 $0x400;
	s26 =	simm.s32 $0x6;
	s7 =	simm.s32 $0x100  }
0x1b: {  	s11 =	simm.s32 $0x8400;
	[dreg:$0xf] =	wrdreg s13;
	s10 =	sadd.s32 s10, s2  }
0x1c: {  	s13 =	simm.s32 $0x4;
	s25 =	sshrl.u32 s10, $0x3;
	s10 =	simm.s32 $0x300  }
.LBB2_1:
0x1d: {  	s16 =	rddreg [dreg:$0x5]  }
0x1e: {  	[tilespmem:s24], [sflag:$0x6] =	stream.linear.gather [hbm4b:s16+s4], $0x4000, $0x38;
	v63 =	vld [tilespmem:$0x0]  }
0x1f: {  	_ =	swait.ge [sflag:s26], $0x4000  }
0x20: {  	[sflag:s26] =	ssyncset.done $0x0  }
0x21: {  	[sflag:s26] =	ssyncadd.s32 $0xFFFFC000  }
0x22: {  	[spmem:s8] =	stream.linear.scatter [tilespmem:s24], [sflag:$0x6], $0x4000, $0x38;
	v63 =	vld [tilespmem:$0x0]  }
0x23: {  	_ =	swait.ge [sflag:s26], $0x4000  }
0x24: {  	[sflag:s26] =	ssyncset.done $0x0  }
0x25: {  	s17 =	rddreg [dreg:$0x6];
	[sflag:s26] =	ssyncadd.s32 $0xFFFFC000  }
0x26: {  	[spmem:s17] =	stream.linear.scatter [tilespmem:s24], [sflag:$0x6], $0x4000, $0x38;
	v63 =	vld [tilespmem:$0x0]  }
0x27: {  	_ =	swait.ge [sflag:s26], $0x4000  }
0x28: {  	[sflag:s26] =	ssyncset.done $0x0  }
0x29: {  	s18 =	rddreg [dreg:$0x7];
	[sflag:s26] =	ssyncadd.s32 $0xFFFFC000  }
0x2a: {  	[spmem:s18] =	stream.linear.scatter [tilespmem:s24], [sflag:$0x6], $0x4000, $0x38;
	v63 =	vld [tilespmem:$0x0]  }
0x2b: {  	_ =	swait.ge [sflag:s26], $0x4000  }
0x2c: {  	[sflag:s26] =	ssyncset.done $0x0  }
0x2d: {  	s19 =	rddreg [dreg:$0x8];
	[sflag:s26] =	ssyncadd.s32 $0xFFFFC000  }
0x2e: {  	[spmem:s19] =	stream.linear.scatter [tilespmem:s24], [sflag:$0x6], $0x4000, $0x38;
	v63 =	vld [tilespmem:$0x0]  }
0x2f: {  	_ =	swait.ge [sflag:s26], $0x4000  }
0x30: {  	[sflag:s26] =	ssyncset.done $0x0  }
0x31: {  	s16 =	simm.s32 @!p0 $0x400;
	s17 =	rddreg [dreg:$0x9];
	[sflag:s26] =	ssyncadd.s32 $0xFFFFC000  }
0x32: {  	[spmem:s17] =	stream.linear.scatter @!p0 [tilespmem:s16], [sflag:$0x6], $0x4000, $0x38;
	v63 =	vld [tilespmem:$0x0]  }
0x33: {  	s16 =	simm.s32 @!p0 $0x6  }
0x34: {  	_ =	swait.ge @!p0 [sflag:s16], $0x4000  }
0x35: {  	[sflag:s16] =	ssyncset.done @!p0 $0x0  }
0x36: {  	[sflag:s16] =	ssyncadd.s32 @!p0 $0xFFFFC000  }
0x37: {  	[bflag:$0x0] =	sbarrier.arrive $0xFFFF  }
0x38: {  	s20 =	rddreg [dreg:$0xa]  }
0x39: {  	[tilespmem:s4], [sflag:$0x1] =	stream.linear.gather [hbm4b:s20+s4], $0x80, $0x38;
	v63 =	vld [tilespmem:$0x0]  }
0x3a: {  	s21 =	rddreg [dreg:$0xb]  }
0x3b: {  	[tilespmem:s28], [sflag:$0x1] =	stream.linear.gather [hbm4b:s21+s4], $0x80, $0x38;
	v63 =	vld [tilespmem:$0x0]  }
0x3c: {  	s17 =	rddreg [dreg:$0xc]  }
0x3d: {  	[tilespmem:s29], [sflag:$0x1] =	stream.linear.gather [hbm4b:s17+s4], $0x80, $0x38;
	v63 =	vld [tilespmem:$0x0]  }
0x3e: {  	s18 =	rddreg [dreg:$0xd]  }
0x3f: {  	[tilespmem:s30], [sflag:$0x1] =	stream.linear.gather [hbm4b:s18+s4], $0x80, $0x38;
	v63 =	vld [tilespmem:$0x0]  }
0x40: {  	_ =	swait.ge [sflag:s31], $0x80  }
0x41: {  	[sflag:s31] =	ssyncset.done $0x0  }
0x42: {  	[sflag:s31] =	ssyncadd.s32 $0xFFFFFF80  }
0x43: {  	_ =	swait.ge [sflag:s31], $0x80  }
0x44: {  	[sflag:s31] =	ssyncset.done $0x0  }
0x45: {  	[sflag:s31] =	ssyncadd.s32 $0xFFFFFF80  }
0x46: {  	[tilespmem:s24], [sflag:$0x2] =	stream.indirect.gather [hbm4b:s1+s29], $0x80, s4, s29, $0xb8;
	v63 =	vld [tilespmem:$0x0]  }
0x47: {  	_ =	swait.ge [sflag:s0], $0x4000  }
0x48: {  	[sflag:s0] =	ssyncset.done $0x0  }
0x49: {  	[sflag:s0] =	ssyncadd.s32 $0xFFFFC000  }
0x4a: {  	_ =	swait.ge [sflag:s31], $0x80  }
0x4b: {  	[sflag:s31] =	ssyncset.done $0x0  }
0x4c: {  	[sflag:s31] =	ssyncadd.s32 $0xFFFFFF80  }
0x4d: {  	_ =	swait.ge [sflag:s31], $0x80  }
0x4e: {  	[sflag:s31] =	ssyncset.done $0x0  }
0x4f: {  	[sflag:s31] =	ssyncadd.s32 $0xFFFFFF80  }
0x50: {  	[tilespmem:s3], [sflag:$0x2] =	stream.indirect.gather [hbm4b:s1+s29], $0x80, s29, s29, $0xb8;
	v63 =	vld [tilespmem:$0x0]  }
0x51: {  	s19 =	rddreg [dreg:$0xe]  }
0x52: {  	[tilespmem:s7], [sflag:$0x1] =	stream.linear.gather [hbm4b:s19+s4], $0x80, $0x38;
	v63 =	vld [tilespmem:$0x0]  }
0x53: {  	s20 =	rddreg [dreg:$0xf]  }
0x54: {  	[tilespmem:s10], [sflag:$0x1] =	stream.linear.gather [hbm4b:s20+s4], $0x80, $0x38;
	v63 =	vld [tilespmem:$0x0]  }
0x55: {  	_ = 	snop  }
0x56: {  	[spmem:s2] =	stream.indirect.scatter.add.f32 [tilespmem:s24], [sflag:$0x3], $0x80, s28, s29, $0xb8;
	v63 =	vld [tilespmem:$0x0]  }
0x57: {  	_ =	swait.ge [sflag:s31], $0x80  }
0x58: {  	[sflag:s31] =	ssyncset.done $0x0  }
0x59: {  	[sflag:s31] =	ssyncadd.s32 $0xFFFFFF80  }
0x5a: {  	_ =	swait.ge [sflag:s31], $0x80  }
0x5b: {  	[sflag:s31] =	ssyncset.done $0x0  }
0x5c: {  	[sflag:s31] =	ssyncadd.s32 $0xFFFFFF80  }
0x5d: {  	_ =	swait.ge [sflag:s0], $0x4000  }
0x5e: {  	[sflag:s0] =	ssyncset.done $0x0  }
0x5f: {  	[sflag:s0] =	ssyncadd.s32 $0xFFFFC000  }
0x60: {  	[tilespmem:s11], [sflag:$0x2] =	stream.indirect.gather [hbm4b:s1+s29], $0x80, s7, s29, $0xb8;
	v63 =	vld [tilespmem:$0x0]  }
0x61: {  	_ =	swait.ge [sflag:s12], $0x4000  }
0x62: {  	[sflag:s12] =	ssyncset.done $0x0  }
0x63: {  	s21 =	rddreg [dreg:$0x10];
	[sflag:s12] =	ssyncadd.s32 $0xFFFFC000  }
0x64: {  	[tilespmem:s4], [sflag:$0x1] =	stream.linear.gather [hbm4b:s21+s4], $0x80, $0x38;
	v63 =	vld [tilespmem:$0x0]  }
0x65: {  	s17 =	rddreg [dreg:$0x11]  }
0x66: {  	[tilespmem:s28], [sflag:$0x1] =	stream.linear.gather [hbm4b:s17+s4], $0x80, $0x38;
	v63 =	vld [tilespmem:$0x0]  }
0x67: {  	_ = 	snop  }
0x68: {  	[spmem:s2] =	stream.indirect.scatter.add.f32 [tilespmem:s3], [sflag:$0x4], $0x80, s30, s29, $0xb8;
	v63 =	vld [tilespmem:$0x0]  }
0x69: {  	_ =	swait.ge [sflag:s31], $0x80  }
0x6a: {  	[sflag:s31] =	ssyncset.done $0x0  }
0x6b: {  	[sflag:s31] =	ssyncadd.s32 $0xFFFFFF80  }
0x6c: {  	_ =	swait.ge [sflag:s31], $0x80  }
0x6d: {  	[sflag:s31] =	ssyncset.done $0x0  }
0x6e: {  	[sflag:s31] =	ssyncadd.s32 $0xFFFFFF80  }
0x6f: {  	_ =	swait.ge [sflag:s0], $0x4000  }
0x70: {  	[sflag:s0] =	ssyncset.done $0x0  }
0x71: {  	[sflag:s0] =	ssyncadd.s32 $0xFFFFC000  }
0x72: {  	[tilespmem:s24], [sflag:$0x2] =	stream.indirect.gather [hbm4b:s1+s29], $0x80, s4, s29, $0xb8;
	v63 =	vld [tilespmem:$0x0]  }
0x73: {  	_ =	swait.ge [sflag:s13], $0x4000  }
0x74: {  	s18 =	rddreg [dreg:$0x4]  }
0x75: {  	s19 =	simm.s32 $0x40;
	s16 =	sadd.s32 $0x40, s18  }
0x76: {  	s17 =	sand.u32 $0x70, s19;
	s16 =	sand.u32 $0xFFFFF80, s16  }
0x77: {  	[sflag:s13] =	ssyncset.done $0x0;
	s16 =	sor.u32 s17, s16  }
0x78: {  	[sflag:s13] =	ssyncadd.s32 $0xFFFFC000;
	s17 =	sadd.s32 s5, s16  }
0x79: {  	[tilespmem:s29], [sflag:$0x1] =	stream.linear.gather [hbm4b:s17+s4], $0x80, $0x38;
	v63 =	vld [tilespmem:$0x0]  }
0x7a: {  	s16 =	sadd.s32 s6, s16  }
0x7b: {  	[tilespmem:s30], [sflag:$0x1] =	stream.linear.gather [hbm4b:s16+s4], $0x80, $0x38;
	v63 =	vld [tilespmem:$0x0]  }
0x7c: {  	_ = 	snop  }
0x7d: {  	[spmem:s2] =	stream.indirect.scatter.add.f32 [tilespmem:s11], [sflag:$0x5], $0x80, s10, s29, $0xb8;
	v63 =	vld [tilespmem:$0x0]  }
0x7e: {  	_ =	swait.ge [sflag:s31], $0x80  }
0x7f: {  	[sflag:s31] =	ssyncset.done $0x0  }
0x80: {  	[sflag:s31] =	ssyncadd.s32 $0xFFFFFF80  }
0x81: {  	_ =	swait.ge [sflag:s31], $0x80  }
0x82: {  	[sflag:s31] =	ssyncset.done $0x0  }
0x83: {  	p1 =	por $0x0, $0x0;
	s16 =	simm.s32 $0x5;
	[sflag:s31] =	ssyncadd.s32 $0xFFFFFF80  }
0x84: {  	s16 =	simm.s32 @p1 $0x0;
	_ =	swait.ge [sflag:s0], $0x4000  }
0x85: {  	s20 =	sadd.s32 s9, s16;
	[sflag:s0] =	ssyncset.done $0x0  }
0x86: {  	s16 =	sshll.u32 s16, $0x4;
	s17 =	sshll.u32 s20, $0x4;
	[sflag:s0] =	ssyncadd.s32 $0xFFFFC000  }
0x87: {  	[tilespmem:s3], [sflag:$0x2] =	stream.indirect.gather [hbm4b:s1+s29], $0x80, s29, s29, $0xb8;
	v63 =	vld [tilespmem:$0x0]  }
0x88: {  	s16 =	sand.u32 $0x70, s16;
	s17 =	sand.u32 $0xFFFFF80, s17;
	_ =	swait.ge [sflag:s14], $0x4000  }
0x89: {  	s16 =	sor.u32 s16, s17;
	[sflag:s14] =	ssyncset.done $0x0  }
0x8a: {  	s17 =	sadd.s32 s5, s16;
	[sflag:s14] =	ssyncadd.s32 $0xFFFFC000  }
0x8b: {  	[tilespmem:s7], [sflag:$0x1] =	stream.linear.gather [hbm4b:s17+s4], $0x80, $0x38;
	v63 =	vld [tilespmem:$0x0]  }
0x8c: {  	s16 =	sadd.s32 s6, s16  }
0x8d: {  	[tilespmem:s10], [sflag:$0x1] =	stream.linear.gather [hbm4b:s16+s4], $0x80, $0x38;
	v63 =	vld [tilespmem:$0x0]  }
0x8e: {  	_ = 	snop  }
0x8f: {  	[spmem:s2] =	stream.indirect.scatter.add.f32 [tilespmem:s24], [sflag:$0x3], $0x80, s28, s29, $0xb8;
	v63 =	vld [tilespmem:$0x0]  }
0x90: {  	_ =	swait.ge [sflag:s31], $0x80  }
0x91: {  	[sflag:s31] =	ssyncset.done $0x0  }
0x92: {  	[sflag:s31] =	ssyncadd.s32 $0xFFFFFF80  }
0x93: {  	_ =	swait.ge [sflag:s31], $0x80  }
0x94: {  	[sflag:s31] =	ssyncset.done $0x0  }
0x95: {  	s16 =	simm.s32 $0x6;
	[sflag:s31] =	ssyncadd.s32 $0xFFFFFF80  }
0x96: {  	s16 =	simm.s32 @p1 $0x1;
	_ =	swait.ge [sflag:s0], $0x4000  }
0x97: {  	s21 =	sadd.s32 s9, s16;
	[sflag:s0] =	ssyncset.done $0x0  }
0x98: {  	s16 =	sshll.u32 s16, $0x4;
	s17 =	sshll.u32 s21, $0x4;
	[sflag:s0] =	ssyncadd.s32 $0xFFFFC000  }
0x99: {  	[tilespmem:s11], [sflag:$0x2] =	stream.indirect.gather [hbm4b:s1+s29], $0x80, s7, s29, $0xb8;
	v63 =	vld [tilespmem:$0x0]  }
0x9a: {  	s16 =	sand.u32 $0x70, s16;
	s17 =	sand.u32 $0xFFFFF80, s17;
	_ =	swait.ge [sflag:s12], $0x4000  }
0x9b: {  	s16 =	sor.u32 s16, s17;
	[sflag:s12] =	ssyncset.done $0x0  }
0x9c: {  	s17 =	sadd.s32 s5, s16;
	[sflag:s12] =	ssyncadd.s32 $0xFFFFC000  }
0x9d: {  	[tilespmem:s4], [sflag:$0x1] =	stream.linear.gather [hbm4b:s17+s4], $0x80, $0x38;
	v63 =	vld [tilespmem:$0x0]  }
0x9e: {  	s16 =	sadd.s32 s6, s16  }
0x9f: {  	[tilespmem:s28], [sflag:$0x1] =	stream.linear.gather [hbm4b:s16+s4], $0x80, $0x38;
	v63 =	vld [tilespmem:$0x0]  }
0xa0: {  	_ = 	snop  }
0xa1: {  	[spmem:s2] =	stream.indirect.scatter.add.f32 [tilespmem:s3], [sflag:$0x4], $0x80, s30, s29, $0xb8;
	v63 =	vld [tilespmem:$0x0]  }
0xa2: {  	_ =	swait.ge [sflag:s31], $0x80  }
0xa3: {  	[sflag:s31] =	ssyncset.done $0x0  }
0xa4: {  	[sflag:s31] =	ssyncadd.s32 $0xFFFFFF80  }
0xa5: {  	_ =	swait.ge [sflag:s31], $0x80  }
0xa6: {  	[sflag:s31] =	ssyncset.done $0x0  }
0xa7: {  	[sflag:s31] =	ssyncadd.s32 $0xFFFFFF80  }
0xa8: {  	s17 =	simm.s32 $0x70;
	s16 =	simm.s32 $0x9;
	_ =	swait.ge [sflag:s0], $0x4000  }
.LBB2_2:
0xa9: {  	[sflag:s0] =	ssyncset.done $0x0  }
0xaa: {  	[sflag:s0] =	ssyncadd.s32 $0xFFFFC000  }
0xab: {  	[tilespmem:s24], [sflag:$0x2] =	stream.indirect.gather [hbm4b:s1+s29], $0x80, s4, s29, $0xb8;
	v63 =	vld [tilespmem:$0x0]  }
0xac: {  	_ =	swait.ge [sflag:s13], $0x4000  }
0xad: {  	s19 =	rddreg [dreg:$0x4]  }
0xae: {  	s19 =	sadd.s32 s17, s19  }
0xaf: {  	s20 =	sand.u32 $0x70, s17;
	s19 =	sand.u32 $0xFFFFF80, s19  }
0xb0: {  	[sflag:s13] =	ssyncset.done $0x0;
	s19 =	sor.u32 s20, s19  }
0xb1: {  	[sflag:s13] =	ssyncadd.s32 $0xFFFFC000;
	s20 =	sadd.s32 s5, s19  }
0xb2: {  	[tilespmem:s29], [sflag:$0x1] =	stream.linear.gather [hbm4b:s20+s4], $0x80, $0x38;
	v63 =	vld [tilespmem:$0x0]  }
0xb3: {  	s19 =	sadd.s32 s6, s19  }
0xb4: {  	[tilespmem:s30], [sflag:$0x1] =	stream.linear.gather [hbm4b:s19+s4], $0x80, $0x38;
	v63 =	vld [tilespmem:$0x0]  }
0xb5: {  	_ = 	snop  }
0xb6: {  	[spmem:s2] =	stream.indirect.scatter.add.f32 [tilespmem:s11], [sflag:$0x5], $0x80, s10, s29, $0xb8;
	v63 =	vld [tilespmem:$0x0]  }
0xb7: {  	_ =	swait.ge [sflag:s31], $0x80  }
0xb8: {  	[sflag:s31] =	ssyncset.done $0x0  }
0xb9: {  	[sflag:s31] =	ssyncadd.s32 $0xFFFFFF80  }
0xba: {  	_ =	swait.ge [sflag:s31], $0x80  }
0xbb: {  	s18 =	smov.u32 s16;
	[sflag:s31] =	ssyncset.done $0x0  }
0xbc: {  	p2 =	seq.s32 s18, $0x51;
	s19 =	sadd.s32 $0xFFFFFFFF, s18;
	[sflag:s31] =	ssyncadd.s32 $0xFFFFFF80  }
0xbd: {  	s19 =	simm.s32 @p2 $0x0;
	_ =	swait.ge [sflag:s0], $0x4000  }
0xbe: {  	s18 =	simm.s32 @p2 $0x1;
	s21 =	sadd.s32 s9, s19;
	[sflag:s0] =	ssyncset.done $0x0  }
0xbf: {  	s19 =	sshll.u32 s19, $0x4;
	s20 =	sshll.u32 s21, $0x4;
	[sflag:s0] =	ssyncadd.s32 $0xFFFFC000  }
0xc0: {  	[tilespmem:s3], [sflag:$0x2] =	stream.indirect.gather [hbm4b:s1+s29], $0x80, s29, s29, $0xb8;
	v63 =	vld [tilespmem:$0x0]  }
0xc1: {  	s19 =	sand.u32 $0x70, s19;
	s20 =	sand.u32 $0xFFFFF80, s20;
	_ =	swait.ge [sflag:s14], $0x4000  }
0xc2: {  	s21 =	sadd.s32 s9, s18;
	s19 =	sor.u32 s19, s20;
	[sflag:s14] =	ssyncset.done $0x0  }
0xc3: {  	s20 =	sshll.u32 s21, $0x4;
	s21 =	sadd.s32 s5, s19;
	[sflag:s14] =	ssyncadd.s32 $0xFFFFC000  }
0xc4: {  	[tilespmem:s7], [sflag:$0x1] =	stream.linear.gather [hbm4b:s21+s4], $0x80, $0x38;
	v63 =	vld [tilespmem:$0x0]  }
0xc5: {  	s19 =	sadd.s32 s6, s19  }
0xc6: {  	[tilespmem:s10], [sflag:$0x1] =	stream.linear.gather [hbm4b:s19+s4], $0x80, $0x38;
	v63 =	vld [tilespmem:$0x0]  }
0xc7: {  	_ = 	snop  }
0xc8: {  	[spmem:s2] =	stream.indirect.scatter.add.f32 [tilespmem:s24], [sflag:$0x3], $0x80, s28, s29, $0xb8;
	v63 =	vld [tilespmem:$0x0]  }
0xc9: {  	_ =	swait.ge [sflag:s31], $0x80  }
0xca: {  	[sflag:s31] =	ssyncset.done $0x0  }
0xcb: {  	[sflag:s31] =	ssyncadd.s32 $0xFFFFFF80  }
0xcc: {  	_ =	swait.ge [sflag:s31], $0x80  }
0xcd: {  	[sflag:s31] =	ssyncset.done $0x0  }
0xce: {  	[sflag:s31] =	ssyncadd.s32 $0xFFFFFF80  }
0xcf: {  	_ =	swait.ge [sflag:s0], $0x4000  }
0xd0: {  	[sflag:s0] =	ssyncset.done $0x0  }
0xd1: {  	s18 =	sshll.u32 s18, $0x4;
	[sflag:s0] =	ssyncadd.s32 $0xFFFFC000  }
0xd2: {  	[tilespmem:s11], [sflag:$0x2] =	stream.indirect.gather [hbm4b:s1+s29], $0x80, s7, s29, $0xb8;
	v63 =	vld [tilespmem:$0x0]  }
0xd3: {  	s18 =	sand.u32 $0x70, s18;
	s20 =	sand.u32 $0xFFFFF80, s20;
	_ =	swait.ge [sflag:s12], $0x4000  }
0xd4: {  	s18 =	sor.u32 s18, s20;
	[sflag:s12] =	ssyncset.done $0x0  }
0xd5: {  	s21 =	sadd.s32 s5, s18;
	[sflag:s12] =	ssyncadd.s32 $0xFFFFC000  }
0xd6: {  	[tilespmem:s4], [sflag:$0x1] =	stream.linear.gather [hbm4b:s21+s4], $0x80, $0x38;
	v63 =	vld [tilespmem:$0x0]  }
0xd7: {  	s18 =	sadd.s32 s6, s18  }
0xd8: {  	[tilespmem:s28], [sflag:$0x1] =	stream.linear.gather [hbm4b:s18+s4], $0x80, $0x38;
	v63 =	vld [tilespmem:$0x0]  }
0xd9: {  	_ = 	snop  }
0xda: {  	[spmem:s2] =	stream.indirect.scatter.add.f32 [tilespmem:s3], [sflag:$0x4], $0x80, s30, s29, $0xb8;
	v63 =	vld [tilespmem:$0x0]  }
0xdb: {  	_ =	swait.ge [sflag:s31], $0x80  }
0xdc: {  	p1 =	sne.s32 s16, $0x51;
	[sflag:s31] =	ssyncset.done $0x0  }
.Ltmp0:
0xdd: {  	[sflag:s31] =	ssyncadd.s32 $0xFFFFFF80;
	(pc) =	sbr.rel @p1 .LBB2_2-.Ltmp0, $4  }
0xde: {  	_ =	swait.ge [sflag:s31], $0x80  }
0xdf: {  	[sflag:s31] =	ssyncset.done $0x0  }
0xe0: {  	[sflag:s31] =	ssyncadd.s32 $0xFFFFFF80  }
0xe1: {  	s16 =	sadd.s32 $0x3, s16;
	s17 =	sadd.s32 $0x30, s17;
	_ =	swait.ge [sflag:s0], $0x4000  }
0xe2: {  	[sflag:s0] =	ssyncset.done $0x0  }
0xe3: {  	[sflag:s0] =	ssyncadd.s32 $0xFFFFC000  }
0xe4: {  	_ =	swait.ge [sflag:s13], $0x4000  }
0xe5: {  	s16 =	stileid.u32;
	s15 =	sadd.s32 $0x1, s15;
	[sflag:s13] =	ssyncset.done $0x0  }
0xe6: {  	s16 =	sshll.u32 s16, $0x6;
	p1 =	sne.s32 s15, s23;
	[sflag:s13] =	ssyncadd.s32 $0xFFFFC000  }
.Ltmp1:
0xe7: {  	s16 =	sor.u32 $0x1C06, s16;
	[bflag:$0x0] =	sbarrier.arrive $0xFFFF;
	(pc) =	sbr.rel @p1 .LBB2_1-.Ltmp1, $4  }
0xe8: {  	[hbm:s22], [sflag:s16] =	dma.local [spmem:s25], $0x2780  }
0xe9: {  	_ =	swait.ge [sflag:s26], $0x2780  }
0xea: {  	[sflag:s26] =	ssyncset.done $0x0  }
0xeb: {  	[sflag:s26] =	ssyncadd.s32 $0xFFFFD880  }
0xec: {  	_ =	sfence.sel $0x180000  }
0xed: {  	[bflag:$0x0] =	sbarrier.arrive $0xFFFF  }
0xee: {  	_ =	strace $0x9000004D  }
0xef: {  	s0 =	stileid.u32;
	[bflag:$0x2] =	sbarrier.arrive $0xFFFF  }
0xf0: {  	p0 =	sne.s32 s0, $0x0;
	s0 =	rddreg [dreg:$0x3]  }
0xf1: {  	s0 =	sadd.s32 @!p0 $0x100000, s0  }
0xf2: {  	[sflag:s0] =	ssyncadd.tile.s32 @!p0 $0x1;
	_ =	shalt  }
.Lfunc_end2:
_tile_overlayer_lowered:
.L_overlay_start_2:
0xf3: {  	(tag) =	ssettag $0x2  }
0xf4: {  	s0 =	rddreg [dreg:$0x0];
	s2 =	stileid.u32  }
0xf5: {  	s1 =	rddreg [dreg:$0x1];
	p0 =	sne.s32 s2, $0x0  }
0xf6: {  	s3 =	rddreg [dreg:$0x2];
	[bflag:$0x3] =	sbarrier.arrive $0xFFFF;
	s2 =	simm.s32 @!p0 $0x1C06  }
0xf7: {  	[timem:s3], [sflag:s2] =	dma.local @!p0 [hbm:s0], s1  }
0xf8: {  	s0 =	simm.s32 @!p0 $0x6  }
0xf9: {  	_ =	swait.ge @!p0 [sflag:s0], s1  }
0xfa: {  	s1 =	ssub.s32 @!p0 $0x0, s1;
	[sflag:s0] =	ssyncset.done @!p0 $0x0  }
0xfb: {  	[sflag:s0] =	ssyncadd.s32 @!p0 s1  }
0xfc: {  	[bflag:$0x3] =	sbarrier.arrive $0xFFFF  }
0xfd: {  	_ =	shalt  }

// kernel: kernel.8.cloned.1.call-start
scs
__scs_entry_jumppad:
0x0: {  	(pc) =	sbr.rel $0x88, $3  }
0x1: {  	(tag) =	ssettag $0x0;
	lr =	simm.s32 $0x1  }
0x2: {  	[smem:$0x3F98] =	sst lr;
	_ =	strace $0xD0000000  }
0x3: {  	_ = 	snop  }
0x4: {  	_ = 	snop  }
0x5: {  	_ = 	snop  }
0x6: {  	_ = 	snop  }
0x7: {  	_ = 	snop  }
__scs_overlays_trampoline_lowered:
0x8: {  	[smem:$0x3FA7] =	sst s0  }
0x9: {  	[smem:$0x3FA8] =	sst s1  }
0xa: {  	[smem:$0x3FA9] =	sst s2  }
0xb: {  	[smem:$0x3FAA] =	sst s3  }
0xc: {  	[smem:$0x3FAB] =	sst s4  }
0xd: {  	[smem:$0x3FAC] =	sst s5  }
0xe: {  	[smem:$0x3FAD] =	sst s6  }
0xf: {  	[smem:$0x3FAE] =	sst s7  }
0x10: {  	[smem:$0x3FAF] =	sst s8  }
0x11: {  	[smem:$0x3FB0] =	sst s9;
	s0 =	simm.s32 @!p0 $0x0  }
0x12: {  	s1 =	sld [smem:$0x3F96];
	s0 =	simm.s32 @p0 $0x1  }
0x13: {  	[smem:$0x3FB1] =	sst s0;
	s0 =	simm.s32 @!p1 $0x0  }
0x14: {  	s2 =	sld [smem:$0x3F95];
	s0 =	simm.s32 @p1 $0x1  }
0x15: {  	[smem:$0x3FB2] =	sst s0;
	s0 =	simm.s32 @!p2 $0x0  }
0x16: {  	s3 =	sld [smem:$0x3FDB];
	s0 =	simm.s32 @p2 $0x1  }
0x17: {  	s4 =	simm.s32 $0x1BF5;
	[smem:$0x3FB4] =	sst s0  }
0x18: {  	s0 =	sld [smem:$0x3F97];
	_ =	swait.ge [sflag:s4], $0x0  }
0x19: {  	s7 =	sld [smem:$0x3F98]  }
0x1a: {  	s8 =	sadd.s32 $0xFFFFE003, lr  }
0x1b: {  	s9 =	sadd.s32 $0xFFFFFEF7, lr;
	s5 =	simm.s32 $0xFFFFFFFF;
	p2 =	slt.u32 s8, $0xFFFFF086  }
0x1c: {  	p1 =	slt.u32 s9, $0xF7A;
	s5 =	simm.s32 @!p2 $0x0  }
0x1d: {  	s5 =	simm.s32 @p1 $0x1;
	p0 =	seq.s32 s7, s2  }
0x1e: {  	s7 =	smul.u32 @!p0 $0xF7A, s2;
	p2 =	seq.s32 @!p0 s5, $0x0  }
0x1f: {  	s9 =	smul.u32 $0xF7A, s1;
	s8 =	simm.s32 @!p0 $0x1BF5;
	p2 =	por !p2, p0  }
0x20: {  	[sflag:s8] =	ssyncset.s32 @!p0 $0xFFFFF086;
	s6 =	sadd.s32 @!p0 s3, s7;
	s7 =	simm.s32 @!p0 $0x108  }
0x21: {  	s3 =	sadd.s32 s3, s9;
	s6 =	sadd.s32 @!p0 $0x88, s6;
	s7 =	simm.s32 @p2 $0x1082  }
0x22: {  	[simem:s7], [sflag:s8] =	dma.local @!p0 [hbm:s6], $0xF7A  }
0x23: {  	s9 =	sor.u32 $0xD0000000, s2;
	s6 =	simm.s32 $0x108;
	_ =	swait.ge @!p0 [sflag:s8], $0x0  }
0x24: {  	s3 =	sadd.s32 $0x88, s3;
	s6 =	simm.s32 @!p1 $0x1082;
	[sflag:s4] =	ssyncset.s32 $0xFFFFF086  }
0x25: {  	[simem:s6], [sflag:s4] =	dma.local [hbm:s3], $0xF7A  }
0x26: {  	[smem:$0x3F98] =	sst s1;
	(tag) =	ssettag s2;
	_ =	strace s9  }
0x27: {  	s1 =	sld [smem:$0x3FA8]  }
0x28: {  	s2 =	sld [smem:$0x3FA9]  }
0x29: {  	s4 =	sld [smem:$0x3FAB]  }
0x2a: {  	p0 =	seq.s32 s5, $0x0;
	s5 =	sld [smem:$0x3FAC]  }
0x2b: {  	s6 =	sld [smem:$0x3FAD]  }
0x2c: {  	s7 =	sld [smem:$0x3FAE]  }
0x2d: {  	s3 =	simm.s32 $0x108;
	s8 =	sld [smem:$0x3FAF]  }
0x2e: {  	s3 =	simm.s32 @!p0 $0x1082;
	s9 =	sld [smem:$0x3FB0]  }
0x2f: {  	lr =	sadd.s32 s0, s3;
	s0 =	sld [smem:$0x3FA7]  }
0x30: {  	s3 =	sld [smem:$0x3FAA]  }
0x31: {  	[smem:$0x3FB3] =	sst s10  }
0x32: {  	s10 =	sld [smem:$0x3FB1];
	_ =	sdelay $0x3  }
0x33: {  	p0 =	seq.s32 s10, $0x1;
	s10 =	sld [smem:$0x3FB3];
	_ =	sdelay $0x3  }
0x34: {  	[smem:$0x3FB3] =	sst s10  }
0x35: {  	s10 =	sld [smem:$0x3FB2];
	_ =	sdelay $0x3  }
0x36: {  	p1 =	seq.s32 s10, $0x1;
	s10 =	sld [smem:$0x3FB3];
	_ =	sdelay $0x3  }
0x37: {  	[smem:$0x3FB3] =	sst s10  }
0x38: {  	s10 =	sld [smem:$0x3FB4]  }
0x39: {  	_ = 	snop;
	(pc) =	sbr.ind lr, $3  }
0x3a: {  	_ = 	snop  }
0x3b: {  	_ = 	snop  }
0x3c: {  	p2 =	seq.s32 s10, $0x1;
	s10 =	sld [smem:$0x3FB3]  }
0x3d: {  	_ =	shalt  }
0x3e: {  	_ =	shalt  }
0x3f: {  	_ =	shalt  }
0x40: {  	_ =	shalt  }
0x41: {  	_ =	shalt  }
0x42: {  	_ =	shalt  }
0x43: {  	_ =	shalt  }
0x44: {  	_ =	shalt  }
0x45: {  	_ =	shalt  }
0x46: {  	_ =	shalt  }
0x47: {  	_ =	shalt  }
0x48: {  	_ =	shalt  }
0x49: {  	_ =	shalt  }
0x4a: {  	_ =	shalt  }
0x4b: {  	_ =	shalt  }
0x4c: {  	_ =	shalt  }
0x4d: {  	_ =	shalt  }
0x4e: {  	_ =	shalt  }
0x4f: {  	_ =	shalt  }
0x50: {  	_ =	shalt  }
0x51: {  	_ =	shalt  }
0x52: {  	_ =	shalt  }
0x53: {  	_ =	shalt  }
0x54: {  	_ =	shalt  }
0x55: {  	_ =	shalt  }
0x56: {  	_ =	shalt  }
0x57: {  	_ =	shalt  }
0x58: {  	_ =	shalt  }
0x59: {  	_ =	shalt  }
0x5a: {  	_ =	shalt  }
0x5b: {  	_ =	shalt  }
0x5c: {  	_ =	shalt  }
0x5d: {  	_ =	shalt  }
0x5e: {  	_ =	shalt  }
0x5f: {  	_ =	shalt  }
0x60: {  	_ =	shalt  }
0x61: {  	_ =	shalt  }
0x62: {  	_ =	shalt  }
0x63: {  	_ =	shalt  }
0x64: {  	_ =	shalt  }
0x65: {  	_ =	shalt  }
0x66: {  	_ =	shalt  }
0x67: {  	_ =	shalt  }
0x68: {  	_ =	shalt  }
0x69: {  	_ =	shalt  }
0x6a: {  	_ =	shalt  }
0x6b: {  	_ =	shalt  }
0x6c: {  	_ =	shalt  }
0x6d: {  	_ =	shalt  }
0x6e: {  	_ =	shalt  }
0x6f: {  	_ =	shalt  }
0x70: {  	_ =	shalt  }
0x71: {  	_ =	shalt  }
0x72: {  	_ =	shalt  }
0x73: {  	_ =	shalt  }
0x74: {  	_ =	shalt  }
0x75: {  	_ =	shalt  }
0x76: {  	_ =	shalt  }
0x77: {  	_ =	shalt  }
0x78: {  	_ =	shalt  }
0x79: {  	_ =	shalt  }
0x7a: {  	_ =	shalt  }
0x7b: {  	_ =	shalt  }
0x7c: {  	_ =	shalt  }
0x7d: {  	_ =	shalt  }
0x7e: {  	_ =	shalt  }
0x7f: {  	_ =	shalt  }
0x80: {  	_ =	shalt  }
0x81: {  	_ =	shalt  }
0x82: {  	_ =	shalt  }
0x83: {  	_ =	shalt  }
0x84: {  	_ =	shalt  }
0x85: {  	_ =	shalt  }
0x86: {  	_ =	shalt  }
0x87: {  	_ =	shalt  }
.Lfunc_end0:
.L_simem_size_0:
called_computation_lowered:
.L_overlay_start_0:
0x88: {  	s2 =	sld [smem:$0x3FD9]  }
0x89: {  	s3 =	sld [smem:$0x3FFE];
	_ =	sdelay $0x1  }
0x8a: {  	s1 =	srdreg.scid  }
0x8b: {  	s0 =	sand.u32 $0x1, s1  }
0x8c: {  	s17 =	sshll.u32 s0, $0xA;
	s2 =	sadd.s32 s3, s2  }
0x8d: {  	s2 =	sadd.s32 s2, s17  }
0x8e: {  	[smem:$0x3FBF] =	sst s2  }
0x8f: {  	_ = 	snop  }
0x90: {  	s2 =	sld [smem:$0x3FD0];
	(tm) =	ssettm $0x1  }
0x91: {  	s18 =	sld [smem:$0x3FFB];
	_ =	sdelay $0x3  }
0x92: {  	_ =	strace s18  }
0x93: {  	s3 =	sld [smem:$0x3FFC];
	_ =	sdelay $0x3  }
0x94: {  	_ =	strace s3  }
0x95: {  	s3 =	sld [smem:$0x3FFD];
	_ =	sdelay $0x3  }
0x96: {  	_ =	strace s3  }
0x97: {  	_ =	strace $0x8FFFFFFF  }
0x98: {  	s19 =	sld [smem:$0x3FDB];
	_ =	sdelay $0x1  }
0x99: {  	s4 =	simm.s32 $_scs_section_size  }
0x9a: {  	s5 =	simm.s32 $_size__tile_overlayer_lowered;
	s6 =	simm.s32 $_tile_overlayer_lowered  }
0x9b: {  	s22 =	simm.s32 $0x1BFF;
	s21 =	sshll.u32 s6, $0x1;
	s3 =	sadd.s32 s4, s19  }
0x9c: {  	s7 =	simm.s32 $0x0;
	s20 =	sshll.u32 s5, $0x1;
	s5 =	sadd.s32 s21, s3  }
0x9d: {  	[timem:s7], [sflag:s22] =	dma.local [hbm:s5], s20  }
0x9e: {  	_ =	swait.ge [sflag:s22], s20  }
0x9f: {  	s4 =	ssub.s32 $0x0, s20;
	[sflag:s22] =	ssyncset.done $0x0  }
0xa0: {  	[sflag:s22] =	ssyncadd.s32 s4;
	_ =	sdelay $0x1  }
0xa1: {  	s23 =	simm.s32 $0x1B8B  }
0xa2: {  	_ =	swait.ge [sflag:s23], $0x1  }
0xa3: {  	[sflag:s23] =	ssyncset.done $0x0  }
0xa4: {  	s25 =	simm.s32 $0x1B8E;
	s24 =	sld [smem:$0x3FFE];
	[sflag:s23] =	ssyncadd.s32 $0xFFFFFFFF  }
0xa5: {  	s26 =	simm.s32 $execute0_lowered;
	[smem:$0x3FD2] =	sst s25  }
0xa6: {  	s5 =	sshll.u32 s26, $0x1;
	_ =	strace $0x80000046;
	[dreg:$0x1] =	wrdreg $0xFFFFFFFF  }
0xa7: {  	s28 =	simm.s32 $_size_execute0_lowered;
	s3 =	sadd.s32 s3, s5;
	[dreg:$0x0] =	wrdreg $0x0  }
0xa8: {  	s5 =	sshll.u32 s28, $0x1;
	[dreg:$0x2] =	wrdreg s3  }
0xa9: {  	[dreg:$0x3] =	wrdreg s5  }
0xaa: {  	[dreg:$0x4] =	wrdreg $0xC0  }
0xab: {  	_ =	task [dreg:s7], $0x5FFFF  }
0xac: {  	[dreg:$0x1] =	wrdreg $0xFFFFFFFF  }
0xad: {  	[dreg:$0x0] =	wrdreg $0x60  }
0xae: {  	[dreg:$0x2] =	wrdreg s24  }
0xaf: {  	[dreg:$0x3] =	wrdreg s2  }
0xb0: {  	[dreg:$0x4] =	wrdreg $0x29000  }
0xb1: {  	[dreg:$0x5] =	wrdreg $0x9  }
0xb2: {  	_ =	task.clear_ibuf [dreg:s7], $0x6FFFF;
	_ =	strace $0x90000046  }
0xb3: {  	s29 =	simm.s32 $0x9;
	_ =	strace $0x80000048  }
0xb4: {  	_ =	swait.ge [sflag:s29], $0x1  }
0xb5: {  	[sflag:s29] =	ssyncadd.s32 $0xFFFFFFFF  }
0xb6: {  	_ =	strace $0x90000048  }
0xb7: {  	_ =	sfence  }
0xb8: {  	s30 =	sld [smem:$0x0];
	_ =	sdelay $0x2  }
0xb9: {  	s31 =	sshll.u32 s1, $0xD;
	s1 =	sshrl.u32 s1, $0x2  }
0xba: {  	s3 =	sand.u32 $0x4000, s31;
	s1 =	sadd.s32 s1, s30  }
0xbb: {  	s0 =	sor.u32 s3, s0;
	s1 =	sshll.u32 s1, $0x11  }
0xbc: {  	s0 =	sor.u32 s1, s0  }
0xbd: {  	s0 =	sadd.s32 $0x8F2B, s0  }
0xbe: {  	[sflag:s0] =	ssyncadd.remote.s32 $0x1  }
0xbf: {  	_ =	sfence.sel $0xFFFF  }
0xc0: {  	[dreg:$0x0] =	wrdreg $0xFFFFFFFF;
	(pc) =	sbr.abs _section_cstart, $3  }
0xc1: {  	[dreg:$0x1] =	wrdreg $0xFFFFFFFF  }
0xc2: {  	_ =	task.clear_ibuf [dreg:s7], $0x2FFFF;
	_ =	strace $0x9FFFFFFF  }
0xc3: {  	(tm) =	ssettm $0x7FFFFFFF  }
tec
execute0_lowered:
.L_overlay_start_1:
0x0: {  	(tag) =	ssettag $0x1  }
0x1: {  	s5 =	rddreg [dreg:$0x0]  }
0x2: {  	s12 =	rddreg [dreg:$0x1]  }
0x3: {  	s1 =	srdreg.scid;
	s0 =	stileid.u32  }
0x4: {  	s2 =	rddreg [dreg:$0x2];
	s3 =	simm.s32 $0x0;
	s15 =	simm.s32 $0x2  }
0x5: {  	s16 =	simm.s32 $0x2880;
	s17 =	simm.s32 $0x80;
	s18 =	simm.s32 $0x1  }
0x6: {  	s21 =	simm.s32 $0x0;
	s6 =	sand.u32 $0x1, s1;
	s1 =	rddreg [dreg:$0x3]  }
0x7: {  	s4 =	sshll.u32 s0, $0x1;
	[smem:$0x7FF] =	sst s3;
	s9 =	smul.u32 $0x280, s0  }
0x8: {  	s19 =	sshll.u32 s0, $0x6;
	s4 =	sor.u32 s6, s4;
	_ =	strace $0x80000047  }
0x9: {  	s7 =	ssub.s32 $0x2, s6;
	s10 =	smul.u32 $0x2800, s6;
	s19 =	sor.u32 $0x1C02, s19  }
0xa: {  	s4 =	smul.u32 $0x500, s4;
	s8 =	sshrl.u32 s7, $0x1;
	s6 =	sadd.s32 s9, s2  }
0xb: {  	s13 =	ssub.s32 s7, s8;
	s7 =	sadd.s32 $0x80, s6;
	s8 =	sadd.s32 $0x100, s6  }
0xc: {  	s14 =	sadd.s32 s9, s10;
	s9 =	sadd.s32 $0x180, s6;
	s10 =	sadd.s32 $0x200, s6  }
0xd: {  	s20 =	sshrl.u32 s6, $0x3;
	s11 =	sadd.s32 s4, s5;
	s4 =	sadd.s32 $0x17800, s5  }
0xe: {  	s5 =	sadd.s32 $0x17600, s5;
	s14 =	sshrl.u32 s14, $0x3;
	s13 =	smax.u32 s13, $0x1  }
0xf: {  	s11 =	sadd.s32 $0x3600, s11;
	s12 =	sadd.s32 s12, s14;
	s14 =	simm.s32 $0x2800  }
.LBB2_1:
0x10: {  	[tilespmem:s14], [sflag:$0x2] =	stream.linear.gather [hbm4b:s4+s3], $0x80, $0x38;
	[tilespmem:$0x2B80] =	vst v63  }
0x11: {  	_ =	swait.ge [sflag:s15], $0x80  }
0x12: {  	[sflag:s15] =	ssyncset.done $0x0  }
0x13: {  	[sflag:s15] =	ssyncadd.s32 $0xFFFFFF80  }
0x14: {  	[tilespmem:s16], [sflag:$0x2] =	stream.linear.gather [hbm4b:s5+s3], $0x80, $0x38;
	[tilespmem:$0x2B80] =	vst v63  }
0x15: {  	_ =	swait.ge [sflag:s15], $0x80  }
0x16: {  	[sflag:s15] =	ssyncset.done $0x0  }
0x17: {  	[sflag:s15] =	ssyncadd.s32 $0xFFFFFF80  }
0x18: {  	[spmem:s6] =	stream.linear.scatter [tilespmem:s16], [sflag:$0x2], $0x80, $0x38;
	[tilespmem:$0x2B80] =	vst v63  }
0x19: {  	_ =	swait.ge [sflag:s15], $0x80  }
0x1a: {  	[sflag:s15] =	ssyncset.done $0x0  }
0x1b: {  	[sflag:s15] =	ssyncadd.s32 $0xFFFFFF80  }
0x1c: {  	[spmem:s7] =	stream.linear.scatter [tilespmem:s16], [sflag:$0x2], $0x80, $0x38;
	[tilespmem:$0x2B80] =	vst v63  }
0x1d: {  	_ =	swait.ge [sflag:s15], $0x80  }
0x1e: {  	[sflag:s15] =	ssyncset.done $0x0  }
0x1f: {  	[sflag:s15] =	ssyncadd.s32 $0xFFFFFF80  }
0x20: {  	[spmem:s8] =	stream.linear.scatter [tilespmem:s16], [sflag:$0x2], $0x80, $0x38;
	[tilespmem:$0x2B80] =	vst v63  }
0x21: {  	_ =	swait.ge [sflag:s15], $0x80  }
0x22: {  	[sflag:s15] =	ssyncset.done $0x0  }
0x23: {  	[sflag:s15] =	ssyncadd.s32 $0xFFFFFF80  }
0x24: {  	[spmem:s9] =	stream.linear.scatter [tilespmem:s16], [sflag:$0x2], $0x80, $0x38;
	[tilespmem:$0x2B80] =	vst v63  }
0x25: {  	_ =	swait.ge [sflag:s15], $0x80  }
0x26: {  	[sflag:s15] =	ssyncset.done $0x0  }
0x27: {  	[sflag:s15] =	ssyncadd.s32 $0xFFFFFF80  }
0x28: {  	[spmem:s10] =	stream.linear.scatter [tilespmem:s16], [sflag:$0x2], $0x80, $0x38;
	[tilespmem:$0x2B80] =	vst v63  }
0x29: {  	_ =	swait.ge [sflag:s15], $0x80  }
0x2a: {  	[sflag:s15] =	ssyncset.done $0x0  }
0x2b: {  	[sflag:s15] =	ssyncadd.s32 $0xFFFFFF80  }
0x2c: {  	[tilespmem:s3], [sflag:$0x2] =	stream.linear.gather [hbm4b:s11+s3], $0x2800, $0x38;
	[tilespmem:$0x2B80] =	vst v63  }
0x2d: {  	_ =	swait.ge [sflag:s15], $0x2800  }
0x2e: {  	[sflag:s15] =	ssyncset.done $0x0  }
0x2f: {  	[sflag:s15] =	ssyncadd.s32 $0xFFFFD800  }
0x30: {  	s22 =	simm.s32 $0x0;
	[bflag:$0x0] =	sbarrier.arrive $0xFFFF  }
0x31: {  	[spmem:s2] =	stream.indirect.scatter.add.f32 [tilespmem:s14], [sflag:$0x1], $0x1, s22, s17, $0xb8;
	[tilespmem:$0x2B80] =	vst v63  }
0x32: {  	s24 =	simm.s32 $0x80  }
0x33: {  	[spmem:s2] =	stream.indirect.scatter.add.f32 [tilespmem:s14], [sflag:$0x1], $0x1, s24, s17, $0xb8;
	[tilespmem:$0x2B80] =	vst v63  }
0x34: {  	s25 =	simm.s32 $0x100  }
0x35: {  	[spmem:s2] =	stream.indirect.scatter.add.f32 [tilespmem:s14], [sflag:$0x1], $0x1, s25, s17, $0xb8;
	[tilespmem:$0x2B80] =	vst v63  }
0x36: {  	s26 =	simm.s32 $0x180  }
0x37: {  	[spmem:s2] =	stream.indirect.scatter.add.f32 [tilespmem:s14], [sflag:$0x1], $0x1, s26, s17, $0xb8;
	[tilespmem:$0x2B80] =	vst v63  }
0x38: {  	s28 =	simm.s32 $0x200  }
0x39: {  	[spmem:s2] =	stream.indirect.scatter.add.f32 [tilespmem:s14], [sflag:$0x1], $0x1, s28, s17, $0xb8;
	[tilespmem:$0x2B80] =	vst v63  }
0x3a: {  	s29 =	simm.s32 $0x280  }
0x3b: {  	[spmem:s2] =	stream.indirect.scatter.add.f32 [tilespmem:s14], [sflag:$0x1], $0x1, s29, s17, $0xb8;
	[tilespmem:$0x2B80] =	vst v63  }
0x3c: {  	s30 =	simm.s32 $0x300  }
0x3d: {  	[spmem:s2] =	stream.indirect.scatter.add.f32 [tilespmem:s14], [sflag:$0x1], $0x1, s30, s17, $0xb8;
	[tilespmem:$0x2B80] =	vst v63  }
0x3e: {  	s31 =	simm.s32 $0x380  }
0x3f: {  	[spmem:s2] =	stream.indirect.scatter.add.f32 [tilespmem:s14], [sflag:$0x1], $0x1, s31, s17, $0xb8;
	[tilespmem:$0x2B80] =	vst v63  }
0x40: {  	_ =	swait.ge [sflag:s18], $0x80  }
0x41: {  	[sflag:s18] =	ssyncset.done $0x0  }
0x42: {  	[sflag:s18] =	ssyncadd.s32 $0xFFFFFF80  }
0x43: {  	_ =	swait.ge [sflag:s18], $0x80  }
0x44: {  	[sflag:s18] =	ssyncset.done $0x0  }
0x45: {  	[sflag:s18] =	ssyncadd.s32 $0xFFFFFF80  }
0x46: {  	_ =	swait.ge [sflag:s18], $0x80  }
0x47: {  	[sflag:s18] =	ssyncset.done $0x0  }
0x48: {  	[sflag:s18] =	ssyncadd.s32 $0xFFFFFF80  }
0x49: {  	_ =	swait.ge [sflag:s18], $0x80  }
0x4a: {  	[sflag:s18] =	ssyncset.done $0x0  }
0x4b: {  	[sflag:s18] =	ssyncadd.s32 $0xFFFFFF80  }
0x4c: {  	_ =	swait.ge [sflag:s18], $0x80  }
0x4d: {  	[sflag:s18] =	ssyncset.done $0x0  }
0x4e: {  	[sflag:s18] =	ssyncadd.s32 $0xFFFFFF80  }
0x4f: {  	_ =	swait.ge [sflag:s18], $0x80  }
0x50: {  	[sflag:s18] =	ssyncset.done $0x0  }
0x51: {  	[sflag:s18] =	ssyncadd.s32 $0xFFFFFF80  }
0x52: {  	_ =	swait.ge [sflag:s18], $0x80  }
0x53: {  	[sflag:s18] =	ssyncset.done $0x0  }
0x54: {  	[sflag:s18] =	ssyncadd.s32 $0xFFFFFF80  }
0x55: {  	_ =	swait.ge [sflag:s18], $0x80  }
0x56: {  	s22 =	simm.s32 $0x1000;
	s24 =	simm.s32 $0x2000;
	[sflag:s18] =	ssyncset.done $0x0  }
.LBB2_2:
0x57: {  	s25 =	sshra.s32 s22, $0x2  }
0x58: {  	[sflag:s18] =	ssyncadd.s32 $0xFFFFFF80;
	s22 =	smov.u32 s24;
	s23 =	sadd.s32 $0x1000, s24  }
0x59: {  	[spmem:s2] =	stream.indirect.scatter.add.f32 [tilespmem:s14], [sflag:$0x1], $0x1, s25, s17, $0xb8;
	[tilespmem:$0x2B80] =	vst v63  }
0x5a: {  	p0 =	sne.s32 s24, $0x9000;
	s24 =	sadd.s32 $0x80, s25  }
0x5b: {  	[spmem:s2] =	stream.indirect.scatter.add.f32 [tilespmem:s14], [sflag:$0x1], $0x1, s24, s17, $0xb8;
	[tilespmem:$0x2B80] =	vst v63  }
0x5c: {  	s24 =	sadd.s32 $0x100, s25  }
0x5d: {  	[spmem:s2] =	stream.indirect.scatter.add.f32 [tilespmem:s14], [sflag:$0x1], $0x1, s24, s17, $0xb8;
	[tilespmem:$0x2B80] =	vst v63  }
0x5e: {  	s24 =	sadd.s32 $0x180, s25  }
0x5f: {  	[spmem:s2] =	stream.indirect.scatter.add.f32 [tilespmem:s14], [sflag:$0x1], $0x1, s24, s17, $0xb8;
	[tilespmem:$0x2B80] =	vst v63  }
0x60: {  	s24 =	sadd.s32 $0x200, s25  }
0x61: {  	[spmem:s2] =	stream.indirect.scatter.add.f32 [tilespmem:s14], [sflag:$0x1], $0x1, s24, s17, $0xb8;
	[tilespmem:$0x2B80] =	vst v63  }
0x62: {  	s24 =	sadd.s32 $0x280, s25  }
0x63: {  	[spmem:s2] =	stream.indirect.scatter.add.f32 [tilespmem:s14], [sflag:$0x1], $0x1, s24, s17, $0xb8;
	[tilespmem:$0x2B80] =	vst v63  }
0x64: {  	s24 =	sadd.s32 $0x300, s25  }
0x65: {  	[spmem:s2] =	stream.indirect.scatter.add.f32 [tilespmem:s14], [sflag:$0x1], $0x1, s24, s17, $0xb8;
	[tilespmem:$0x2B80] =	vst v63  }
0x66: {  	s24 =	sadd.s32 $0x380, s25  }
0x67: {  	[spmem:s2] =	stream.indirect.scatter.add.f32 [tilespmem:s14], [sflag:$0x1], $0x1, s24, s17, $0xb8;
	[tilespmem:$0x2B80] =	vst v63  }
0x68: {  	_ =	swait.ge [sflag:s18], $0x80  }
0x69: {  	[sflag:s18] =	ssyncset.done $0x0  }
0x6a: {  	[sflag:s18] =	ssyncadd.s32 $0xFFFFFF80  }
0x6b: {  	_ =	swait.ge [sflag:s18], $0x80  }
0x6c: {  	[sflag:s18] =	ssyncset.done $0x0  }
0x6d: {  	[sflag:s18] =	ssyncadd.s32 $0xFFFFFF80  }
0x6e: {  	_ =	swait.ge [sflag:s18], $0x80  }
0x6f: {  	[sflag:s18] =	ssyncset.done $0x0  }
0x70: {  	[sflag:s18] =	ssyncadd.s32 $0xFFFFFF80  }
0x71: {  	_ =	swait.ge [sflag:s18], $0x80  }
0x72: {  	[sflag:s18] =	ssyncset.done $0x0  }
0x73: {  	[sflag:s18] =	ssyncadd.s32 $0xFFFFFF80  }
0x74: {  	_ =	swait.ge [sflag:s18], $0x80  }
0x75: {  	[sflag:s18] =	ssyncset.done $0x0  }
0x76: {  	[sflag:s18] =	ssyncadd.s32 $0xFFFFFF80  }
0x77: {  	_ =	swait.ge [sflag:s18], $0x80  }
0x78: {  	[sflag:s18] =	ssyncset.done $0x0  }
0x79: {  	[sflag:s18] =	ssyncadd.s32 $0xFFFFFF80  }
.Ltmp0:
0x7a: {  	_ =	swait.ge [sflag:s18], $0x80;
	(pc) =	sbr.rel @p0 .LBB2_2-.Ltmp0, $4  }
0x7b: {  	[sflag:s18] =	ssyncset.done $0x0  }
0x7c: {  	[sflag:s18] =	ssyncadd.s32 $0xFFFFFF80  }
0x7d: {  	_ =	swait.ge [sflag:s18], $0x80  }
0x7e: {  	s24 =	smov.u32 s23;
	[sflag:s18] =	ssyncset.done $0x0  }
0x7f: {  	s22 =	sshra.s32 s22, $0x2;
	[sflag:s18] =	ssyncadd.s32 $0xFFFFFF80  }
0x80: {  	[spmem:s2] =	stream.indirect.scatter.add.f32 [tilespmem:s14], [sflag:$0x1], $0x1, s22, s17, $0xb8;
	[tilespmem:$0x2B80] =	vst v63  }
0x81: {  	s23 =	sadd.s32 $0x80, s22  }
0x82: {  	[spmem:s2] =	stream.indirect.scatter.add.f32 [tilespmem:s14], [sflag:$0x1], $0x1, s23, s17, $0xb8;
	[tilespmem:$0x2B80] =	vst v63  }
0x83: {  	s26 =	sadd.s32 $0x100, s22  }
0x84: {  	[spmem:s2] =	stream.indirect.scatter.add.f32 [tilespmem:s14], [sflag:$0x1], $0x1, s26, s17, $0xb8;
	[tilespmem:$0x2B80] =	vst v63  }
0x85: {  	s28 =	sadd.s32 $0x180, s22  }
0x86: {  	[spmem:s2] =	stream.indirect.scatter.add.f32 [tilespmem:s14], [sflag:$0x1], $0x1, s28, s17, $0xb8;
	[tilespmem:$0x2B80] =	vst v63  }
0x87: {  	s29 =	sadd.s32 $0x200, s22  }
0x88: {  	[spmem:s2] =	stream.indirect.scatter.add.f32 [tilespmem:s14], [sflag:$0x1], $0x1, s29, s17, $0xb8;
	[tilespmem:$0x2B80] =	vst v63  }
0x89: {  	s30 =	sadd.s32 $0x280, s22  }
0x8a: {  	[spmem:s2] =	stream.indirect.scatter.add.f32 [tilespmem:s14], [sflag:$0x1], $0x1, s30, s17, $0xb8;
	[tilespmem:$0x2B80] =	vst v63  }
0x8b: {  	s31 =	sadd.s32 $0x300, s22  }
0x8c: {  	[spmem:s2] =	stream.indirect.scatter.add.f32 [tilespmem:s14], [sflag:$0x1], $0x1, s31, s17, $0xb8;
	[tilespmem:$0x2B80] =	vst v63  }
0x8d: {  	s22 =	sadd.s32 $0x380, s22  }
0x8e: {  	[spmem:s2] =	stream.indirect.scatter.add.f32 [tilespmem:s14], [sflag:$0x1], $0x1, s22, s17, $0xb8;
	[tilespmem:$0x2B80] =	vst v63  }
0x8f: {  	_ =	swait.ge [sflag:s18], $0x80  }
0x90: {  	[sflag:s18] =	ssyncset.done $0x0  }
0x91: {  	[sflag:s18] =	ssyncadd.s32 $0xFFFFFF80  }
0x92: {  	_ =	swait.ge [sflag:s18], $0x80  }
0x93: {  	[sflag:s18] =	ssyncset.done $0x0  }
0x94: {  	[sflag:s18] =	ssyncadd.s32 $0xFFFFFF80  }
0x95: {  	_ =	swait.ge [sflag:s18], $0x80  }
0x96: {  	[sflag:s18] =	ssyncset.done $0x0  }
0x97: {  	[sflag:s18] =	ssyncadd.s32 $0xFFFFFF80  }
0x98: {  	_ =	swait.ge [sflag:s18], $0x80  }
0x99: {  	[sflag:s18] =	ssyncset.done $0x0  }
0x9a: {  	[sflag:s18] =	ssyncadd.s32 $0xFFFFFF80  }
0x9b: {  	_ =	swait.ge [sflag:s18], $0x80  }
0x9c: {  	[sflag:s18] =	ssyncset.done $0x0  }
0x9d: {  	[sflag:s18] =	ssyncadd.s32 $0xFFFFFF80  }
0x9e: {  	_ =	swait.ge [sflag:s18], $0x80  }
0x9f: {  	[sflag:s18] =	ssyncset.done $0x0  }
0xa0: {  	[sflag:s18] =	ssyncadd.s32 $0xFFFFFF80  }
0xa1: {  	_ =	swait.ge [sflag:s18], $0x80  }
0xa2: {  	[sflag:s18] =	ssyncset.done $0x0  }
0xa3: {  	[sflag:s18] =	ssyncadd.s32 $0xFFFFFF80  }
0xa4: {  	_ =	swait.ge [sflag:s18], $0x80  }
0xa5: {  	s21 =	sadd.s32 $0x1, s21;
	[sflag:s18] =	ssyncset.done $0x0  }
0xa6: {  	p0 =	sne.s32 s21, s13;
	[sflag:s18] =	ssyncadd.s32 $0xFFFFFF80  }
.Ltmp1:
0xa7: {  	[bflag:$0x0] =	sbarrier.arrive $0xFFFF;
	(pc) =	sbr.rel @p0 .LBB2_1-.Ltmp1, $4  }
0xa8: {  	[hbm:s12], [sflag:s19] =	dma.local [spmem:s20], $0x50  }
0xa9: {  	_ =	swait.ge [sflag:s15], $0x50  }
0xaa: {  	[sflag:s15] =	ssyncset.done $0x0  }
0xab: {  	[sflag:s15] =	ssyncadd.s32 $0xFFFFFFB0  }
0xac: {  	_ =	sfence.sel $0x180000  }
0xad: {  	[bflag:$0x0] =	sbarrier.arrive $0xFFFF  }
0xae: {  	p0 =	sne.s32 s0, $0x0;
	_ =	strace $0x90000047  }
0xaf: {  	s0 =	sadd.s32 @!p0 $0x100000, s1;
	[bflag:$0x2] =	sbarrier.arrive $0xFFFF  }
0xb0: {  	[sflag:s0] =	ssyncadd.tile.s32 @!p0 $0x1;
	_ =	shalt  }
.Lfunc_end2:
_tile_overlayer_lowered:
.L_overlay_start_2:
0xb1: {  	(tag) =	ssettag $0x2  }
0xb2: {  	s0 =	rddreg [dreg:$0x0];
	s2 =	stileid.u32  }
0xb3: {  	s1 =	rddreg [dreg:$0x1];
	p0 =	sne.s32 s2, $0x0  }
0xb4: {  	s3 =	rddreg [dreg:$0x2];
	[bflag:$0x3] =	sbarrier.arrive $0xFFFF;
	s2 =	simm.s32 @!p0 $0x1C02  }
0xb5: {  	[timem:s3], [sflag:s2] =	dma.local @!p0 [hbm:s0], s1  }
0xb6: {  	s0 =	simm.s32 @!p0 $0x2  }
0xb7: {  	_ =	swait.ge @!p0 [sflag:s0], s1  }
0xb8: {  	s1 =	ssub.s32 @!p0 $0x0, s1;
	[sflag:s0] =	ssyncset.done @!p0 $0x0  }
0xb9: {  	[sflag:s0] =	ssyncadd.s32 @!p0 s1  }
0xba: {  	[bflag:$0x3] =	sbarrier.arrive $0xFFFF  }
0xbb: {  	_ =	shalt  }

</sc_bundles>
